<compile_context>
chip_gen: v7x
topology: tpu7x:2x2x1
jax: 0.10.2.dev20260603
libtpu: 0.0.44.dev20260713+nightly
codegen_flags: <defaults>
</compile_context>

<pallas_src>
import jax
import jax.numpy as jnp
from jax import lax
from jax.experimental import pallas as pl
from jax.experimental.pallas import tpu as pltpu
from jax.experimental.pallas import tpu_sc as plsc

B = 16384
D = 64
W = 128
G = 8
NC = 2
NS = 16
L = 16
NW = NC * NS
B_W = B // NW
NCHUNK = 32
CB = B_W // NCHUNK
NBUF = 3


def _kge_body(s_hbm, p_hbm, o_hbm, ent_hbm, rel_hbm, out_hbm,
              s_idx, p_idx, o_idx,
              s_buf, p_buf, o_buf, out_v, tmat, sems):
    wid = lax.axis_index("s") * NC + lax.axis_index("c")
    base = wid * NCHUNK

    pltpu.sync_copy(s_hbm.at[pl.ds(base, NCHUNK)], s_idx)
    pltpu.sync_copy(p_hbm.at[pl.ds(base, NCHUNK)], p_idx)
    pltpu.sync_copy(o_hbm.at[pl.ds(base, NCHUNK)], o_idx)

    def fire(c):
        slot = c % NBUF
        pltpu.async_copy(rel_hbm.at[p_idx.at[c]], p_buf.at[slot], sems.at[slot])
        gsl = pl.ds(0, L)
        sg_v = jax.lax.shift_right_logical(s_idx[c, gsl], 3)
        og_v = jax.lax.shift_right_logical(o_idx[c, gsl], 3)
        for l in range(L):
            pltpu.async_copy(ent_hbm.at[sg_v[l]], s_buf.at[slot, l],
                             sems.at[slot])
            pltpu.async_copy(ent_hbm.at[og_v[l]], o_buf.at[slot, l],
                             sems.at[slot])

    def drain(c):
        slot = c % NBUF
        pltpu.make_async_copy(rel_hbm.at[pl.ds(0, CB)], p_buf.at[slot],
                              sems.at[slot]).wait()
        pltpu.make_async_copy(ent_hbm.at[pl.ds(0, CB)], s_buf.at[slot],
                              sems.at[slot]).wait()
        pltpu.make_async_copy(ent_hbm.at[pl.ds(0, CB)], o_buf.at[slot],
                              sems.at[slot]).wait()

    lane17 = lax.iota(jnp.int32, L) * 17

    def compute(c):
        slot = c % NBUF
        gsl = pl.ds(0, L)
        ss_v = s_idx[c, gsl] & (G - 1)
        so_v = o_idx[c, gsl] & (G - 1)
        for l in range(L):
            ss = ss_v[l]
            so = so_v[l]
            acc = (s_buf[slot, l, ss, pl.ds(0, L)]
                   * p_buf[slot, l, pl.ds(0, L)]
                   * o_buf[slot, l, so, pl.ds(0, L)])
            for k in range(1, D // L):
                sl = pl.ds(k * L, L)
                acc = acc + (s_buf[slot, l, ss, sl]
                             * p_buf[slot, l, sl]
                             * o_buf[slot, l, so, sl])
            plsc.store_scatter(tmat, [lane17 + l], acc)
        res = tmat[pl.ds(0, L)]
        for d in range(1, L):
            res = res + tmat[pl.ds(d * 17, L)]
        out_v[pl.ds(c * CB, L)] = res

    for k in range(NBUF - 1):
        fire(k)

    def step(c, _):
        @pl.when(c + NBUF - 1 < NCHUNK)
        def _():
            fire(c + NBUF - 1)

        drain(c)
        compute(c)
        return ()

    lax.fori_loop(0, NCHUNK, step, ())

    pltpu.sync_copy(out_v, out_hbm.at[wid])


def kernel(s, p, o, entity_emb, relation_emb):
    s2 = s.reshape(NW * NCHUNK, CB)
    p2 = p.reshape(NW * NCHUNK, CB)
    o2 = o.reshape(NW * NCHUNK, CB)
    rel2 = jnp.pad(relation_emb, ((0, 0), (0, W - D)))
    ent4 = entity_emb.reshape(-1, G, D)
    mesh = plsc.VectorSubcoreMesh(core_axis_name="c", subcore_axis_name="s")
    run = pl.kernel(
        _kge_body,
        mesh=mesh,
        out_type=jax.ShapeDtypeStruct((NW, B_W), jnp.float32),
        compiler_params=pltpu.CompilerParams(needs_layout_passes=False),
        scratch_types=[
            pltpu.VMEM((NCHUNK, CB), jnp.int32),
            pltpu.VMEM((NCHUNK, CB), jnp.int32),
            pltpu.VMEM((NCHUNK, CB), jnp.int32),
            pltpu.VMEM((NBUF, CB, G, D), jnp.float32),
            pltpu.VMEM((NBUF, CB, W), jnp.float32),
            pltpu.VMEM((NBUF, CB, G, D), jnp.float32),
            pltpu.VMEM((B_W,), jnp.float32),
            pltpu.VMEM((L * 17,), jnp.float32),
            pltpu.SemaphoreType.DMA((NBUF,)),
        ],
    )
    out = run(s2, p2, o2, ent4, rel2)
    return out.reshape(B, 1)

# --- scband reference (transcript-rebuilt; emitter-appended) ---
"""Pipeline reference for scband-kge-model-65034394796304 (READ-ONLY COPY).

The authoritative reference and input builder live on the scoring server;
editing this copy changes nothing except your own understanding.
"""

import jax, jax.numpy as jnp
import numpy as np

NUM_ENTITIES = 1000000
NUM_RELATIONS = 1000
DIM = 64
BATCH = 16384


def setup_inputs(seed: int = 0) -> dict:
    key = jax.random.key(seed)
    k1, k2, k3, k4, k5 = jax.random.split(key, 5)
    # Learned parameters: KgeEmbedder tables, initialized with normal(std=0.1)
    entity_emb = jax.random.normal(k1, (NUM_ENTITIES, DIM), dtype=jnp.float32) * 0.1
    relation_emb = jax.random.normal(k2, (NUM_RELATIONS, DIM), dtype=jnp.float32) * 0.1
    # spo index triples
    s = jax.random.randint(k3, (BATCH,), 0, NUM_ENTITIES, dtype=jnp.int32)
    p = jax.random.randint(k4, (BATCH,), 0, NUM_RELATIONS, dtype=jnp.int32)
    o = jax.random.randint(k5, (BATCH,), 0, NUM_ENTITIES, dtype=jnp.int32)
    return {"s": s, "p": p, "o": o, "entity_emb": entity_emb, "relation_emb": relation_emb}


def reference(s, p, o, entity_emb, relation_emb):
    # KgeModel.score_spo: embed each index via KgeEmbedder (row gather from table),
    # then combine row-wise via RelationalScorer.score_emb_spo (DistMult scorer).
    s_emb = jnp.take(entity_emb, s, axis=0)    # [n, d_e]
    p_emb = jnp.take(relation_emb, p, axis=0)  # [n, d_r]
    o_emb = jnp.take(entity_emb, o, axis=0)    # [n, d_e]
    # DistMult: score_i = sum_k s_ik * p_ik * o_ik
    score = jnp.sum(s_emb * p_emb * o_emb, axis=-1)
    # score_emb returns out.view(n, -1)
    return score.reshape(-1, 1)

if __name__ == "__main__":
    import jax
    _d = setup_inputs()
    print(jax.jit(kernel)(*tuple(_d.values())))

</pallas_src>

<mosaic_0001>
#map = affine_map<(d0, d1) -> (0, 0)>
#map1 = affine_map<(d0, d1) -> (0, 0, 0)>
module attributes {stable_mosaic.version = 14 : i64} {
  func.func @_kge_body(%arg0: i32, %arg1: i32, %arg2: memref<1024x16xi32, #tpu.memory_space<hbm>>, %arg3: memref<1024x16xi32, #tpu.memory_space<hbm>>, %arg4: memref<1024x16xi32, #tpu.memory_space<hbm>>, %arg5: memref<125000x8x64xf32, #tpu.memory_space<hbm>>, %arg6: memref<1000x128xf32, #tpu.memory_space<hbm>>, %arg7: memref<32x512xf32, #tpu.memory_space<hbm>>, %arg8: memref<32x16xi32, #tpu.memory_space<vmem>>, %arg9: memref<32x16xi32, #tpu.memory_space<vmem>>, %arg10: memref<32x16xi32, #tpu.memory_space<vmem>>, %arg11: memref<3x16x8x64xf32, #tpu.memory_space<vmem>>, %arg12: memref<3x16x128xf32, #tpu.memory_space<vmem>>, %arg13: memref<3x16x8x64xf32, #tpu.memory_space<vmem>>, %arg14: memref<512xf32, #tpu.memory_space<vmem>>, %arg15: memref<272xf32, #tpu.memory_space<vmem>>, %arg16: memref<3x!tpu.dma_semaphore, #tpu.memory_space<semaphore_mem>>) attributes {dimension_semantics = [#tpu.dimension_semantics<core_parallel>, #tpu.dimension_semantics<subcore_parallel>], iteration_bounds = array<i64: 2, 16>, scalar_prefetch = 0 : i64, scratch_operands = 9 : i64, tpu.core_type = #tpu.core_type<sc_vector_subcore>, window_params = [{transform_indices = #map}, {transform_indices = #map}, {transform_indices = #map}, {transform_indices = #map1}, {transform_indices = #map}, {transform_indices = #map}]} {
    %mul3A = arith.constant 2 : i32
    %mul3A_0 = arith.muli %arg1, %mul3A : i32
    %add3A = arith.addi %mul3A_0, %arg0 : i32
    %mul3A_1 = arith.constant 32 : i32
    %mul3A_2 = arith.muli %add3A, %mul3A_1 : i32
    "tpu.region"() ({
      %run_scoped3A = tpu.sem_alloc : memref<!tpu.dma_semaphore, #tpu.memory_space<semaphore_mem>>
      %dma_start3A_1535 = arith.constant 0 : i32
      %dma_start3A_1536 = tpu.memref_slice %arg2[%mul3A_2, %dma_start3A_1535] : memref<1024x16xi32, #tpu.memory_space<hbm>> -> memref<32x16xi32, #tpu.memory_space<hbm>>
      %dma_start3A_1537 = arith.constant 0 : i32
      %dma_start3A_1538 = tpu.memref_slice %arg2[%mul3A_2, %dma_start3A_1537] : memref<1024x16xi32, #tpu.memory_space<hbm>> -> memref<32x16xi32, #tpu.memory_space<hbm>>
      tpu.enqueue_dma source(%dma_start3A_1538 : memref<32x16xi32, #tpu.memory_space<hbm>>) target(%arg8 : memref<32x16xi32, #tpu.memory_space<vmem>>) target_semaphore(%run_scoped3A : memref<!tpu.dma_semaphore, #tpu.memory_space<semaphore_mem>>)
      %dma_wait3A = arith.constant 0 : i32
      %dma_wait3A_1539 = tpu.memref_slice %arg2[%mul3A_2, %dma_wait3A] : memref<1024x16xi32, #tpu.memory_space<hbm>> -> memref<32x16xi32, #tpu.memory_space<hbm>>
      %dma_wait3A_1540 = arith.constant 0 : i32
      %dma_wait3A_1541 = tpu.memref_slice %arg2[%mul3A_2, %dma_wait3A_1540] : memref<1024x16xi32, #tpu.memory_space<hbm>> -> memref<32x16xi32, #tpu.memory_space<hbm>>
      tpu.wait_dma2 semaphore(%run_scoped3A : memref<!tpu.dma_semaphore, #tpu.memory_space<semaphore_mem>>) src(%dma_wait3A_1541 : memref<32x16xi32, #tpu.memory_space<hbm>>) dst(%arg8 : memref<32x16xi32, #tpu.memory_space<vmem>>)
      tpu.yield
    }) : () -> ()
    "tpu.region"() ({
      %run_scoped3A = tpu.sem_alloc : memref<!tpu.dma_semaphore, #tpu.memory_space<semaphore_mem>>
      %dma_start3A_1535 = arith.constant 0 : i32
      %dma_start3A_1536 = tpu.memref_slice %arg3[%mul3A_2, %dma_start3A_1535] : memref<1024x16xi32, #tpu.memory_space<hbm>> -> memref<32x16xi32, #tpu.memory_space<hbm>>
      %dma_start3A_1537 = arith.constant 0 : i32
      %dma_start3A_1538 = tpu.memref_slice %arg3[%mul3A_2, %dma_start3A_1537] : memref<1024x16xi32, #tpu.memory_space<hbm>> -> memref<32x16xi32, #tpu.memory_space<hbm>>
      tpu.enqueue_dma source(%dma_start3A_1538 : memref<32x16xi32, #tpu.memory_space<hbm>>) target(%arg9 : memref<32x16xi32, #tpu.memory_space<vmem>>) target_semaphore(%run_scoped3A : memref<!tpu.dma_semaphore, #tpu.memory_space<semaphore_mem>>)
      %dma_wait3A = arith.constant 0 : i32
      %dma_wait3A_1539 = tpu.memref_slice %arg3[%mul3A_2, %dma_wait3A] : memref<1024x16xi32, #tpu.memory_space<hbm>> -> memref<32x16xi32, #tpu.memory_space<hbm>>
      %dma_wait3A_1540 = arith.constant 0 : i32
      %dma_wait3A_1541 = tpu.memref_slice %arg3[%mul3A_2, %dma_wait3A_1540] : memref<1024x16xi32, #tpu.memory_space<hbm>> -> memref<32x16xi32, #tpu.memory_space<hbm>>
      tpu.wait_dma2 semaphore(%run_scoped3A : memref<!tpu.dma_semaphore, #tpu.memory_space<semaphore_mem>>) src(%dma_wait3A_1541 : memref<32x16xi32, #tpu.memory_space<hbm>>) dst(%arg9 : memref<32x16xi32, #tpu.memory_space<vmem>>)
      tpu.yield
    }) : () -> ()
    "tpu.region"() ({
      %run_scoped3A = tpu.sem_alloc : memref<!tpu.dma_semaphore, #tpu.memory_space<semaphore_mem>>
      %dma_start3A_1535 = arith.constant 0 : i32
      %dma_start3A_1536 = tpu.memref_slice %arg4[%mul3A_2, %dma_start3A_1535] : memref<1024x16xi32, #tpu.memory_space<hbm>> -> memref<32x16xi32, #tpu.memory_space<hbm>>
      %dma_start3A_1537 = arith.constant 0 : i32
      %dma_start3A_1538 = tpu.memref_slice %arg4[%mul3A_2, %dma_start3A_1537] : memref<1024x16xi32, #tpu.memory_space<hbm>> -> memref<32x16xi32, #tpu.memory_space<hbm>>
      tpu.enqueue_dma source(%dma_start3A_1538 : memref<32x16xi32, #tpu.memory_space<hbm>>) target(%arg10 : memref<32x16xi32, #tpu.memory_space<vmem>>) target_semaphore(%run_scoped3A : memref<!tpu.dma_semaphore, #tpu.memory_space<semaphore_mem>>)
      %dma_wait3A = arith.constant 0 : i32
      %dma_wait3A_1539 = tpu.memref_slice %arg4[%mul3A_2, %dma_wait3A] : memref<1024x16xi32, #tpu.memory_space<hbm>> -> memref<32x16xi32, #tpu.memory_space<hbm>>
      %dma_wait3A_1540 = arith.constant 0 : i32
      %dma_wait3A_1541 = tpu.memref_slice %arg4[%mul3A_2, %dma_wait3A_1540] : memref<1024x16xi32, #tpu.memory_space<hbm>> -> memref<32x16xi32, #tpu.memory_space<hbm>>
      tpu.wait_dma2 semaphore(%run_scoped3A : memref<!tpu.dma_semaphore, #tpu.memory_space<semaphore_mem>>) src(%dma_wait3A_1541 : memref<32x16xi32, #tpu.memory_space<hbm>>) dst(%arg10 : memref<32x16xi32, #tpu.memory_space<vmem>>)
      tpu.yield
    }) : () -> ()
    %iota3A = tpu.iota {dimensions = array<i32: 0>} : vector<16xi32>
    %mul3A_3 = arith.constant 17 : i32
    %mul3A_4 = vector.broadcast %mul3A_3 : i32 to vector<16xi32>
    %mul3A_5 = arith.muli %iota3A, %mul3A_4 : vector<16xi32>
    %dma_start3A = arith.constant 0 : i32
    %dma_start3A_6 = arith.constant 0 : i32
    %dma_start3A_7 = arith.constant 0 : i32
    %dma_start3A_8 = arith.constant 0 : i32
    %dma_start3A_9 = arith.constant 0 : i32
    %dma_start3A_10 = tpu.memref_slice %arg12[%dma_start3A_6, %dma_start3A_8, %dma_start3A_9] : memref<3x16x128xf32, #tpu.memory_space<vmem>> -> memref<1x16x128xf32, #tpu.memory_space<vmem>>
    %dma_start3A_11 = tpu.memref_squeeze %dma_start3A_10 : memref<1x16x128xf32, #tpu.memory_space<vmem>> -> memref<16x128xf32, #tpu.memory_space<vmem>>
    %dma_start3A_12 = arith.constant 0 : i32
    %dma_start3A_13 = tpu.memref_slice %arg9[%dma_start3A, %dma_start3A_12] : memref<32x16xi32, #tpu.memory_space<vmem>> -> memref<1x16xi32, #tpu.memory_space<vmem>>
    %dma_start3A_14 = tpu.memref_squeeze %dma_start3A_13 : memref<1x16xi32, #tpu.memory_space<vmem>> -> memref<16xi32, #tpu.memory_space<vmem>>
    %dma_start3A_15 = arith.constant 0 : i32
    %dma_start3A_16 = arith.constant 0 : i32
    %dma_start3A_17 = tpu.memref_slice %arg6[%dma_start3A_15, %dma_start3A_16] : memref<1000x128xf32, #tpu.memory_space<hbm>> -> memref<1000x128xf32, #tpu.memory_space<hbm>>
    %dma_start3A_18 = tpu.memref_slice %arg16[%dma_start3A_7] : memref<3x!tpu.dma_semaphore, #tpu.memory_space<semaphore_mem>> -> memref<1x!tpu.dma_semaphore, #tpu.memory_space<semaphore_mem>>
    %dma_start3A_19 = tpu.memref_squeeze %dma_start3A_18 : memref<1x!tpu.dma_semaphore, #tpu.memory_space<semaphore_mem>> -> memref<!tpu.dma_semaphore, #tpu.memory_space<semaphore_mem>>
    tpu.enqueue_indirect_dma source(%dma_start3A_17 : memref<1000x128xf32, #tpu.memory_space<hbm>>) target(%dma_start3A_11 : memref<16x128xf32, #tpu.memory_space<vmem>>) offsets(%dma_start3A_14 : memref<16xi32, #tpu.memory_space<vmem>>) semaphore(%dma_start3A_19 : memref<!tpu.dma_semaphore, #tpu.memory_space<semaphore_mem>>)
    %get3A = arith.constant 0 : i32
    %get3A_20 = arith.index_cast %get3A : i32 to index
    %get3A_21 = arith.constant 0 : index
    %get3A_22 = tpu.vector_load %arg8[%get3A_20, %get3A_21] {strides = array<i32>} : memref<32x16xi32, #tpu.memory_space<vmem>>, vector<16xi32>,
    %shift_right_logical3A = arith.constant 3 : i32
    %shift_right_logical3A_23 = vector.broadcast %shift_right_logical3A : i32 to vector<16xi32>
    %shift_right_logical3A_24 = arith.shrui %get3A_22, %shift_right_logical3A_23 : vector<16xi32>
    %get3A_25 = arith.constant 0 : i32
    %get3A_26 = arith.index_cast %get3A_25 : i32 to index
    %get3A_27 = arith.constant 0 : index
    %get3A_28 = tpu.vector_load %arg10[%get3A_26, %get3A_27] {strides = array<i32>} : memref<32x16xi32, #tpu.memory_space<vmem>>, vector<16xi32>,
    %shift_right_logical3A_29 = arith.constant 3 : i32
    %shift_right_logical3A_30 = vector.broadcast %shift_right_logical3A_29 : i32 to vector<16xi32>
    %shift_right_logical3A_31 = arith.shrui %get3A_28, %shift_right_logical3A_30 : vector<16xi32>
    %slice3A = vector.extract_strided_slice %shift_right_logical3A_24 {offsets = [0], sizes = [1], strides = [1]} : vector<16xi32> to vector<1xi32>
    %squeeze3A = vector.extract %slice3A[0] : i32 from vector<1xi32>
    %dma_start3A_32 = arith.constant 0 : i32
    %dma_start3A_33 = arith.constant 0 : i32
    %dma_start3A_34 = arith.constant 0 : i32
    %dma_start3A_35 = arith.constant 0 : i32
    %dma_start3A_36 = arith.constant 0 : i32
    %dma_start3A_37 = tpu.memref_slice %arg11[%dma_start3A_32, %dma_start3A_33, %dma_start3A_35, %dma_start3A_36] : memref<3x16x8x64xf32, #tpu.memory_space<vmem>> -> memref<1x1x8x64xf32, #tpu.memory_space<vmem>>
    %dma_start3A_38 = tpu.memref_squeeze %dma_start3A_37 : memref<1x1x8x64xf32, #tpu.memory_space<vmem>> -> memref<8x64xf32, #tpu.memory_space<vmem>>
    %dma_start3A_39 = arith.constant 0 : i32
    %dma_start3A_40 = arith.constant 0 : i32
    %dma_start3A_41 = tpu.memref_slice %arg5[%squeeze3A, %dma_start3A_39, %dma_start3A_40] : memref<125000x8x64xf32, #tpu.memory_space<hbm>> -> memref<1x8x64xf32, #tpu.memory_space<hbm>>
    %dma_start3A_42 = tpu.memref_squeeze %dma_start3A_41 : memref<1x8x64xf32, #tpu.memory_space<hbm>> -> memref<8x64xf32, #tpu.memory_space<hbm>>
    %dma_start3A_43 = tpu.memref_slice %arg16[%dma_start3A_34] : memref<3x!tpu.dma_semaphore, #tpu.memory_space<semaphore_mem>> -> memref<1x!tpu.dma_semaphore, #tpu.memory_space<semaphore_mem>>
    %dma_start3A_44 = tpu.memref_squeeze %dma_start3A_43 : memref<1x!tpu.dma_semaphore, #tpu.memory_space<semaphore_mem>> -> memref<!tpu.dma_semaphore, #tpu.memory_space<semaphore_mem>>
    %dma_start3A_45 = arith.constant 0 : i32
    %dma_start3A_46 = arith.constant 0 : i32
    %dma_start3A_47 = tpu.memref_slice %arg11[%dma_start3A_32, %dma_start3A_33, %dma_start3A_45, %dma_start3A_46] : memref<3x16x8x64xf32, #tpu.memory_space<vmem>> -> memref<1x1x8x64xf32, #tpu.memory_space<vmem>>
    %dma_start3A_48 = tpu.memref_squeeze %dma_start3A_47 : memref<1x1x8x64xf32, #tpu.memory_space<vmem>> -> memref<8x64xf32, #tpu.memory_space<vmem>>
    %dma_start3A_49 = arith.constant 0 : i32
    %dma_start3A_50 = arith.constant 0 : i32
    %dma_start3A_51 = tpu.memref_slice %arg5[%squeeze3A, %dma_start3A_49, %dma_start3A_50] : memref<125000x8x64xf32, #tpu.memory_space<hbm>> -> memref<1x8x64xf32, #tpu.memory_space<hbm>>
    %dma_start3A_52 = tpu.memref_squeeze %dma_start3A_51 : memref<1x8x64xf32, #tpu.memory_space<hbm>> -> memref<8x64xf32, #tpu.memory_space<hbm>>
    tpu.enqueue_dma source(%dma_start3A_52 : memref<8x64xf32, #tpu.memory_space<hbm>>) target(%dma_start3A_48 : memref<8x64xf32, #tpu.memory_space<vmem>>) target_semaphore(%dma_start3A_44 : memref<!tpu.dma_semaphore, #tpu.memory_space<semaphore_mem>>)
    %slice3A_53 = vector.extract_strided_slice %shift_right_logical3A_31 {offsets = [0], sizes = [1], strides = [1]} : vector<16xi32> to vector<1xi32>
    %squeeze3A_54 = vector.extract %slice3A_53[0] : i32 from vector<1xi32>
    %dma_start3A_55 = arith.constant 0 : i32
    %dma_start3A_56 = arith.constant 0 : i32
    %dma_start3A_57 = arith.constant 0 : i32
    %dma_start3A_58 = arith.constant 0 : i32
    %dma_start3A_59 = arith.constant 0 : i32
    %dma_start3A_60 = tpu.memref_slice %arg13[%dma_start3A_55, %dma_start3A_56, %dma_start3A_58, %dma_start3A_59] : memref<3x16x8x64xf32, #tpu.memory_space<vmem>> -> memref<1x1x8x64xf32, #tpu.memory_space<vmem>>
    %dma_start3A_61 = tpu.memref_squeeze %dma_start3A_60 : memref<1x1x8x64xf32, #tpu.memory_space<vmem>> -> memref<8x64xf32, #tpu.memory_space<vmem>>
    %dma_start3A_62 = arith.constant 0 : i32
    %dma_start3A_63 = arith.constant 0 : i32
    %dma_start3A_64 = tpu.memref_slice %arg5[%squeeze3A_54, %dma_start3A_62, %dma_start3A_63] : memref<125000x8x64xf32, #tpu.memory_space<hbm>> -> memref<1x8x64xf32, #tpu.memory_space<hbm>>
    %dma_start3A_65 = tpu.memref_squeeze %dma_start3A_64 : memref<1x8x64xf32, #tpu.memory_space<hbm>> -> memref<8x64xf32, #tpu.memory_space<hbm>>
    %dma_start3A_66 = tpu.memref_slice %arg16[%dma_start3A_57] : memref<3x!tpu.dma_semaphore, #tpu.memory_space<semaphore_mem>> -> memref<1x!tpu.dma_semaphore, #tpu.memory_space<semaphore_mem>>
    %dma_start3A_67 = tpu.memref_squeeze %dma_start3A_66 : memref<1x!tpu.dma_semaphore, #tpu.memory_space<semaphore_mem>> -> memref<!tpu.dma_semaphore, #tpu.memory_space<semaphore_mem>>
    %dma_start3A_68 = arith.constant 0 : i32
    %dma_start3A_69 = arith.constant 0 : i32
    %dma_start3A_70 = tpu.memref_slice %arg13[%dma_start3A_55, %dma_start3A_56, %dma_start3A_68, %dma_start3A_69] : memref<3x16x8x64xf32, #tpu.memory_space<vmem>> -> memref<1x1x8x64xf32, #tpu.memory_space<vmem>>
    %dma_start3A_71 = tpu.memref_squeeze %dma_start3A_70 : memref<1x1x8x64xf32, #tpu.memory_space<vmem>> -> memref<8x64xf32, #tpu.memory_space<vmem>>
    %dma_start3A_72 = arith.constant 0 : i32
    %dma_start3A_73 = arith.constant 0 : i32
    %dma_start3A_74 = tpu.memref_slice %arg5[%squeeze3A_54, %dma_start3A_72, %dma_start3A_73] : memref<125000x8x64xf32, #tpu.memory_space<hbm>> -> memref<1x8x64xf32, #tpu.memory_space<hbm>>
    %dma_start3A_75 = tpu.memref_squeeze %dma_start3A_74 : memref<1x8x64xf32, #tpu.memory_space<hbm>> -> memref<8x64xf32, #tpu.memory_space<hbm>>
    tpu.enqueue_dma source(%dma_start3A_75 : memref<8x64xf32, #tpu.memory_space<hbm>>) target(%dma_start3A_71 : memref<8x64xf32, #tpu.memory_space<vmem>>) target_semaphore(%dma_start3A_67 : memref<!tpu.dma_semaphore, #tpu.memory_space<semaphore_mem>>)
    %slice3A_76 = vector.extract_strided_slice %shift_right_logical3A_24 {offsets = [1], sizes = [1], strides = [1]} : vector<16xi32> to vector<1xi32>
    %squeeze3A_77 = vector.extract %slice3A_76[0] : i32 from vector<1xi32>
    %dma_start3A_78 = arith.constant 0 : i32
    %dma_start3A_79 = arith.constant 1 : i32
    %dma_start3A_80 = arith.constant 0 : i32
    %dma_start3A_81 = arith.constant 0 : i32
    %dma_start3A_82 = arith.constant 0 : i32
    %dma_start3A_83 = tpu.memref_slice %arg11[%dma_start3A_78, %dma_start3A_79, %dma_start3A_81, %dma_start3A_82] : memref<3x16x8x64xf32, #tpu.memory_space<vmem>> -> memref<1x1x8x64xf32, #tpu.memory_space<vmem>>
    %dma_start3A_84 = tpu.memref_squeeze %dma_start3A_83 : memref<1x1x8x64xf32, #tpu.memory_space<vmem>> -> memref<8x64xf32, #tpu.memory_space<vmem>>
    %dma_start3A_85 = arith.constant 0 : i32
    %dma_start3A_86 = arith.constant 0 : i32
    %dma_start3A_87 = tpu.memref_slice %arg5[%squeeze3A_77, %dma_start3A_85, %dma_start3A_86] : memref<125000x8x64xf32, #tpu.memory_space<hbm>> -> memref<1x8x64xf32, #tpu.memory_space<hbm>>
    %dma_start3A_88 = tpu.memref_squeeze %dma_start3A_87 : memref<1x8x64xf32, #tpu.memory_space<hbm>> -> memref<8x64xf32, #tpu.memory_space<hbm>>
    %dma_start3A_89 = tpu.memref_slice %arg16[%dma_start3A_80] : memref<3x!tpu.dma_semaphore, #tpu.memory_space<semaphore_mem>> -> memref<1x!tpu.dma_semaphore, #tpu.memory_space<semaphore_mem>>
    %dma_start3A_90 = tpu.memref_squeeze %dma_start3A_89 : memref<1x!tpu.dma_semaphore, #tpu.memory_space<semaphore_mem>> -> memref<!tpu.dma_semaphore, #tpu.memory_space<semaphore_mem>>
    %dma_start3A_91 = arith.constant 0 : i32
    %dma_start3A_92 = arith.constant 0 : i32
    %dma_start3A_93 = tpu.memref_slice %arg11[%dma_start3A_78, %dma_start3A_79, %dma_start3A_91, %dma_start3A_92] : memref<3x16x8x64xf32, #tpu.memory_space<vmem>> -> memref<1x1x8x64xf32, #tpu.memory_space<vmem>>
    %dma_start3A_94 = tpu.memref_squeeze %dma_start3A_93 : memref<1x1x8x64xf32, #tpu.memory_space<vmem>> -> memref<8x64xf32, #tpu.memory_space<vmem>>
    %dma_start3A_95 = arith.constant 0 : i32
    %dma_start3A_96 = arith.constant 0 : i32
    %dma_start3A_97 = tpu.memref_slice %arg5[%squeeze3A_77, %dma_start3A_95, %dma_start3A_96] : memref<125000x8x64xf32, #tpu.memory_space<hbm>> -> memref<1x8x64xf32, #tpu.memory_space<hbm>>
    %dma_start3A_98 = tpu.memref_squeeze %dma_start3A_97 : memref<1x8x64xf32, #tpu.memory_space<hbm>> -> memref<8x64xf32, #tpu.memory_space<hbm>>
    tpu.enqueue_dma source(%dma_start3A_98 : memref<8x64xf32, #tpu.memory_space<hbm>>) target(%dma_start3A_94 : memref<8x64xf32, #tpu.memory_space<vmem>>) target_semaphore(%dma_start3A_90 : memref<!tpu.dma_semaphore, #tpu.memory_space<semaphore_mem>>)
    %slice3A_99 = vector.extract_strided_slice %shift_right_logical3A_31 {offsets = [1], sizes = [1], strides = [1]} : vector<16xi32> to vector<1xi32>
    %squeeze3A_100 = vector.extract %slice3A_99[0] : i32 from vector<1xi32>
    %dma_start3A_101 = arith.constant 0 : i32
    %dma_start3A_102 = arith.constant 1 : i32
    %dma_start3A_103 = arith.constant 0 : i32
    %dma_start3A_104 = arith.constant 0 : i32
    %dma_start3A_105 = arith.constant 0 : i32
    %dma_start3A_106 = tpu.memref_slice %arg13[%dma_start3A_101, %dma_start3A_102, %dma_start3A_104, %dma_start3A_105] : memref<3x16x8x64xf32, #tpu.memory_space<vmem>> -> memref<1x1x8x64xf32, #tpu.memory_space<vmem>>
    %dma_start3A_107 = tpu.memref_squeeze %dma_start3A_106 : memref<1x1x8x64xf32, #tpu.memory_space<vmem>> -> memref<8x64xf32, #tpu.memory_space<vmem>>
    %dma_start3A_108 = arith.constant 0 : i32
    %dma_start3A_109 = arith.constant 0 : i32
    %dma_start3A_110 = tpu.memref_slice %arg5[%squeeze3A_100, %dma_start3A_108, %dma_start3A_109] : memref<125000x8x64xf32, #tpu.memory_space<hbm>> -> memref<1x8x64xf32, #tpu.memory_space<hbm>>
    %dma_start3A_111 = tpu.memref_squeeze %dma_start3A_110 : memref<1x8x64xf32, #tpu.memory_space<hbm>> -> memref<8x64xf32, #tpu.memory_space<hbm>>
    %dma_start3A_112 = tpu.memref_slice %arg16[%dma_start3A_103] : memref<3x!tpu.dma_semaphore, #tpu.memory_space<semaphore_mem>> -> memref<1x!tpu.dma_semaphore, #tpu.memory_space<semaphore_mem>>
    %dma_start3A_113 = tpu.memref_squeeze %dma_start3A_112 : memref<1x!tpu.dma_semaphore, #tpu.memory_space<semaphore_mem>> -> memref<!tpu.dma_semaphore, #tpu.memory_space<semaphore_mem>>
    %dma_start3A_114 = arith.constant 0 : i32
    %dma_start3A_115 = arith.constant 0 : i32
    %dma_start3A_116 = tpu.memref_slice %arg13[%dma_start3A_101, %dma_start3A_102, %dma_start3A_114, %dma_start3A_115] : memref<3x16x8x64xf32, #tpu.memory_space<vmem>> -> memref<1x1x8x64xf32, #tpu.memory_space<vmem>>
    %dma_start3A_117 = tpu.memref_squeeze %dma_start3A_116 : memref<1x1x8x64xf32, #tpu.memory_space<vmem>> -> memref<8x64xf32, #tpu.memory_space<vmem>>
    %dma_start3A_118 = arith.constant 0 : i32
    %dma_start3A_119 = arith.constant 0 : i32
    %dma_start3A_120 = tpu.memref_slice %arg5[%squeeze3A_100, %dma_start3A_118, %dma_start3A_119] : memref<125000x8x64xf32, #tpu.memory_space<hbm>> -> memref<1x8x64xf32, #tpu.memory_space<hbm>>
    %dma_start3A_121 = tpu.memref_squeeze %dma_start3A_120 : memref<1x8x64xf32, #tpu.memory_space<hbm>> -> memref<8x64xf32, #tpu.memory_space<hbm>>
    tpu.enqueue_dma source(%dma_start3A_121 : memref<8x64xf32, #tpu.memory_space<hbm>>) target(%dma_start3A_117 : memref<8x64xf32, #tpu.memory_space<vmem>>) target_semaphore(%dma_start3A_113 : memref<!tpu.dma_semaphore, #tpu.memory_space<semaphore_mem>>)
    %slice3A_122 = vector.extract_strided_slice %shift_right_logical3A_24 {offsets = [2], sizes = [1], strides = [1]} : vector<16xi32> to vector<1xi32>
    %squeeze3A_123 = vector.extract %slice3A_122[0] : i32 from vector<1xi32>
    %dma_start3A_124 = arith.constant 0 : i32
    %dma_start3A_125 = arith.constant 2 : i32
    %dma_start3A_126 = arith.constant 0 : i32
    %dma_start3A_127 = arith.constant 0 : i32
    %dma_start3A_128 = arith.constant 0 : i32
    %dma_start3A_129 = tpu.memref_slice %arg11[%dma_start3A_124, %dma_start3A_125, %dma_start3A_127, %dma_start3A_128] : memref<3x16x8x64xf32, #tpu.memory_space<vmem>> -> memref<1x1x8x64xf32, #tpu.memory_space<vmem>>
    %dma_start3A_130 = tpu.memref_squeeze %dma_start3A_129 : memref<1x1x8x64xf32, #tpu.memory_space<vmem>> -> memref<8x64xf32, #tpu.memory_space<vmem>>
    %dma_start3A_131 = arith.constant 0 : i32
    %dma_start3A_132 = arith.constant 0 : i32
    %dma_start3A_133 = tpu.memref_slice %arg5[%squeeze3A_123, %dma_start3A_131, %dma_start3A_132] : memref<125000x8x64xf32, #tpu.memory_space<hbm>> -> memref<1x8x64xf32, #tpu.memory_space<hbm>>
    %dma_start3A_134 = tpu.memref_squeeze %dma_start3A_133 : memref<1x8x64xf32, #tpu.memory_space<hbm>> -> memref<8x64xf32, #tpu.memory_space<hbm>>
    %dma_start3A_135 = tpu.memref_slice %arg16[%dma_start3A_126] : memref<3x!tpu.dma_semaphore, #tpu.memory_space<semaphore_mem>> -> memref<1x!tpu.dma_semaphore, #tpu.memory_space<semaphore_mem>>
    %dma_start3A_136 = tpu.memref_squeeze %dma_start3A_135 : memref<1x!tpu.dma_semaphore, #tpu.memory_space<semaphore_mem>> -> memref<!tpu.dma_semaphore, #tpu.memory_space<semaphore_mem>>
    %dma_start3A_137 = arith.constant 0 : i32
    %dma_start3A_138 = arith.constant 0 : i32
    %dma_start3A_139 = tpu.memref_slice %arg11[%dma_start3A_124, %dma_start3A_125, %dma_start3A_137, %dma_start3A_138] : memref<3x16x8x64xf32, #tpu.memory_space<vmem>> -> memref<1x1x8x64xf32, #tpu.memory_space<vmem>>
    %dma_start3A_140 = tpu.memref_squeeze %dma_start3A_139 : memref<1x1x8x64xf32, #tpu.memory_space<vmem>> -> memref<8x64xf32, #tpu.memory_space<vmem>>
    %dma_start3A_141 = arith.constant 0 : i32
    %dma_start3A_142 = arith.constant 0 : i32
    %dma_start3A_143 = tpu.memref_slice %arg5[%squeeze3A_123, %dma_start3A_141, %dma_start3A_142] : memref<125000x8x64xf32, #tpu.memory_space<hbm>> -> memref<1x8x64xf32, #tpu.memory_space<hbm>>
    %dma_start3A_144 = tpu.memref_squeeze %dma_start3A_143 : memref<1x8x64xf32, #tpu.memory_space<hbm>> -> memref<8x64xf32, #tpu.memory_space<hbm>>
    tpu.enqueue_dma source(%dma_start3A_144 : memref<8x64xf32, #tpu.memory_space<hbm>>) target(%dma_start3A_140 : memref<8x64xf32, #tpu.memory_space<vmem>>) target_semaphore(%dma_start3A_136 : memref<!tpu.dma_semaphore, #tpu.memory_space<semaphore_mem>>)
    %slice3A_145 = vector.extract_strided_slice %shift_right_logical3A_31 {offsets = [2], sizes = [1], strides = [1]} : vector<16xi32> to vector<1xi32>
    %squeeze3A_146 = vector.extract %slice3A_145[0] : i32 from vector<1xi32>
    %dma_start3A_147 = arith.constant 0 : i32
    %dma_start3A_148 = arith.constant 2 : i32
    %dma_start3A_149 = arith.constant 0 : i32
    %dma_start3A_150 = arith.constant 0 : i32
    %dma_start3A_151 = arith.constant 0 : i32
    %dma_start3A_152 = tpu.memref_slice %arg13[%dma_start3A_147, %dma_start3A_148, %dma_start3A_150, %dma_start3A_151] : memref<3x16x8x64xf32, #tpu.memory_space<vmem>> -> memref<1x1x8x64xf32, #tpu.memory_space<vmem>>
    %dma_start3A_153 = tpu.memref_squeeze %dma_start3A_152 : memref<1x1x8x64xf32, #tpu.memory_space<vmem>> -> memref<8x64xf32, #tpu.memory_space<vmem>>
    %dma_start3A_154 = arith.constant 0 : i32
    %dma_start3A_155 = arith.constant 0 : i32
    %dma_start3A_156 = tpu.memref_slice %arg5[%squeeze3A_146, %dma_start3A_154, %dma_start3A_155] : memref<125000x8x64xf32, #tpu.memory_space<hbm>> -> memref<1x8x64xf32, #tpu.memory_space<hbm>>
    %dma_start3A_157 = tpu.memref_squeeze %dma_start3A_156 : memref<1x8x64xf32, #tpu.memory_space<hbm>> -> memref<8x64xf32, #tpu.memory_space<hbm>>
    %dma_start3A_158 = tpu.memref_slice %arg16[%dma_start3A_149] : memref<3x!tpu.dma_semaphore, #tpu.memory_space<semaphore_mem>> -> memref<1x!tpu.dma_semaphore, #tpu.memory_space<semaphore_mem>>
    %dma_start3A_159 = tpu.memref_squeeze %dma_start3A_158 : memref<1x!tpu.dma_semaphore, #tpu.memory_space<semaphore_mem>> -> memref<!tpu.dma_semaphore, #tpu.memory_space<semaphore_mem>>
    %dma_start3A_160 = arith.constant 0 : i32
    %dma_start3A_161 = arith.constant 0 : i32
    %dma_start3A_162 = tpu.memref_slice %arg13[%dma_start3A_147, %dma_start3A_148, %dma_start3A_160, %dma_start3A_161] : memref<3x16x8x64xf32, #tpu.memory_space<vmem>> -> memref<1x1x8x64xf32, #tpu.memory_space<vmem>>
    %dma_start3A_163 = tpu.memref_squeeze %dma_start3A_162 : memref<1x1x8x64xf32, #tpu.memory_space<vmem>> -> memref<8x64xf32, #tpu.memory_space<vmem>>
    %dma_start3A_164 = arith.constant 0 : i32
    %dma_start3A_165 = arith.constant 0 : i32
    %dma_start3A_166 = tpu.memref_slice %arg5[%squeeze3A_146, %dma_start3A_164, %dma_start3A_165] : memref<125000x8x64xf32, #tpu.memory_space<hbm>> -> memref<1x8x64xf32, #tpu.memory_space<hbm>>
    %dma_start3A_167 = tpu.memref_squeeze %dma_start3A_166 : memref<1x8x64xf32, #tpu.memory_space<hbm>> -> memref<8x64xf32, #tpu.memory_space<hbm>>
    tpu.enqueue_dma source(%dma_start3A_167 : memref<8x64xf32, #tpu.memory_space<hbm>>) target(%dma_start3A_163 : memref<8x64xf32, #tpu.memory_space<vmem>>) target_semaphore(%dma_start3A_159 : memref<!tpu.dma_semaphore, #tpu.memory_space<semaphore_mem>>)
    %slice3A_168 = vector.extract_strided_slice %shift_right_logical3A_24 {offsets = [3], sizes = [1], strides = [1]} : vector<16xi32> to vector<1xi32>
    %squeeze3A_169 = vector.extract %slice3A_168[0] : i32 from vector<1xi32>
    %dma_start3A_170 = arith.constant 0 : i32
    %dma_start3A_171 = arith.constant 3 : i32
    %dma_start3A_172 = arith.constant 0 : i32
    %dma_start3A_173 = arith.constant 0 : i32
    %dma_start3A_174 = arith.constant 0 : i32
    %dma_start3A_175 = tpu.memref_slice %arg11[%dma_start3A_170, %dma_start3A_171, %dma_start3A_173, %dma_start3A_174] : memref<3x16x8x64xf32, #tpu.memory_space<vmem>> -> memref<1x1x8x64xf32, #tpu.memory_space<vmem>>
    %dma_start3A_176 = tpu.memref_squeeze %dma_start3A_175 : memref<1x1x8x64xf32, #tpu.memory_space<vmem>> -> memref<8x64xf32, #tpu.memory_space<vmem>>
    %dma_start3A_177 = arith.constant 0 : i32
    %dma_start3A_178 = arith.constant 0 : i32
    %dma_start3A_179 = tpu.memref_slice %arg5[%squeeze3A_169, %dma_start3A_177, %dma_start3A_178] : memref<125000x8x64xf32, #tpu.memory_space<hbm>> -> memref<1x8x64xf32, #tpu.memory_space<hbm>>
    %dma_start3A_180 = tpu.memref_squeeze %dma_start3A_179 : memref<1x8x64xf32, #tpu.memory_space<hbm>> -> memref<8x64xf32, #tpu.memory_space<hbm>>
    %dma_start3A_181 = tpu.memref_slice %arg16[%dma_start3A_172] : memref<3x!tpu.dma_semaphore, #tpu.memory_space<semaphore_mem>> -> memref<1x!tpu.dma_semaphore, #tpu.memory_space<semaphore_mem>>
    %dma_start3A_182 = tpu.memref_squeeze %dma_start3A_181 : memref<1x!tpu.dma_semaphore, #tpu.memory_space<semaphore_mem>> -> memref<!tpu.dma_semaphore, #tpu.memory_space<semaphore_mem>>
    %dma_start3A_183 = arith.constant 0 : i32
    %dma_start3A_184 = arith.constant 0 : i32
    %dma_start3A_185 = tpu.memref_slice %arg11[%dma_start3A_170, %dma_start3A_171, %dma_start3A_183, %dma_start3A_184] : memref<3x16x8x64xf32, #tpu.memory_space<vmem>> -> memref<1x1x8x64xf32, #tpu.memory_space<vmem>>
    %dma_start3A_186 = tpu.memref_squeeze %dma_start3A_185 : memref<1x1x8x64xf32, #tpu.memory_space<vmem>> -> memref<8x64xf32, #tpu.memory_space<vmem>>
    %dma_start3A_187 = arith.constant 0 : i32
    %dma_start3A_188 = arith.constant 0 : i32
    %dma_start3A_189 = tpu.memref_slice %arg5[%squeeze3A_169, %dma_start3A_187, %dma_start3A_188] : memref<125000x8x64xf32, #tpu.memory_space<hbm>> -> memref<1x8x64xf32, #tpu.memory_space<hbm>>
    %dma_start3A_190 = tpu.memref_squeeze %dma_start3A_189 : memref<1x8x64xf32, #tpu.memory_space<hbm>> -> memref<8x64xf32, #tpu.memory_space<hbm>>
    tpu.enqueue_dma source(%dma_start3A_190 : memref<8x64xf32, #tpu.memory_space<hbm>>) target(%dma_start3A_186 : memref<8x64xf32, #tpu.memory_space<vmem>>) target_semaphore(%dma_start3A_182 : memref<!tpu.dma_semaphore, #tpu.memory_space<semaphore_mem>>)
    %slice3A_191 = vector.extract_strided_slice %shift_right_logical3A_31 {offsets = [3], sizes = [1], strides = [1]} : vector<16xi32> to vector<1xi32>
    %squeeze3A_192 = vector.extract %slice3A_191[0] : i32 from vector<1xi32>
    %dma_start3A_193 = arith.constant 0 : i32
    %dma_start3A_194 = arith.constant 3 : i32
    %dma_start3A_195 = arith.constant 0 : i32
    %dma_start3A_196 = arith.constant 0 : i32
    %dma_start3A_197 = arith.constant 0 : i32
    %dma_start3A_198 = tpu.memref_slice %arg13[%dma_start3A_193, %dma_start3A_194, %dma_start3A_196, %dma_start3A_197] : memref<3x16x8x64xf32, #tpu.memory_space<vmem>> -> memref<1x1x8x64xf32, #tpu.memory_space<vmem>>
    %dma_start3A_199 = tpu.memref_squeeze %dma_start3A_198 : memref<1x1x8x64xf32, #tpu.memory_space<vmem>> -> memref<8x64xf32, #tpu.memory_space<vmem>>
    %dma_start3A_200 = arith.constant 0 : i32
    %dma_start3A_201 = arith.constant 0 : i32
    %dma_start3A_202 = tpu.memref_slice %arg5[%squeeze3A_192, %dma_start3A_200, %dma_start3A_201] : memref<125000x8x64xf32, #tpu.memory_space<hbm>> -> memref<1x8x64xf32, #tpu.memory_space<hbm>>
    %dma_start3A_203 = tpu.memref_squeeze %dma_start3A_202 : memref<1x8x64xf32, #tpu.memory_space<hbm>> -> memref<8x64xf32, #tpu.memory_space<hbm>>
    %dma_start3A_204 = tpu.memref_slice %arg16[%dma_start3A_195] : memref<3x!tpu.dma_semaphore, #tpu.memory_space<semaphore_mem>> -> memref<1x!tpu.dma_semaphore, #tpu.memory_space<semaphore_mem>>
    %dma_start3A_205 = tpu.memref_squeeze %dma_start3A_204 : memref<1x!tpu.dma_semaphore, #tpu.memory_space<semaphore_mem>> -> memref<!tpu.dma_semaphore, #tpu.memory_space<semaphore_mem>>
    %dma_start3A_206 = arith.constant 0 : i32
    %dma_start3A_207 = arith.constant 0 : i32
    %dma_start3A_208 = tpu.memref_slice %arg13[%dma_start3A_193, %dma_start3A_194, %dma_start3A_206, %dma_start3A_207] : memref<3x16x8x64xf32, #tpu.memory_space<vmem>> -> memref<1x1x8x64xf32, #tpu.memory_space<vmem>>
    %dma_start3A_209 = tpu.memref_squeeze %dma_start3A_208 : memref<1x1x8x64xf32, #tpu.memory_space<vmem>> -> memref<8x64xf32, #tpu.memory_space<vmem>>
    %dma_start3A_210 = arith.constant 0 : i32
    %dma_start3A_211 = arith.constant 0 : i32
    %dma_start3A_212 = tpu.memref_slice %arg5[%squeeze3A_192, %dma_start3A_210, %dma_start3A_211] : memref<125000x8x64xf32, #tpu.memory_space<hbm>> -> memref<1x8x64xf32, #tpu.memory_space<hbm>>
    %dma_start3A_213 = tpu.memref_squeeze %dma_start3A_212 : memref<1x8x64xf32, #tpu.memory_space<hbm>> -> memref<8x64xf32, #tpu.memory_space<hbm>>
    tpu.enqueue_dma source(%dma_start3A_213 : memref<8x64xf32, #tpu.memory_space<hbm>>) target(%dma_start3A_209 : memref<8x64xf32, #tpu.memory_space<vmem>>) target_semaphore(%dma_start3A_205 : memref<!tpu.dma_semaphore, #tpu.memory_space<semaphore_mem>>)
    %slice3A_214 = vector.extract_strided_slice %shift_right_logical3A_24 {offsets = [4], sizes = [1], strides = [1]} : vector<16xi32> to vector<1xi32>
    %squeeze3A_215 = vector.extract %slice3A_214[0] : i32 from vector<1xi32>
    %dma_start3A_216 = arith.constant 0 : i32
    %dma_start3A_217 = arith.constant 4 : i32
    %dma_start3A_218 = arith.constant 0 : i32
    %dma_start3A_219 = arith.constant 0 : i32
    %dma_start3A_220 = arith.constant 0 : i32
    %dma_start3A_221 = tpu.memref_slice %arg11[%dma_start3A_216, %dma_start3A_217, %dma_start3A_219, %dma_start3A_220] : memref<3x16x8x64xf32, #tpu.memory_space<vmem>> -> memref<1x1x8x64xf32, #tpu.memory_space<vmem>>
    %dma_start3A_222 = tpu.memref_squeeze %dma_start3A_221 : memref<1x1x8x64xf32, #tpu.memory_space<vmem>> -> memref<8x64xf32, #tpu.memory_space<vmem>>
    %dma_start3A_223 = arith.constant 0 : i32
    %dma_start3A_224 = arith.constant 0 : i32
    %dma_start3A_225 = tpu.memref_slice %arg5[%squeeze3A_215, %dma_start3A_223, %dma_start3A_224] : memref<125000x8x64xf32, #tpu.memory_space<hbm>> -> memref<1x8x64xf32, #tpu.memory_space<hbm>>
    %dma_start3A_226 = tpu.memref_squeeze %dma_start3A_225 : memref<1x8x64xf32, #tpu.memory_space<hbm>> -> memref<8x64xf32, #tpu.memory_space<hbm>>
    %dma_start3A_227 = tpu.memref_slice %arg16[%dma_start3A_218] : memref<3x!tpu.dma_semaphore, #tpu.memory_space<semaphore_mem>> -> memref<1x!tpu.dma_semaphore, #tpu.memory_space<semaphore_mem>>
    %dma_start3A_228 = tpu.memref_squeeze %dma_start3A_227 : memref<1x!tpu.dma_semaphore, #tpu.memory_space<semaphore_mem>> -> memref<!tpu.dma_semaphore, #tpu.memory_space<semaphore_mem>>
    %dma_start3A_229 = arith.constant 0 : i32
    %dma_start3A_230 = arith.constant 0 : i32
    %dma_start3A_231 = tpu.memref_slice %arg11[%dma_start3A_216, %dma_start3A_217, %dma_start3A_229, %dma_start3A_230] : memref<3x16x8x64xf32, #tpu.memory_space<vmem>> -> memref<1x1x8x64xf32, #tpu.memory_space<vmem>>
    %dma_start3A_232 = tpu.memref_squeeze %dma_start3A_231 : memref<1x1x8x64xf32, #tpu.memory_space<vmem>> -> memref<8x64xf32, #tpu.memory_space<vmem>>
    %dma_start3A_233 = arith.constant 0 : i32
    %dma_start3A_234 = arith.constant 0 : i32
    %dma_start3A_235 = tpu.memref_slice %arg5[%squeeze3A_215, %dma_start3A_233, %dma_start3A_234] : memref<125000x8x64xf32, #tpu.memory_space<hbm>> -> memref<1x8x64xf32, #tpu.memory_space<hbm>>
    %dma_start3A_236 = tpu.memref_squeeze %dma_start3A_235 : memref<1x8x64xf32, #tpu.memory_space<hbm>> -> memref<8x64xf32, #tpu.memory_space<hbm>>
    tpu.enqueue_dma source(%dma_start3A_236 : memref<8x64xf32, #tpu.memory_space<hbm>>) target(%dma_start3A_232 : memref<8x64xf32, #tpu.memory_space<vmem>>) target_semaphore(%dma_start3A_228 : memref<!tpu.dma_semaphore, #tpu.memory_space<semaphore_mem>>)
    %slice3A_237 = vector.extract_strided_slice %shift_right_logical3A_31 {offsets = [4], sizes = [1], strides = [1]} : vector<16xi32> to vector<1xi32>
    %squeeze3A_238 = vector.extract %slice3A_237[0] : i32 from vector<1xi32>
    %dma_start3A_239 = arith.constant 0 : i32
    %dma_start3A_240 = arith.constant 4 : i32
    %dma_start3A_241 = arith.constant 0 : i32
    %dma_start3A_242 = arith.constant 0 : i32
    %dma_start3A_243 = arith.constant 0 : i32
    %dma_start3A_244 = tpu.memref_slice %arg13[%dma_start3A_239, %dma_start3A_240, %dma_start3A_242, %dma_start3A_243] : memref<3x16x8x64xf32, #tpu.memory_space<vmem>> -> memref<1x1x8x64xf32, #tpu.memory_space<vmem>>
    %dma_start3A_245 = tpu.memref_squeeze %dma_start3A_244 : memref<1x1x8x64xf32, #tpu.memory_space<vmem>> -> memref<8x64xf32, #tpu.memory_space<vmem>>
    %dma_start3A_246 = arith.constant 0 : i32
    %dma_start3A_247 = arith.constant 0 : i32
    %dma_start3A_248 = tpu.memref_slice %arg5[%squeeze3A_238, %dma_start3A_246, %dma_start3A_247] : memref<125000x8x64xf32, #tpu.memory_space<hbm>> -> memref<1x8x64xf32, #tpu.memory_space<hbm>>
    %dma_start3A_249 = tpu.memref_squeeze %dma_start3A_248 : memref<1x8x64xf32, #tpu.memory_space<hbm>> -> memref<8x64xf32, #tpu.memory_space<hbm>>
    %dma_start3A_250 = tpu.memref_slice %arg16[%dma_start3A_241] : memref<3x!tpu.dma_semaphore, #tpu.memory_space<semaphore_mem>> -> memref<1x!tpu.dma_semaphore, #tpu.memory_space<semaphore_mem>>
    %dma_start3A_251 = tpu.memref_squeeze %dma_start3A_250 : memref<1x!tpu.dma_semaphore, #tpu.memory_space<semaphore_mem>> -> memref<!tpu.dma_semaphore, #tpu.memory_space<semaphore_mem>>
    %dma_start3A_252 = arith.constant 0 : i32
    %dma_start3A_253 = arith.constant 0 : i32
    %dma_start3A_254 = tpu.memref_slice %arg13[%dma_start3A_239, %dma_start3A_240, %dma_start3A_252, %dma_start3A_253] : memref<3x16x8x64xf32, #tpu.memory_space<vmem>> -> memref<1x1x8x64xf32, #tpu.memory_space<vmem>>
    %dma_start3A_255 = tpu.memref_squeeze %dma_start3A_254 : memref<1x1x8x64xf32, #tpu.memory_space<vmem>> -> memref<8x64xf32, #tpu.memory_space<vmem>>
    %dma_start3A_256 = arith.constant 0 : i32
    %dma_start3A_257 = arith.constant 0 : i32
    %dma_start3A_258 = tpu.memref_slice %arg5[%squeeze3A_238, %dma_start3A_256, %dma_start3A_257] : memref<125000x8x64xf32, #tpu.memory_space<hbm>> -> memref<1x8x64xf32, #tpu.memory_space<hbm>>
    %dma_start3A_259 = tpu.memref_squeeze %dma_start3A_258 : memref<1x8x64xf32, #tpu.memory_space<hbm>> -> memref<8x64xf32, #tpu.memory_space<hbm>>
    tpu.enqueue_dma source(%dma_start3A_259 : memref<8x64xf32, #tpu.memory_space<hbm>>) target(%dma_start3A_255 : memref<8x64xf32, #tpu.memory_space<vmem>>) target_semaphore(%dma_start3A_251 : memref<!tpu.dma_semaphore, #tpu.memory_space<semaphore_mem>>)
    %slice3A_260 = vector.extract_strided_slice %shift_right_logical3A_24 {offsets = [5], sizes = [1], strides = [1]} : vector<16xi32> to vector<1xi32>
    %squeeze3A_261 = vector.extract %slice3A_260[0] : i32 from vector<1xi32>
    %dma_start3A_262 = arith.constant 0 : i32
    %dma_start3A_263 = arith.constant 5 : i32
    %dma_start3A_264 = arith.constant 0 : i32
    %dma_start3A_265 = arith.constant 0 : i32
    %dma_start3A_266 = arith.constant 0 : i32
    %dma_start3A_267 = tpu.memref_slice %arg11[%dma_start3A_262, %dma_start3A_263, %dma_start3A_265, %dma_start3A_266] : memref<3x16x8x64xf32, #tpu.memory_space<vmem>> -> memref<1x1x8x64xf32, #tpu.memory_space<vmem>>
    %dma_start3A_268 = tpu.memref_squeeze %dma_start3A_267 : memref<1x1x8x64xf32, #tpu.memory_space<vmem>> -> memref<8x64xf32, #tpu.memory_space<vmem>>
    %dma_start3A_269 = arith.constant 0 : i32
    %dma_start3A_270 = arith.constant 0 : i32
    %dma_start3A_271 = tpu.memref_slice %arg5[%squeeze3A_261, %dma_start3A_269, %dma_start3A_270] : memref<125000x8x64xf32, #tpu.memory_space<hbm>> -> memref<1x8x64xf32, #tpu.memory_space<hbm>>
    %dma_start3A_272 = tpu.memref_squeeze %dma_start3A_271 : memref<1x8x64xf32, #tpu.memory_space<hbm>> -> memref<8x64xf32, #tpu.memory_space<hbm>>
    %dma_start3A_273 = tpu.memref_slice %arg16[%dma_start3A_264] : memref<3x!tpu.dma_semaphore, #tpu.memory_space<semaphore_mem>> -> memref<1x!tpu.dma_semaphore, #tpu.memory_space<semaphore_mem>>
    %dma_start3A_274 = tpu.memref_squeeze %dma_start3A_273 : memref<1x!tpu.dma_semaphore, #tpu.memory_space<semaphore_mem>> -> memref<!tpu.dma_semaphore, #tpu.memory_space<semaphore_mem>>
    %dma_start3A_275 = arith.constant 0 : i32
    %dma_start3A_276 = arith.constant 0 : i32
    %dma_start3A_277 = tpu.memref_slice %arg11[%dma_start3A_262, %dma_start3A_263, %dma_start3A_275, %dma_start3A_276] : memref<3x16x8x64xf32, #tpu.memory_space<vmem>> -> memref<1x1x8x64xf32, #tpu.memory_space<vmem>>
    %dma_start3A_278 = tpu.memref_squeeze %dma_start3A_277 : memref<1x1x8x64xf32, #tpu.memory_space<vmem>> -> memref<8x64xf32, #tpu.memory_space<vmem>>
    %dma_start3A_279 = arith.constant 0 : i32
    %dma_start3A_280 = arith.constant 0 : i32
    %dma_start3A_281 = tpu.memref_slice %arg5[%squeeze3A_261, %dma_start3A_279, %dma_start3A_280] : memref<125000x8x64xf32, #tpu.memory_space<hbm>> -> memref<1x8x64xf32, #tpu.memory_space<hbm>>
    %dma_start3A_282 = tpu.memref_squeeze %dma_start3A_281 : memref<1x8x64xf32, #tpu.memory_space<hbm>> -> memref<8x64xf32, #tpu.memory_space<hbm>>
    tpu.enqueue_dma source(%dma_start3A_282 : memref<8x64xf32, #tpu.memory_space<hbm>>) target(%dma_start3A_278 : memref<8x64xf32, #tpu.memory_space<vmem>>) target_semaphore(%dma_start3A_274 : memref<!tpu.dma_semaphore, #tpu.memory_space<semaphore_mem>>)
    %slice3A_283 = vector.extract_strided_slice %shift_right_logical3A_31 {offsets = [5], sizes = [1], strides = [1]} : vector<16xi32> to vector<1xi32>
    %squeeze3A_284 = vector.extract %slice3A_283[0] : i32 from vector<1xi32>
    %dma_start3A_285 = arith.constant 0 : i32
    %dma_start3A_286 = arith.constant 5 : i32
    %dma_start3A_287 = arith.constant 0 : i32
    %dma_start3A_288 = arith.constant 0 : i32
    %dma_start3A_289 = arith.constant 0 : i32
    %dma_start3A_290 = tpu.memref_slice %arg13[%dma_start3A_285, %dma_start3A_286, %dma_start3A_288, %dma_start3A_289] : memref<3x16x8x64xf32, #tpu.memory_space<vmem>> -> memref<1x1x8x64xf32, #tpu.memory_space<vmem>>
    %dma_start3A_291 = tpu.memref_squeeze %dma_start3A_290 : memref<1x1x8x64xf32, #tpu.memory_space<vmem>> -> memref<8x64xf32, #tpu.memory_space<vmem>>
    %dma_start3A_292 = arith.constant 0 : i32
    %dma_start3A_293 = arith.constant 0 : i32
    %dma_start3A_294 = tpu.memref_slice %arg5[%squeeze3A_284, %dma_start3A_292, %dma_start3A_293] : memref<125000x8x64xf32, #tpu.memory_space<hbm>> -> memref<1x8x64xf32, #tpu.memory_space<hbm>>
    %dma_start3A_295 = tpu.memref_squeeze %dma_start3A_294 : memref<1x8x64xf32, #tpu.memory_space<hbm>> -> memref<8x64xf32, #tpu.memory_space<hbm>>
    %dma_start3A_296 = tpu.memref_slice %arg16[%dma_start3A_287] : memref<3x!tpu.dma_semaphore, #tpu.memory_space<semaphore_mem>> -> memref<1x!tpu.dma_semaphore, #tpu.memory_space<semaphore_mem>>
    %dma_start3A_297 = tpu.memref_squeeze %dma_start3A_296 : memref<1x!tpu.dma_semaphore, #tpu.memory_space<semaphore_mem>> -> memref<!tpu.dma_semaphore, #tpu.memory_space<semaphore_mem>>
    %dma_start3A_298 = arith.constant 0 : i32
    %dma_start3A_299 = arith.constant 0 : i32
    %dma_start3A_300 = tpu.memref_slice %arg13[%dma_start3A_285, %dma_start3A_286, %dma_start3A_298, %dma_start3A_299] : memref<3x16x8x64xf32, #tpu.memory_space<vmem>> -> memref<1x1x8x64xf32, #tpu.memory_space<vmem>>
    %dma_start3A_301 = tpu.memref_squeeze %dma_start3A_300 : memref<1x1x8x64xf32, #tpu.memory_space<vmem>> -> memref<8x64xf32, #tpu.memory_space<vmem>>
    %dma_start3A_302 = arith.constant 0 : i32
    %dma_start3A_303 = arith.constant 0 : i32
    %dma_start3A_304 = tpu.memref_slice %arg5[%squeeze3A_284, %dma_start3A_302, %dma_start3A_303] : memref<125000x8x64xf32, #tpu.memory_space<hbm>> -> memref<1x8x64xf32, #tpu.memory_space<hbm>>
    %dma_start3A_305 = tpu.memref_squeeze %dma_start3A_304 : memref<1x8x64xf32, #tpu.memory_space<hbm>> -> memref<8x64xf32, #tpu.memory_space<hbm>>
    tpu.enqueue_dma source(%dma_start3A_305 : memref<8x64xf32, #tpu.memory_space<hbm>>) target(%dma_start3A_301 : memref<8x64xf32, #tpu.memory_space<vmem>>) target_semaphore(%dma_start3A_297 : memref<!tpu.dma_semaphore, #tpu.memory_space<semaphore_mem>>)
    %slice3A_306 = vector.extract_strided_slice %shift_right_logical3A_24 {offsets = [6], sizes = [1], strides = [1]} : vector<16xi32> to vector<1xi32>
    %squeeze3A_307 = vector.extract %slice3A_306[0] : i32 from vector<1xi32>
    %dma_start3A_308 = arith.constant 0 : i32
    %dma_start3A_309 = arith.constant 6 : i32
    %dma_start3A_310 = arith.constant 0 : i32
    %dma_start3A_311 = arith.constant 0 : i32
    %dma_start3A_312 = arith.constant 0 : i32
    %dma_start3A_313 = tpu.memref_slice %arg11[%dma_start3A_308, %dma_start3A_309, %dma_start3A_311, %dma_start3A_312] : memref<3x16x8x64xf32, #tpu.memory_space<vmem>> -> memref<1x1x8x64xf32, #tpu.memory_space<vmem>>
    %dma_start3A_314 = tpu.memref_squeeze %dma_start3A_313 : memref<1x1x8x64xf32, #tpu.memory_space<vmem>> -> memref<8x64xf32, #tpu.memory_space<vmem>>
    %dma_start3A_315 = arith.constant 0 : i32
    %dma_start3A_316 = arith.constant 0 : i32
    %dma_start3A_317 = tpu.memref_slice %arg5[%squeeze3A_307, %dma_start3A_315, %dma_start3A_316] : memref<125000x8x64xf32, #tpu.memory_space<hbm>> -> memref<1x8x64xf32, #tpu.memory_space<hbm>>
    %dma_start3A_318 = tpu.memref_squeeze %dma_start3A_317 : memref<1x8x64xf32, #tpu.memory_space<hbm>> -> memref<8x64xf32, #tpu.memory_space<hbm>>
    %dma_start3A_319 = tpu.memref_slice %arg16[%dma_start3A_310] : memref<3x!tpu.dma_semaphore, #tpu.memory_space<semaphore_mem>> -> memref<1x!tpu.dma_semaphore, #tpu.memory_space<semaphore_mem>>
    %dma_start3A_320 = tpu.memref_squeeze %dma_start3A_319 : memref<1x!tpu.dma_semaphore, #tpu.memory_space<semaphore_mem>> -> memref<!tpu.dma_semaphore, #tpu.memory_space<semaphore_mem>>
    %dma_start3A_321 = arith.constant 0 : i32
    %dma_start3A_322 = arith.constant 0 : i32
    %dma_start3A_323 = tpu.memref_slice %arg11[%dma_start3A_308, %dma_start3A_309, %dma_start3A_321, %dma_start3A_322] : memref<3x16x8x64xf32, #tpu.memory_space<vmem>> -> memref<1x1x8x64xf32, #tpu.memory_space<vmem>>
    %dma_start3A_324 = tpu.memref_squeeze %dma_start3A_323 : memref<1x1x8x64xf32, #tpu.memory_space<vmem>> -> memref<8x64xf32, #tpu.memory_space<vmem>>
    %dma_start3A_325 = arith.constant 0 : i32
    %dma_start3A_326 = arith.constant 0 : i32
    %dma_start3A_327 = tpu.memref_slice %arg5[%squeeze3A_307, %dma_start3A_325, %dma_start3A_326] : memref<125000x8x64xf32, #tpu.memory_space<hbm>> -> memref<1x8x64xf32, #tpu.memory_space<hbm>>
    %dma_start3A_328 = tpu.memref_squeeze %dma_start3A_327 : memref<1x8x64xf32, #tpu.memory_space<hbm>> -> memref<8x64xf32, #tpu.memory_space<hbm>>
    tpu.enqueue_dma source(%dma_start3A_328 : memref<8x64xf32, #tpu.memory_space<hbm>>) target(%dma_start3A_324 : memref<8x64xf32, #tpu.memory_space<vmem>>) target_semaphore(%dma_start3A_320 : memref<!tpu.dma_semaphore, #tpu.memory_space<semaphore_mem>>)
    %slice3A_329 = vector.extract_strided_slice %shift_right_logical3A_31 {offsets = [6], sizes = [1], strides = [1]} : vector<16xi32> to vector<1xi32>
    %squeeze3A_330 = vector.extract %slice3A_329[0] : i32 from vector<1xi32>
    %dma_start3A_331 = arith.constant 0 : i32
    %dma_start3A_332 = arith.constant 6 : i32
    %dma_start3A_333 = arith.constant 0 : i32
    %dma_start3A_334 = arith.constant 0 : i32
    %dma_start3A_335 = arith.constant 0 : i32
    %dma_start3A_336 = tpu.memref_slice %arg13[%dma_start3A_331, %dma_start3A_332, %dma_start3A_334, %dma_start3A_335] : memref<3x16x8x64xf32, #tpu.memory_space<vmem>> -> memref<1x1x8x64xf32, #tpu.memory_space<vmem>>
    %dma_start3A_337 = tpu.memref_squeeze %dma_start3A_336 : memref<1x1x8x64xf32, #tpu.memory_space<vmem>> -> memref<8x64xf32, #tpu.memory_space<vmem>>
    %dma_start3A_338 = arith.constant 0 : i32
    %dma_start3A_339 = arith.constant 0 : i32
    %dma_start3A_340 = tpu.memref_slice %arg5[%squeeze3A_330, %dma_start3A_338, %dma_start3A_339] : memref<125000x8x64xf32, #tpu.memory_space<hbm>> -> memref<1x8x64xf32, #tpu.memory_space<hbm>>
    %dma_start3A_341 = tpu.memref_squeeze %dma_start3A_340 : memref<1x8x64xf32, #tpu.memory_space<hbm>> -> memref<8x64xf32, #tpu.memory_space<hbm>>
    %dma_start3A_342 = tpu.memref_slice %arg16[%dma_start3A_333] : memref<3x!tpu.dma_semaphore, #tpu.memory_space<semaphore_mem>> -> memref<1x!tpu.dma_semaphore, #tpu.memory_space<semaphore_mem>>
    %dma_start3A_343 = tpu.memref_squeeze %dma_start3A_342 : memref<1x!tpu.dma_semaphore, #tpu.memory_space<semaphore_mem>> -> memref<!tpu.dma_semaphore, #tpu.memory_space<semaphore_mem>>
    %dma_start3A_344 = arith.constant 0 : i32
    %dma_start3A_345 = arith.constant 0 : i32
    %dma_start3A_346 = tpu.memref_slice %arg13[%dma_start3A_331, %dma_start3A_332, %dma_start3A_344, %dma_start3A_345] : memref<3x16x8x64xf32, #tpu.memory_space<vmem>> -> memref<1x1x8x64xf32, #tpu.memory_space<vmem>>
    %dma_start3A_347 = tpu.memref_squeeze %dma_start3A_346 : memref<1x1x8x64xf32, #tpu.memory_space<vmem>> -> memref<8x64xf32, #tpu.memory_space<vmem>>
    %dma_start3A_348 = arith.constant 0 : i32
    %dma_start3A_349 = arith.constant 0 : i32
    %dma_start3A_350 = tpu.memref_slice %arg5[%squeeze3A_330, %dma_start3A_348, %dma_start3A_349] : memref<125000x8x64xf32, #tpu.memory_space<hbm>> -> memref<1x8x64xf32, #tpu.memory_space<hbm>>
    %dma_start3A_351 = tpu.memref_squeeze %dma_start3A_350 : memref<1x8x64xf32, #tpu.memory_space<hbm>> -> memref<8x64xf32, #tpu.memory_space<hbm>>
    tpu.enqueue_dma source(%dma_start3A_351 : memref<8x64xf32, #tpu.memory_space<hbm>>) target(%dma_start3A_347 : memref<8x64xf32, #tpu.memory_space<vmem>>) target_semaphore(%dma_start3A_343 : memref<!tpu.dma_semaphore, #tpu.memory_space<semaphore_mem>>)
    %slice3A_352 = vector.extract_strided_slice %shift_right_logical3A_24 {offsets = [7], sizes = [1], strides = [1]} : vector<16xi32> to vector<1xi32>
    %squeeze3A_353 = vector.extract %slice3A_352[0] : i32 from vector<1xi32>
    %dma_start3A_354 = arith.constant 0 : i32
    %dma_start3A_355 = arith.constant 7 : i32
    %dma_start3A_356 = arith.constant 0 : i32
    %dma_start3A_357 = arith.constant 0 : i32
    %dma_start3A_358 = arith.constant 0 : i32
    %dma_start3A_359 = tpu.memref_slice %arg11[%dma_start3A_354, %dma_start3A_355, %dma_start3A_357, %dma_start3A_358] : memref<3x16x8x64xf32, #tpu.memory_space<vmem>> -> memref<1x1x8x64xf32, #tpu.memory_space<vmem>>
    %dma_start3A_360 = tpu.memref_squeeze %dma_start3A_359 : memref<1x1x8x64xf32, #tpu.memory_space<vmem>> -> memref<8x64xf32, #tpu.memory_space<vmem>>
    %dma_start3A_361 = arith.constant 0 : i32
    %dma_start3A_362 = arith.constant 0 : i32
    %dma_start3A_363 = tpu.memref_slice %arg5[%squeeze3A_353, %dma_start3A_361, %dma_start3A_362] : memref<125000x8x64xf32, #tpu.memory_space<hbm>> -> memref<1x8x64xf32, #tpu.memory_space<hbm>>
    %dma_start3A_364 = tpu.memref_squeeze %dma_start3A_363 : memref<1x8x64xf32, #tpu.memory_space<hbm>> -> memref<8x64xf32, #tpu.memory_space<hbm>>
    %dma_start3A_365 = tpu.memref_slice %arg16[%dma_start3A_356] : memref<3x!tpu.dma_semaphore, #tpu.memory_space<semaphore_mem>> -> memref<1x!tpu.dma_semaphore, #tpu.memory_space<semaphore_mem>>
    %dma_start3A_366 = tpu.memref_squeeze %dma_start3A_365 : memref<1x!tpu.dma_semaphore, #tpu.memory_space<semaphore_mem>> -> memref<!tpu.dma_semaphore, #tpu.memory_space<semaphore_mem>>
    %dma_start3A_367 = arith.constant 0 : i32
    %dma_start3A_368 = arith.constant 0 : i32
    %dma_start3A_369 = tpu.memref_slice %arg11[%dma_start3A_354, %dma_start3A_355, %dma_start3A_367, %dma_start3A_368] : memref<3x16x8x64xf32, #tpu.memory_space<vmem>> -> memref<1x1x8x64xf32, #tpu.memory_space<vmem>>
    %dma_start3A_370 = tpu.memref_squeeze %dma_start3A_369 : memref<1x1x8x64xf32, #tpu.memory_space<vmem>> -> memref<8x64xf32, #tpu.memory_space<vmem>>
    %dma_start3A_371 = arith.constant 0 : i32
    %dma_start3A_372 = arith.constant 0 : i32
    %dma_start3A_373 = tpu.memref_slice %arg5[%squeeze3A_353, %dma_start3A_371, %dma_start3A_372] : memref<125000x8x64xf32, #tpu.memory_space<hbm>> -> memref<1x8x64xf32, #tpu.memory_space<hbm>>
    %dma_start3A_374 = tpu.memref_squeeze %dma_start3A_373 : memref<1x8x64xf32, #tpu.memory_space<hbm>> -> memref<8x64xf32, #tpu.memory_space<hbm>>
    tpu.enqueue_dma source(%dma_start3A_374 : memref<8x64xf32, #tpu.memory_space<hbm>>) target(%dma_start3A_370 : memref<8x64xf32, #tpu.memory_space<vmem>>) target_semaphore(%dma_start3A_366 : memref<!tpu.dma_semaphore, #tpu.memory_space<semaphore_mem>>)
    %slice3A_375 = vector.extract_strided_slice %shift_right_logical3A_31 {offsets = [7], sizes = [1], strides = [1]} : vector<16xi32> to vector<1xi32>
    %squeeze3A_376 = vector.extract %slice3A_375[0] : i32 from vector<1xi32>
    %dma_start3A_377 = arith.constant 0 : i32
    %dma_start3A_378 = arith.constant 7 : i32
    %dma_start3A_379 = arith.constant 0 : i32
    %dma_start3A_380 = arith.constant 0 : i32
    %dma_start3A_381 = arith.constant 0 : i32
    %dma_start3A_382 = tpu.memref_slice %arg13[%dma_start3A_377, %dma_start3A_378, %dma_start3A_380, %dma_start3A_381] : memref<3x16x8x64xf32, #tpu.memory_space<vmem>> -> memref<1x1x8x64xf32, #tpu.memory_space<vmem>>
    %dma_start3A_383 = tpu.memref_squeeze %dma_start3A_382 : memref<1x1x8x64xf32, #tpu.memory_space<vmem>> -> memref<8x64xf32, #tpu.memory_space<vmem>>
    %dma_start3A_384 = arith.constant 0 : i32
    %dma_start3A_385 = arith.constant 0 : i32
    %dma_start3A_386 = tpu.memref_slice %arg5[%squeeze3A_376, %dma_start3A_384, %dma_start3A_385] : memref<125000x8x64xf32, #tpu.memory_space<hbm>> -> memref<1x8x64xf32, #tpu.memory_space<hbm>>
    %dma_start3A_387 = tpu.memref_squeeze %dma_start3A_386 : memref<1x8x64xf32, #tpu.memory_space<hbm>> -> memref<8x64xf32, #tpu.memory_space<hbm>>
    %dma_start3A_388 = tpu.memref_slice %arg16[%dma_start3A_379] : memref<3x!tpu.dma_semaphore, #tpu.memory_space<semaphore_mem>> -> memref<1x!tpu.dma_semaphore, #tpu.memory_space<semaphore_mem>>
    %dma_start3A_389 = tpu.memref_squeeze %dma_start3A_388 : memref<1x!tpu.dma_semaphore, #tpu.memory_space<semaphore_mem>> -> memref<!tpu.dma_semaphore, #tpu.memory_space<semaphore_mem>>
    %dma_start3A_390 = arith.constant 0 : i32
    %dma_start3A_391 = arith.constant 0 : i32
    %dma_start3A_392 = tpu.memref_slice %arg13[%dma_start3A_377, %dma_start3A_378, %dma_start3A_390, %dma_start3A_391] : memref<3x16x8x64xf32, #tpu.memory_space<vmem>> -> memref<1x1x8x64xf32, #tpu.memory_space<vmem>>
    %dma_start3A_393 = tpu.memref_squeeze %dma_start3A_392 : memref<1x1x8x64xf32, #tpu.memory_space<vmem>> -> memref<8x64xf32, #tpu.memory_space<vmem>>
    %dma_start3A_394 = arith.constant 0 : i32
    %dma_start3A_395 = arith.constant 0 : i32
    %dma_start3A_396 = tpu.memref_slice %arg5[%squeeze3A_376, %dma_start3A_394, %dma_start3A_395] : memref<125000x8x64xf32, #tpu.memory_space<hbm>> -> memref<1x8x64xf32, #tpu.memory_space<hbm>>
    %dma_start3A_397 = tpu.memref_squeeze %dma_start3A_396 : memref<1x8x64xf32, #tpu.memory_space<hbm>> -> memref<8x64xf32, #tpu.memory_space<hbm>>
    tpu.enqueue_dma source(%dma_start3A_397 : memref<8x64xf32, #tpu.memory_space<hbm>>) target(%dma_start3A_393 : memref<8x64xf32, #tpu.memory_space<vmem>>) target_semaphore(%dma_start3A_389 : memref<!tpu.dma_semaphore, #tpu.memory_space<semaphore_mem>>)
    %slice3A_398 = vector.extract_strided_slice %shift_right_logical3A_24 {offsets = [8], sizes = [1], strides = [1]} : vector<16xi32> to vector<1xi32>
    %squeeze3A_399 = vector.extract %slice3A_398[0] : i32 from vector<1xi32>
    %dma_start3A_400 = arith.constant 0 : i32
    %dma_start3A_401 = arith.constant 8 : i32
    %dma_start3A_402 = arith.constant 0 : i32
    %dma_start3A_403 = arith.constant 0 : i32
    %dma_start3A_404 = arith.constant 0 : i32
    %dma_start3A_405 = tpu.memref_slice %arg11[%dma_start3A_400, %dma_start3A_401, %dma_start3A_403, %dma_start3A_404] : memref<3x16x8x64xf32, #tpu.memory_space<vmem>> -> memref<1x1x8x64xf32, #tpu.memory_space<vmem>>
    %dma_start3A_406 = tpu.memref_squeeze %dma_start3A_405 : memref<1x1x8x64xf32, #tpu.memory_space<vmem>> -> memref<8x64xf32, #tpu.memory_space<vmem>>
    %dma_start3A_407 = arith.constant 0 : i32
    %dma_start3A_408 = arith.constant 0 : i32
    %dma_start3A_409 = tpu.memref_slice %arg5[%squeeze3A_399, %dma_start3A_407, %dma_start3A_408] : memref<125000x8x64xf32, #tpu.memory_space<hbm>> -> memref<1x8x64xf32, #tpu.memory_space<hbm>>
    %dma_start3A_410 = tpu.memref_squeeze %dma_start3A_409 : memref<1x8x64xf32, #tpu.memory_space<hbm>> -> memref<8x64xf32, #tpu.memory_space<hbm>>
    %dma_start3A_411 = tpu.memref_slice %arg16[%dma_start3A_402] : memref<3x!tpu.dma_semaphore, #tpu.memory_space<semaphore_mem>> -> memref<1x!tpu.dma_semaphore, #tpu.memory_space<semaphore_mem>>
    %dma_start3A_412 = tpu.memref_squeeze %dma_start3A_411 : memref<1x!tpu.dma_semaphore, #tpu.memory_space<semaphore_mem>> -> memref<!tpu.dma_semaphore, #tpu.memory_space<semaphore_mem>>
    %dma_start3A_413 = arith.constant 0 : i32
    %dma_start3A_414 = arith.constant 0 : i32
    %dma_start3A_415 = tpu.memref_slice %arg11[%dma_start3A_400, %dma_start3A_401, %dma_start3A_413, %dma_start3A_414] : memref<3x16x8x64xf32, #tpu.memory_space<vmem>> -> memref<1x1x8x64xf32, #tpu.memory_space<vmem>>
    %dma_start3A_416 = tpu.memref_squeeze %dma_start3A_415 : memref<1x1x8x64xf32, #tpu.memory_space<vmem>> -> memref<8x64xf32, #tpu.memory_space<vmem>>
    %dma_start3A_417 = arith.constant 0 : i32
    %dma_start3A_418 = arith.constant 0 : i32
    %dma_start3A_419 = tpu.memref_slice %arg5[%squeeze3A_399, %dma_start3A_417, %dma_start3A_418] : memref<125000x8x64xf32, #tpu.memory_space<hbm>> -> memref<1x8x64xf32, #tpu.memory_space<hbm>>
    %dma_start3A_420 = tpu.memref_squeeze %dma_start3A_419 : memref<1x8x64xf32, #tpu.memory_space<hbm>> -> memref<8x64xf32, #tpu.memory_space<hbm>>
    tpu.enqueue_dma source(%dma_start3A_420 : memref<8x64xf32, #tpu.memory_space<hbm>>) target(%dma_start3A_416 : memref<8x64xf32, #tpu.memory_space<vmem>>) target_semaphore(%dma_start3A_412 : memref<!tpu.dma_semaphore, #tpu.memory_space<semaphore_mem>>)
    %slice3A_421 = vector.extract_strided_slice %shift_right_logical3A_31 {offsets = [8], sizes = [1], strides = [1]} : vector<16xi32> to vector<1xi32>
    %squeeze3A_422 = vector.extract %slice3A_421[0] : i32 from vector<1xi32>
    %dma_start3A_423 = arith.constant 0 : i32
    %dma_start3A_424 = arith.constant 8 : i32
    %dma_start3A_425 = arith.constant 0 : i32
    %dma_start3A_426 = arith.constant 0 : i32
    %dma_start3A_427 = arith.constant 0 : i32
    %dma_start3A_428 = tpu.memref_slice %arg13[%dma_start3A_423, %dma_start3A_424, %dma_start3A_426, %dma_start3A_427] : memref<3x16x8x64xf32, #tpu.memory_space<vmem>> -> memref<1x1x8x64xf32, #tpu.memory_space<vmem>>
    %dma_start3A_429 = tpu.memref_squeeze %dma_start3A_428 : memref<1x1x8x64xf32, #tpu.memory_space<vmem>> -> memref<8x64xf32, #tpu.memory_space<vmem>>
    %dma_start3A_430 = arith.constant 0 : i32
    %dma_start3A_431 = arith.constant 0 : i32
    %dma_start3A_432 = tpu.memref_slice %arg5[%squeeze3A_422, %dma_start3A_430, %dma_start3A_431] : memref<125000x8x64xf32, #tpu.memory_space<hbm>> -> memref<1x8x64xf32, #tpu.memory_space<hbm>>
    %dma_start3A_433 = tpu.memref_squeeze %dma_start3A_432 : memref<1x8x64xf32, #tpu.memory_space<hbm>> -> memref<8x64xf32, #tpu.memory_space<hbm>>
    %dma_start3A_434 = tpu.memref_slice %arg16[%dma_start3A_425] : memref<3x!tpu.dma_semaphore, #tpu.memory_space<semaphore_mem>> -> memref<1x!tpu.dma_semaphore, #tpu.memory_space<semaphore_mem>>
    %dma_start3A_435 = tpu.memref_squeeze %dma_start3A_434 : memref<1x!tpu.dma_semaphore, #tpu.memory_space<semaphore_mem>> -> memref<!tpu.dma_semaphore, #tpu.memory_space<semaphore_mem>>
    %dma_start3A_436 = arith.constant 0 : i32
    %dma_start3A_437 = arith.constant 0 : i32
    %dma_start3A_438 = tpu.memref_slice %arg13[%dma_start3A_423, %dma_start3A_424, %dma_start3A_436, %dma_start3A_437] : memref<3x16x8x64xf32, #tpu.memory_space<vmem>> -> memref<1x1x8x64xf32, #tpu.memory_space<vmem>>
    %dma_start3A_439 = tpu.memref_squeeze %dma_start3A_438 : memref<1x1x8x64xf32, #tpu.memory_space<vmem>> -> memref<8x64xf32, #tpu.memory_space<vmem>>
    %dma_start3A_440 = arith.constant 0 : i32
    %dma_start3A_441 = arith.constant 0 : i32
    %dma_start3A_442 = tpu.memref_slice %arg5[%squeeze3A_422, %dma_start3A_440, %dma_start3A_441] : memref<125000x8x64xf32, #tpu.memory_space<hbm>> -> memref<1x8x64xf32, #tpu.memory_space<hbm>>
    %dma_start3A_443 = tpu.memref_squeeze %dma_start3A_442 : memref<1x8x64xf32, #tpu.memory_space<hbm>> -> memref<8x64xf32, #tpu.memory_space<hbm>>
    tpu.enqueue_dma source(%dma_start3A_443 : memref<8x64xf32, #tpu.memory_space<hbm>>) target(%dma_start3A_439 : memref<8x64xf32, #tpu.memory_space<vmem>>) target_semaphore(%dma_start3A_435 : memref<!tpu.dma_semaphore, #tpu.memory_space<semaphore_mem>>)
    %slice3A_444 = vector.extract_strided_slice %shift_right_logical3A_24 {offsets = [9], sizes = [1], strides = [1]} : vector<16xi32> to vector<1xi32>
    %squeeze3A_445 = vector.extract %slice3A_444[0] : i32 from vector<1xi32>
    %dma_start3A_446 = arith.constant 0 : i32
    %dma_start3A_447 = arith.constant 9 : i32
    %dma_start3A_448 = arith.constant 0 : i32
    %dma_start3A_449 = arith.constant 0 : i32
    %dma_start3A_450 = arith.constant 0 : i32
    %dma_start3A_451 = tpu.memref_slice %arg11[%dma_start3A_446, %dma_start3A_447, %dma_start3A_449, %dma_start3A_450] : memref<3x16x8x64xf32, #tpu.memory_space<vmem>> -> memref<1x1x8x64xf32, #tpu.memory_space<vmem>>
    %dma_start3A_452 = tpu.memref_squeeze %dma_start3A_451 : memref<1x1x8x64xf32, #tpu.memory_space<vmem>> -> memref<8x64xf32, #tpu.memory_space<vmem>>
    %dma_start3A_453 = arith.constant 0 : i32
    %dma_start3A_454 = arith.constant 0 : i32
    %dma_start3A_455 = tpu.memref_slice %arg5[%squeeze3A_445, %dma_start3A_453, %dma_start3A_454] : memref<125000x8x64xf32, #tpu.memory_space<hbm>> -> memref<1x8x64xf32, #tpu.memory_space<hbm>>
    %dma_start3A_456 = tpu.memref_squeeze %dma_start3A_455 : memref<1x8x64xf32, #tpu.memory_space<hbm>> -> memref<8x64xf32, #tpu.memory_space<hbm>>
    %dma_start3A_457 = tpu.memref_slice %arg16[%dma_start3A_448] : memref<3x!tpu.dma_semaphore, #tpu.memory_space<semaphore_mem>> -> memref<1x!tpu.dma_semaphore, #tpu.memory_space<semaphore_mem>>
    %dma_start3A_458 = tpu.memref_squeeze %dma_start3A_457 : memref<1x!tpu.dma_semaphore, #tpu.memory_space<semaphore_mem>> -> memref<!tpu.dma_semaphore, #tpu.memory_space<semaphore_mem>>
    %dma_start3A_459 = arith.constant 0 : i32
    %dma_start3A_460 = arith.constant 0 : i32
    %dma_start3A_461 = tpu.memref_slice %arg11[%dma_start3A_446, %dma_start3A_447, %dma_start3A_459, %dma_start3A_460] : memref<3x16x8x64xf32, #tpu.memory_space<vmem>> -> memref<1x1x8x64xf32, #tpu.memory_space<vmem>>
    %dma_start3A_462 = tpu.memref_squeeze %dma_start3A_461 : memref<1x1x8x64xf32, #tpu.memory_space<vmem>> -> memref<8x64xf32, #tpu.memory_space<vmem>>
    %dma_start3A_463 = arith.constant 0 : i32
    %dma_start3A_464 = arith.constant 0 : i32
    %dma_start3A_465 = tpu.memref_slice %arg5[%squeeze3A_445, %dma_start3A_463, %dma_start3A_464] : memref<125000x8x64xf32, #tpu.memory_space<hbm>> -> memref<1x8x64xf32, #tpu.memory_space<hbm>>
    %dma_start3A_466 = tpu.memref_squeeze %dma_start3A_465 : memref<1x8x64xf32, #tpu.memory_space<hbm>> -> memref<8x64xf32, #tpu.memory_space<hbm>>
    tpu.enqueue_dma source(%dma_start3A_466 : memref<8x64xf32, #tpu.memory_space<hbm>>) target(%dma_start3A_462 : memref<8x64xf32, #tpu.memory_space<vmem>>) target_semaphore(%dma_start3A_458 : memref<!tpu.dma_semaphore, #tpu.memory_space<semaphore_mem>>)
    %slice3A_467 = vector.extract_strided_slice %shift_right_logical3A_31 {offsets = [9], sizes = [1], strides = [1]} : vector<16xi32> to vector<1xi32>
    %squeeze3A_468 = vector.extract %slice3A_467[0] : i32 from vector<1xi32>
    %dma_start3A_469 = arith.constant 0 : i32
    %dma_start3A_470 = arith.constant 9 : i32
    %dma_start3A_471 = arith.constant 0 : i32
    %dma_start3A_472 = arith.constant 0 : i32
    %dma_start3A_473 = arith.constant 0 : i32
    %dma_start3A_474 = tpu.memref_slice %arg13[%dma_start3A_469, %dma_start3A_470, %dma_start3A_472, %dma_start3A_473] : memref<3x16x8x64xf32, #tpu.memory_space<vmem>> -> memref<1x1x8x64xf32, #tpu.memory_space<vmem>>
    %dma_start3A_475 = tpu.memref_squeeze %dma_start3A_474 : memref<1x1x8x64xf32, #tpu.memory_space<vmem>> -> memref<8x64xf32, #tpu.memory_space<vmem>>
    %dma_start3A_476 = arith.constant 0 : i32
    %dma_start3A_477 = arith.constant 0 : i32
    %dma_start3A_478 = tpu.memref_slice %arg5[%squeeze3A_468, %dma_start3A_476, %dma_start3A_477] : memref<125000x8x64xf32, #tpu.memory_space<hbm>> -> memref<1x8x64xf32, #tpu.memory_space<hbm>>
    %dma_start3A_479 = tpu.memref_squeeze %dma_start3A_478 : memref<1x8x64xf32, #tpu.memory_space<hbm>> -> memref<8x64xf32, #tpu.memory_space<hbm>>
    %dma_start3A_480 = tpu.memref_slice %arg16[%dma_start3A_471] : memref<3x!tpu.dma_semaphore, #tpu.memory_space<semaphore_mem>> -> memref<1x!tpu.dma_semaphore, #tpu.memory_space<semaphore_mem>>
    %dma_start3A_481 = tpu.memref_squeeze %dma_start3A_480 : memref<1x!tpu.dma_semaphore, #tpu.memory_space<semaphore_mem>> -> memref<!tpu.dma_semaphore, #tpu.memory_space<semaphore_mem>>
    %dma_start3A_482 = arith.constant 0 : i32
    %dma_start3A_483 = arith.constant 0 : i32
    %dma_start3A_484 = tpu.memref_slice %arg13[%dma_start3A_469, %dma_start3A_470, %dma_start3A_482, %dma_start3A_483] : memref<3x16x8x64xf32, #tpu.memory_space<vmem>> -> memref<1x1x8x64xf32, #tpu.memory_space<vmem>>
    %dma_start3A_485 = tpu.memref_squeeze %dma_start3A_484 : memref<1x1x8x64xf32, #tpu.memory_space<vmem>> -> memref<8x64xf32, #tpu.memory_space<vmem>>
    %dma_start3A_486 = arith.constant 0 : i32
    %dma_start3A_487 = arith.constant 0 : i32
    %dma_start3A_488 = tpu.memref_slice %arg5[%squeeze3A_468, %dma_start3A_486, %dma_start3A_487] : memref<125000x8x64xf32, #tpu.memory_space<hbm>> -> memref<1x8x64xf32, #tpu.memory_space<hbm>>
    %dma_start3A_489 = tpu.memref_squeeze %dma_start3A_488 : memref<1x8x64xf32, #tpu.memory_space<hbm>> -> memref<8x64xf32, #tpu.memory_space<hbm>>
    tpu.enqueue_dma source(%dma_start3A_489 : memref<8x64xf32, #tpu.memory_space<hbm>>) target(%dma_start3A_485 : memref<8x64xf32, #tpu.memory_space<vmem>>) target_semaphore(%dma_start3A_481 : memref<!tpu.dma_semaphore, #tpu.memory_space<semaphore_mem>>)
    %slice3A_490 = vector.extract_strided_slice %shift_right_logical3A_24 {offsets = [10], sizes = [1], strides = [1]} : vector<16xi32> to vector<1xi32>
    %squeeze3A_491 = vector.extract %slice3A_490[0] : i32 from vector<1xi32>
    %dma_start3A_492 = arith.constant 0 : i32
    %dma_start3A_493 = arith.constant 10 : i32
    %dma_start3A_494 = arith.constant 0 : i32
    %dma_start3A_495 = arith.constant 0 : i32
    %dma_start3A_496 = arith.constant 0 : i32
    %dma_start3A_497 = tpu.memref_slice %arg11[%dma_start3A_492, %dma_start3A_493, %dma_start3A_495, %dma_start3A_496] : memref<3x16x8x64xf32, #tpu.memory_space<vmem>> -> memref<1x1x8x64xf32, #tpu.memory_space<vmem>>
    %dma_start3A_498 = tpu.memref_squeeze %dma_start3A_497 : memref<1x1x8x64xf32, #tpu.memory_space<vmem>> -> memref<8x64xf32, #tpu.memory_space<vmem>>
    %dma_start3A_499 = arith.constant 0 : i32
    %dma_start3A_500 = arith.constant 0 : i32
    %dma_start3A_501 = tpu.memref_slice %arg5[%squeeze3A_491, %dma_start3A_499, %dma_start3A_500] : memref<125000x8x64xf32, #tpu.memory_space<hbm>> -> memref<1x8x64xf32, #tpu.memory_space<hbm>>
    %dma_start3A_502 = tpu.memref_squeeze %dma_start3A_501 : memref<1x8x64xf32, #tpu.memory_space<hbm>> -> memref<8x64xf32, #tpu.memory_space<hbm>>
    %dma_start3A_503 = tpu.memref_slice %arg16[%dma_start3A_494] : memref<3x!tpu.dma_semaphore, #tpu.memory_space<semaphore_mem>> -> memref<1x!tpu.dma_semaphore, #tpu.memory_space<semaphore_mem>>
    %dma_start3A_504 = tpu.memref_squeeze %dma_start3A_503 : memref<1x!tpu.dma_semaphore, #tpu.memory_space<semaphore_mem>> -> memref<!tpu.dma_semaphore, #tpu.memory_space<semaphore_mem>>
    %dma_start3A_505 = arith.constant 0 : i32
    %dma_start3A_506 = arith.constant 0 : i32
    %dma_start3A_507 = tpu.memref_slice %arg11[%dma_start3A_492, %dma_start3A_493, %dma_start3A_505, %dma_start3A_506] : memref<3x16x8x64xf32, #tpu.memory_space<vmem>> -> memref<1x1x8x64xf32, #tpu.memory_space<vmem>>
    %dma_start3A_508 = tpu.memref_squeeze %dma_start3A_507 : memref<1x1x8x64xf32, #tpu.memory_space<vmem>> -> memref<8x64xf32, #tpu.memory_space<vmem>>
    %dma_start3A_509 = arith.constant 0 : i32
    %dma_start3A_510 = arith.constant 0 : i32
    %dma_start3A_511 = tpu.memref_slice %arg5[%squeeze3A_491, %dma_start3A_509, %dma_start3A_510] : memref<125000x8x64xf32, #tpu.memory_space<hbm>> -> memref<1x8x64xf32, #tpu.memory_space<hbm>>
    %dma_start3A_512 = tpu.memref_squeeze %dma_start3A_511 : memref<1x8x64xf32, #tpu.memory_space<hbm>> -> memref<8x64xf32, #tpu.memory_space<hbm>>
    tpu.enqueue_dma source(%dma_start3A_512 : memref<8x64xf32, #tpu.memory_space<hbm>>) target(%dma_start3A_508 : memref<8x64xf32, #tpu.memory_space<vmem>>) target_semaphore(%dma_start3A_504 : memref<!tpu.dma_semaphore, #tpu.memory_space<semaphore_mem>>)
    %slice3A_513 = vector.extract_strided_slice %shift_right_logical3A_31 {offsets = [10], sizes = [1], strides = [1]} : vector<16xi32> to vector<1xi32>
    %squeeze3A_514 = vector.extract %slice3A_513[0] : i32 from vector<1xi32>
    %dma_start3A_515 = arith.constant 0 : i32
    %dma_start3A_516 = arith.constant 10 : i32
    %dma_start3A_517 = arith.constant 0 : i32
    %dma_start3A_518 = arith.constant 0 : i32
    %dma_start3A_519 = arith.constant 0 : i32
    %dma_start3A_520 = tpu.memref_slice %arg13[%dma_start3A_515, %dma_start3A_516, %dma_start3A_518, %dma_start3A_519] : memref<3x16x8x64xf32, #tpu.memory_space<vmem>> -> memref<1x1x8x64xf32, #tpu.memory_space<vmem>>
    %dma_start3A_521 = tpu.memref_squeeze %dma_start3A_520 : memref<1x1x8x64xf32, #tpu.memory_space<vmem>> -> memref<8x64xf32, #tpu.memory_space<vmem>>
    %dma_start3A_522 = arith.constant 0 : i32
    %dma_start3A_523 = arith.constant 0 : i32
    %dma_start3A_524 = tpu.memref_slice %arg5[%squeeze3A_514, %dma_start3A_522, %dma_start3A_523] : memref<125000x8x64xf32, #tpu.memory_space<hbm>> -> memref<1x8x64xf32, #tpu.memory_space<hbm>>
    %dma_start3A_525 = tpu.memref_squeeze %dma_start3A_524 : memref<1x8x64xf32, #tpu.memory_space<hbm>> -> memref<8x64xf32, #tpu.memory_space<hbm>>
    %dma_start3A_526 = tpu.memref_slice %arg16[%dma_start3A_517] : memref<3x!tpu.dma_semaphore, #tpu.memory_space<semaphore_mem>> -> memref<1x!tpu.dma_semaphore, #tpu.memory_space<semaphore_mem>>
    %dma_start3A_527 = tpu.memref_squeeze %dma_start3A_526 : memref<1x!tpu.dma_semaphore, #tpu.memory_space<semaphore_mem>> -> memref<!tpu.dma_semaphore, #tpu.memory_space<semaphore_mem>>
    %dma_start3A_528 = arith.constant 0 : i32
    %dma_start3A_529 = arith.constant 0 : i32
    %dma_start3A_530 = tpu.memref_slice %arg13[%dma_start3A_515, %dma_start3A_516, %dma_start3A_528, %dma_start3A_529] : memref<3x16x8x64xf32, #tpu.memory_space<vmem>> -> memref<1x1x8x64xf32, #tpu.memory_space<vmem>>
    %dma_start3A_531 = tpu.memref_squeeze %dma_start3A_530 : memref<1x1x8x64xf32, #tpu.memory_space<vmem>> -> memref<8x64xf32, #tpu.memory_space<vmem>>
    %dma_start3A_532 = arith.constant 0 : i32
    %dma_start3A_533 = arith.constant 0 : i32
    %dma_start3A_534 = tpu.memref_slice %arg5[%squeeze3A_514, %dma_start3A_532, %dma_start3A_533] : memref<125000x8x64xf32, #tpu.memory_space<hbm>> -> memref<1x8x64xf32, #tpu.memory_space<hbm>>
    %dma_start3A_535 = tpu.memref_squeeze %dma_start3A_534 : memref<1x8x64xf32, #tpu.memory_space<hbm>> -> memref<8x64xf32, #tpu.memory_space<hbm>>
    tpu.enqueue_dma source(%dma_start3A_535 : memref<8x64xf32, #tpu.memory_space<hbm>>) target(%dma_start3A_531 : memref<8x64xf32, #tpu.memory_space<vmem>>) target_semaphore(%dma_start3A_527 : memref<!tpu.dma_semaphore, #tpu.memory_space<semaphore_mem>>)
    %slice3A_536 = vector.extract_strided_slice %shift_right_logical3A_24 {offsets = [11], sizes = [1], strides = [1]} : vector<16xi32> to vector<1xi32>
    %squeeze3A_537 = vector.extract %slice3A_536[0] : i32 from vector<1xi32>
    %dma_start3A_538 = arith.constant 0 : i32
    %dma_start3A_539 = arith.constant 11 : i32
    %dma_start3A_540 = arith.constant 0 : i32
    %dma_start3A_541 = arith.constant 0 : i32
    %dma_start3A_542 = arith.constant 0 : i32
    %dma_start3A_543 = tpu.memref_slice %arg11[%dma_start3A_538, %dma_start3A_539, %dma_start3A_541, %dma_start3A_542] : memref<3x16x8x64xf32, #tpu.memory_space<vmem>> -> memref<1x1x8x64xf32, #tpu.memory_space<vmem>>
    %dma_start3A_544 = tpu.memref_squeeze %dma_start3A_543 : memref<1x1x8x64xf32, #tpu.memory_space<vmem>> -> memref<8x64xf32, #tpu.memory_space<vmem>>
    %dma_start3A_545 = arith.constant 0 : i32
    %dma_start3A_546 = arith.constant 0 : i32
    %dma_start3A_547 = tpu.memref_slice %arg5[%squeeze3A_537, %dma_start3A_545, %dma_start3A_546] : memref<125000x8x64xf32, #tpu.memory_space<hbm>> -> memref<1x8x64xf32, #tpu.memory_space<hbm>>
    %dma_start3A_548 = tpu.memref_squeeze %dma_start3A_547 : memref<1x8x64xf32, #tpu.memory_space<hbm>> -> memref<8x64xf32, #tpu.memory_space<hbm>>
    %dma_start3A_549 = tpu.memref_slice %arg16[%dma_start3A_540] : memref<3x!tpu.dma_semaphore, #tpu.memory_space<semaphore_mem>> -> memref<1x!tpu.dma_semaphore, #tpu.memory_space<semaphore_mem>>
    %dma_start3A_550 = tpu.memref_squeeze %dma_start3A_549 : memref<1x!tpu.dma_semaphore, #tpu.memory_space<semaphore_mem>> -> memref<!tpu.dma_semaphore, #tpu.memory_space<semaphore_mem>>
    %dma_start3A_551 = arith.constant 0 : i32
    %dma_start3A_552 = arith.constant 0 : i32
    %dma_start3A_553 = tpu.memref_slice %arg11[%dma_start3A_538, %dma_start3A_539, %dma_start3A_551, %dma_start3A_552] : memref<3x16x8x64xf32, #tpu.memory_space<vmem>> -> memref<1x1x8x64xf32, #tpu.memory_space<vmem>>
    %dma_start3A_554 = tpu.memref_squeeze %dma_start3A_553 : memref<1x1x8x64xf32, #tpu.memory_space<vmem>> -> memref<8x64xf32, #tpu.memory_space<vmem>>
    %dma_start3A_555 = arith.constant 0 : i32
    %dma_start3A_556 = arith.constant 0 : i32
    %dma_start3A_557 = tpu.memref_slice %arg5[%squeeze3A_537, %dma_start3A_555, %dma_start3A_556] : memref<125000x8x64xf32, #tpu.memory_space<hbm>> -> memref<1x8x64xf32, #tpu.memory_space<hbm>>
    %dma_start3A_558 = tpu.memref_squeeze %dma_start3A_557 : memref<1x8x64xf32, #tpu.memory_space<hbm>> -> memref<8x64xf32, #tpu.memory_space<hbm>>
    tpu.enqueue_dma source(%dma_start3A_558 : memref<8x64xf32, #tpu.memory_space<hbm>>) target(%dma_start3A_554 : memref<8x64xf32, #tpu.memory_space<vmem>>) target_semaphore(%dma_start3A_550 : memref<!tpu.dma_semaphore, #tpu.memory_space<semaphore_mem>>)
    %slice3A_559 = vector.extract_strided_slice %shift_right_logical3A_31 {offsets = [11], sizes = [1], strides = [1]} : vector<16xi32> to vector<1xi32>
    %squeeze3A_560 = vector.extract %slice3A_559[0] : i32 from vector<1xi32>
    %dma_start3A_561 = arith.constant 0 : i32
    %dma_start3A_562 = arith.constant 11 : i32
    %dma_start3A_563 = arith.constant 0 : i32
    %dma_start3A_564 = arith.constant 0 : i32
    %dma_start3A_565 = arith.constant 0 : i32
    %dma_start3A_566 = tpu.memref_slice %arg13[%dma_start3A_561, %dma_start3A_562, %dma_start3A_564, %dma_start3A_565] : memref<3x16x8x64xf32, #tpu.memory_space<vmem>> -> memref<1x1x8x64xf32, #tpu.memory_space<vmem>>
    %dma_start3A_567 = tpu.memref_squeeze %dma_start3A_566 : memref<1x1x8x64xf32, #tpu.memory_space<vmem>> -> memref<8x64xf32, #tpu.memory_space<vmem>>
    %dma_start3A_568 = arith.constant 0 : i32
    %dma_start3A_569 = arith.constant 0 : i32
    %dma_start3A_570 = tpu.memref_slice %arg5[%squeeze3A_560, %dma_start3A_568, %dma_start3A_569] : memref<125000x8x64xf32, #tpu.memory_space<hbm>> -> memref<1x8x64xf32, #tpu.memory_space<hbm>>
    %dma_start3A_571 = tpu.memref_squeeze %dma_start3A_570 : memref<1x8x64xf32, #tpu.memory_space<hbm>> -> memref<8x64xf32, #tpu.memory_space<hbm>>
    %dma_start3A_572 = tpu.memref_slice %arg16[%dma_start3A_563] : memref<3x!tpu.dma_semaphore, #tpu.memory_space<semaphore_mem>> -> memref<1x!tpu.dma_semaphore, #tpu.memory_space<semaphore_mem>>
    %dma_start3A_573 = tpu.memref_squeeze %dma_start3A_572 : memref<1x!tpu.dma_semaphore, #tpu.memory_space<semaphore_mem>> -> memref<!tpu.dma_semaphore, #tpu.memory_space<semaphore_mem>>
    %dma_start3A_574 = arith.constant 0 : i32
    %dma_start3A_575 = arith.constant 0 : i32
    %dma_start3A_576 = tpu.memref_slice %arg13[%dma_start3A_561, %dma_start3A_562, %dma_start3A_574, %dma_start3A_575] : memref<3x16x8x64xf32, #tpu.memory_space<vmem>> -> memref<1x1x8x64xf32, #tpu.memory_space<vmem>>
    %dma_start3A_577 = tpu.memref_squeeze %dma_start3A_576 : memref<1x1x8x64xf32, #tpu.memory_space<vmem>> -> memref<8x64xf32, #tpu.memory_space<vmem>>
    %dma_start3A_578 = arith.constant 0 : i32
    %dma_start3A_579 = arith.constant 0 : i32
    %dma_start3A_580 = tpu.memref_slice %arg5[%squeeze3A_560, %dma_start3A_578, %dma_start3A_579] : memref<125000x8x64xf32, #tpu.memory_space<hbm>> -> memref<1x8x64xf32, #tpu.memory_space<hbm>>
    %dma_start3A_581 = tpu.memref_squeeze %dma_start3A_580 : memref<1x8x64xf32, #tpu.memory_space<hbm>> -> memref<8x64xf32, #tpu.memory_space<hbm>>
    tpu.enqueue_dma source(%dma_start3A_581 : memref<8x64xf32, #tpu.memory_space<hbm>>) target(%dma_start3A_577 : memref<8x64xf32, #tpu.memory_space<vmem>>) target_semaphore(%dma_start3A_573 : memref<!tpu.dma_semaphore, #tpu.memory_space<semaphore_mem>>)
    %slice3A_582 = vector.extract_strided_slice %shift_right_logical3A_24 {offsets = [12], sizes = [1], strides = [1]} : vector<16xi32> to vector<1xi32>
    %squeeze3A_583 = vector.extract %slice3A_582[0] : i32 from vector<1xi32>
    %dma_start3A_584 = arith.constant 0 : i32
    %dma_start3A_585 = arith.constant 12 : i32
    %dma_start3A_586 = arith.constant 0 : i32
    %dma_start3A_587 = arith.constant 0 : i32
    %dma_start3A_588 = arith.constant 0 : i32
    %dma_start3A_589 = tpu.memref_slice %arg11[%dma_start3A_584, %dma_start3A_585, %dma_start3A_587, %dma_start3A_588] : memref<3x16x8x64xf32, #tpu.memory_space<vmem>> -> memref<1x1x8x64xf32, #tpu.memory_space<vmem>>
    %dma_start3A_590 = tpu.memref_squeeze %dma_start3A_589 : memref<1x1x8x64xf32, #tpu.memory_space<vmem>> -> memref<8x64xf32, #tpu.memory_space<vmem>>
    %dma_start3A_591 = arith.constant 0 : i32
    %dma_start3A_592 = arith.constant 0 : i32
    %dma_start3A_593 = tpu.memref_slice %arg5[%squeeze3A_583, %dma_start3A_591, %dma_start3A_592] : memref<125000x8x64xf32, #tpu.memory_space<hbm>> -> memref<1x8x64xf32, #tpu.memory_space<hbm>>
    %dma_start3A_594 = tpu.memref_squeeze %dma_start3A_593 : memref<1x8x64xf32, #tpu.memory_space<hbm>> -> memref<8x64xf32, #tpu.memory_space<hbm>>
    %dma_start3A_595 = tpu.memref_slice %arg16[%dma_start3A_586] : memref<3x!tpu.dma_semaphore, #tpu.memory_space<semaphore_mem>> -> memref<1x!tpu.dma_semaphore, #tpu.memory_space<semaphore_mem>>
    %dma_start3A_596 = tpu.memref_squeeze %dma_start3A_595 : memref<1x!tpu.dma_semaphore, #tpu.memory_space<semaphore_mem>> -> memref<!tpu.dma_semaphore, #tpu.memory_space<semaphore_mem>>
    %dma_start3A_597 = arith.constant 0 : i32
    %dma_start3A_598 = arith.constant 0 : i32
    %dma_start3A_599 = tpu.memref_slice %arg11[%dma_start3A_584, %dma_start3A_585, %dma_start3A_597, %dma_start3A_598] : memref<3x16x8x64xf32, #tpu.memory_space<vmem>> -> memref<1x1x8x64xf32, #tpu.memory_space<vmem>>
    %dma_start3A_600 = tpu.memref_squeeze %dma_start3A_599 : memref<1x1x8x64xf32, #tpu.memory_space<vmem>> -> memref<8x64xf32, #tpu.memory_space<vmem>>
    %dma_start3A_601 = arith.constant 0 : i32
    %dma_start3A_602 = arith.constant 0 : i32
    %dma_start3A_603 = tpu.memref_slice %arg5[%squeeze3A_583, %dma_start3A_601, %dma_start3A_602] : memref<125000x8x64xf32, #tpu.memory_space<hbm>> -> memref<1x8x64xf32, #tpu.memory_space<hbm>>
    %dma_start3A_604 = tpu.memref_squeeze %dma_start3A_603 : memref<1x8x64xf32, #tpu.memory_space<hbm>> -> memref<8x64xf32, #tpu.memory_space<hbm>>
    tpu.enqueue_dma source(%dma_start3A_604 : memref<8x64xf32, #tpu.memory_space<hbm>>) target(%dma_start3A_600 : memref<8x64xf32, #tpu.memory_space<vmem>>) target_semaphore(%dma_start3A_596 : memref<!tpu.dma_semaphore, #tpu.memory_space<semaphore_mem>>)
    %slice3A_605 = vector.extract_strided_slice %shift_right_logical3A_31 {offsets = [12], sizes = [1], strides = [1]} : vector<16xi32> to vector<1xi32>
    %squeeze3A_606 = vector.extract %slice3A_605[0] : i32 from vector<1xi32>
    %dma_start3A_607 = arith.constant 0 : i32
    %dma_start3A_608 = arith.constant 12 : i32
    %dma_start3A_609 = arith.constant 0 : i32
    %dma_start3A_610 = arith.constant 0 : i32
    %dma_start3A_611 = arith.constant 0 : i32
    %dma_start3A_612 = tpu.memref_slice %arg13[%dma_start3A_607, %dma_start3A_608, %dma_start3A_610, %dma_start3A_611] : memref<3x16x8x64xf32, #tpu.memory_space<vmem>> -> memref<1x1x8x64xf32, #tpu.memory_space<vmem>>
    %dma_start3A_613 = tpu.memref_squeeze %dma_start3A_612 : memref<1x1x8x64xf32, #tpu.memory_space<vmem>> -> memref<8x64xf32, #tpu.memory_space<vmem>>
    %dma_start3A_614 = arith.constant 0 : i32
    %dma_start3A_615 = arith.constant 0 : i32
    %dma_start3A_616 = tpu.memref_slice %arg5[%squeeze3A_606, %dma_start3A_614, %dma_start3A_615] : memref<125000x8x64xf32, #tpu.memory_space<hbm>> -> memref<1x8x64xf32, #tpu.memory_space<hbm>>
    %dma_start3A_617 = tpu.memref_squeeze %dma_start3A_616 : memref<1x8x64xf32, #tpu.memory_space<hbm>> -> memref<8x64xf32, #tpu.memory_space<hbm>>
    %dma_start3A_618 = tpu.memref_slice %arg16[%dma_start3A_609] : memref<3x!tpu.dma_semaphore, #tpu.memory_space<semaphore_mem>> -> memref<1x!tpu.dma_semaphore, #tpu.memory_space<semaphore_mem>>
    %dma_start3A_619 = tpu.memref_squeeze %dma_start3A_618 : memref<1x!tpu.dma_semaphore, #tpu.memory_space<semaphore_mem>> -> memref<!tpu.dma_semaphore, #tpu.memory_space<semaphore_mem>>
    %dma_start3A_620 = arith.constant 0 : i32
    %dma_start3A_621 = arith.constant 0 : i32
    %dma_start3A_622 = tpu.memref_slice %arg13[%dma_start3A_607, %dma_start3A_608, %dma_start3A_620, %dma_start3A_621] : memref<3x16x8x64xf32, #tpu.memory_space<vmem>> -> memref<1x1x8x64xf32, #tpu.memory_space<vmem>>
    %dma_start3A_623 = tpu.memref_squeeze %dma_start3A_622 : memref<1x1x8x64xf32, #tpu.memory_space<vmem>> -> memref<8x64xf32, #tpu.memory_space<vmem>>
    %dma_start3A_624 = arith.constant 0 : i32
    %dma_start3A_625 = arith.constant 0 : i32
    %dma_start3A_626 = tpu.memref_slice %arg5[%squeeze3A_606, %dma_start3A_624, %dma_start3A_625] : memref<125000x8x64xf32, #tpu.memory_space<hbm>> -> memref<1x8x64xf32, #tpu.memory_space<hbm>>
    %dma_start3A_627 = tpu.memref_squeeze %dma_start3A_626 : memref<1x8x64xf32, #tpu.memory_space<hbm>> -> memref<8x64xf32, #tpu.memory_space<hbm>>
    tpu.enqueue_dma source(%dma_start3A_627 : memref<8x64xf32, #tpu.memory_space<hbm>>) target(%dma_start3A_623 : memref<8x64xf32, #tpu.memory_space<vmem>>) target_semaphore(%dma_start3A_619 : memref<!tpu.dma_semaphore, #tpu.memory_space<semaphore_mem>>)
    %slice3A_628 = vector.extract_strided_slice %shift_right_logical3A_24 {offsets = [13], sizes = [1], strides = [1]} : vector<16xi32> to vector<1xi32>
    %squeeze3A_629 = vector.extract %slice3A_628[0] : i32 from vector<1xi32>
    %dma_start3A_630 = arith.constant 0 : i32
    %dma_start3A_631 = arith.constant 13 : i32
    %dma_start3A_632 = arith.constant 0 : i32
    %dma_start3A_633 = arith.constant 0 : i32
    %dma_start3A_634 = arith.constant 0 : i32
    %dma_start3A_635 = tpu.memref_slice %arg11[%dma_start3A_630, %dma_start3A_631, %dma_start3A_633, %dma_start3A_634] : memref<3x16x8x64xf32, #tpu.memory_space<vmem>> -> memref<1x1x8x64xf32, #tpu.memory_space<vmem>>
    %dma_start3A_636 = tpu.memref_squeeze %dma_start3A_635 : memref<1x1x8x64xf32, #tpu.memory_space<vmem>> -> memref<8x64xf32, #tpu.memory_space<vmem>>
    %dma_start3A_637 = arith.constant 0 : i32
    %dma_start3A_638 = arith.constant 0 : i32
    %dma_start3A_639 = tpu.memref_slice %arg5[%squeeze3A_629, %dma_start3A_637, %dma_start3A_638] : memref<125000x8x64xf32, #tpu.memory_space<hbm>> -> memref<1x8x64xf32, #tpu.memory_space<hbm>>
    %dma_start3A_640 = tpu.memref_squeeze %dma_start3A_639 : memref<1x8x64xf32, #tpu.memory_space<hbm>> -> memref<8x64xf32, #tpu.memory_space<hbm>>
    %dma_start3A_641 = tpu.memref_slice %arg16[%dma_start3A_632] : memref<3x!tpu.dma_semaphore, #tpu.memory_space<semaphore_mem>> -> memref<1x!tpu.dma_semaphore, #tpu.memory_space<semaphore_mem>>
    %dma_start3A_642 = tpu.memref_squeeze %dma_start3A_641 : memref<1x!tpu.dma_semaphore, #tpu.memory_space<semaphore_mem>> -> memref<!tpu.dma_semaphore, #tpu.memory_space<semaphore_mem>>
    %dma_start3A_643 = arith.constant 0 : i32
    %dma_start3A_644 = arith.constant 0 : i32
    %dma_start3A_645 = tpu.memref_slice %arg11[%dma_start3A_630, %dma_start3A_631, %dma_start3A_643, %dma_start3A_644] : memref<3x16x8x64xf32, #tpu.memory_space<vmem>> -> memref<1x1x8x64xf32, #tpu.memory_space<vmem>>
    %dma_start3A_646 = tpu.memref_squeeze %dma_start3A_645 : memref<1x1x8x64xf32, #tpu.memory_space<vmem>> -> memref<8x64xf32, #tpu.memory_space<vmem>>
    %dma_start3A_647 = arith.constant 0 : i32
    %dma_start3A_648 = arith.constant 0 : i32
    %dma_start3A_649 = tpu.memref_slice %arg5[%squeeze3A_629, %dma_start3A_647, %dma_start3A_648] : memref<125000x8x64xf32, #tpu.memory_space<hbm>> -> memref<1x8x64xf32, #tpu.memory_space<hbm>>
    %dma_start3A_650 = tpu.memref_squeeze %dma_start3A_649 : memref<1x8x64xf32, #tpu.memory_space<hbm>> -> memref<8x64xf32, #tpu.memory_space<hbm>>
    tpu.enqueue_dma source(%dma_start3A_650 : memref<8x64xf32, #tpu.memory_space<hbm>>) target(%dma_start3A_646 : memref<8x64xf32, #tpu.memory_space<vmem>>) target_semaphore(%dma_start3A_642 : memref<!tpu.dma_semaphore, #tpu.memory_space<semaphore_mem>>)
    %slice3A_651 = vector.extract_strided_slice %shift_right_logical3A_31 {offsets = [13], sizes = [1], strides = [1]} : vector<16xi32> to vector<1xi32>
    %squeeze3A_652 = vector.extract %slice3A_651[0] : i32 from vector<1xi32>
    %dma_start3A_653 = arith.constant 0 : i32
    %dma_start3A_654 = arith.constant 13 : i32
    %dma_start3A_655 = arith.constant 0 : i32
    %dma_start3A_656 = arith.constant 0 : i32
    %dma_start3A_657 = arith.constant 0 : i32
    %dma_start3A_658 = tpu.memref_slice %arg13[%dma_start3A_653, %dma_start3A_654, %dma_start3A_656, %dma_start3A_657] : memref<3x16x8x64xf32, #tpu.memory_space<vmem>> -> memref<1x1x8x64xf32, #tpu.memory_space<vmem>>
    %dma_start3A_659 = tpu.memref_squeeze %dma_start3A_658 : memref<1x1x8x64xf32, #tpu.memory_space<vmem>> -> memref<8x64xf32, #tpu.memory_space<vmem>>
    %dma_start3A_660 = arith.constant 0 : i32
    %dma_start3A_661 = arith.constant 0 : i32
    %dma_start3A_662 = tpu.memref_slice %arg5[%squeeze3A_652, %dma_start3A_660, %dma_start3A_661] : memref<125000x8x64xf32, #tpu.memory_space<hbm>> -> memref<1x8x64xf32, #tpu.memory_space<hbm>>
    %dma_start3A_663 = tpu.memref_squeeze %dma_start3A_662 : memref<1x8x64xf32, #tpu.memory_space<hbm>> -> memref<8x64xf32, #tpu.memory_space<hbm>>
    %dma_start3A_664 = tpu.memref_slice %arg16[%dma_start3A_655] : memref<3x!tpu.dma_semaphore, #tpu.memory_space<semaphore_mem>> -> memref<1x!tpu.dma_semaphore, #tpu.memory_space<semaphore_mem>>
    %dma_start3A_665 = tpu.memref_squeeze %dma_start3A_664 : memref<1x!tpu.dma_semaphore, #tpu.memory_space<semaphore_mem>> -> memref<!tpu.dma_semaphore, #tpu.memory_space<semaphore_mem>>
    %dma_start3A_666 = arith.constant 0 : i32
    %dma_start3A_667 = arith.constant 0 : i32
    %dma_start3A_668 = tpu.memref_slice %arg13[%dma_start3A_653, %dma_start3A_654, %dma_start3A_666, %dma_start3A_667] : memref<3x16x8x64xf32, #tpu.memory_space<vmem>> -> memref<1x1x8x64xf32, #tpu.memory_space<vmem>>
    %dma_start3A_669 = tpu.memref_squeeze %dma_start3A_668 : memref<1x1x8x64xf32, #tpu.memory_space<vmem>> -> memref<8x64xf32, #tpu.memory_space<vmem>>
    %dma_start3A_670 = arith.constant 0 : i32
    %dma_start3A_671 = arith.constant 0 : i32
    %dma_start3A_672 = tpu.memref_slice %arg5[%squeeze3A_652, %dma_start3A_670, %dma_start3A_671] : memref<125000x8x64xf32, #tpu.memory_space<hbm>> -> memref<1x8x64xf32, #tpu.memory_space<hbm>>
    %dma_start3A_673 = tpu.memref_squeeze %dma_start3A_672 : memref<1x8x64xf32, #tpu.memory_space<hbm>> -> memref<8x64xf32, #tpu.memory_space<hbm>>
    tpu.enqueue_dma source(%dma_start3A_673 : memref<8x64xf32, #tpu.memory_space<hbm>>) target(%dma_start3A_669 : memref<8x64xf32, #tpu.memory_space<vmem>>) target_semaphore(%dma_start3A_665 : memref<!tpu.dma_semaphore, #tpu.memory_space<semaphore_mem>>)
    %slice3A_674 = vector.extract_strided_slice %shift_right_logical3A_24 {offsets = [14], sizes = [1], strides = [1]} : vector<16xi32> to vector<1xi32>
    %squeeze3A_675 = vector.extract %slice3A_674[0] : i32 from vector<1xi32>
    %dma_start3A_676 = arith.constant 0 : i32
    %dma_start3A_677 = arith.constant 14 : i32
    %dma_start3A_678 = arith.constant 0 : i32
    %dma_start3A_679 = arith.constant 0 : i32
    %dma_start3A_680 = arith.constant 0 : i32
    %dma_start3A_681 = tpu.memref_slice %arg11[%dma_start3A_676, %dma_start3A_677, %dma_start3A_679, %dma_start3A_680] : memref<3x16x8x64xf32, #tpu.memory_space<vmem>> -> memref<1x1x8x64xf32, #tpu.memory_space<vmem>>
    %dma_start3A_682 = tpu.memref_squeeze %dma_start3A_681 : memref<1x1x8x64xf32, #tpu.memory_space<vmem>> -> memref<8x64xf32, #tpu.memory_space<vmem>>
    %dma_start3A_683 = arith.constant 0 : i32
    %dma_start3A_684 = arith.constant 0 : i32
    %dma_start3A_685 = tpu.memref_slice %arg5[%squeeze3A_675, %dma_start3A_683, %dma_start3A_684] : memref<125000x8x64xf32, #tpu.memory_space<hbm>> -> memref<1x8x64xf32, #tpu.memory_space<hbm>>
    %dma_start3A_686 = tpu.memref_squeeze %dma_start3A_685 : memref<1x8x64xf32, #tpu.memory_space<hbm>> -> memref<8x64xf32, #tpu.memory_space<hbm>>
    %dma_start3A_687 = tpu.memref_slice %arg16[%dma_start3A_678] : memref<3x!tpu.dma_semaphore, #tpu.memory_space<semaphore_mem>> -> memref<1x!tpu.dma_semaphore, #tpu.memory_space<semaphore_mem>>
    %dma_start3A_688 = tpu.memref_squeeze %dma_start3A_687 : memref<1x!tpu.dma_semaphore, #tpu.memory_space<semaphore_mem>> -> memref<!tpu.dma_semaphore, #tpu.memory_space<semaphore_mem>>
    %dma_start3A_689 = arith.constant 0 : i32
    %dma_start3A_690 = arith.constant 0 : i32
    %dma_start3A_691 = tpu.memref_slice %arg11[%dma_start3A_676, %dma_start3A_677, %dma_start3A_689, %dma_start3A_690] : memref<3x16x8x64xf32, #tpu.memory_space<vmem>> -> memref<1x1x8x64xf32, #tpu.memory_space<vmem>>
    %dma_start3A_692 = tpu.memref_squeeze %dma_start3A_691 : memref<1x1x8x64xf32, #tpu.memory_space<vmem>> -> memref<8x64xf32, #tpu.memory_space<vmem>>
    %dma_start3A_693 = arith.constant 0 : i32
    %dma_start3A_694 = arith.constant 0 : i32
    %dma_start3A_695 = tpu.memref_slice %arg5[%squeeze3A_675, %dma_start3A_693, %dma_start3A_694] : memref<125000x8x64xf32, #tpu.memory_space<hbm>> -> memref<1x8x64xf32, #tpu.memory_space<hbm>>
    %dma_start3A_696 = tpu.memref_squeeze %dma_start3A_695 : memref<1x8x64xf32, #tpu.memory_space<hbm>> -> memref<8x64xf32, #tpu.memory_space<hbm>>
    tpu.enqueue_dma source(%dma_start3A_696 : memref<8x64xf32, #tpu.memory_space<hbm>>) target(%dma_start3A_692 : memref<8x64xf32, #tpu.memory_space<vmem>>) target_semaphore(%dma_start3A_688 : memref<!tpu.dma_semaphore, #tpu.memory_space<semaphore_mem>>)
    %slice3A_697 = vector.extract_strided_slice %shift_right_logical3A_31 {offsets = [14], sizes = [1], strides = [1]} : vector<16xi32> to vector<1xi32>
    %squeeze3A_698 = vector.extract %slice3A_697[0] : i32 from vector<1xi32>
    %dma_start3A_699 = arith.constant 0 : i32
    %dma_start3A_700 = arith.constant 14 : i32
    %dma_start3A_701 = arith.constant 0 : i32
    %dma_start3A_702 = arith.constant 0 : i32
    %dma_start3A_703 = arith.constant 0 : i32
    %dma_start3A_704 = tpu.memref_slice %arg13[%dma_start3A_699, %dma_start3A_700, %dma_start3A_702, %dma_start3A_703] : memref<3x16x8x64xf32, #tpu.memory_space<vmem>> -> memref<1x1x8x64xf32, #tpu.memory_space<vmem>>
    %dma_start3A_705 = tpu.memref_squeeze %dma_start3A_704 : memref<1x1x8x64xf32, #tpu.memory_space<vmem>> -> memref<8x64xf32, #tpu.memory_space<vmem>>
    %dma_start3A_706 = arith.constant 0 : i32
    %dma_start3A_707 = arith.constant 0 : i32
    %dma_start3A_708 = tpu.memref_slice %arg5[%squeeze3A_698, %dma_start3A_706, %dma_start3A_707] : memref<125000x8x64xf32, #tpu.memory_space<hbm>> -> memref<1x8x64xf32, #tpu.memory_space<hbm>>
    %dma_start3A_709 = tpu.memref_squeeze %dma_start3A_708 : memref<1x8x64xf32, #tpu.memory_space<hbm>> -> memref<8x64xf32, #tpu.memory_space<hbm>>
    %dma_start3A_710 = tpu.memref_slice %arg16[%dma_start3A_701] : memref<3x!tpu.dma_semaphore, #tpu.memory_space<semaphore_mem>> -> memref<1x!tpu.dma_semaphore, #tpu.memory_space<semaphore_mem>>
    %dma_start3A_711 = tpu.memref_squeeze %dma_start3A_710 : memref<1x!tpu.dma_semaphore, #tpu.memory_space<semaphore_mem>> -> memref<!tpu.dma_semaphore, #tpu.memory_space<semaphore_mem>>
    %dma_start3A_712 = arith.constant 0 : i32
    %dma_start3A_713 = arith.constant 0 : i32
    %dma_start3A_714 = tpu.memref_slice %arg13[%dma_start3A_699, %dma_start3A_700, %dma_start3A_712, %dma_start3A_713] : memref<3x16x8x64xf32, #tpu.memory_space<vmem>> -> memref<1x1x8x64xf32, #tpu.memory_space<vmem>>
    %dma_start3A_715 = tpu.memref_squeeze %dma_start3A_714 : memref<1x1x8x64xf32, #tpu.memory_space<vmem>> -> memref<8x64xf32, #tpu.memory_space<vmem>>
    %dma_start3A_716 = arith.constant 0 : i32
    %dma_start3A_717 = arith.constant 0 : i32
    %dma_start3A_718 = tpu.memref_slice %arg5[%squeeze3A_698, %dma_start3A_716, %dma_start3A_717] : memref<125000x8x64xf32, #tpu.memory_space<hbm>> -> memref<1x8x64xf32, #tpu.memory_space<hbm>>
    %dma_start3A_719 = tpu.memref_squeeze %dma_start3A_718 : memref<1x8x64xf32, #tpu.memory_space<hbm>> -> memref<8x64xf32, #tpu.memory_space<hbm>>
    tpu.enqueue_dma source(%dma_start3A_719 : memref<8x64xf32, #tpu.memory_space<hbm>>) target(%dma_start3A_715 : memref<8x64xf32, #tpu.memory_space<vmem>>) target_semaphore(%dma_start3A_711 : memref<!tpu.dma_semaphore, #tpu.memory_space<semaphore_mem>>)
    %slice3A_720 = vector.extract_strided_slice %shift_right_logical3A_24 {offsets = [15], sizes = [1], strides = [1]} : vector<16xi32> to vector<1xi32>
    %squeeze3A_721 = vector.extract %slice3A_720[0] : i32 from vector<1xi32>
    %dma_start3A_722 = arith.constant 0 : i32
    %dma_start3A_723 = arith.constant 15 : i32
    %dma_start3A_724 = arith.constant 0 : i32
    %dma_start3A_725 = arith.constant 0 : i32
    %dma_start3A_726 = arith.constant 0 : i32
    %dma_start3A_727 = tpu.memref_slice %arg11[%dma_start3A_722, %dma_start3A_723, %dma_start3A_725, %dma_start3A_726] : memref<3x16x8x64xf32, #tpu.memory_space<vmem>> -> memref<1x1x8x64xf32, #tpu.memory_space<vmem>>
    %dma_start3A_728 = tpu.memref_squeeze %dma_start3A_727 : memref<1x1x8x64xf32, #tpu.memory_space<vmem>> -> memref<8x64xf32, #tpu.memory_space<vmem>>
    %dma_start3A_729 = arith.constant 0 : i32
    %dma_start3A_730 = arith.constant 0 : i32
    %dma_start3A_731 = tpu.memref_slice %arg5[%squeeze3A_721, %dma_start3A_729, %dma_start3A_730] : memref<125000x8x64xf32, #tpu.memory_space<hbm>> -> memref<1x8x64xf32, #tpu.memory_space<hbm>>
    %dma_start3A_732 = tpu.memref_squeeze %dma_start3A_731 : memref<1x8x64xf32, #tpu.memory_space<hbm>> -> memref<8x64xf32, #tpu.memory_space<hbm>>
    %dma_start3A_733 = tpu.memref_slice %arg16[%dma_start3A_724] : memref<3x!tpu.dma_semaphore, #tpu.memory_space<semaphore_mem>> -> memref<1x!tpu.dma_semaphore, #tpu.memory_space<semaphore_mem>>
    %dma_start3A_734 = tpu.memref_squeeze %dma_start3A_733 : memref<1x!tpu.dma_semaphore, #tpu.memory_space<semaphore_mem>> -> memref<!tpu.dma_semaphore, #tpu.memory_space<semaphore_mem>>
    %dma_start3A_735 = arith.constant 0 : i32
    %dma_start3A_736 = arith.constant 0 : i32
    %dma_start3A_737 = tpu.memref_slice %arg11[%dma_start3A_722, %dma_start3A_723, %dma_start3A_735, %dma_start3A_736] : memref<3x16x8x64xf32, #tpu.memory_space<vmem>> -> memref<1x1x8x64xf32, #tpu.memory_space<vmem>>
    %dma_start3A_738 = tpu.memref_squeeze %dma_start3A_737 : memref<1x1x8x64xf32, #tpu.memory_space<vmem>> -> memref<8x64xf32, #tpu.memory_space<vmem>>
    %dma_start3A_739 = arith.constant 0 : i32
    %dma_start3A_740 = arith.constant 0 : i32
    %dma_start3A_741 = tpu.memref_slice %arg5[%squeeze3A_721, %dma_start3A_739, %dma_start3A_740] : memref<125000x8x64xf32, #tpu.memory_space<hbm>> -> memref<1x8x64xf32, #tpu.memory_space<hbm>>
    %dma_start3A_742 = tpu.memref_squeeze %dma_start3A_741 : memref<1x8x64xf32, #tpu.memory_space<hbm>> -> memref<8x64xf32, #tpu.memory_space<hbm>>
    tpu.enqueue_dma source(%dma_start3A_742 : memref<8x64xf32, #tpu.memory_space<hbm>>) target(%dma_start3A_738 : memref<8x64xf32, #tpu.memory_space<vmem>>) target_semaphore(%dma_start3A_734 : memref<!tpu.dma_semaphore, #tpu.memory_space<semaphore_mem>>)
    %slice3A_743 = vector.extract_strided_slice %shift_right_logical3A_31 {offsets = [15], sizes = [1], strides = [1]} : vector<16xi32> to vector<1xi32>
    %squeeze3A_744 = vector.extract %slice3A_743[0] : i32 from vector<1xi32>
    %dma_start3A_745 = arith.constant 0 : i32
    %dma_start3A_746 = arith.constant 15 : i32
    %dma_start3A_747 = arith.constant 0 : i32
    %dma_start3A_748 = arith.constant 0 : i32
    %dma_start3A_749 = arith.constant 0 : i32
    %dma_start3A_750 = tpu.memref_slice %arg13[%dma_start3A_745, %dma_start3A_746, %dma_start3A_748, %dma_start3A_749] : memref<3x16x8x64xf32, #tpu.memory_space<vmem>> -> memref<1x1x8x64xf32, #tpu.memory_space<vmem>>
    %dma_start3A_751 = tpu.memref_squeeze %dma_start3A_750 : memref<1x1x8x64xf32, #tpu.memory_space<vmem>> -> memref<8x64xf32, #tpu.memory_space<vmem>>
    %dma_start3A_752 = arith.constant 0 : i32
    %dma_start3A_753 = arith.constant 0 : i32
    %dma_start3A_754 = tpu.memref_slice %arg5[%squeeze3A_744, %dma_start3A_752, %dma_start3A_753] : memref<125000x8x64xf32, #tpu.memory_space<hbm>> -> memref<1x8x64xf32, #tpu.memory_space<hbm>>
    %dma_start3A_755 = tpu.memref_squeeze %dma_start3A_754 : memref<1x8x64xf32, #tpu.memory_space<hbm>> -> memref<8x64xf32, #tpu.memory_space<hbm>>
    %dma_start3A_756 = tpu.memref_slice %arg16[%dma_start3A_747] : memref<3x!tpu.dma_semaphore, #tpu.memory_space<semaphore_mem>> -> memref<1x!tpu.dma_semaphore, #tpu.memory_space<semaphore_mem>>
    %dma_start3A_757 = tpu.memref_squeeze %dma_start3A_756 : memref<1x!tpu.dma_semaphore, #tpu.memory_space<semaphore_mem>> -> memref<!tpu.dma_semaphore, #tpu.memory_space<semaphore_mem>>
    %dma_start3A_758 = arith.constant 0 : i32
    %dma_start3A_759 = arith.constant 0 : i32
    %dma_start3A_760 = tpu.memref_slice %arg13[%dma_start3A_745, %dma_start3A_746, %dma_start3A_758, %dma_start3A_759] : memref<3x16x8x64xf32, #tpu.memory_space<vmem>> -> memref<1x1x8x64xf32, #tpu.memory_space<vmem>>
    %dma_start3A_761 = tpu.memref_squeeze %dma_start3A_760 : memref<1x1x8x64xf32, #tpu.memory_space<vmem>> -> memref<8x64xf32, #tpu.memory_space<vmem>>
    %dma_start3A_762 = arith.constant 0 : i32
    %dma_start3A_763 = arith.constant 0 : i32
    %dma_start3A_764 = tpu.memref_slice %arg5[%squeeze3A_744, %dma_start3A_762, %dma_start3A_763] : memref<125000x8x64xf32, #tpu.memory_space<hbm>> -> memref<1x8x64xf32, #tpu.memory_space<hbm>>
    %dma_start3A_765 = tpu.memref_squeeze %dma_start3A_764 : memref<1x8x64xf32, #tpu.memory_space<hbm>> -> memref<8x64xf32, #tpu.memory_space<hbm>>
    tpu.enqueue_dma source(%dma_start3A_765 : memref<8x64xf32, #tpu.memory_space<hbm>>) target(%dma_start3A_761 : memref<8x64xf32, #tpu.memory_space<vmem>>) target_semaphore(%dma_start3A_757 : memref<!tpu.dma_semaphore, #tpu.memory_space<semaphore_mem>>)
    %dma_start3A_766 = arith.constant 1 : i32
    %dma_start3A_767 = arith.constant 1 : i32
    %dma_start3A_768 = arith.constant 1 : i32
    %dma_start3A_769 = arith.constant 0 : i32
    %dma_start3A_770 = arith.constant 0 : i32
    %dma_start3A_771 = tpu.memref_slice %arg12[%dma_start3A_767, %dma_start3A_769, %dma_start3A_770] : memref<3x16x128xf32, #tpu.memory_space<vmem>> -> memref<1x16x128xf32, #tpu.memory_space<vmem>>
    %dma_start3A_772 = tpu.memref_squeeze %dma_start3A_771 : memref<1x16x128xf32, #tpu.memory_space<vmem>> -> memref<16x128xf32, #tpu.memory_space<vmem>>
    %dma_start3A_773 = arith.constant 0 : i32
    %dma_start3A_774 = tpu.memref_slice %arg9[%dma_start3A_766, %dma_start3A_773] : memref<32x16xi32, #tpu.memory_space<vmem>> -> memref<1x16xi32, #tpu.memory_space<vmem>>
    %dma_start3A_775 = tpu.memref_squeeze %dma_start3A_774 : memref<1x16xi32, #tpu.memory_space<vmem>> -> memref<16xi32, #tpu.memory_space<vmem>>
    %dma_start3A_776 = arith.constant 0 : i32
    %dma_start3A_777 = arith.constant 0 : i32
    %dma_start3A_778 = tpu.memref_slice %arg6[%dma_start3A_776, %dma_start3A_777] : memref<1000x128xf32, #tpu.memory_space<hbm>> -> memref<1000x128xf32, #tpu.memory_space<hbm>>
    %dma_start3A_779 = tpu.memref_slice %arg16[%dma_start3A_768] : memref<3x!tpu.dma_semaphore, #tpu.memory_space<semaphore_mem>> -> memref<1x!tpu.dma_semaphore, #tpu.memory_space<semaphore_mem>>
    %dma_start3A_780 = tpu.memref_squeeze %dma_start3A_779 : memref<1x!tpu.dma_semaphore, #tpu.memory_space<semaphore_mem>> -> memref<!tpu.dma_semaphore, #tpu.memory_space<semaphore_mem>>
    tpu.enqueue_indirect_dma source(%dma_start3A_778 : memref<1000x128xf32, #tpu.memory_space<hbm>>) target(%dma_start3A_772 : memref<16x128xf32, #tpu.memory_space<vmem>>) offsets(%dma_start3A_775 : memref<16xi32, #tpu.memory_space<vmem>>) semaphore(%dma_start3A_780 : memref<!tpu.dma_semaphore, #tpu.memory_space<semaphore_mem>>)
    %get3A_781 = arith.constant 1 : i32
    %get3A_782 = arith.index_cast %get3A_781 : i32 to index
    %get3A_783 = arith.constant 0 : index
    %get3A_784 = tpu.vector_load %arg8[%get3A_782, %get3A_783] {strides = array<i32>} : memref<32x16xi32, #tpu.memory_space<vmem>>, vector<16xi32>,
    %shift_right_logical3A_785 = arith.constant 3 : i32
    %shift_right_logical3A_786 = vector.broadcast %shift_right_logical3A_785 : i32 to vector<16xi32>
    %shift_right_logical3A_787 = arith.shrui %get3A_784, %shift_right_logical3A_786 : vector<16xi32>
    %get3A_788 = arith.constant 1 : i32
    %get3A_789 = arith.index_cast %get3A_788 : i32 to index
    %get3A_790 = arith.constant 0 : index
    %get3A_791 = tpu.vector_load %arg10[%get3A_789, %get3A_790] {strides = array<i32>} : memref<32x16xi32, #tpu.memory_space<vmem>>, vector<16xi32>,
    %shift_right_logical3A_792 = arith.constant 3 : i32
    %shift_right_logical3A_793 = vector.broadcast %shift_right_logical3A_792 : i32 to vector<16xi32>
    %shift_right_logical3A_794 = arith.shrui %get3A_791, %shift_right_logical3A_793 : vector<16xi32>
    %slice3A_795 = vector.extract_strided_slice %shift_right_logical3A_787 {offsets = [0], sizes = [1], strides = [1]} : vector<16xi32> to vector<1xi32>
    %squeeze3A_796 = vector.extract %slice3A_795[0] : i32 from vector<1xi32>
    %dma_start3A_797 = arith.constant 1 : i32
    %dma_start3A_798 = arith.constant 0 : i32
    %dma_start3A_799 = arith.constant 1 : i32
    %dma_start3A_800 = arith.constant 0 : i32
    %dma_start3A_801 = arith.constant 0 : i32
    %dma_start3A_802 = tpu.memref_slice %arg11[%dma_start3A_797, %dma_start3A_798, %dma_start3A_800, %dma_start3A_801] : memref<3x16x8x64xf32, #tpu.memory_space<vmem>> -> memref<1x1x8x64xf32, #tpu.memory_space<vmem>>
    %dma_start3A_803 = tpu.memref_squeeze %dma_start3A_802 : memref<1x1x8x64xf32, #tpu.memory_space<vmem>> -> memref<8x64xf32, #tpu.memory_space<vmem>>
    %dma_start3A_804 = arith.constant 0 : i32
    %dma_start3A_805 = arith.constant 0 : i32
    %dma_start3A_806 = tpu.memref_slice %arg5[%squeeze3A_796, %dma_start3A_804, %dma_start3A_805] : memref<125000x8x64xf32, #tpu.memory_space<hbm>> -> memref<1x8x64xf32, #tpu.memory_space<hbm>>
    %dma_start3A_807 = tpu.memref_squeeze %dma_start3A_806 : memref<1x8x64xf32, #tpu.memory_space<hbm>> -> memref<8x64xf32, #tpu.memory_space<hbm>>
    %dma_start3A_808 = tpu.memref_slice %arg16[%dma_start3A_799] : memref<3x!tpu.dma_semaphore, #tpu.memory_space<semaphore_mem>> -> memref<1x!tpu.dma_semaphore, #tpu.memory_space<semaphore_mem>>
    %dma_start3A_809 = tpu.memref_squeeze %dma_start3A_808 : memref<1x!tpu.dma_semaphore, #tpu.memory_space<semaphore_mem>> -> memref<!tpu.dma_semaphore, #tpu.memory_space<semaphore_mem>>
    %dma_start3A_810 = arith.constant 0 : i32
    %dma_start3A_811 = arith.constant 0 : i32
    %dma_start3A_812 = tpu.memref_slice %arg11[%dma_start3A_797, %dma_start3A_798, %dma_start3A_810, %dma_start3A_811] : memref<3x16x8x64xf32, #tpu.memory_space<vmem>> -> memref<1x1x8x64xf32, #tpu.memory_space<vmem>>
    %dma_start3A_813 = tpu.memref_squeeze %dma_start3A_812 : memref<1x1x8x64xf32, #tpu.memory_space<vmem>> -> memref<8x64xf32, #tpu.memory_space<vmem>>
    %dma_start3A_814 = arith.constant 0 : i32
    %dma_start3A_815 = arith.constant 0 : i32
    %dma_start3A_816 = tpu.memref_slice %arg5[%squeeze3A_796, %dma_start3A_814, %dma_start3A_815] : memref<125000x8x64xf32, #tpu.memory_space<hbm>> -> memref<1x8x64xf32, #tpu.memory_space<hbm>>
    %dma_start3A_817 = tpu.memref_squeeze %dma_start3A_816 : memref<1x8x64xf32, #tpu.memory_space<hbm>> -> memref<8x64xf32, #tpu.memory_space<hbm>>
    tpu.enqueue_dma source(%dma_start3A_817 : memref<8x64xf32, #tpu.memory_space<hbm>>) target(%dma_start3A_813 : memref<8x64xf32, #tpu.memory_space<vmem>>) target_semaphore(%dma_start3A_809 : memref<!tpu.dma_semaphore, #tpu.memory_space<semaphore_mem>>)
    %slice3A_818 = vector.extract_strided_slice %shift_right_logical3A_794 {offsets = [0], sizes = [1], strides = [1]} : vector<16xi32> to vector<1xi32>
    %squeeze3A_819 = vector.extract %slice3A_818[0] : i32 from vector<1xi32>
    %dma_start3A_820 = arith.constant 1 : i32
    %dma_start3A_821 = arith.constant 0 : i32
    %dma_start3A_822 = arith.constant 1 : i32
    %dma_start3A_823 = arith.constant 0 : i32
    %dma_start3A_824 = arith.constant 0 : i32
    %dma_start3A_825 = tpu.memref_slice %arg13[%dma_start3A_820, %dma_start3A_821, %dma_start3A_823, %dma_start3A_824] : memref<3x16x8x64xf32, #tpu.memory_space<vmem>> -> memref<1x1x8x64xf32, #tpu.memory_space<vmem>>
    %dma_start3A_826 = tpu.memref_squeeze %dma_start3A_825 : memref<1x1x8x64xf32, #tpu.memory_space<vmem>> -> memref<8x64xf32, #tpu.memory_space<vmem>>
    %dma_start3A_827 = arith.constant 0 : i32
    %dma_start3A_828 = arith.constant 0 : i32
    %dma_start3A_829 = tpu.memref_slice %arg5[%squeeze3A_819, %dma_start3A_827, %dma_start3A_828] : memref<125000x8x64xf32, #tpu.memory_space<hbm>> -> memref<1x8x64xf32, #tpu.memory_space<hbm>>
    %dma_start3A_830 = tpu.memref_squeeze %dma_start3A_829 : memref<1x8x64xf32, #tpu.memory_space<hbm>> -> memref<8x64xf32, #tpu.memory_space<hbm>>
    %dma_start3A_831 = tpu.memref_slice %arg16[%dma_start3A_822] : memref<3x!tpu.dma_semaphore, #tpu.memory_space<semaphore_mem>> -> memref<1x!tpu.dma_semaphore, #tpu.memory_space<semaphore_mem>>
    %dma_start3A_832 = tpu.memref_squeeze %dma_start3A_831 : memref<1x!tpu.dma_semaphore, #tpu.memory_space<semaphore_mem>> -> memref<!tpu.dma_semaphore, #tpu.memory_space<semaphore_mem>>
    %dma_start3A_833 = arith.constant 0 : i32
    %dma_start3A_834 = arith.constant 0 : i32
    %dma_start3A_835 = tpu.memref_slice %arg13[%dma_start3A_820, %dma_start3A_821, %dma_start3A_833, %dma_start3A_834] : memref<3x16x8x64xf32, #tpu.memory_space<vmem>> -> memref<1x1x8x64xf32, #tpu.memory_space<vmem>>
    %dma_start3A_836 = tpu.memref_squeeze %dma_start3A_835 : memref<1x1x8x64xf32, #tpu.memory_space<vmem>> -> memref<8x64xf32, #tpu.memory_space<vmem>>
    %dma_start3A_837 = arith.constant 0 : i32
    %dma_start3A_838 = arith.constant 0 : i32
    %dma_start3A_839 = tpu.memref_slice %arg5[%squeeze3A_819, %dma_start3A_837, %dma_start3A_838] : memref<125000x8x64xf32, #tpu.memory_space<hbm>> -> memref<1x8x64xf32, #tpu.memory_space<hbm>>
    %dma_start3A_840 = tpu.memref_squeeze %dma_start3A_839 : memref<1x8x64xf32, #tpu.memory_space<hbm>> -> memref<8x64xf32, #tpu.memory_space<hbm>>
    tpu.enqueue_dma source(%dma_start3A_840 : memref<8x64xf32, #tpu.memory_space<hbm>>) target(%dma_start3A_836 : memref<8x64xf32, #tpu.memory_space<vmem>>) target_semaphore(%dma_start3A_832 : memref<!tpu.dma_semaphore, #tpu.memory_space<semaphore_mem>>)
    %slice3A_841 = vector.extract_strided_slice %shift_right_logical3A_787 {offsets = [1], sizes = [1], strides = [1]} : vector<16xi32> to vector<1xi32>
    %squeeze3A_842 = vector.extract %slice3A_841[0] : i32 from vector<1xi32>
    %dma_start3A_843 = arith.constant 1 : i32
    %dma_start3A_844 = arith.constant 1 : i32
    %dma_start3A_845 = arith.constant 1 : i32
    %dma_start3A_846 = arith.constant 0 : i32
    %dma_start3A_847 = arith.constant 0 : i32
    %dma_start3A_848 = tpu.memref_slice %arg11[%dma_start3A_843, %dma_start3A_844, %dma_start3A_846, %dma_start3A_847] : memref<3x16x8x64xf32, #tpu.memory_space<vmem>> -> memref<1x1x8x64xf32, #tpu.memory_space<vmem>>
    %dma_start3A_849 = tpu.memref_squeeze %dma_start3A_848 : memref<1x1x8x64xf32, #tpu.memory_space<vmem>> -> memref<8x64xf32, #tpu.memory_space<vmem>>
    %dma_start3A_850 = arith.constant 0 : i32
    %dma_start3A_851 = arith.constant 0 : i32
    %dma_start3A_852 = tpu.memref_slice %arg5[%squeeze3A_842, %dma_start3A_850, %dma_start3A_851] : memref<125000x8x64xf32, #tpu.memory_space<hbm>> -> memref<1x8x64xf32, #tpu.memory_space<hbm>>
    %dma_start3A_853 = tpu.memref_squeeze %dma_start3A_852 : memref<1x8x64xf32, #tpu.memory_space<hbm>> -> memref<8x64xf32, #tpu.memory_space<hbm>>
    %dma_start3A_854 = tpu.memref_slice %arg16[%dma_start3A_845] : memref<3x!tpu.dma_semaphore, #tpu.memory_space<semaphore_mem>> -> memref<1x!tpu.dma_semaphore, #tpu.memory_space<semaphore_mem>>
    %dma_start3A_855 = tpu.memref_squeeze %dma_start3A_854 : memref<1x!tpu.dma_semaphore, #tpu.memory_space<semaphore_mem>> -> memref<!tpu.dma_semaphore, #tpu.memory_space<semaphore_mem>>
    %dma_start3A_856 = arith.constant 0 : i32
    %dma_start3A_857 = arith.constant 0 : i32
    %dma_start3A_858 = tpu.memref_slice %arg11[%dma_start3A_843, %dma_start3A_844, %dma_start3A_856, %dma_start3A_857] : memref<3x16x8x64xf32, #tpu.memory_space<vmem>> -> memref<1x1x8x64xf32, #tpu.memory_space<vmem>>
    %dma_start3A_859 = tpu.memref_squeeze %dma_start3A_858 : memref<1x1x8x64xf32, #tpu.memory_space<vmem>> -> memref<8x64xf32, #tpu.memory_space<vmem>>
    %dma_start3A_860 = arith.constant 0 : i32
    %dma_start3A_861 = arith.constant 0 : i32
    %dma_start3A_862 = tpu.memref_slice %arg5[%squeeze3A_842, %dma_start3A_860, %dma_start3A_861] : memref<125000x8x64xf32, #tpu.memory_space<hbm>> -> memref<1x8x64xf32, #tpu.memory_space<hbm>>
    %dma_start3A_863 = tpu.memref_squeeze %dma_start3A_862 : memref<1x8x64xf32, #tpu.memory_space<hbm>> -> memref<8x64xf32, #tpu.memory_space<hbm>>
    tpu.enqueue_dma source(%dma_start3A_863 : memref<8x64xf32, #tpu.memory_space<hbm>>) target(%dma_start3A_859 : memref<8x64xf32, #tpu.memory_space<vmem>>) target_semaphore(%dma_start3A_855 : memref<!tpu.dma_semaphore, #tpu.memory_space<semaphore_mem>>)
    %slice3A_864 = vector.extract_strided_slice %shift_right_logical3A_794 {offsets = [1], sizes = [1], strides = [1]} : vector<16xi32> to vector<1xi32>
    %squeeze3A_865 = vector.extract %slice3A_864[0] : i32 from vector<1xi32>
    %dma_start3A_866 = arith.constant 1 : i32
    %dma_start3A_867 = arith.constant 1 : i32
    %dma_start3A_868 = arith.constant 1 : i32
    %dma_start3A_869 = arith.constant 0 : i32
    %dma_start3A_870 = arith.constant 0 : i32
    %dma_start3A_871 = tpu.memref_slice %arg13[%dma_start3A_866, %dma_start3A_867, %dma_start3A_869, %dma_start3A_870] : memref<3x16x8x64xf32, #tpu.memory_space<vmem>> -> memref<1x1x8x64xf32, #tpu.memory_space<vmem>>
    %dma_start3A_872 = tpu.memref_squeeze %dma_start3A_871 : memref<1x1x8x64xf32, #tpu.memory_space<vmem>> -> memref<8x64xf32, #tpu.memory_space<vmem>>
    %dma_start3A_873 = arith.constant 0 : i32
    %dma_start3A_874 = arith.constant 0 : i32
    %dma_start3A_875 = tpu.memref_slice %arg5[%squeeze3A_865, %dma_start3A_873, %dma_start3A_874] : memref<125000x8x64xf32, #tpu.memory_space<hbm>> -> memref<1x8x64xf32, #tpu.memory_space<hbm>>
    %dma_start3A_876 = tpu.memref_squeeze %dma_start3A_875 : memref<1x8x64xf32, #tpu.memory_space<hbm>> -> memref<8x64xf32, #tpu.memory_space<hbm>>
    %dma_start3A_877 = tpu.memref_slice %arg16[%dma_start3A_868] : memref<3x!tpu.dma_semaphore, #tpu.memory_space<semaphore_mem>> -> memref<1x!tpu.dma_semaphore, #tpu.memory_space<semaphore_mem>>
    %dma_start3A_878 = tpu.memref_squeeze %dma_start3A_877 : memref<1x!tpu.dma_semaphore, #tpu.memory_space<semaphore_mem>> -> memref<!tpu.dma_semaphore, #tpu.memory_space<semaphore_mem>>
    %dma_start3A_879 = arith.constant 0 : i32
    %dma_start3A_880 = arith.constant 0 : i32
    %dma_start3A_881 = tpu.memref_slice %arg13[%dma_start3A_866, %dma_start3A_867, %dma_start3A_879, %dma_start3A_880] : memref<3x16x8x64xf32, #tpu.memory_space<vmem>> -> memref<1x1x8x64xf32, #tpu.memory_space<vmem>>
    %dma_start3A_882 = tpu.memref_squeeze %dma_start3A_881 : memref<1x1x8x64xf32, #tpu.memory_space<vmem>> -> memref<8x64xf32, #tpu.memory_space<vmem>>
    %dma_start3A_883 = arith.constant 0 : i32
    %dma_start3A_884 = arith.constant 0 : i32
    %dma_start3A_885 = tpu.memref_slice %arg5[%squeeze3A_865, %dma_start3A_883, %dma_start3A_884] : memref<125000x8x64xf32, #tpu.memory_space<hbm>> -> memref<1x8x64xf32, #tpu.memory_space<hbm>>
    %dma_start3A_886 = tpu.memref_squeeze %dma_start3A_885 : memref<1x8x64xf32, #tpu.memory_space<hbm>> -> memref<8x64xf32, #tpu.memory_space<hbm>>
    tpu.enqueue_dma source(%dma_start3A_886 : memref<8x64xf32, #tpu.memory_space<hbm>>) target(%dma_start3A_882 : memref<8x64xf32, #tpu.memory_space<vmem>>) target_semaphore(%dma_start3A_878 : memref<!tpu.dma_semaphore, #tpu.memory_space<semaphore_mem>>)
    %slice3A_887 = vector.extract_strided_slice %shift_right_logical3A_787 {offsets = [2], sizes = [1], strides = [1]} : vector<16xi32> to vector<1xi32>
    %squeeze3A_888 = vector.extract %slice3A_887[0] : i32 from vector<1xi32>
    %dma_start3A_889 = arith.constant 1 : i32
    %dma_start3A_890 = arith.constant 2 : i32
    %dma_start3A_891 = arith.constant 1 : i32
    %dma_start3A_892 = arith.constant 0 : i32
    %dma_start3A_893 = arith.constant 0 : i32
    %dma_start3A_894 = tpu.memref_slice %arg11[%dma_start3A_889, %dma_start3A_890, %dma_start3A_892, %dma_start3A_893] : memref<3x16x8x64xf32, #tpu.memory_space<vmem>> -> memref<1x1x8x64xf32, #tpu.memory_space<vmem>>
    %dma_start3A_895 = tpu.memref_squeeze %dma_start3A_894 : memref<1x1x8x64xf32, #tpu.memory_space<vmem>> -> memref<8x64xf32, #tpu.memory_space<vmem>>
    %dma_start3A_896 = arith.constant 0 : i32
    %dma_start3A_897 = arith.constant 0 : i32
    %dma_start3A_898 = tpu.memref_slice %arg5[%squeeze3A_888, %dma_start3A_896, %dma_start3A_897] : memref<125000x8x64xf32, #tpu.memory_space<hbm>> -> memref<1x8x64xf32, #tpu.memory_space<hbm>>
    %dma_start3A_899 = tpu.memref_squeeze %dma_start3A_898 : memref<1x8x64xf32, #tpu.memory_space<hbm>> -> memref<8x64xf32, #tpu.memory_space<hbm>>
    %dma_start3A_900 = tpu.memref_slice %arg16[%dma_start3A_891] : memref<3x!tpu.dma_semaphore, #tpu.memory_space<semaphore_mem>> -> memref<1x!tpu.dma_semaphore, #tpu.memory_space<semaphore_mem>>
    %dma_start3A_901 = tpu.memref_squeeze %dma_start3A_900 : memref<1x!tpu.dma_semaphore, #tpu.memory_space<semaphore_mem>> -> memref<!tpu.dma_semaphore, #tpu.memory_space<semaphore_mem>>
    %dma_start3A_902 = arith.constant 0 : i32
    %dma_start3A_903 = arith.constant 0 : i32
    %dma_start3A_904 = tpu.memref_slice %arg11[%dma_start3A_889, %dma_start3A_890, %dma_start3A_902, %dma_start3A_903] : memref<3x16x8x64xf32, #tpu.memory_space<vmem>> -> memref<1x1x8x64xf32, #tpu.memory_space<vmem>>
    %dma_start3A_905 = tpu.memref_squeeze %dma_start3A_904 : memref<1x1x8x64xf32, #tpu.memory_space<vmem>> -> memref<8x64xf32, #tpu.memory_space<vmem>>
    %dma_start3A_906 = arith.constant 0 : i32
    %dma_start3A_907 = arith.constant 0 : i32
    %dma_start3A_908 = tpu.memref_slice %arg5[%squeeze3A_888, %dma_start3A_906, %dma_start3A_907] : memref<125000x8x64xf32, #tpu.memory_space<hbm>> -> memref<1x8x64xf32, #tpu.memory_space<hbm>>
    %dma_start3A_909 = tpu.memref_squeeze %dma_start3A_908 : memref<1x8x64xf32, #tpu.memory_space<hbm>> -> memref<8x64xf32, #tpu.memory_space<hbm>>
    tpu.enqueue_dma source(%dma_start3A_909 : memref<8x64xf32, #tpu.memory_space<hbm>>) target(%dma_start3A_905 : memref<8x64xf32, #tpu.memory_space<vmem>>) target_semaphore(%dma_start3A_901 : memref<!tpu.dma_semaphore, #tpu.memory_space<semaphore_mem>>)
    %slice3A_910 = vector.extract_strided_slice %shift_right_logical3A_794 {offsets = [2], sizes = [1], strides = [1]} : vector<16xi32> to vector<1xi32>
    %squeeze3A_911 = vector.extract %slice3A_910[0] : i32 from vector<1xi32>
    %dma_start3A_912 = arith.constant 1 : i32
    %dma_start3A_913 = arith.constant 2 : i32
    %dma_start3A_914 = arith.constant 1 : i32
    %dma_start3A_915 = arith.constant 0 : i32
    %dma_start3A_916 = arith.constant 0 : i32
    %dma_start3A_917 = tpu.memref_slice %arg13[%dma_start3A_912, %dma_start3A_913, %dma_start3A_915, %dma_start3A_916] : memref<3x16x8x64xf32, #tpu.memory_space<vmem>> -> memref<1x1x8x64xf32, #tpu.memory_space<vmem>>
    %dma_start3A_918 = tpu.memref_squeeze %dma_start3A_917 : memref<1x1x8x64xf32, #tpu.memory_space<vmem>> -> memref<8x64xf32, #tpu.memory_space<vmem>>
    %dma_start3A_919 = arith.constant 0 : i32
    %dma_start3A_920 = arith.constant 0 : i32
    %dma_start3A_921 = tpu.memref_slice %arg5[%squeeze3A_911, %dma_start3A_919, %dma_start3A_920] : memref<125000x8x64xf32, #tpu.memory_space<hbm>> -> memref<1x8x64xf32, #tpu.memory_space<hbm>>
    %dma_start3A_922 = tpu.memref_squeeze %dma_start3A_921 : memref<1x8x64xf32, #tpu.memory_space<hbm>> -> memref<8x64xf32, #tpu.memory_space<hbm>>
    %dma_start3A_923 = tpu.memref_slice %arg16[%dma_start3A_914] : memref<3x!tpu.dma_semaphore, #tpu.memory_space<semaphore_mem>> -> memref<1x!tpu.dma_semaphore, #tpu.memory_space<semaphore_mem>>
    %dma_start3A_924 = tpu.memref_squeeze %dma_start3A_923 : memref<1x!tpu.dma_semaphore, #tpu.memory_space<semaphore_mem>> -> memref<!tpu.dma_semaphore, #tpu.memory_space<semaphore_mem>>
    %dma_start3A_925 = arith.constant 0 : i32
    %dma_start3A_926 = arith.constant 0 : i32
    %dma_start3A_927 = tpu.memref_slice %arg13[%dma_start3A_912, %dma_start3A_913, %dma_start3A_925, %dma_start3A_926] : memref<3x16x8x64xf32, #tpu.memory_space<vmem>> -> memref<1x1x8x64xf32, #tpu.memory_space<vmem>>
    %dma_start3A_928 = tpu.memref_squeeze %dma_start3A_927 : memref<1x1x8x64xf32, #tpu.memory_space<vmem>> -> memref<8x64xf32, #tpu.memory_space<vmem>>
    %dma_start3A_929 = arith.constant 0 : i32
    %dma_start3A_930 = arith.constant 0 : i32
    %dma_start3A_931 = tpu.memref_slice %arg5[%squeeze3A_911, %dma_start3A_929, %dma_start3A_930] : memref<125000x8x64xf32, #tpu.memory_space<hbm>> -> memref<1x8x64xf32, #tpu.memory_space<hbm>>
    %dma_start3A_932 = tpu.memref_squeeze %dma_start3A_931 : memref<1x8x64xf32, #tpu.memory_space<hbm>> -> memref<8x64xf32, #tpu.memory_space<hbm>>
    tpu.enqueue_dma source(%dma_start3A_932 : memref<8x64xf32, #tpu.memory_space<hbm>>) target(%dma_start3A_928 : memref<8x64xf32, #tpu.memory_space<vmem>>) target_semaphore(%dma_start3A_924 : memref<!tpu.dma_semaphore, #tpu.memory_space<semaphore_mem>>)
    %slice3A_933 = vector.extract_strided_slice %shift_right_logical3A_787 {offsets = [3], sizes = [1], strides = [1]} : vector<16xi32> to vector<1xi32>
    %squeeze3A_934 = vector.extract %slice3A_933[0] : i32 from vector<1xi32>
    %dma_start3A_935 = arith.constant 1 : i32
    %dma_start3A_936 = arith.constant 3 : i32
    %dma_start3A_937 = arith.constant 1 : i32
    %dma_start3A_938 = arith.constant 0 : i32
    %dma_start3A_939 = arith.constant 0 : i32
    %dma_start3A_940 = tpu.memref_slice %arg11[%dma_start3A_935, %dma_start3A_936, %dma_start3A_938, %dma_start3A_939] : memref<3x16x8x64xf32, #tpu.memory_space<vmem>> -> memref<1x1x8x64xf32, #tpu.memory_space<vmem>>
    %dma_start3A_941 = tpu.memref_squeeze %dma_start3A_940 : memref<1x1x8x64xf32, #tpu.memory_space<vmem>> -> memref<8x64xf32, #tpu.memory_space<vmem>>
    %dma_start3A_942 = arith.constant 0 : i32
    %dma_start3A_943 = arith.constant 0 : i32
    %dma_start3A_944 = tpu.memref_slice %arg5[%squeeze3A_934, %dma_start3A_942, %dma_start3A_943] : memref<125000x8x64xf32, #tpu.memory_space<hbm>> -> memref<1x8x64xf32, #tpu.memory_space<hbm>>
    %dma_start3A_945 = tpu.memref_squeeze %dma_start3A_944 : memref<1x8x64xf32, #tpu.memory_space<hbm>> -> memref<8x64xf32, #tpu.memory_space<hbm>>
    %dma_start3A_946 = tpu.memref_slice %arg16[%dma_start3A_937] : memref<3x!tpu.dma_semaphore, #tpu.memory_space<semaphore_mem>> -> memref<1x!tpu.dma_semaphore, #tpu.memory_space<semaphore_mem>>
    %dma_start3A_947 = tpu.memref_squeeze %dma_start3A_946 : memref<1x!tpu.dma_semaphore, #tpu.memory_space<semaphore_mem>> -> memref<!tpu.dma_semaphore, #tpu.memory_space<semaphore_mem>>
    %dma_start3A_948 = arith.constant 0 : i32
    %dma_start3A_949 = arith.constant 0 : i32
    %dma_start3A_950 = tpu.memref_slice %arg11[%dma_start3A_935, %dma_start3A_936, %dma_start3A_948, %dma_start3A_949] : memref<3x16x8x64xf32, #tpu.memory_space<vmem>> -> memref<1x1x8x64xf32, #tpu.memory_space<vmem>>
    %dma_start3A_951 = tpu.memref_squeeze %dma_start3A_950 : memref<1x1x8x64xf32, #tpu.memory_space<vmem>> -> memref<8x64xf32, #tpu.memory_space<vmem>>
    %dma_start3A_952 = arith.constant 0 : i32
    %dma_start3A_953 = arith.constant 0 : i32
    %dma_start3A_954 = tpu.memref_slice %arg5[%squeeze3A_934, %dma_start3A_952, %dma_start3A_953] : memref<125000x8x64xf32, #tpu.memory_space<hbm>> -> memref<1x8x64xf32, #tpu.memory_space<hbm>>
    %dma_start3A_955 = tpu.memref_squeeze %dma_start3A_954 : memref<1x8x64xf32, #tpu.memory_space<hbm>> -> memref<8x64xf32, #tpu.memory_space<hbm>>
    tpu.enqueue_dma source(%dma_start3A_955 : memref<8x64xf32, #tpu.memory_space<hbm>>) target(%dma_start3A_951 : memref<8x64xf32, #tpu.memory_space<vmem>>) target_semaphore(%dma_start3A_947 : memref<!tpu.dma_semaphore, #tpu.memory_space<semaphore_mem>>)
    %slice3A_956 = vector.extract_strided_slice %shift_right_logical3A_794 {offsets = [3], sizes = [1], strides = [1]} : vector<16xi32> to vector<1xi32>
    %squeeze3A_957 = vector.extract %slice3A_956[0] : i32 from vector<1xi32>
    %dma_start3A_958 = arith.constant 1 : i32
    %dma_start3A_959 = arith.constant 3 : i32
    %dma_start3A_960 = arith.constant 1 : i32
    %dma_start3A_961 = arith.constant 0 : i32
    %dma_start3A_962 = arith.constant 0 : i32
    %dma_start3A_963 = tpu.memref_slice %arg13[%dma_start3A_958, %dma_start3A_959, %dma_start3A_961, %dma_start3A_962] : memref<3x16x8x64xf32, #tpu.memory_space<vmem>> -> memref<1x1x8x64xf32, #tpu.memory_space<vmem>>
    %dma_start3A_964 = tpu.memref_squeeze %dma_start3A_963 : memref<1x1x8x64xf32, #tpu.memory_space<vmem>> -> memref<8x64xf32, #tpu.memory_space<vmem>>
    %dma_start3A_965 = arith.constant 0 : i32
    %dma_start3A_966 = arith.constant 0 : i32
    %dma_start3A_967 = tpu.memref_slice %arg5[%squeeze3A_957, %dma_start3A_965, %dma_start3A_966] : memref<125000x8x64xf32, #tpu.memory_space<hbm>> -> memref<1x8x64xf32, #tpu.memory_space<hbm>>
    %dma_start3A_968 = tpu.memref_squeeze %dma_start3A_967 : memref<1x8x64xf32, #tpu.memory_space<hbm>> -> memref<8x64xf32, #tpu.memory_space<hbm>>
    %dma_start3A_969 = tpu.memref_slice %arg16[%dma_start3A_960] : memref<3x!tpu.dma_semaphore, #tpu.memory_space<semaphore_mem>> -> memref<1x!tpu.dma_semaphore, #tpu.memory_space<semaphore_mem>>
    %dma_start3A_970 = tpu.memref_squeeze %dma_start3A_969 : memref<1x!tpu.dma_semaphore, #tpu.memory_space<semaphore_mem>> -> memref<!tpu.dma_semaphore, #tpu.memory_space<semaphore_mem>>
    %dma_start3A_971 = arith.constant 0 : i32
    %dma_start3A_972 = arith.constant 0 : i32
    %dma_start3A_973 = tpu.memref_slice %arg13[%dma_start3A_958, %dma_start3A_959, %dma_start3A_971, %dma_start3A_972] : memref<3x16x8x64xf32, #tpu.memory_space<vmem>> -> memref<1x1x8x64xf32, #tpu.memory_space<vmem>>
    %dma_start3A_974 = tpu.memref_squeeze %dma_start3A_973 : memref<1x1x8x64xf32, #tpu.memory_space<vmem>> -> memref<8x64xf32, #tpu.memory_space<vmem>>
    %dma_start3A_975 = arith.constant 0 : i32
    %dma_start3A_976 = arith.constant 0 : i32
    %dma_start3A_977 = tpu.memref_slice %arg5[%squeeze3A_957, %dma_start3A_975, %dma_start3A_976] : memref<125000x8x64xf32, #tpu.memory_space<hbm>> -> memref<1x8x64xf32, #tpu.memory_space<hbm>>
    %dma_start3A_978 = tpu.memref_squeeze %dma_start3A_977 : memref<1x8x64xf32, #tpu.memory_space<hbm>> -> memref<8x64xf32, #tpu.memory_space<hbm>>
    tpu.enqueue_dma source(%dma_start3A_978 : memref<8x64xf32, #tpu.memory_space<hbm>>) target(%dma_start3A_974 : memref<8x64xf32, #tpu.memory_space<vmem>>) target_semaphore(%dma_start3A_970 : memref<!tpu.dma_semaphore, #tpu.memory_space<semaphore_mem>>)
    %slice3A_979 = vector.extract_strided_slice %shift_right_logical3A_787 {offsets = [4], sizes = [1], strides = [1]} : vector<16xi32> to vector<1xi32>
    %squeeze3A_980 = vector.extract %slice3A_979[0] : i32 from vector<1xi32>
    %dma_start3A_981 = arith.constant 1 : i32
    %dma_start3A_982 = arith.constant 4 : i32
    %dma_start3A_983 = arith.constant 1 : i32
    %dma_start3A_984 = arith.constant 0 : i32
    %dma_start3A_985 = arith.constant 0 : i32
    %dma_start3A_986 = tpu.memref_slice %arg11[%dma_start3A_981, %dma_start3A_982, %dma_start3A_984, %dma_start3A_985] : memref<3x16x8x64xf32, #tpu.memory_space<vmem>> -> memref<1x1x8x64xf32, #tpu.memory_space<vmem>>
    %dma_start3A_987 = tpu.memref_squeeze %dma_start3A_986 : memref<1x1x8x64xf32, #tpu.memory_space<vmem>> -> memref<8x64xf32, #tpu.memory_space<vmem>>
    %dma_start3A_988 = arith.constant 0 : i32
    %dma_start3A_989 = arith.constant 0 : i32
    %dma_start3A_990 = tpu.memref_slice %arg5[%squeeze3A_980, %dma_start3A_988, %dma_start3A_989] : memref<125000x8x64xf32, #tpu.memory_space<hbm>> -> memref<1x8x64xf32, #tpu.memory_space<hbm>>
    %dma_start3A_991 = tpu.memref_squeeze %dma_start3A_990 : memref<1x8x64xf32, #tpu.memory_space<hbm>> -> memref<8x64xf32, #tpu.memory_space<hbm>>
    %dma_start3A_992 = tpu.memref_slice %arg16[%dma_start3A_983] : memref<3x!tpu.dma_semaphore, #tpu.memory_space<semaphore_mem>> -> memref<1x!tpu.dma_semaphore, #tpu.memory_space<semaphore_mem>>
    %dma_start3A_993 = tpu.memref_squeeze %dma_start3A_992 : memref<1x!tpu.dma_semaphore, #tpu.memory_space<semaphore_mem>> -> memref<!tpu.dma_semaphore, #tpu.memory_space<semaphore_mem>>
    %dma_start3A_994 = arith.constant 0 : i32
    %dma_start3A_995 = arith.constant 0 : i32
    %dma_start3A_996 = tpu.memref_slice %arg11[%dma_start3A_981, %dma_start3A_982, %dma_start3A_994, %dma_start3A_995] : memref<3x16x8x64xf32, #tpu.memory_space<vmem>> -> memref<1x1x8x64xf32, #tpu.memory_space<vmem>>
    %dma_start3A_997 = tpu.memref_squeeze %dma_start3A_996 : memref<1x1x8x64xf32, #tpu.memory_space<vmem>> -> memref<8x64xf32, #tpu.memory_space<vmem>>
    %dma_start3A_998 = arith.constant 0 : i32
    %dma_start3A_999 = arith.constant 0 : i32
    %dma_start3A_1000 = tpu.memref_slice %arg5[%squeeze3A_980, %dma_start3A_998, %dma_start3A_999] : memref<125000x8x64xf32, #tpu.memory_space<hbm>> -> memref<1x8x64xf32, #tpu.memory_space<hbm>>
    %dma_start3A_1001 = tpu.memref_squeeze %dma_start3A_1000 : memref<1x8x64xf32, #tpu.memory_space<hbm>> -> memref<8x64xf32, #tpu.memory_space<hbm>>
    tpu.enqueue_dma source(%dma_start3A_1001 : memref<8x64xf32, #tpu.memory_space<hbm>>) target(%dma_start3A_997 : memref<8x64xf32, #tpu.memory_space<vmem>>) target_semaphore(%dma_start3A_993 : memref<!tpu.dma_semaphore, #tpu.memory_space<semaphore_mem>>)
    %slice3A_1002 = vector.extract_strided_slice %shift_right_logical3A_794 {offsets = [4], sizes = [1], strides = [1]} : vector<16xi32> to vector<1xi32>
    %squeeze3A_1003 = vector.extract %slice3A_1002[0] : i32 from vector<1xi32>
    %dma_start3A_1004 = arith.constant 1 : i32
    %dma_start3A_1005 = arith.constant 4 : i32
    %dma_start3A_1006 = arith.constant 1 : i32
    %dma_start3A_1007 = arith.constant 0 : i32
    %dma_start3A_1008 = arith.constant 0 : i32
    %dma_start3A_1009 = tpu.memref_slice %arg13[%dma_start3A_1004, %dma_start3A_1005, %dma_start3A_1007, %dma_start3A_1008] : memref<3x16x8x64xf32, #tpu.memory_space<vmem>> -> memref<1x1x8x64xf32, #tpu.memory_space<vmem>>
    %dma_start3A_1010 = tpu.memref_squeeze %dma_start3A_1009 : memref<1x1x8x64xf32, #tpu.memory_space<vmem>> -> memref<8x64xf32, #tpu.memory_space<vmem>>
    %dma_start3A_1011 = arith.constant 0 : i32
    %dma_start3A_1012 = arith.constant 0 : i32
    %dma_start3A_1013 = tpu.memref_slice %arg5[%squeeze3A_1003, %dma_start3A_1011, %dma_start3A_1012] : memref<125000x8x64xf32, #tpu.memory_space<hbm>> -> memref<1x8x64xf32, #tpu.memory_space<hbm>>
    %dma_start3A_1014 = tpu.memref_squeeze %dma_start3A_1013 : memref<1x8x64xf32, #tpu.memory_space<hbm>> -> memref<8x64xf32, #tpu.memory_space<hbm>>
    %dma_start3A_1015 = tpu.memref_slice %arg16[%dma_start3A_1006] : memref<3x!tpu.dma_semaphore, #tpu.memory_space<semaphore_mem>> -> memref<1x!tpu.dma_semaphore, #tpu.memory_space<semaphore_mem>>
    %dma_start3A_1016 = tpu.memref_squeeze %dma_start3A_1015 : memref<1x!tpu.dma_semaphore, #tpu.memory_space<semaphore_mem>> -> memref<!tpu.dma_semaphore, #tpu.memory_space<semaphore_mem>>
    %dma_start3A_1017 = arith.constant 0 : i32
    %dma_start3A_1018 = arith.constant 0 : i32
    %dma_start3A_1019 = tpu.memref_slice %arg13[%dma_start3A_1004, %dma_start3A_1005, %dma_start3A_1017, %dma_start3A_1018] : memref<3x16x8x64xf32, #tpu.memory_space<vmem>> -> memref<1x1x8x64xf32, #tpu.memory_space<vmem>>
    %dma_start3A_1020 = tpu.memref_squeeze %dma_start3A_1019 : memref<1x1x8x64xf32, #tpu.memory_space<vmem>> -> memref<8x64xf32, #tpu.memory_space<vmem>>
    %dma_start3A_1021 = arith.constant 0 : i32
    %dma_start3A_1022 = arith.constant 0 : i32
    %dma_start3A_1023 = tpu.memref_slice %arg5[%squeeze3A_1003, %dma_start3A_1021, %dma_start3A_1022] : memref<125000x8x64xf32, #tpu.memory_space<hbm>> -> memref<1x8x64xf32, #tpu.memory_space<hbm>>
    %dma_start3A_1024 = tpu.memref_squeeze %dma_start3A_1023 : memref<1x8x64xf32, #tpu.memory_space<hbm>> -> memref<8x64xf32, #tpu.memory_space<hbm>>
    tpu.enqueue_dma source(%dma_start3A_1024 : memref<8x64xf32, #tpu.memory_space<hbm>>) target(%dma_start3A_1020 : memref<8x64xf32, #tpu.memory_space<vmem>>) target_semaphore(%dma_start3A_1016 : memref<!tpu.dma_semaphore, #tpu.memory_space<semaphore_mem>>)
    %slice3A_1025 = vector.extract_strided_slice %shift_right_logical3A_787 {offsets = [5], sizes = [1], strides = [1]} : vector<16xi32> to vector<1xi32>
    %squeeze3A_1026 = vector.extract %slice3A_1025[0] : i32 from vector<1xi32>
    %dma_start3A_1027 = arith.constant 1 : i32
    %dma_start3A_1028 = arith.constant 5 : i32
    %dma_start3A_1029 = arith.constant 1 : i32
    %dma_start3A_1030 = arith.constant 0 : i32
    %dma_start3A_1031 = arith.constant 0 : i32
    %dma_start3A_1032 = tpu.memref_slice %arg11[%dma_start3A_1027, %dma_start3A_1028, %dma_start3A_1030, %dma_start3A_1031] : memref<3x16x8x64xf32, #tpu.memory_space<vmem>> -> memref<1x1x8x64xf32, #tpu.memory_space<vmem>>
    %dma_start3A_1033 = tpu.memref_squeeze %dma_start3A_1032 : memref<1x1x8x64xf32, #tpu.memory_space<vmem>> -> memref<8x64xf32, #tpu.memory_space<vmem>>
    %dma_start3A_1034 = arith.constant 0 : i32
    %dma_start3A_1035 = arith.constant 0 : i32
    %dma_start3A_1036 = tpu.memref_slice %arg5[%squeeze3A_1026, %dma_start3A_1034, %dma_start3A_1035] : memref<125000x8x64xf32, #tpu.memory_space<hbm>> -> memref<1x8x64xf32, #tpu.memory_space<hbm>>
    %dma_start3A_1037 = tpu.memref_squeeze %dma_start3A_1036 : memref<1x8x64xf32, #tpu.memory_space<hbm>> -> memref<8x64xf32, #tpu.memory_space<hbm>>
    %dma_start3A_1038 = tpu.memref_slice %arg16[%dma_start3A_1029] : memref<3x!tpu.dma_semaphore, #tpu.memory_space<semaphore_mem>> -> memref<1x!tpu.dma_semaphore, #tpu.memory_space<semaphore_mem>>
    %dma_start3A_1039 = tpu.memref_squeeze %dma_start3A_1038 : memref<1x!tpu.dma_semaphore, #tpu.memory_space<semaphore_mem>> -> memref<!tpu.dma_semaphore, #tpu.memory_space<semaphore_mem>>
    %dma_start3A_1040 = arith.constant 0 : i32
    %dma_start3A_1041 = arith.constant 0 : i32
    %dma_start3A_1042 = tpu.memref_slice %arg11[%dma_start3A_1027, %dma_start3A_1028, %dma_start3A_1040, %dma_start3A_1041] : memref<3x16x8x64xf32, #tpu.memory_space<vmem>> -> memref<1x1x8x64xf32, #tpu.memory_space<vmem>>
    %dma_start3A_1043 = tpu.memref_squeeze %dma_start3A_1042 : memref<1x1x8x64xf32, #tpu.memory_space<vmem>> -> memref<8x64xf32, #tpu.memory_space<vmem>>
    %dma_start3A_1044 = arith.constant 0 : i32
    %dma_start3A_1045 = arith.constant 0 : i32
    %dma_start3A_1046 = tpu.memref_slice %arg5[%squeeze3A_1026, %dma_start3A_1044, %dma_start3A_1045] : memref<125000x8x64xf32, #tpu.memory_space<hbm>> -> memref<1x8x64xf32, #tpu.memory_space<hbm>>
    %dma_start3A_1047 = tpu.memref_squeeze %dma_start3A_1046 : memref<1x8x64xf32, #tpu.memory_space<hbm>> -> memref<8x64xf32, #tpu.memory_space<hbm>>
    tpu.enqueue_dma source(%dma_start3A_1047 : memref<8x64xf32, #tpu.memory_space<hbm>>) target(%dma_start3A_1043 : memref<8x64xf32, #tpu.memory_space<vmem>>) target_semaphore(%dma_start3A_1039 : memref<!tpu.dma_semaphore, #tpu.memory_space<semaphore_mem>>)
    %slice3A_1048 = vector.extract_strided_slice %shift_right_logical3A_794 {offsets = [5], sizes = [1], strides = [1]} : vector<16xi32> to vector<1xi32>
    %squeeze3A_1049 = vector.extract %slice3A_1048[0] : i32 from vector<1xi32>
    %dma_start3A_1050 = arith.constant 1 : i32
    %dma_start3A_1051 = arith.constant 5 : i32
    %dma_start3A_1052 = arith.constant 1 : i32
    %dma_start3A_1053 = arith.constant 0 : i32
    %dma_start3A_1054 = arith.constant 0 : i32
    %dma_start3A_1055 = tpu.memref_slice %arg13[%dma_start3A_1050, %dma_start3A_1051, %dma_start3A_1053, %dma_start3A_1054] : memref<3x16x8x64xf32, #tpu.memory_space<vmem>> -> memref<1x1x8x64xf32, #tpu.memory_space<vmem>>
    %dma_start3A_1056 = tpu.memref_squeeze %dma_start3A_1055 : memref<1x1x8x64xf32, #tpu.memory_space<vmem>> -> memref<8x64xf32, #tpu.memory_space<vmem>>
    %dma_start3A_1057 = arith.constant 0 : i32
    %dma_start3A_1058 = arith.constant 0 : i32
    %dma_start3A_1059 = tpu.memref_slice %arg5[%squeeze3A_1049, %dma_start3A_1057, %dma_start3A_1058] : memref<125000x8x64xf32, #tpu.memory_space<hbm>> -> memref<1x8x64xf32, #tpu.memory_space<hbm>>
    %dma_start3A_1060 = tpu.memref_squeeze %dma_start3A_1059 : memref<1x8x64xf32, #tpu.memory_space<hbm>> -> memref<8x64xf32, #tpu.memory_space<hbm>>
    %dma_start3A_1061 = tpu.memref_slice %arg16[%dma_start3A_1052] : memref<3x!tpu.dma_semaphore, #tpu.memory_space<semaphore_mem>> -> memref<1x!tpu.dma_semaphore, #tpu.memory_space<semaphore_mem>>
    %dma_start3A_1062 = tpu.memref_squeeze %dma_start3A_1061 : memref<1x!tpu.dma_semaphore, #tpu.memory_space<semaphore_mem>> -> memref<!tpu.dma_semaphore, #tpu.memory_space<semaphore_mem>>
    %dma_start3A_1063 = arith.constant 0 : i32
    %dma_start3A_1064 = arith.constant 0 : i32
    %dma_start3A_1065 = tpu.memref_slice %arg13[%dma_start3A_1050, %dma_start3A_1051, %dma_start3A_1063, %dma_start3A_1064] : memref<3x16x8x64xf32, #tpu.memory_space<vmem>> -> memref<1x1x8x64xf32, #tpu.memory_space<vmem>>
    %dma_start3A_1066 = tpu.memref_squeeze %dma_start3A_1065 : memref<1x1x8x64xf32, #tpu.memory_space<vmem>> -> memref<8x64xf32, #tpu.memory_space<vmem>>
    %dma_start3A_1067 = arith.constant 0 : i32
    %dma_start3A_1068 = arith.constant 0 : i32
    %dma_start3A_1069 = tpu.memref_slice %arg5[%squeeze3A_1049, %dma_start3A_1067, %dma_start3A_1068] : memref<125000x8x64xf32, #tpu.memory_space<hbm>> -> memref<1x8x64xf32, #tpu.memory_space<hbm>>
    %dma_start3A_1070 = tpu.memref_squeeze %dma_start3A_1069 : memref<1x8x64xf32, #tpu.memory_space<hbm>> -> memref<8x64xf32, #tpu.memory_space<hbm>>
    tpu.enqueue_dma source(%dma_start3A_1070 : memref<8x64xf32, #tpu.memory_space<hbm>>) target(%dma_start3A_1066 : memref<8x64xf32, #tpu.memory_space<vmem>>) target_semaphore(%dma_start3A_1062 : memref<!tpu.dma_semaphore, #tpu.memory_space<semaphore_mem>>)
    %slice3A_1071 = vector.extract_strided_slice %shift_right_logical3A_787 {offsets = [6], sizes = [1], strides = [1]} : vector<16xi32> to vector<1xi32>
    %squeeze3A_1072 = vector.extract %slice3A_1071[0] : i32 from vector<1xi32>
    %dma_start3A_1073 = arith.constant 1 : i32
    %dma_start3A_1074 = arith.constant 6 : i32
    %dma_start3A_1075 = arith.constant 1 : i32
    %dma_start3A_1076 = arith.constant 0 : i32
    %dma_start3A_1077 = arith.constant 0 : i32
    %dma_start3A_1078 = tpu.memref_slice %arg11[%dma_start3A_1073, %dma_start3A_1074, %dma_start3A_1076, %dma_start3A_1077] : memref<3x16x8x64xf32, #tpu.memory_space<vmem>> -> memref<1x1x8x64xf32, #tpu.memory_space<vmem>>
    %dma_start3A_1079 = tpu.memref_squeeze %dma_start3A_1078 : memref<1x1x8x64xf32, #tpu.memory_space<vmem>> -> memref<8x64xf32, #tpu.memory_space<vmem>>
    %dma_start3A_1080 = arith.constant 0 : i32
    %dma_start3A_1081 = arith.constant 0 : i32
    %dma_start3A_1082 = tpu.memref_slice %arg5[%squeeze3A_1072, %dma_start3A_1080, %dma_start3A_1081] : memref<125000x8x64xf32, #tpu.memory_space<hbm>> -> memref<1x8x64xf32, #tpu.memory_space<hbm>>
    %dma_start3A_1083 = tpu.memref_squeeze %dma_start3A_1082 : memref<1x8x64xf32, #tpu.memory_space<hbm>> -> memref<8x64xf32, #tpu.memory_space<hbm>>
    %dma_start3A_1084 = tpu.memref_slice %arg16[%dma_start3A_1075] : memref<3x!tpu.dma_semaphore, #tpu.memory_space<semaphore_mem>> -> memref<1x!tpu.dma_semaphore, #tpu.memory_space<semaphore_mem>>
    %dma_start3A_1085 = tpu.memref_squeeze %dma_start3A_1084 : memref<1x!tpu.dma_semaphore, #tpu.memory_space<semaphore_mem>> -> memref<!tpu.dma_semaphore, #tpu.memory_space<semaphore_mem>>
    %dma_start3A_1086 = arith.constant 0 : i32
    %dma_start3A_1087 = arith.constant 0 : i32
    %dma_start3A_1088 = tpu.memref_slice %arg11[%dma_start3A_1073, %dma_start3A_1074, %dma_start3A_1086, %dma_start3A_1087] : memref<3x16x8x64xf32, #tpu.memory_space<vmem>> -> memref<1x1x8x64xf32, #tpu.memory_space<vmem>>
    %dma_start3A_1089 = tpu.memref_squeeze %dma_start3A_1088 : memref<1x1x8x64xf32, #tpu.memory_space<vmem>> -> memref<8x64xf32, #tpu.memory_space<vmem>>
    %dma_start3A_1090 = arith.constant 0 : i32
    %dma_start3A_1091 = arith.constant 0 : i32
    %dma_start3A_1092 = tpu.memref_slice %arg5[%squeeze3A_1072, %dma_start3A_1090, %dma_start3A_1091] : memref<125000x8x64xf32, #tpu.memory_space<hbm>> -> memref<1x8x64xf32, #tpu.memory_space<hbm>>
    %dma_start3A_1093 = tpu.memref_squeeze %dma_start3A_1092 : memref<1x8x64xf32, #tpu.memory_space<hbm>> -> memref<8x64xf32, #tpu.memory_space<hbm>>
    tpu.enqueue_dma source(%dma_start3A_1093 : memref<8x64xf32, #tpu.memory_space<hbm>>) target(%dma_start3A_1089 : memref<8x64xf32, #tpu.memory_space<vmem>>) target_semaphore(%dma_start3A_1085 : memref<!tpu.dma_semaphore, #tpu.memory_space<semaphore_mem>>)
    %slice3A_1094 = vector.extract_strided_slice %shift_right_logical3A_794 {offsets = [6], sizes = [1], strides = [1]} : vector<16xi32> to vector<1xi32>
    %squeeze3A_1095 = vector.extract %slice3A_1094[0] : i32 from vector<1xi32>
    %dma_start3A_1096 = arith.constant 1 : i32
    %dma_start3A_1097 = arith.constant 6 : i32
    %dma_start3A_1098 = arith.constant 1 : i32
    %dma_start3A_1099 = arith.constant 0 : i32
    %dma_start3A_1100 = arith.constant 0 : i32
    %dma_start3A_1101 = tpu.memref_slice %arg13[%dma_start3A_1096, %dma_start3A_1097, %dma_start3A_1099, %dma_start3A_1100] : memref<3x16x8x64xf32, #tpu.memory_space<vmem>> -> memref<1x1x8x64xf32, #tpu.memory_space<vmem>>
    %dma_start3A_1102 = tpu.memref_squeeze %dma_start3A_1101 : memref<1x1x8x64xf32, #tpu.memory_space<vmem>> -> memref<8x64xf32, #tpu.memory_space<vmem>>
    %dma_start3A_1103 = arith.constant 0 : i32
    %dma_start3A_1104 = arith.constant 0 : i32
    %dma_start3A_1105 = tpu.memref_slice %arg5[%squeeze3A_1095, %dma_start3A_1103, %dma_start3A_1104] : memref<125000x8x64xf32, #tpu.memory_space<hbm>> -> memref<1x8x64xf32, #tpu.memory_space<hbm>>
    %dma_start3A_1106 = tpu.memref_squeeze %dma_start3A_1105 : memref<1x8x64xf32, #tpu.memory_space<hbm>> -> memref<8x64xf32, #tpu.memory_space<hbm>>
    %dma_start3A_1107 = tpu.memref_slice %arg16[%dma_start3A_1098] : memref<3x!tpu.dma_semaphore, #tpu.memory_space<semaphore_mem>> -> memref<1x!tpu.dma_semaphore, #tpu.memory_space<semaphore_mem>>
    %dma_start3A_1108 = tpu.memref_squeeze %dma_start3A_1107 : memref<1x!tpu.dma_semaphore, #tpu.memory_space<semaphore_mem>> -> memref<!tpu.dma_semaphore, #tpu.memory_space<semaphore_mem>>
    %dma_start3A_1109 = arith.constant 0 : i32
    %dma_start3A_1110 = arith.constant 0 : i32
    %dma_start3A_1111 = tpu.memref_slice %arg13[%dma_start3A_1096, %dma_start3A_1097, %dma_start3A_1109, %dma_start3A_1110] : memref<3x16x8x64xf32, #tpu.memory_space<vmem>> -> memref<1x1x8x64xf32, #tpu.memory_space<vmem>>
    %dma_start3A_1112 = tpu.memref_squeeze %dma_start3A_1111 : memref<1x1x8x64xf32, #tpu.memory_space<vmem>> -> memref<8x64xf32, #tpu.memory_space<vmem>>
    %dma_start3A_1113 = arith.constant 0 : i32
    %dma_start3A_1114 = arith.constant 0 : i32
    %dma_start3A_1115 = tpu.memref_slice %arg5[%squeeze3A_1095, %dma_start3A_1113, %dma_start3A_1114] : memref<125000x8x64xf32, #tpu.memory_space<hbm>> -> memref<1x8x64xf32, #tpu.memory_space<hbm>>
    %dma_start3A_1116 = tpu.memref_squeeze %dma_start3A_1115 : memref<1x8x64xf32, #tpu.memory_space<hbm>> -> memref<8x64xf32, #tpu.memory_space<hbm>>
    tpu.enqueue_dma source(%dma_start3A_1116 : memref<8x64xf32, #tpu.memory_space<hbm>>) target(%dma_start3A_1112 : memref<8x64xf32, #tpu.memory_space<vmem>>) target_semaphore(%dma_start3A_1108 : memref<!tpu.dma_semaphore, #tpu.memory_space<semaphore_mem>>)
    %slice3A_1117 = vector.extract_strided_slice %shift_right_logical3A_787 {offsets = [7], sizes = [1], strides = [1]} : vector<16xi32> to vector<1xi32>
    %squeeze3A_1118 = vector.extract %slice3A_1117[0] : i32 from vector<1xi32>
    %dma_start3A_1119 = arith.constant 1 : i32
    %dma_start3A_1120 = arith.constant 7 : i32
    %dma_start3A_1121 = arith.constant 1 : i32
    %dma_start3A_1122 = arith.constant 0 : i32
    %dma_start3A_1123 = arith.constant 0 : i32
    %dma_start3A_1124 = tpu.memref_slice %arg11[%dma_start3A_1119, %dma_start3A_1120, %dma_start3A_1122, %dma_start3A_1123] : memref<3x16x8x64xf32, #tpu.memory_space<vmem>> -> memref<1x1x8x64xf32, #tpu.memory_space<vmem>>
    %dma_start3A_1125 = tpu.memref_squeeze %dma_start3A_1124 : memref<1x1x8x64xf32, #tpu.memory_space<vmem>> -> memref<8x64xf32, #tpu.memory_space<vmem>>
    %dma_start3A_1126 = arith.constant 0 : i32
    %dma_start3A_1127 = arith.constant 0 : i32
    %dma_start3A_1128 = tpu.memref_slice %arg5[%squeeze3A_1118, %dma_start3A_1126, %dma_start3A_1127] : memref<125000x8x64xf32, #tpu.memory_space<hbm>> -> memref<1x8x64xf32, #tpu.memory_space<hbm>>
    %dma_start3A_1129 = tpu.memref_squeeze %dma_start3A_1128 : memref<1x8x64xf32, #tpu.memory_space<hbm>> -> memref<8x64xf32, #tpu.memory_space<hbm>>
    %dma_start3A_1130 = tpu.memref_slice %arg16[%dma_start3A_1121] : memref<3x!tpu.dma_semaphore, #tpu.memory_space<semaphore_mem>> -> memref<1x!tpu.dma_semaphore, #tpu.memory_space<semaphore_mem>>
    %dma_start3A_1131 = tpu.memref_squeeze %dma_start3A_1130 : memref<1x!tpu.dma_semaphore, #tpu.memory_space<semaphore_mem>> -> memref<!tpu.dma_semaphore, #tpu.memory_space<semaphore_mem>>
    %dma_start3A_1132 = arith.constant 0 : i32
    %dma_start3A_1133 = arith.constant 0 : i32
    %dma_start3A_1134 = tpu.memref_slice %arg11[%dma_start3A_1119, %dma_start3A_1120, %dma_start3A_1132, %dma_start3A_1133] : memref<3x16x8x64xf32, #tpu.memory_space<vmem>> -> memref<1x1x8x64xf32, #tpu.memory_space<vmem>>
    %dma_start3A_1135 = tpu.memref_squeeze %dma_start3A_1134 : memref<1x1x8x64xf32, #tpu.memory_space<vmem>> -> memref<8x64xf32, #tpu.memory_space<vmem>>
    %dma_start3A_1136 = arith.constant 0 : i32
    %dma_start3A_1137 = arith.constant 0 : i32
    %dma_start3A_1138 = tpu.memref_slice %arg5[%squeeze3A_1118, %dma_start3A_1136, %dma_start3A_1137] : memref<125000x8x64xf32, #tpu.memory_space<hbm>> -> memref<1x8x64xf32, #tpu.memory_space<hbm>>
    %dma_start3A_1139 = tpu.memref_squeeze %dma_start3A_1138 : memref<1x8x64xf32, #tpu.memory_space<hbm>> -> memref<8x64xf32, #tpu.memory_space<hbm>>
    tpu.enqueue_dma source(%dma_start3A_1139 : memref<8x64xf32, #tpu.memory_space<hbm>>) target(%dma_start3A_1135 : memref<8x64xf32, #tpu.memory_space<vmem>>) target_semaphore(%dma_start3A_1131 : memref<!tpu.dma_semaphore, #tpu.memory_space<semaphore_mem>>)
    %slice3A_1140 = vector.extract_strided_slice %shift_right_logical3A_794 {offsets = [7], sizes = [1], strides = [1]} : vector<16xi32> to vector<1xi32>
    %squeeze3A_1141 = vector.extract %slice3A_1140[0] : i32 from vector<1xi32>
    %dma_start3A_1142 = arith.constant 1 : i32
    %dma_start3A_1143 = arith.constant 7 : i32
    %dma_start3A_1144 = arith.constant 1 : i32
    %dma_start3A_1145 = arith.constant 0 : i32
    %dma_start3A_1146 = arith.constant 0 : i32
    %dma_start3A_1147 = tpu.memref_slice %arg13[%dma_start3A_1142, %dma_start3A_1143, %dma_start3A_1145, %dma_start3A_1146] : memref<3x16x8x64xf32, #tpu.memory_space<vmem>> -> memref<1x1x8x64xf32, #tpu.memory_space<vmem>>
    %dma_start3A_1148 = tpu.memref_squeeze %dma_start3A_1147 : memref<1x1x8x64xf32, #tpu.memory_space<vmem>> -> memref<8x64xf32, #tpu.memory_space<vmem>>
    %dma_start3A_1149 = arith.constant 0 : i32
    %dma_start3A_1150 = arith.constant 0 : i32
    %dma_start3A_1151 = tpu.memref_slice %arg5[%squeeze3A_1141, %dma_start3A_1149, %dma_start3A_1150] : memref<125000x8x64xf32, #tpu.memory_space<hbm>> -> memref<1x8x64xf32, #tpu.memory_space<hbm>>
    %dma_start3A_1152 = tpu.memref_squeeze %dma_start3A_1151 : memref<1x8x64xf32, #tpu.memory_space<hbm>> -> memref<8x64xf32, #tpu.memory_space<hbm>>
    %dma_start3A_1153 = tpu.memref_slice %arg16[%dma_start3A_1144] : memref<3x!tpu.dma_semaphore, #tpu.memory_space<semaphore_mem>> -> memref<1x!tpu.dma_semaphore, #tpu.memory_space<semaphore_mem>>
    %dma_start3A_1154 = tpu.memref_squeeze %dma_start3A_1153 : memref<1x!tpu.dma_semaphore, #tpu.memory_space<semaphore_mem>> -> memref<!tpu.dma_semaphore, #tpu.memory_space<semaphore_mem>>
    %dma_start3A_1155 = arith.constant 0 : i32
    %dma_start3A_1156 = arith.constant 0 : i32
    %dma_start3A_1157 = tpu.memref_slice %arg13[%dma_start3A_1142, %dma_start3A_1143, %dma_start3A_1155, %dma_start3A_1156] : memref<3x16x8x64xf32, #tpu.memory_space<vmem>> -> memref<1x1x8x64xf32, #tpu.memory_space<vmem>>
    %dma_start3A_1158 = tpu.memref_squeeze %dma_start3A_1157 : memref<1x1x8x64xf32, #tpu.memory_space<vmem>> -> memref<8x64xf32, #tpu.memory_space<vmem>>
    %dma_start3A_1159 = arith.constant 0 : i32
    %dma_start3A_1160 = arith.constant 0 : i32
    %dma_start3A_1161 = tpu.memref_slice %arg5[%squeeze3A_1141, %dma_start3A_1159, %dma_start3A_1160] : memref<125000x8x64xf32, #tpu.memory_space<hbm>> -> memref<1x8x64xf32, #tpu.memory_space<hbm>>
    %dma_start3A_1162 = tpu.memref_squeeze %dma_start3A_1161 : memref<1x8x64xf32, #tpu.memory_space<hbm>> -> memref<8x64xf32, #tpu.memory_space<hbm>>
    tpu.enqueue_dma source(%dma_start3A_1162 : memref<8x64xf32, #tpu.memory_space<hbm>>) target(%dma_start3A_1158 : memref<8x64xf32, #tpu.memory_space<vmem>>) target_semaphore(%dma_start3A_1154 : memref<!tpu.dma_semaphore, #tpu.memory_space<semaphore_mem>>)
    %slice3A_1163 = vector.extract_strided_slice %shift_right_logical3A_787 {offsets = [8], sizes = [1], strides = [1]} : vector<16xi32> to vector<1xi32>
    %squeeze3A_1164 = vector.extract %slice3A_1163[0] : i32 from vector<1xi32>
    %dma_start3A_1165 = arith.constant 1 : i32
    %dma_start3A_1166 = arith.constant 8 : i32
    %dma_start3A_1167 = arith.constant 1 : i32
    %dma_start3A_1168 = arith.constant 0 : i32
    %dma_start3A_1169 = arith.constant 0 : i32
    %dma_start3A_1170 = tpu.memref_slice %arg11[%dma_start3A_1165, %dma_start3A_1166, %dma_start3A_1168, %dma_start3A_1169] : memref<3x16x8x64xf32, #tpu.memory_space<vmem>> -> memref<1x1x8x64xf32, #tpu.memory_space<vmem>>
    %dma_start3A_1171 = tpu.memref_squeeze %dma_start3A_1170 : memref<1x1x8x64xf32, #tpu.memory_space<vmem>> -> memref<8x64xf32, #tpu.memory_space<vmem>>
    %dma_start3A_1172 = arith.constant 0 : i32
    %dma_start3A_1173 = arith.constant 0 : i32
    %dma_start3A_1174 = tpu.memref_slice %arg5[%squeeze3A_1164, %dma_start3A_1172, %dma_start3A_1173] : memref<125000x8x64xf32, #tpu.memory_space<hbm>> -> memref<1x8x64xf32, #tpu.memory_space<hbm>>
    %dma_start3A_1175 = tpu.memref_squeeze %dma_start3A_1174 : memref<1x8x64xf32, #tpu.memory_space<hbm>> -> memref<8x64xf32, #tpu.memory_space<hbm>>
    %dma_start3A_1176 = tpu.memref_slice %arg16[%dma_start3A_1167] : memref<3x!tpu.dma_semaphore, #tpu.memory_space<semaphore_mem>> -> memref<1x!tpu.dma_semaphore, #tpu.memory_space<semaphore_mem>>
    %dma_start3A_1177 = tpu.memref_squeeze %dma_start3A_1176 : memref<1x!tpu.dma_semaphore, #tpu.memory_space<semaphore_mem>> -> memref<!tpu.dma_semaphore, #tpu.memory_space<semaphore_mem>>
    %dma_start3A_1178 = arith.constant 0 : i32
    %dma_start3A_1179 = arith.constant 0 : i32
    %dma_start3A_1180 = tpu.memref_slice %arg11[%dma_start3A_1165, %dma_start3A_1166, %dma_start3A_1178, %dma_start3A_1179] : memref<3x16x8x64xf32, #tpu.memory_space<vmem>> -> memref<1x1x8x64xf32, #tpu.memory_space<vmem>>
    %dma_start3A_1181 = tpu.memref_squeeze %dma_start3A_1180 : memref<1x1x8x64xf32, #tpu.memory_space<vmem>> -> memref<8x64xf32, #tpu.memory_space<vmem>>
    %dma_start3A_1182 = arith.constant 0 : i32
    %dma_start3A_1183 = arith.constant 0 : i32
    %dma_start3A_1184 = tpu.memref_slice %arg5[%squeeze3A_1164, %dma_start3A_1182, %dma_start3A_1183] : memref<125000x8x64xf32, #tpu.memory_space<hbm>> -> memref<1x8x64xf32, #tpu.memory_space<hbm>>
    %dma_start3A_1185 = tpu.memref_squeeze %dma_start3A_1184 : memref<1x8x64xf32, #tpu.memory_space<hbm>> -> memref<8x64xf32, #tpu.memory_space<hbm>>
    tpu.enqueue_dma source(%dma_start3A_1185 : memref<8x64xf32, #tpu.memory_space<hbm>>) target(%dma_start3A_1181 : memref<8x64xf32, #tpu.memory_space<vmem>>) target_semaphore(%dma_start3A_1177 : memref<!tpu.dma_semaphore, #tpu.memory_space<semaphore_mem>>)
    %slice3A_1186 = vector.extract_strided_slice %shift_right_logical3A_794 {offsets = [8], sizes = [1], strides = [1]} : vector<16xi32> to vector<1xi32>
    %squeeze3A_1187 = vector.extract %slice3A_1186[0] : i32 from vector<1xi32>
    %dma_start3A_1188 = arith.constant 1 : i32
    %dma_start3A_1189 = arith.constant 8 : i32
    %dma_start3A_1190 = arith.constant 1 : i32
    %dma_start3A_1191 = arith.constant 0 : i32
    %dma_start3A_1192 = arith.constant 0 : i32
    %dma_start3A_1193 = tpu.memref_slice %arg13[%dma_start3A_1188, %dma_start3A_1189, %dma_start3A_1191, %dma_start3A_1192] : memref<3x16x8x64xf32, #tpu.memory_space<vmem>> -> memref<1x1x8x64xf32, #tpu.memory_space<vmem>>
    %dma_start3A_1194 = tpu.memref_squeeze %dma_start3A_1193 : memref<1x1x8x64xf32, #tpu.memory_space<vmem>> -> memref<8x64xf32, #tpu.memory_space<vmem>>
    %dma_start3A_1195 = arith.constant 0 : i32
    %dma_start3A_1196 = arith.constant 0 : i32
    %dma_start3A_1197 = tpu.memref_slice %arg5[%squeeze3A_1187, %dma_start3A_1195, %dma_start3A_1196] : memref<125000x8x64xf32, #tpu.memory_space<hbm>> -> memref<1x8x64xf32, #tpu.memory_space<hbm>>
    %dma_start3A_1198 = tpu.memref_squeeze %dma_start3A_1197 : memref<1x8x64xf32, #tpu.memory_space<hbm>> -> memref<8x64xf32, #tpu.memory_space<hbm>>
    %dma_start3A_1199 = tpu.memref_slice %arg16[%dma_start3A_1190] : memref<3x!tpu.dma_semaphore, #tpu.memory_space<semaphore_mem>> -> memref<1x!tpu.dma_semaphore, #tpu.memory_space<semaphore_mem>>
    %dma_start3A_1200 = tpu.memref_squeeze %dma_start3A_1199 : memref<1x!tpu.dma_semaphore, #tpu.memory_space<semaphore_mem>> -> memref<!tpu.dma_semaphore, #tpu.memory_space<semaphore_mem>>
    %dma_start3A_1201 = arith.constant 0 : i32
    %dma_start3A_1202 = arith.constant 0 : i32
    %dma_start3A_1203 = tpu.memref_slice %arg13[%dma_start3A_1188, %dma_start3A_1189, %dma_start3A_1201, %dma_start3A_1202] : memref<3x16x8x64xf32, #tpu.memory_space<vmem>> -> memref<1x1x8x64xf32, #tpu.memory_space<vmem>>
    %dma_start3A_1204 = tpu.memref_squeeze %dma_start3A_1203 : memref<1x1x8x64xf32, #tpu.memory_space<vmem>> -> memref<8x64xf32, #tpu.memory_space<vmem>>
    %dma_start3A_1205 = arith.constant 0 : i32
    %dma_start3A_1206 = arith.constant 0 : i32
    %dma_start3A_1207 = tpu.memref_slice %arg5[%squeeze3A_1187, %dma_start3A_1205, %dma_start3A_1206] : memref<125000x8x64xf32, #tpu.memory_space<hbm>> -> memref<1x8x64xf32, #tpu.memory_space<hbm>>
    %dma_start3A_1208 = tpu.memref_squeeze %dma_start3A_1207 : memref<1x8x64xf32, #tpu.memory_space<hbm>> -> memref<8x64xf32, #tpu.memory_space<hbm>>
    tpu.enqueue_dma source(%dma_start3A_1208 : memref<8x64xf32, #tpu.memory_space<hbm>>) target(%dma_start3A_1204 : memref<8x64xf32, #tpu.memory_space<vmem>>) target_semaphore(%dma_start3A_1200 : memref<!tpu.dma_semaphore, #tpu.memory_space<semaphore_mem>>)
    %slice3A_1209 = vector.extract_strided_slice %shift_right_logical3A_787 {offsets = [9], sizes = [1], strides = [1]} : vector<16xi32> to vector<1xi32>
    %squeeze3A_1210 = vector.extract %slice3A_1209[0] : i32 from vector<1xi32>
    %dma_start3A_1211 = arith.constant 1 : i32
    %dma_start3A_1212 = arith.constant 9 : i32
    %dma_start3A_1213 = arith.constant 1 : i32
    %dma_start3A_1214 = arith.constant 0 : i32
    %dma_start3A_1215 = arith.constant 0 : i32
    %dma_start3A_1216 = tpu.memref_slice %arg11[%dma_start3A_1211, %dma_start3A_1212, %dma_start3A_1214, %dma_start3A_1215] : memref<3x16x8x64xf32, #tpu.memory_space<vmem>> -> memref<1x1x8x64xf32, #tpu.memory_space<vmem>>
    %dma_start3A_1217 = tpu.memref_squeeze %dma_start3A_1216 : memref<1x1x8x64xf32, #tpu.memory_space<vmem>> -> memref<8x64xf32, #tpu.memory_space<vmem>>
    %dma_start3A_1218 = arith.constant 0 : i32
    %dma_start3A_1219 = arith.constant 0 : i32
    %dma_start3A_1220 = tpu.memref_slice %arg5[%squeeze3A_1210, %dma_start3A_1218, %dma_start3A_1219] : memref<125000x8x64xf32, #tpu.memory_space<hbm>> -> memref<1x8x64xf32, #tpu.memory_space<hbm>>
    %dma_start3A_1221 = tpu.memref_squeeze %dma_start3A_1220 : memref<1x8x64xf32, #tpu.memory_space<hbm>> -> memref<8x64xf32, #tpu.memory_space<hbm>>
    %dma_start3A_1222 = tpu.memref_slice %arg16[%dma_start3A_1213] : memref<3x!tpu.dma_semaphore, #tpu.memory_space<semaphore_mem>> -> memref<1x!tpu.dma_semaphore, #tpu.memory_space<semaphore_mem>>
    %dma_start3A_1223 = tpu.memref_squeeze %dma_start3A_1222 : memref<1x!tpu.dma_semaphore, #tpu.memory_space<semaphore_mem>> -> memref<!tpu.dma_semaphore, #tpu.memory_space<semaphore_mem>>
    %dma_start3A_1224 = arith.constant 0 : i32
    %dma_start3A_1225 = arith.constant 0 : i32
    %dma_start3A_1226 = tpu.memref_slice %arg11[%dma_start3A_1211, %dma_start3A_1212, %dma_start3A_1224, %dma_start3A_1225] : memref<3x16x8x64xf32, #tpu.memory_space<vmem>> -> memref<1x1x8x64xf32, #tpu.memory_space<vmem>>
    %dma_start3A_1227 = tpu.memref_squeeze %dma_start3A_1226 : memref<1x1x8x64xf32, #tpu.memory_space<vmem>> -> memref<8x64xf32, #tpu.memory_space<vmem>>
    %dma_start3A_1228 = arith.constant 0 : i32
    %dma_start3A_1229 = arith.constant 0 : i32
    %dma_start3A_1230 = tpu.memref_slice %arg5[%squeeze3A_1210, %dma_start3A_1228, %dma_start3A_1229] : memref<125000x8x64xf32, #tpu.memory_space<hbm>> -> memref<1x8x64xf32, #tpu.memory_space<hbm>>
    %dma_start3A_1231 = tpu.memref_squeeze %dma_start3A_1230 : memref<1x8x64xf32, #tpu.memory_space<hbm>> -> memref<8x64xf32, #tpu.memory_space<hbm>>
    tpu.enqueue_dma source(%dma_start3A_1231 : memref<8x64xf32, #tpu.memory_space<hbm>>) target(%dma_start3A_1227 : memref<8x64xf32, #tpu.memory_space<vmem>>) target_semaphore(%dma_start3A_1223 : memref<!tpu.dma_semaphore, #tpu.memory_space<semaphore_mem>>)
    %slice3A_1232 = vector.extract_strided_slice %shift_right_logical3A_794 {offsets = [9], sizes = [1], strides = [1]} : vector<16xi32> to vector<1xi32>
    %squeeze3A_1233 = vector.extract %slice3A_1232[0] : i32 from vector<1xi32>
    %dma_start3A_1234 = arith.constant 1 : i32
    %dma_start3A_1235 = arith.constant 9 : i32
    %dma_start3A_1236 = arith.constant 1 : i32
    %dma_start3A_1237 = arith.constant 0 : i32
    %dma_start3A_1238 = arith.constant 0 : i32
    %dma_start3A_1239 = tpu.memref_slice %arg13[%dma_start3A_1234, %dma_start3A_1235, %dma_start3A_1237, %dma_start3A_1238] : memref<3x16x8x64xf32, #tpu.memory_space<vmem>> -> memref<1x1x8x64xf32, #tpu.memory_space<vmem>>
    %dma_start3A_1240 = tpu.memref_squeeze %dma_start3A_1239 : memref<1x1x8x64xf32, #tpu.memory_space<vmem>> -> memref<8x64xf32, #tpu.memory_space<vmem>>
    %dma_start3A_1241 = arith.constant 0 : i32
    %dma_start3A_1242 = arith.constant 0 : i32
    %dma_start3A_1243 = tpu.memref_slice %arg5[%squeeze3A_1233, %dma_start3A_1241, %dma_start3A_1242] : memref<125000x8x64xf32, #tpu.memory_space<hbm>> -> memref<1x8x64xf32, #tpu.memory_space<hbm>>
    %dma_start3A_1244 = tpu.memref_squeeze %dma_start3A_1243 : memref<1x8x64xf32, #tpu.memory_space<hbm>> -> memref<8x64xf32, #tpu.memory_space<hbm>>
    %dma_start3A_1245 = tpu.memref_slice %arg16[%dma_start3A_1236] : memref<3x!tpu.dma_semaphore, #tpu.memory_space<semaphore_mem>> -> memref<1x!tpu.dma_semaphore, #tpu.memory_space<semaphore_mem>>
    %dma_start3A_1246 = tpu.memref_squeeze %dma_start3A_1245 : memref<1x!tpu.dma_semaphore, #tpu.memory_space<semaphore_mem>> -> memref<!tpu.dma_semaphore, #tpu.memory_space<semaphore_mem>>
    %dma_start3A_1247 = arith.constant 0 : i32
    %dma_start3A_1248 = arith.constant 0 : i32
    %dma_start3A_1249 = tpu.memref_slice %arg13[%dma_start3A_1234, %dma_start3A_1235, %dma_start3A_1247, %dma_start3A_1248] : memref<3x16x8x64xf32, #tpu.memory_space<vmem>> -> memref<1x1x8x64xf32, #tpu.memory_space<vmem>>
    %dma_start3A_1250 = tpu.memref_squeeze %dma_start3A_1249 : memref<1x1x8x64xf32, #tpu.memory_space<vmem>> -> memref<8x64xf32, #tpu.memory_space<vmem>>
    %dma_start3A_1251 = arith.constant 0 : i32
    %dma_start3A_1252 = arith.constant 0 : i32
    %dma_start3A_1253 = tpu.memref_slice %arg5[%squeeze3A_1233, %dma_start3A_1251, %dma_start3A_1252] : memref<125000x8x64xf32, #tpu.memory_space<hbm>> -> memref<1x8x64xf32, #tpu.memory_space<hbm>>
    %dma_start3A_1254 = tpu.memref_squeeze %dma_start3A_1253 : memref<1x8x64xf32, #tpu.memory_space<hbm>> -> memref<8x64xf32, #tpu.memory_space<hbm>>
    tpu.enqueue_dma source(%dma_start3A_1254 : memref<8x64xf32, #tpu.memory_space<hbm>>) target(%dma_start3A_1250 : memref<8x64xf32, #tpu.memory_space<vmem>>) target_semaphore(%dma_start3A_1246 : memref<!tpu.dma_semaphore, #tpu.memory_space<semaphore_mem>>)
    %slice3A_1255 = vector.extract_strided_slice %shift_right_logical3A_787 {offsets = [10], sizes = [1], strides = [1]} : vector<16xi32> to vector<1xi32>
    %squeeze3A_1256 = vector.extract %slice3A_1255[0] : i32 from vector<1xi32>
    %dma_start3A_1257 = arith.constant 1 : i32
    %dma_start3A_1258 = arith.constant 10 : i32
    %dma_start3A_1259 = arith.constant 1 : i32
    %dma_start3A_1260 = arith.constant 0 : i32
    %dma_start3A_1261 = arith.constant 0 : i32
    %dma_start3A_1262 = tpu.memref_slice %arg11[%dma_start3A_1257, %dma_start3A_1258, %dma_start3A_1260, %dma_start3A_1261] : memref<3x16x8x64xf32, #tpu.memory_space<vmem>> -> memref<1x1x8x64xf32, #tpu.memory_space<vmem>>
    %dma_start3A_1263 = tpu.memref_squeeze %dma_start3A_1262 : memref<1x1x8x64xf32, #tpu.memory_space<vmem>> -> memref<8x64xf32, #tpu.memory_space<vmem>>
    %dma_start3A_1264 = arith.constant 0 : i32
    %dma_start3A_1265 = arith.constant 0 : i32
    %dma_start3A_1266 = tpu.memref_slice %arg5[%squeeze3A_1256, %dma_start3A_1264, %dma_start3A_1265] : memref<125000x8x64xf32, #tpu.memory_space<hbm>> -> memref<1x8x64xf32, #tpu.memory_space<hbm>>
    %dma_start3A_1267 = tpu.memref_squeeze %dma_start3A_1266 : memref<1x8x64xf32, #tpu.memory_space<hbm>> -> memref<8x64xf32, #tpu.memory_space<hbm>>
    %dma_start3A_1268 = tpu.memref_slice %arg16[%dma_start3A_1259] : memref<3x!tpu.dma_semaphore, #tpu.memory_space<semaphore_mem>> -> memref<1x!tpu.dma_semaphore, #tpu.memory_space<semaphore_mem>>
    %dma_start3A_1269 = tpu.memref_squeeze %dma_start3A_1268 : memref<1x!tpu.dma_semaphore, #tpu.memory_space<semaphore_mem>> -> memref<!tpu.dma_semaphore, #tpu.memory_space<semaphore_mem>>
    %dma_start3A_1270 = arith.constant 0 : i32
    %dma_start3A_1271 = arith.constant 0 : i32
    %dma_start3A_1272 = tpu.memref_slice %arg11[%dma_start3A_1257, %dma_start3A_1258, %dma_start3A_1270, %dma_start3A_1271] : memref<3x16x8x64xf32, #tpu.memory_space<vmem>> -> memref<1x1x8x64xf32, #tpu.memory_space<vmem>>
    %dma_start3A_1273 = tpu.memref_squeeze %dma_start3A_1272 : memref<1x1x8x64xf32, #tpu.memory_space<vmem>> -> memref<8x64xf32, #tpu.memory_space<vmem>>
    %dma_start3A_1274 = arith.constant 0 : i32
    %dma_start3A_1275 = arith.constant 0 : i32
    %dma_start3A_1276 = tpu.memref_slice %arg5[%squeeze3A_1256, %dma_start3A_1274, %dma_start3A_1275] : memref<125000x8x64xf32, #tpu.memory_space<hbm>> -> memref<1x8x64xf32, #tpu.memory_space<hbm>>
    %dma_start3A_1277 = tpu.memref_squeeze %dma_start3A_1276 : memref<1x8x64xf32, #tpu.memory_space<hbm>> -> memref<8x64xf32, #tpu.memory_space<hbm>>
    tpu.enqueue_dma source(%dma_start3A_1277 : memref<8x64xf32, #tpu.memory_space<hbm>>) target(%dma_start3A_1273 : memref<8x64xf32, #tpu.memory_space<vmem>>) target_semaphore(%dma_start3A_1269 : memref<!tpu.dma_semaphore, #tpu.memory_space<semaphore_mem>>)
    %slice3A_1278 = vector.extract_strided_slice %shift_right_logical3A_794 {offsets = [10], sizes = [1], strides = [1]} : vector<16xi32> to vector<1xi32>
    %squeeze3A_1279 = vector.extract %slice3A_1278[0] : i32 from vector<1xi32>
    %dma_start3A_1280 = arith.constant 1 : i32
    %dma_start3A_1281 = arith.constant 10 : i32
    %dma_start3A_1282 = arith.constant 1 : i32
    %dma_start3A_1283 = arith.constant 0 : i32
    %dma_start3A_1284 = arith.constant 0 : i32
    %dma_start3A_1285 = tpu.memref_slice %arg13[%dma_start3A_1280, %dma_start3A_1281, %dma_start3A_1283, %dma_start3A_1284] : memref<3x16x8x64xf32, #tpu.memory_space<vmem>> -> memref<1x1x8x64xf32, #tpu.memory_space<vmem>>
    %dma_start3A_1286 = tpu.memref_squeeze %dma_start3A_1285 : memref<1x1x8x64xf32, #tpu.memory_space<vmem>> -> memref<8x64xf32, #tpu.memory_space<vmem>>
    %dma_start3A_1287 = arith.constant 0 : i32
    %dma_start3A_1288 = arith.constant 0 : i32
    %dma_start3A_1289 = tpu.memref_slice %arg5[%squeeze3A_1279, %dma_start3A_1287, %dma_start3A_1288] : memref<125000x8x64xf32, #tpu.memory_space<hbm>> -> memref<1x8x64xf32, #tpu.memory_space<hbm>>
    %dma_start3A_1290 = tpu.memref_squeeze %dma_start3A_1289 : memref<1x8x64xf32, #tpu.memory_space<hbm>> -> memref<8x64xf32, #tpu.memory_space<hbm>>
    %dma_start3A_1291 = tpu.memref_slice %arg16[%dma_start3A_1282] : memref<3x!tpu.dma_semaphore, #tpu.memory_space<semaphore_mem>> -> memref<1x!tpu.dma_semaphore, #tpu.memory_space<semaphore_mem>>
    %dma_start3A_1292 = tpu.memref_squeeze %dma_start3A_1291 : memref<1x!tpu.dma_semaphore, #tpu.memory_space<semaphore_mem>> -> memref<!tpu.dma_semaphore, #tpu.memory_space<semaphore_mem>>
    %dma_start3A_1293 = arith.constant 0 : i32
    %dma_start3A_1294 = arith.constant 0 : i32
    %dma_start3A_1295 = tpu.memref_slice %arg13[%dma_start3A_1280, %dma_start3A_1281, %dma_start3A_1293, %dma_start3A_1294] : memref<3x16x8x64xf32, #tpu.memory_space<vmem>> -> memref<1x1x8x64xf32, #tpu.memory_space<vmem>>
    %dma_start3A_1296 = tpu.memref_squeeze %dma_start3A_1295 : memref<1x1x8x64xf32, #tpu.memory_space<vmem>> -> memref<8x64xf32, #tpu.memory_space<vmem>>
    %dma_start3A_1297 = arith.constant 0 : i32
    %dma_start3A_1298 = arith.constant 0 : i32
    %dma_start3A_1299 = tpu.memref_slice %arg5[%squeeze3A_1279, %dma_start3A_1297, %dma_start3A_1298] : memref<125000x8x64xf32, #tpu.memory_space<hbm>> -> memref<1x8x64xf32, #tpu.memory_space<hbm>>
    %dma_start3A_1300 = tpu.memref_squeeze %dma_start3A_1299 : memref<1x8x64xf32, #tpu.memory_space<hbm>> -> memref<8x64xf32, #tpu.memory_space<hbm>>
    tpu.enqueue_dma source(%dma_start3A_1300 : memref<8x64xf32, #tpu.memory_space<hbm>>) target(%dma_start3A_1296 : memref<8x64xf32, #tpu.memory_space<vmem>>) target_semaphore(%dma_start3A_1292 : memref<!tpu.dma_semaphore, #tpu.memory_space<semaphore_mem>>)
    %slice3A_1301 = vector.extract_strided_slice %shift_right_logical3A_787 {offsets = [11], sizes = [1], strides = [1]} : vector<16xi32> to vector<1xi32>
    %squeeze3A_1302 = vector.extract %slice3A_1301[0] : i32 from vector<1xi32>
    %dma_start3A_1303 = arith.constant 1 : i32
    %dma_start3A_1304 = arith.constant 11 : i32
    %dma_start3A_1305 = arith.constant 1 : i32
    %dma_start3A_1306 = arith.constant 0 : i32
    %dma_start3A_1307 = arith.constant 0 : i32
    %dma_start3A_1308 = tpu.memref_slice %arg11[%dma_start3A_1303, %dma_start3A_1304, %dma_start3A_1306, %dma_start3A_1307] : memref<3x16x8x64xf32, #tpu.memory_space<vmem>> -> memref<1x1x8x64xf32, #tpu.memory_space<vmem>>
    %dma_start3A_1309 = tpu.memref_squeeze %dma_start3A_1308 : memref<1x1x8x64xf32, #tpu.memory_space<vmem>> -> memref<8x64xf32, #tpu.memory_space<vmem>>
    %dma_start3A_1310 = arith.constant 0 : i32
    %dma_start3A_1311 = arith.constant 0 : i32
    %dma_start3A_1312 = tpu.memref_slice %arg5[%squeeze3A_1302, %dma_start3A_1310, %dma_start3A_1311] : memref<125000x8x64xf32, #tpu.memory_space<hbm>> -> memref<1x8x64xf32, #tpu.memory_space<hbm>>
    %dma_start3A_1313 = tpu.memref_squeeze %dma_start3A_1312 : memref<1x8x64xf32, #tpu.memory_space<hbm>> -> memref<8x64xf32, #tpu.memory_space<hbm>>
    %dma_start3A_1314 = tpu.memref_slice %arg16[%dma_start3A_1305] : memref<3x!tpu.dma_semaphore, #tpu.memory_space<semaphore_mem>> -> memref<1x!tpu.dma_semaphore, #tpu.memory_space<semaphore_mem>>
    %dma_start3A_1315 = tpu.memref_squeeze %dma_start3A_1314 : memref<1x!tpu.dma_semaphore, #tpu.memory_space<semaphore_mem>> -> memref<!tpu.dma_semaphore, #tpu.memory_space<semaphore_mem>>
    %dma_start3A_1316 = arith.constant 0 : i32
    %dma_start3A_1317 = arith.constant 0 : i32
    %dma_start3A_1318 = tpu.memref_slice %arg11[%dma_start3A_1303, %dma_start3A_1304, %dma_start3A_1316, %dma_start3A_1317] : memref<3x16x8x64xf32, #tpu.memory_space<vmem>> -> memref<1x1x8x64xf32, #tpu.memory_space<vmem>>
    %dma_start3A_1319 = tpu.memref_squeeze %dma_start3A_1318 : memref<1x1x8x64xf32, #tpu.memory_space<vmem>> -> memref<8x64xf32, #tpu.memory_space<vmem>>
    %dma_start3A_1320 = arith.constant 0 : i32
    %dma_start3A_1321 = arith.constant 0 : i32
    %dma_start3A_1322 = tpu.memref_slice %arg5[%squeeze3A_1302, %dma_start3A_1320, %dma_start3A_1321] : memref<125000x8x64xf32, #tpu.memory_space<hbm>> -> memref<1x8x64xf32, #tpu.memory_space<hbm>>
    %dma_start3A_1323 = tpu.memref_squeeze %dma_start3A_1322 : memref<1x8x64xf32, #tpu.memory_space<hbm>> -> memref<8x64xf32, #tpu.memory_space<hbm>>
    tpu.enqueue_dma source(%dma_start3A_1323 : memref<8x64xf32, #tpu.memory_space<hbm>>) target(%dma_start3A_1319 : memref<8x64xf32, #tpu.memory_space<vmem>>) target_semaphore(%dma_start3A_1315 : memref<!tpu.dma_semaphore, #tpu.memory_space<semaphore_mem>>)
    %slice3A_1324 = vector.extract_strided_slice %shift_right_logical3A_794 {offsets = [11], sizes = [1], strides = [1]} : vector<16xi32> to vector<1xi32>
    %squeeze3A_1325 = vector.extract %slice3A_1324[0] : i32 from vector<1xi32>
    %dma_start3A_1326 = arith.constant 1 : i32
    %dma_start3A_1327 = arith.constant 11 : i32
    %dma_start3A_1328 = arith.constant 1 : i32
    %dma_start3A_1329 = arith.constant 0 : i32
    %dma_start3A_1330 = arith.constant 0 : i32
    %dma_start3A_1331 = tpu.memref_slice %arg13[%dma_start3A_1326, %dma_start3A_1327, %dma_start3A_1329, %dma_start3A_1330] : memref<3x16x8x64xf32, #tpu.memory_space<vmem>> -> memref<1x1x8x64xf32, #tpu.memory_space<vmem>>
    %dma_start3A_1332 = tpu.memref_squeeze %dma_start3A_1331 : memref<1x1x8x64xf32, #tpu.memory_space<vmem>> -> memref<8x64xf32, #tpu.memory_space<vmem>>
    %dma_start3A_1333 = arith.constant 0 : i32
    %dma_start3A_1334 = arith.constant 0 : i32
    %dma_start3A_1335 = tpu.memref_slice %arg5[%squeeze3A_1325, %dma_start3A_1333, %dma_start3A_1334] : memref<125000x8x64xf32, #tpu.memory_space<hbm>> -> memref<1x8x64xf32, #tpu.memory_space<hbm>>
    %dma_start3A_1336 = tpu.memref_squeeze %dma_start3A_1335 : memref<1x8x64xf32, #tpu.memory_space<hbm>> -> memref<8x64xf32, #tpu.memory_space<hbm>>
    %dma_start3A_1337 = tpu.memref_slice %arg16[%dma_start3A_1328] : memref<3x!tpu.dma_semaphore, #tpu.memory_space<semaphore_mem>> -> memref<1x!tpu.dma_semaphore, #tpu.memory_space<semaphore_mem>>
    %dma_start3A_1338 = tpu.memref_squeeze %dma_start3A_1337 : memref<1x!tpu.dma_semaphore, #tpu.memory_space<semaphore_mem>> -> memref<!tpu.dma_semaphore, #tpu.memory_space<semaphore_mem>>
    %dma_start3A_1339 = arith.constant 0 : i32
    %dma_start3A_1340 = arith.constant 0 : i32
    %dma_start3A_1341 = tpu.memref_slice %arg13[%dma_start3A_1326, %dma_start3A_1327, %dma_start3A_1339, %dma_start3A_1340] : memref<3x16x8x64xf32, #tpu.memory_space<vmem>> -> memref<1x1x8x64xf32, #tpu.memory_space<vmem>>
    %dma_start3A_1342 = tpu.memref_squeeze %dma_start3A_1341 : memref<1x1x8x64xf32, #tpu.memory_space<vmem>> -> memref<8x64xf32, #tpu.memory_space<vmem>>
    %dma_start3A_1343 = arith.constant 0 : i32
    %dma_start3A_1344 = arith.constant 0 : i32
    %dma_start3A_1345 = tpu.memref_slice %arg5[%squeeze3A_1325, %dma_start3A_1343, %dma_start3A_1344] : memref<125000x8x64xf32, #tpu.memory_space<hbm>> -> memref<1x8x64xf32, #tpu.memory_space<hbm>>
    %dma_start3A_1346 = tpu.memref_squeeze %dma_start3A_1345 : memref<1x8x64xf32, #tpu.memory_space<hbm>> -> memref<8x64xf32, #tpu.memory_space<hbm>>
    tpu.enqueue_dma source(%dma_start3A_1346 : memref<8x64xf32, #tpu.memory_space<hbm>>) target(%dma_start3A_1342 : memref<8x64xf32, #tpu.memory_space<vmem>>) target_semaphore(%dma_start3A_1338 : memref<!tpu.dma_semaphore, #tpu.memory_space<semaphore_mem>>)
    %slice3A_1347 = vector.extract_strided_slice %shift_right_logical3A_787 {offsets = [12], sizes = [1], strides = [1]} : vector<16xi32> to vector<1xi32>
    %squeeze3A_1348 = vector.extract %slice3A_1347[0] : i32 from vector<1xi32>
    %dma_start3A_1349 = arith.constant 1 : i32
    %dma_start3A_1350 = arith.constant 12 : i32
    %dma_start3A_1351 = arith.constant 1 : i32
    %dma_start3A_1352 = arith.constant 0 : i32
    %dma_start3A_1353 = arith.constant 0 : i32
    %dma_start3A_1354 = tpu.memref_slice %arg11[%dma_start3A_1349, %dma_start3A_1350, %dma_start3A_1352, %dma_start3A_1353] : memref<3x16x8x64xf32, #tpu.memory_space<vmem>> -> memref<1x1x8x64xf32, #tpu.memory_space<vmem>>
    %dma_start3A_1355 = tpu.memref_squeeze %dma_start3A_1354 : memref<1x1x8x64xf32, #tpu.memory_space<vmem>> -> memref<8x64xf32, #tpu.memory_space<vmem>>
    %dma_start3A_1356 = arith.constant 0 : i32
    %dma_start3A_1357 = arith.constant 0 : i32
    %dma_start3A_1358 = tpu.memref_slice %arg5[%squeeze3A_1348, %dma_start3A_1356, %dma_start3A_1357] : memref<125000x8x64xf32, #tpu.memory_space<hbm>> -> memref<1x8x64xf32, #tpu.memory_space<hbm>>
    %dma_start3A_1359 = tpu.memref_squeeze %dma_start3A_1358 : memref<1x8x64xf32, #tpu.memory_space<hbm>> -> memref<8x64xf32, #tpu.memory_space<hbm>>
    %dma_start3A_1360 = tpu.memref_slice %arg16[%dma_start3A_1351] : memref<3x!tpu.dma_semaphore, #tpu.memory_space<semaphore_mem>> -> memref<1x!tpu.dma_semaphore, #tpu.memory_space<semaphore_mem>>
    %dma_start3A_1361 = tpu.memref_squeeze %dma_start3A_1360 : memref<1x!tpu.dma_semaphore, #tpu.memory_space<semaphore_mem>> -> memref<!tpu.dma_semaphore, #tpu.memory_space<semaphore_mem>>
    %dma_start3A_1362 = arith.constant 0 : i32
    %dma_start3A_1363 = arith.constant 0 : i32
    %dma_start3A_1364 = tpu.memref_slice %arg11[%dma_start3A_1349, %dma_start3A_1350, %dma_start3A_1362, %dma_start3A_1363] : memref<3x16x8x64xf32, #tpu.memory_space<vmem>> -> memref<1x1x8x64xf32, #tpu.memory_space<vmem>>
    %dma_start3A_1365 = tpu.memref_squeeze %dma_start3A_1364 : memref<1x1x8x64xf32, #tpu.memory_space<vmem>> -> memref<8x64xf32, #tpu.memory_space<vmem>>
    %dma_start3A_1366 = arith.constant 0 : i32
    %dma_start3A_1367 = arith.constant 0 : i32
    %dma_start3A_1368 = tpu.memref_slice %arg5[%squeeze3A_1348, %dma_start3A_1366, %dma_start3A_1367] : memref<125000x8x64xf32, #tpu.memory_space<hbm>> -> memref<1x8x64xf32, #tpu.memory_space<hbm>>
    %dma_start3A_1369 = tpu.memref_squeeze %dma_start3A_1368 : memref<1x8x64xf32, #tpu.memory_space<hbm>> -> memref<8x64xf32, #tpu.memory_space<hbm>>
    tpu.enqueue_dma source(%dma_start3A_1369 : memref<8x64xf32, #tpu.memory_space<hbm>>) target(%dma_start3A_1365 : memref<8x64xf32, #tpu.memory_space<vmem>>) target_semaphore(%dma_start3A_1361 : memref<!tpu.dma_semaphore, #tpu.memory_space<semaphore_mem>>)
    %slice3A_1370 = vector.extract_strided_slice %shift_right_logical3A_794 {offsets = [12], sizes = [1], strides = [1]} : vector<16xi32> to vector<1xi32>
    %squeeze3A_1371 = vector.extract %slice3A_1370[0] : i32 from vector<1xi32>
    %dma_start3A_1372 = arith.constant 1 : i32
    %dma_start3A_1373 = arith.constant 12 : i32
    %dma_start3A_1374 = arith.constant 1 : i32
    %dma_start3A_1375 = arith.constant 0 : i32
    %dma_start3A_1376 = arith.constant 0 : i32
    %dma_start3A_1377 = tpu.memref_slice %arg13[%dma_start3A_1372, %dma_start3A_1373, %dma_start3A_1375, %dma_start3A_1376] : memref<3x16x8x64xf32, #tpu.memory_space<vmem>> -> memref<1x1x8x64xf32, #tpu.memory_space<vmem>>
    %dma_start3A_1378 = tpu.memref_squeeze %dma_start3A_1377 : memref<1x1x8x64xf32, #tpu.memory_space<vmem>> -> memref<8x64xf32, #tpu.memory_space<vmem>>
    %dma_start3A_1379 = arith.constant 0 : i32
    %dma_start3A_1380 = arith.constant 0 : i32
    %dma_start3A_1381 = tpu.memref_slice %arg5[%squeeze3A_1371, %dma_start3A_1379, %dma_start3A_1380] : memref<125000x8x64xf32, #tpu.memory_space<hbm>> -> memref<1x8x64xf32, #tpu.memory_space<hbm>>
    %dma_start3A_1382 = tpu.memref_squeeze %dma_start3A_1381 : memref<1x8x64xf32, #tpu.memory_space<hbm>> -> memref<8x64xf32, #tpu.memory_space<hbm>>
    %dma_start3A_1383 = tpu.memref_slice %arg16[%dma_start3A_1374] : memref<3x!tpu.dma_semaphore, #tpu.memory_space<semaphore_mem>> -> memref<1x!tpu.dma_semaphore, #tpu.memory_space<semaphore_mem>>
    %dma_start3A_1384 = tpu.memref_squeeze %dma_start3A_1383 : memref<1x!tpu.dma_semaphore, #tpu.memory_space<semaphore_mem>> -> memref<!tpu.dma_semaphore, #tpu.memory_space<semaphore_mem>>
    %dma_start3A_1385 = arith.constant 0 : i32
    %dma_start3A_1386 = arith.constant 0 : i32
    %dma_start3A_1387 = tpu.memref_slice %arg13[%dma_start3A_1372, %dma_start3A_1373, %dma_start3A_1385, %dma_start3A_1386] : memref<3x16x8x64xf32, #tpu.memory_space<vmem>> -> memref<1x1x8x64xf32, #tpu.memory_space<vmem>>
    %dma_start3A_1388 = tpu.memref_squeeze %dma_start3A_1387 : memref<1x1x8x64xf32, #tpu.memory_space<vmem>> -> memref<8x64xf32, #tpu.memory_space<vmem>>
    %dma_start3A_1389 = arith.constant 0 : i32
    %dma_start3A_1390 = arith.constant 0 : i32
    %dma_start3A_1391 = tpu.memref_slice %arg5[%squeeze3A_1371, %dma_start3A_1389, %dma_start3A_1390] : memref<125000x8x64xf32, #tpu.memory_space<hbm>> -> memref<1x8x64xf32, #tpu.memory_space<hbm>>
    %dma_start3A_1392 = tpu.memref_squeeze %dma_start3A_1391 : memref<1x8x64xf32, #tpu.memory_space<hbm>> -> memref<8x64xf32, #tpu.memory_space<hbm>>
    tpu.enqueue_dma source(%dma_start3A_1392 : memref<8x64xf32, #tpu.memory_space<hbm>>) target(%dma_start3A_1388 : memref<8x64xf32, #tpu.memory_space<vmem>>) target_semaphore(%dma_start3A_1384 : memref<!tpu.dma_semaphore, #tpu.memory_space<semaphore_mem>>)
    %slice3A_1393 = vector.extract_strided_slice %shift_right_logical3A_787 {offsets = [13], sizes = [1], strides = [1]} : vector<16xi32> to vector<1xi32>
    %squeeze3A_1394 = vector.extract %slice3A_1393[0] : i32 from vector<1xi32>
    %dma_start3A_1395 = arith.constant 1 : i32
    %dma_start3A_1396 = arith.constant 13 : i32
    %dma_start3A_1397 = arith.constant 1 : i32
    %dma_start3A_1398 = arith.constant 0 : i32
    %dma_start3A_1399 = arith.constant 0 : i32
    %dma_start3A_1400 = tpu.memref_slice %arg11[%dma_start3A_1395, %dma_start3A_1396, %dma_start3A_1398, %dma_start3A_1399] : memref<3x16x8x64xf32, #tpu.memory_space<vmem>> -> memref<1x1x8x64xf32, #tpu.memory_space<vmem>>
    %dma_start3A_1401 = tpu.memref_squeeze %dma_start3A_1400 : memref<1x1x8x64xf32, #tpu.memory_space<vmem>> -> memref<8x64xf32, #tpu.memory_space<vmem>>
    %dma_start3A_1402 = arith.constant 0 : i32
    %dma_start3A_1403 = arith.constant 0 : i32
    %dma_start3A_1404 = tpu.memref_slice %arg5[%squeeze3A_1394, %dma_start3A_1402, %dma_start3A_1403] : memref<125000x8x64xf32, #tpu.memory_space<hbm>> -> memref<1x8x64xf32, #tpu.memory_space<hbm>>
    %dma_start3A_1405 = tpu.memref_squeeze %dma_start3A_1404 : memref<1x8x64xf32, #tpu.memory_space<hbm>> -> memref<8x64xf32, #tpu.memory_space<hbm>>
    %dma_start3A_1406 = tpu.memref_slice %arg16[%dma_start3A_1397] : memref<3x!tpu.dma_semaphore, #tpu.memory_space<semaphore_mem>> -> memref<1x!tpu.dma_semaphore, #tpu.memory_space<semaphore_mem>>
    %dma_start3A_1407 = tpu.memref_squeeze %dma_start3A_1406 : memref<1x!tpu.dma_semaphore, #tpu.memory_space<semaphore_mem>> -> memref<!tpu.dma_semaphore, #tpu.memory_space<semaphore_mem>>
    %dma_start3A_1408 = arith.constant 0 : i32
    %dma_start3A_1409 = arith.constant 0 : i32
    %dma_start3A_1410 = tpu.memref_slice %arg11[%dma_start3A_1395, %dma_start3A_1396, %dma_start3A_1408, %dma_start3A_1409] : memref<3x16x8x64xf32, #tpu.memory_space<vmem>> -> memref<1x1x8x64xf32, #tpu.memory_space<vmem>>
    %dma_start3A_1411 = tpu.memref_squeeze %dma_start3A_1410 : memref<1x1x8x64xf32, #tpu.memory_space<vmem>> -> memref<8x64xf32, #tpu.memory_space<vmem>>
    %dma_start3A_1412 = arith.constant 0 : i32
    %dma_start3A_1413 = arith.constant 0 : i32
    %dma_start3A_1414 = tpu.memref_slice %arg5[%squeeze3A_1394, %dma_start3A_1412, %dma_start3A_1413] : memref<125000x8x64xf32, #tpu.memory_space<hbm>> -> memref<1x8x64xf32, #tpu.memory_space<hbm>>
    %dma_start3A_1415 = tpu.memref_squeeze %dma_start3A_1414 : memref<1x8x64xf32, #tpu.memory_space<hbm>> -> memref<8x64xf32, #tpu.memory_space<hbm>>
    tpu.enqueue_dma source(%dma_start3A_1415 : memref<8x64xf32, #tpu.memory_space<hbm>>) target(%dma_start3A_1411 : memref<8x64xf32, #tpu.memory_space<vmem>>) target_semaphore(%dma_start3A_1407 : memref<!tpu.dma_semaphore, #tpu.memory_space<semaphore_mem>>)
    %slice3A_1416 = vector.extract_strided_slice %shift_right_logical3A_794 {offsets = [13], sizes = [1], strides = [1]} : vector<16xi32> to vector<1xi32>
    %squeeze3A_1417 = vector.extract %slice3A_1416[0] : i32 from vector<1xi32>
    %dma_start3A_1418 = arith.constant 1 : i32
    %dma_start3A_1419 = arith.constant 13 : i32
    %dma_start3A_1420 = arith.constant 1 : i32
    %dma_start3A_1421 = arith.constant 0 : i32
    %dma_start3A_1422 = arith.constant 0 : i32
    %dma_start3A_1423 = tpu.memref_slice %arg13[%dma_start3A_1418, %dma_start3A_1419, %dma_start3A_1421, %dma_start3A_1422] : memref<3x16x8x64xf32, #tpu.memory_space<vmem>> -> memref<1x1x8x64xf32, #tpu.memory_space<vmem>>
    %dma_start3A_1424 = tpu.memref_squeeze %dma_start3A_1423 : memref<1x1x8x64xf32, #tpu.memory_space<vmem>> -> memref<8x64xf32, #tpu.memory_space<vmem>>
    %dma_start3A_1425 = arith.constant 0 : i32
    %dma_start3A_1426 = arith.constant 0 : i32
    %dma_start3A_1427 = tpu.memref_slice %arg5[%squeeze3A_1417, %dma_start3A_1425, %dma_start3A_1426] : memref<125000x8x64xf32, #tpu.memory_space<hbm>> -> memref<1x8x64xf32, #tpu.memory_space<hbm>>
    %dma_start3A_1428 = tpu.memref_squeeze %dma_start3A_1427 : memref<1x8x64xf32, #tpu.memory_space<hbm>> -> memref<8x64xf32, #tpu.memory_space<hbm>>
    %dma_start3A_1429 = tpu.memref_slice %arg16[%dma_start3A_1420] : memref<3x!tpu.dma_semaphore, #tpu.memory_space<semaphore_mem>> -> memref<1x!tpu.dma_semaphore, #tpu.memory_space<semaphore_mem>>
    %dma_start3A_1430 = tpu.memref_squeeze %dma_start3A_1429 : memref<1x!tpu.dma_semaphore, #tpu.memory_space<semaphore_mem>> -> memref<!tpu.dma_semaphore, #tpu.memory_space<semaphore_mem>>
    %dma_start3A_1431 = arith.constant 0 : i32
    %dma_start3A_1432 = arith.constant 0 : i32
    %dma_start3A_1433 = tpu.memref_slice %arg13[%dma_start3A_1418, %dma_start3A_1419, %dma_start3A_1431, %dma_start3A_1432] : memref<3x16x8x64xf32, #tpu.memory_space<vmem>> -> memref<1x1x8x64xf32, #tpu.memory_space<vmem>>
    %dma_start3A_1434 = tpu.memref_squeeze %dma_start3A_1433 : memref<1x1x8x64xf32, #tpu.memory_space<vmem>> -> memref<8x64xf32, #tpu.memory_space<vmem>>
    %dma_start3A_1435 = arith.constant 0 : i32
    %dma_start3A_1436 = arith.constant 0 : i32
    %dma_start3A_1437 = tpu.memref_slice %arg5[%squeeze3A_1417, %dma_start3A_1435, %dma_start3A_1436] : memref<125000x8x64xf32, #tpu.memory_space<hbm>> -> memref<1x8x64xf32, #tpu.memory_space<hbm>>
    %dma_start3A_1438 = tpu.memref_squeeze %dma_start3A_1437 : memref<1x8x64xf32, #tpu.memory_space<hbm>> -> memref<8x64xf32, #tpu.memory_space<hbm>>
    tpu.enqueue_dma source(%dma_start3A_1438 : memref<8x64xf32, #tpu.memory_space<hbm>>) target(%dma_start3A_1434 : memref<8x64xf32, #tpu.memory_space<vmem>>) target_semaphore(%dma_start3A_1430 : memref<!tpu.dma_semaphore, #tpu.memory_space<semaphore_mem>>)
    %slice3A_1439 = vector.extract_strided_slice %shift_right_logical3A_787 {offsets = [14], sizes = [1], strides = [1]} : vector<16xi32> to vector<1xi32>
    %squeeze3A_1440 = vector.extract %slice3A_1439[0] : i32 from vector<1xi32>
    %dma_start3A_1441 = arith.constant 1 : i32
    %dma_start3A_1442 = arith.constant 14 : i32
    %dma_start3A_1443 = arith.constant 1 : i32
    %dma_start3A_1444 = arith.constant 0 : i32
    %dma_start3A_1445 = arith.constant 0 : i32
    %dma_start3A_1446 = tpu.memref_slice %arg11[%dma_start3A_1441, %dma_start3A_1442, %dma_start3A_1444, %dma_start3A_1445] : memref<3x16x8x64xf32, #tpu.memory_space<vmem>> -> memref<1x1x8x64xf32, #tpu.memory_space<vmem>>
    %dma_start3A_1447 = tpu.memref_squeeze %dma_start3A_1446 : memref<1x1x8x64xf32, #tpu.memory_space<vmem>> -> memref<8x64xf32, #tpu.memory_space<vmem>>
    %dma_start3A_1448 = arith.constant 0 : i32
    %dma_start3A_1449 = arith.constant 0 : i32
    %dma_start3A_1450 = tpu.memref_slice %arg5[%squeeze3A_1440, %dma_start3A_1448, %dma_start3A_1449] : memref<125000x8x64xf32, #tpu.memory_space<hbm>> -> memref<1x8x64xf32, #tpu.memory_space<hbm>>
    %dma_start3A_1451 = tpu.memref_squeeze %dma_start3A_1450 : memref<1x8x64xf32, #tpu.memory_space<hbm>> -> memref<8x64xf32, #tpu.memory_space<hbm>>
    %dma_start3A_1452 = tpu.memref_slice %arg16[%dma_start3A_1443] : memref<3x!tpu.dma_semaphore, #tpu.memory_space<semaphore_mem>> -> memref<1x!tpu.dma_semaphore, #tpu.memory_space<semaphore_mem>>
    %dma_start3A_1453 = tpu.memref_squeeze %dma_start3A_1452 : memref<1x!tpu.dma_semaphore, #tpu.memory_space<semaphore_mem>> -> memref<!tpu.dma_semaphore, #tpu.memory_space<semaphore_mem>>
    %dma_start3A_1454 = arith.constant 0 : i32
    %dma_start3A_1455 = arith.constant 0 : i32
    %dma_start3A_1456 = tpu.memref_slice %arg11[%dma_start3A_1441, %dma_start3A_1442, %dma_start3A_1454, %dma_start3A_1455] : memref<3x16x8x64xf32, #tpu.memory_space<vmem>> -> memref<1x1x8x64xf32, #tpu.memory_space<vmem>>
    %dma_start3A_1457 = tpu.memref_squeeze %dma_start3A_1456 : memref<1x1x8x64xf32, #tpu.memory_space<vmem>> -> memref<8x64xf32, #tpu.memory_space<vmem>>
    %dma_start3A_1458 = arith.constant 0 : i32
    %dma_start3A_1459 = arith.constant 0 : i32
    %dma_start3A_1460 = tpu.memref_slice %arg5[%squeeze3A_1440, %dma_start3A_1458, %dma_start3A_1459] : memref<125000x8x64xf32, #tpu.memory_space<hbm>> -> memref<1x8x64xf32, #tpu.memory_space<hbm>>
    %dma_start3A_1461 = tpu.memref_squeeze %dma_start3A_1460 : memref<1x8x64xf32, #tpu.memory_space<hbm>> -> memref<8x64xf32, #tpu.memory_space<hbm>>
    tpu.enqueue_dma source(%dma_start3A_1461 : memref<8x64xf32, #tpu.memory_space<hbm>>) target(%dma_start3A_1457 : memref<8x64xf32, #tpu.memory_space<vmem>>) target_semaphore(%dma_start3A_1453 : memref<!tpu.dma_semaphore, #tpu.memory_space<semaphore_mem>>)
    %slice3A_1462 = vector.extract_strided_slice %shift_right_logical3A_794 {offsets = [14], sizes = [1], strides = [1]} : vector<16xi32> to vector<1xi32>
    %squeeze3A_1463 = vector.extract %slice3A_1462[0] : i32 from vector<1xi32>
    %dma_start3A_1464 = arith.constant 1 : i32
    %dma_start3A_1465 = arith.constant 14 : i32
    %dma_start3A_1466 = arith.constant 1 : i32
    %dma_start3A_1467 = arith.constant 0 : i32
    %dma_start3A_1468 = arith.constant 0 : i32
    %dma_start3A_1469 = tpu.memref_slice %arg13[%dma_start3A_1464, %dma_start3A_1465, %dma_start3A_1467, %dma_start3A_1468] : memref<3x16x8x64xf32, #tpu.memory_space<vmem>> -> memref<1x1x8x64xf32, #tpu.memory_space<vmem>>
    %dma_start3A_1470 = tpu.memref_squeeze %dma_start3A_1469 : memref<1x1x8x64xf32, #tpu.memory_space<vmem>> -> memref<8x64xf32, #tpu.memory_space<vmem>>
    %dma_start3A_1471 = arith.constant 0 : i32
    %dma_start3A_1472 = arith.constant 0 : i32
    %dma_start3A_1473 = tpu.memref_slice %arg5[%squeeze3A_1463, %dma_start3A_1471, %dma_start3A_1472] : memref<125000x8x64xf32, #tpu.memory_space<hbm>> -> memref<1x8x64xf32, #tpu.memory_space<hbm>>
    %dma_start3A_1474 = tpu.memref_squeeze %dma_start3A_1473 : memref<1x8x64xf32, #tpu.memory_space<hbm>> -> memref<8x64xf32, #tpu.memory_space<hbm>>
    %dma_start3A_1475 = tpu.memref_slice %arg16[%dma_start3A_1466] : memref<3x!tpu.dma_semaphore, #tpu.memory_space<semaphore_mem>> -> memref<1x!tpu.dma_semaphore, #tpu.memory_space<semaphore_mem>>
    %dma_start3A_1476 = tpu.memref_squeeze %dma_start3A_1475 : memref<1x!tpu.dma_semaphore, #tpu.memory_space<semaphore_mem>> -> memref<!tpu.dma_semaphore, #tpu.memory_space<semaphore_mem>>
    %dma_start3A_1477 = arith.constant 0 : i32
    %dma_start3A_1478 = arith.constant 0 : i32
    %dma_start3A_1479 = tpu.memref_slice %arg13[%dma_start3A_1464, %dma_start3A_1465, %dma_start3A_1477, %dma_start3A_1478] : memref<3x16x8x64xf32, #tpu.memory_space<vmem>> -> memref<1x1x8x64xf32, #tpu.memory_space<vmem>>
    %dma_start3A_1480 = tpu.memref_squeeze %dma_start3A_1479 : memref<1x1x8x64xf32, #tpu.memory_space<vmem>> -> memref<8x64xf32, #tpu.memory_space<vmem>>
    %dma_start3A_1481 = arith.constant 0 : i32
    %dma_start3A_1482 = arith.constant 0 : i32
    %dma_start3A_1483 = tpu.memref_slice %arg5[%squeeze3A_1463, %dma_start3A_1481, %dma_start3A_1482] : memref<125000x8x64xf32, #tpu.memory_space<hbm>> -> memref<1x8x64xf32, #tpu.memory_space<hbm>>
    %dma_start3A_1484 = tpu.memref_squeeze %dma_start3A_1483 : memref<1x8x64xf32, #tpu.memory_space<hbm>> -> memref<8x64xf32, #tpu.memory_space<hbm>>
    tpu.enqueue_dma source(%dma_start3A_1484 : memref<8x64xf32, #tpu.memory_space<hbm>>) target(%dma_start3A_1480 : memref<8x64xf32, #tpu.memory_space<vmem>>) target_semaphore(%dma_start3A_1476 : memref<!tpu.dma_semaphore, #tpu.memory_space<semaphore_mem>>)
    %slice3A_1485 = vector.extract_strided_slice %shift_right_logical3A_787 {offsets = [15], sizes = [1], strides = [1]} : vector<16xi32> to vector<1xi32>
    %squeeze3A_1486 = vector.extract %slice3A_1485[0] : i32 from vector<1xi32>
    %dma_start3A_1487 = arith.constant 1 : i32
    %dma_start3A_1488 = arith.constant 15 : i32
    %dma_start3A_1489 = arith.constant 1 : i32
    %dma_start3A_1490 = arith.constant 0 : i32
    %dma_start3A_1491 = arith.constant 0 : i32
    %dma_start3A_1492 = tpu.memref_slice %arg11[%dma_start3A_1487, %dma_start3A_1488, %dma_start3A_1490, %dma_start3A_1491] : memref<3x16x8x64xf32, #tpu.memory_space<vmem>> -> memref<1x1x8x64xf32, #tpu.memory_space<vmem>>
    %dma_start3A_1493 = tpu.memref_squeeze %dma_start3A_1492 : memref<1x1x8x64xf32, #tpu.memory_space<vmem>> -> memref<8x64xf32, #tpu.memory_space<vmem>>
    %dma_start3A_1494 = arith.constant 0 : i32
    %dma_start3A_1495 = arith.constant 0 : i32
    %dma_start3A_1496 = tpu.memref_slice %arg5[%squeeze3A_1486, %dma_start3A_1494, %dma_start3A_1495] : memref<125000x8x64xf32, #tpu.memory_space<hbm>> -> memref<1x8x64xf32, #tpu.memory_space<hbm>>
    %dma_start3A_1497 = tpu.memref_squeeze %dma_start3A_1496 : memref<1x8x64xf32, #tpu.memory_space<hbm>> -> memref<8x64xf32, #tpu.memory_space<hbm>>
    %dma_start3A_1498 = tpu.memref_slice %arg16[%dma_start3A_1489] : memref<3x!tpu.dma_semaphore, #tpu.memory_space<semaphore_mem>> -> memref<1x!tpu.dma_semaphore, #tpu.memory_space<semaphore_mem>>
    %dma_start3A_1499 = tpu.memref_squeeze %dma_start3A_1498 : memref<1x!tpu.dma_semaphore, #tpu.memory_space<semaphore_mem>> -> memref<!tpu.dma_semaphore, #tpu.memory_space<semaphore_mem>>
    %dma_start3A_1500 = arith.constant 0 : i32
    %dma_start3A_1501 = arith.constant 0 : i32
    %dma_start3A_1502 = tpu.memref_slice %arg11[%dma_start3A_1487, %dma_start3A_1488, %dma_start3A_1500, %dma_start3A_1501] : memref<3x16x8x64xf32, #tpu.memory_space<vmem>> -> memref<1x1x8x64xf32, #tpu.memory_space<vmem>>
    %dma_start3A_1503 = tpu.memref_squeeze %dma_start3A_1502 : memref<1x1x8x64xf32, #tpu.memory_space<vmem>> -> memref<8x64xf32, #tpu.memory_space<vmem>>
    %dma_start3A_1504 = arith.constant 0 : i32
    %dma_start3A_1505 = arith.constant 0 : i32
    %dma_start3A_1506 = tpu.memref_slice %arg5[%squeeze3A_1486, %dma_start3A_1504, %dma_start3A_1505] : memref<125000x8x64xf32, #tpu.memory_space<hbm>> -> memref<1x8x64xf32, #tpu.memory_space<hbm>>
    %dma_start3A_1507 = tpu.memref_squeeze %dma_start3A_1506 : memref<1x8x64xf32, #tpu.memory_space<hbm>> -> memref<8x64xf32, #tpu.memory_space<hbm>>
    tpu.enqueue_dma source(%dma_start3A_1507 : memref<8x64xf32, #tpu.memory_space<hbm>>) target(%dma_start3A_1503 : memref<8x64xf32, #tpu.memory_space<vmem>>) target_semaphore(%dma_start3A_1499 : memref<!tpu.dma_semaphore, #tpu.memory_space<semaphore_mem>>)
    %slice3A_1508 = vector.extract_strided_slice %shift_right_logical3A_794 {offsets = [15], sizes = [1], strides = [1]} : vector<16xi32> to vector<1xi32>
    %squeeze3A_1509 = vector.extract %slice3A_1508[0] : i32 from vector<1xi32>
    %dma_start3A_1510 = arith.constant 1 : i32
    %dma_start3A_1511 = arith.constant 15 : i32
    %dma_start3A_1512 = arith.constant 1 : i32
    %dma_start3A_1513 = arith.constant 0 : i32
    %dma_start3A_1514 = arith.constant 0 : i32
    %dma_start3A_1515 = tpu.memref_slice %arg13[%dma_start3A_1510, %dma_start3A_1511, %dma_start3A_1513, %dma_start3A_1514] : memref<3x16x8x64xf32, #tpu.memory_space<vmem>> -> memref<1x1x8x64xf32, #tpu.memory_space<vmem>>
    %dma_start3A_1516 = tpu.memref_squeeze %dma_start3A_1515 : memref<1x1x8x64xf32, #tpu.memory_space<vmem>> -> memref<8x64xf32, #tpu.memory_space<vmem>>
    %dma_start3A_1517 = arith.constant 0 : i32
    %dma_start3A_1518 = arith.constant 0 : i32
    %dma_start3A_1519 = tpu.memref_slice %arg5[%squeeze3A_1509, %dma_start3A_1517, %dma_start3A_1518] : memref<125000x8x64xf32, #tpu.memory_space<hbm>> -> memref<1x8x64xf32, #tpu.memory_space<hbm>>
    %dma_start3A_1520 = tpu.memref_squeeze %dma_start3A_1519 : memref<1x8x64xf32, #tpu.memory_space<hbm>> -> memref<8x64xf32, #tpu.memory_space<hbm>>
    %dma_start3A_1521 = tpu.memref_slice %arg16[%dma_start3A_1512] : memref<3x!tpu.dma_semaphore, #tpu.memory_space<semaphore_mem>> -> memref<1x!tpu.dma_semaphore, #tpu.memory_space<semaphore_mem>>
    %dma_start3A_1522 = tpu.memref_squeeze %dma_start3A_1521 : memref<1x!tpu.dma_semaphore, #tpu.memory_space<semaphore_mem>> -> memref<!tpu.dma_semaphore, #tpu.memory_space<semaphore_mem>>
    %dma_start3A_1523 = arith.constant 0 : i32
    %dma_start3A_1524 = arith.constant 0 : i32
    %dma_start3A_1525 = tpu.memref_slice %arg13[%dma_start3A_1510, %dma_start3A_1511, %dma_start3A_1523, %dma_start3A_1524] : memref<3x16x8x64xf32, #tpu.memory_space<vmem>> -> memref<1x1x8x64xf32, #tpu.memory_space<vmem>>
    %dma_start3A_1526 = tpu.memref_squeeze %dma_start3A_1525 : memref<1x1x8x64xf32, #tpu.memory_space<vmem>> -> memref<8x64xf32, #tpu.memory_space<vmem>>
    %dma_start3A_1527 = arith.constant 0 : i32
    %dma_start3A_1528 = arith.constant 0 : i32
    %dma_start3A_1529 = tpu.memref_slice %arg5[%squeeze3A_1509, %dma_start3A_1527, %dma_start3A_1528] : memref<125000x8x64xf32, #tpu.memory_space<hbm>> -> memref<1x8x64xf32, #tpu.memory_space<hbm>>
    %dma_start3A_1530 = tpu.memref_squeeze %dma_start3A_1529 : memref<1x8x64xf32, #tpu.memory_space<hbm>> -> memref<8x64xf32, #tpu.memory_space<hbm>>
    tpu.enqueue_dma source(%dma_start3A_1530 : memref<8x64xf32, #tpu.memory_space<hbm>>) target(%dma_start3A_1526 : memref<8x64xf32, #tpu.memory_space<vmem>>) target_semaphore(%dma_start3A_1522 : memref<!tpu.dma_semaphore, #tpu.memory_space<semaphore_mem>>)
    %scan3A = arith.constant 0 : i32
    %scan3A_1531 = arith.constant 32 : i32
    %scan3A_1532 = arith.addi %scan3A, %scan3A_1531 : i32
    %scan3A_1533 = arith.constant 1 : i32
    scf.for %scan3A_1535 = %scan3A to %scan3A_1532 step %scan3A_1533  : i32 {
      %add3A_1536 = arith.constant 3 : i32
      %add3A_1537 = arith.addi %scan3A_1535, %add3A_1536 : i32
      %sub3A = arith.constant 1 : i32
      %sub3A_1538 = arith.subi %add3A_1537, %sub3A : i32
      %lt3A = arith.constant 32 : i32
      %lt3A_1539 = arith.cmpi slt, %sub3A_1538, %lt3A : i32
      %convert_element_type3A = arith.extui %lt3A_1539 : i1 to i32
      %cond3A = arith.constant 0 : i32
      %cond3A_1540 = arith.cmpi ne, %convert_element_type3A, %cond3A : i32
      scf.if %cond3A_1540 {
        %add3A_3060 = arith.constant 3 : i32
        %add3A_3061 = arith.addi %scan3A_1535, %add3A_3060 : i32
        %sub3A_3062 = arith.constant 1 : i32
        %sub3A_3063 = arith.subi %add3A_3061, %sub3A_3062 : i32
        %jit3A_3064 = arith.constant 3 : i32
        %eq3A_3065 = arith.constant 0 : i32
        %eq3A_3066 = arith.cmpi eq, %jit3A_3064, %eq3A_3065 : i32
        %jit3A_3067 = arith.constant 1 : i32
        %select_n3A_3068 = arith.select %eq3A_3066, %jit3A_3067, %jit3A_3064 : i32
        %rem3A_3069 = arith.remsi %sub3A_3063, %select_n3A_3068 : i32
        %ne3A_3070 = arith.constant 0 : i32
        %ne3A_3071 = arith.cmpi ne, %rem3A_3069, %ne3A_3070 : i32
        %lt3A_3072 = arith.constant 0 : i32
        %lt3A_3073 = arith.cmpi slt, %rem3A_3069, %lt3A_3072 : i32
        %lt3A_3074 = arith.constant 0 : i32
        %lt3A_3075 = arith.cmpi slt, %select_n3A_3068, %lt3A_3074 : i32
        %ne3A_3076 = arith.xori %lt3A_3073, %lt3A_3075 : i1
        %and3A_3077 = arith.andi %ne3A_3076, %ne3A_3071 : i1
        %add3A_3078 = arith.addi %rem3A_3069, %select_n3A_3068 : i32
        %select_n3A_3079 = arith.select %and3A_3077, %add3A_3078, %rem3A_3069 : i32
        %dma_start3A_3080 = arith.constant 0 : i32
        %dma_start3A_3081 = arith.constant 0 : i32
        %dma_start3A_3082 = tpu.memref_slice %arg12[%select_n3A_3079, %dma_start3A_3080, %dma_start3A_3081] : memref<3x16x128xf32, #tpu.memory_space<vmem>> -> memref<1x16x128xf32, #tpu.memory_space<vmem>>
        %dma_start3A_3083 = tpu.memref_squeeze %dma_start3A_3082 : memref<1x16x128xf32, #tpu.memory_space<vmem>> -> memref<16x128xf32, #tpu.memory_space<vmem>>
        %dma_start3A_3084 = arith.constant 0 : i32
        %dma_start3A_3085 = tpu.memref_slice %arg9[%sub3A_3063, %dma_start3A_3084] : memref<32x16xi32, #tpu.memory_space<vmem>> -> memref<1x16xi32, #tpu.memory_space<vmem>>
        %dma_start3A_3086 = tpu.memref_squeeze %dma_start3A_3085 : memref<1x16xi32, #tpu.memory_space<vmem>> -> memref<16xi32, #tpu.memory_space<vmem>>
        %dma_start3A_3087 = arith.constant 0 : i32
        %dma_start3A_3088 = arith.constant 0 : i32
        %dma_start3A_3089 = tpu.memref_slice %arg6[%dma_start3A_3087, %dma_start3A_3088] : memref<1000x128xf32, #tpu.memory_space<hbm>> -> memref<1000x128xf32, #tpu.memory_space<hbm>>
        %dma_start3A_3090 = tpu.memref_slice %arg16[%select_n3A_3079] : memref<3x!tpu.dma_semaphore, #tpu.memory_space<semaphore_mem>> -> memref<1x!tpu.dma_semaphore, #tpu.memory_space<semaphore_mem>>
        %dma_start3A_3091 = tpu.memref_squeeze %dma_start3A_3090 : memref<1x!tpu.dma_semaphore, #tpu.memory_space<semaphore_mem>> -> memref<!tpu.dma_semaphore, #tpu.memory_space<semaphore_mem>>
        tpu.enqueue_indirect_dma source(%dma_start3A_3089 : memref<1000x128xf32, #tpu.memory_space<hbm>>) target(%dma_start3A_3083 : memref<16x128xf32, #tpu.memory_space<vmem>>) offsets(%dma_start3A_3086 : memref<16xi32, #tpu.memory_space<vmem>>) semaphore(%dma_start3A_3091 : memref<!tpu.dma_semaphore, #tpu.memory_space<semaphore_mem>>)
        %get3A_3092 = arith.index_cast %sub3A_3063 : i32 to index
        %get3A_3093 = arith.constant 0 : index
        %get3A_3094 = tpu.vector_load %arg8[%get3A_3092, %get3A_3093] {strides = array<i32>} : memref<32x16xi32, #tpu.memory_space<vmem>>, vector<16xi32>,
        %shift_right_logical3A_3095 = arith.constant 3 : i32
        %shift_right_logical3A_3096 = vector.broadcast %shift_right_logical3A_3095 : i32 to vector<16xi32>
        %shift_right_logical3A_3097 = arith.shrui %get3A_3094, %shift_right_logical3A_3096 : vector<16xi32>
        %get3A_3098 = arith.index_cast %sub3A_3063 : i32 to index
        %get3A_3099 = arith.constant 0 : index
        %get3A_3100 = tpu.vector_load %arg10[%get3A_3098, %get3A_3099] {strides = array<i32>} : memref<32x16xi32, #tpu.memory_space<vmem>>, vector<16xi32>,
        %shift_right_logical3A_3101 = arith.constant 3 : i32
        %shift_right_logical3A_3102 = vector.broadcast %shift_right_logical3A_3101 : i32 to vector<16xi32>
        %shift_right_logical3A_3103 = arith.shrui %get3A_3100, %shift_right_logical3A_3102 : vector<16xi32>
        %slice3A_3104 = vector.extract_strided_slice %shift_right_logical3A_3097 {offsets = [0], sizes = [1], strides = [1]} : vector<16xi32> to vector<1xi32>
        %squeeze3A_3105 = vector.extract %slice3A_3104[0] : i32 from vector<1xi32>
        %dma_start3A_3106 = arith.constant 0 : i32
        %dma_start3A_3107 = arith.constant 0 : i32
        %dma_start3A_3108 = arith.constant 0 : i32
        %dma_start3A_3109 = tpu.memref_slice %arg11[%select_n3A_3079, %dma_start3A_3106, %dma_start3A_3107, %dma_start3A_3108] : memref<3x16x8x64xf32, #tpu.memory_space<vmem>> -> memref<1x1x8x64xf32, #tpu.memory_space<vmem>>
        %dma_start3A_3110 = tpu.memref_squeeze %dma_start3A_3109 : memref<1x1x8x64xf32, #tpu.memory_space<vmem>> -> memref<8x64xf32, #tpu.memory_space<vmem>>
        %dma_start3A_3111 = arith.constant 0 : i32
        %dma_start3A_3112 = arith.constant 0 : i32
        %dma_start3A_3113 = tpu.memref_slice %arg5[%squeeze3A_3105, %dma_start3A_3111, %dma_start3A_3112] : memref<125000x8x64xf32, #tpu.memory_space<hbm>> -> memref<1x8x64xf32, #tpu.memory_space<hbm>>
        %dma_start3A_3114 = tpu.memref_squeeze %dma_start3A_3113 : memref<1x8x64xf32, #tpu.memory_space<hbm>> -> memref<8x64xf32, #tpu.memory_space<hbm>>
        %dma_start3A_3115 = tpu.memref_slice %arg16[%select_n3A_3079] : memref<3x!tpu.dma_semaphore, #tpu.memory_space<semaphore_mem>> -> memref<1x!tpu.dma_semaphore, #tpu.memory_space<semaphore_mem>>
        %dma_start3A_3116 = tpu.memref_squeeze %dma_start3A_3115 : memref<1x!tpu.dma_semaphore, #tpu.memory_space<semaphore_mem>> -> memref<!tpu.dma_semaphore, #tpu.memory_space<semaphore_mem>>
        %dma_start3A_3117 = arith.constant 0 : i32
        %dma_start3A_3118 = arith.constant 0 : i32
        %dma_start3A_3119 = tpu.memref_slice %arg11[%select_n3A_3079, %dma_start3A_3106, %dma_start3A_3117, %dma_start3A_3118] : memref<3x16x8x64xf32, #tpu.memory_space<vmem>> -> memref<1x1x8x64xf32, #tpu.memory_space<vmem>>
        %dma_start3A_3120 = tpu.memref_squeeze %dma_start3A_3119 : memref<1x1x8x64xf32, #tpu.memory_space<vmem>> -> memref<8x64xf32, #tpu.memory_space<vmem>>
        %dma_start3A_3121 = arith.constant 0 : i32
        %dma_start3A_3122 = arith.constant 0 : i32
        %dma_start3A_3123 = tpu.memref_slice %arg5[%squeeze3A_3105, %dma_start3A_3121, %dma_start3A_3122] : memref<125000x8x64xf32, #tpu.memory_space<hbm>> -> memref<1x8x64xf32, #tpu.memory_space<hbm>>
        %dma_start3A_3124 = tpu.memref_squeeze %dma_start3A_3123 : memref<1x8x64xf32, #tpu.memory_space<hbm>> -> memref<8x64xf32, #tpu.memory_space<hbm>>
        tpu.enqueue_dma source(%dma_start3A_3124 : memref<8x64xf32, #tpu.memory_space<hbm>>) target(%dma_start3A_3120 : memref<8x64xf32, #tpu.memory_space<vmem>>) target_semaphore(%dma_start3A_3116 : memref<!tpu.dma_semaphore, #tpu.memory_space<semaphore_mem>>)
        %slice3A_3125 = vector.extract_strided_slice %shift_right_logical3A_3103 {offsets = [0], sizes = [1], strides = [1]} : vector<16xi32> to vector<1xi32>
        %squeeze3A_3126 = vector.extract %slice3A_3125[0] : i32 from vector<1xi32>
        %dma_start3A_3127 = arith.constant 0 : i32
        %dma_start3A_3128 = arith.constant 0 : i32
        %dma_start3A_3129 = arith.constant 0 : i32
        %dma_start3A_3130 = tpu.memref_slice %arg13[%select_n3A_3079, %dma_start3A_3127, %dma_start3A_3128, %dma_start3A_3129] : memref<3x16x8x64xf32, #tpu.memory_space<vmem>> -> memref<1x1x8x64xf32, #tpu.memory_space<vmem>>
        %dma_start3A_3131 = tpu.memref_squeeze %dma_start3A_3130 : memref<1x1x8x64xf32, #tpu.memory_space<vmem>> -> memref<8x64xf32, #tpu.memory_space<vmem>>
        %dma_start3A_3132 = arith.constant 0 : i32
        %dma_start3A_3133 = arith.constant 0 : i32
        %dma_start3A_3134 = tpu.memref_slice %arg5[%squeeze3A_3126, %dma_start3A_3132, %dma_start3A_3133] : memref<125000x8x64xf32, #tpu.memory_space<hbm>> -> memref<1x8x64xf32, #tpu.memory_space<hbm>>
        %dma_start3A_3135 = tpu.memref_squeeze %dma_start3A_3134 : memref<1x8x64xf32, #tpu.memory_space<hbm>> -> memref<8x64xf32, #tpu.memory_space<hbm>>
        %dma_start3A_3136 = tpu.memref_slice %arg16[%select_n3A_3079] : memref<3x!tpu.dma_semaphore, #tpu.memory_space<semaphore_mem>> -> memref<1x!tpu.dma_semaphore, #tpu.memory_space<semaphore_mem>>
        %dma_start3A_3137 = tpu.memref_squeeze %dma_start3A_3136 : memref<1x!tpu.dma_semaphore, #tpu.memory_space<semaphore_mem>> -> memref<!tpu.dma_semaphore, #tpu.memory_space<semaphore_mem>>
        %dma_start3A_3138 = arith.constant 0 : i32
        %dma_start3A_3139 = arith.constant 0 : i32
        %dma_start3A_3140 = tpu.memref_slice %arg13[%select_n3A_3079, %dma_start3A_3127, %dma_start3A_3138, %dma_start3A_3139] : memref<3x16x8x64xf32, #tpu.memory_space<vmem>> -> memref<1x1x8x64xf32, #tpu.memory_space<vmem>>
        %dma_start3A_3141 = tpu.memref_squeeze %dma_start3A_3140 : memref<1x1x8x64xf32, #tpu.memory_space<vmem>> -> memref<8x64xf32, #tpu.memory_space<vmem>>
        %dma_start3A_3142 = arith.constant 0 : i32
        %dma_start3A_3143 = arith.constant 0 : i32
        %dma_start3A_3144 = tpu.memref_slice %arg5[%squeeze3A_3126, %dma_start3A_3142, %dma_start3A_3143] : memref<125000x8x64xf32, #tpu.memory_space<hbm>> -> memref<1x8x64xf32, #tpu.memory_space<hbm>>
        %dma_start3A_3145 = tpu.memref_squeeze %dma_start3A_3144 : memref<1x8x64xf32, #tpu.memory_space<hbm>> -> memref<8x64xf32, #tpu.memory_space<hbm>>
        tpu.enqueue_dma source(%dma_start3A_3145 : memref<8x64xf32, #tpu.memory_space<hbm>>) target(%dma_start3A_3141 : memref<8x64xf32, #tpu.memory_space<vmem>>) target_semaphore(%dma_start3A_3137 : memref<!tpu.dma_semaphore, #tpu.memory_space<semaphore_mem>>)
        %slice3A_3146 = vector.extract_strided_slice %shift_right_logical3A_3097 {offsets = [1], sizes = [1], strides = [1]} : vector<16xi32> to vector<1xi32>
        %squeeze3A_3147 = vector.extract %slice3A_3146[0] : i32 from vector<1xi32>
        %dma_start3A_3148 = arith.constant 1 : i32
        %dma_start3A_3149 = arith.constant 0 : i32
        %dma_start3A_3150 = arith.constant 0 : i32
        %dma_start3A_3151 = tpu.memref_slice %arg11[%select_n3A_3079, %dma_start3A_3148, %dma_start3A_3149, %dma_start3A_3150] : memref<3x16x8x64xf32, #tpu.memory_space<vmem>> -> memref<1x1x8x64xf32, #tpu.memory_space<vmem>>
        %dma_start3A_3152 = tpu.memref_squeeze %dma_start3A_3151 : memref<1x1x8x64xf32, #tpu.memory_space<vmem>> -> memref<8x64xf32, #tpu.memory_space<vmem>>
        %dma_start3A_3153 = arith.constant 0 : i32
        %dma_start3A_3154 = arith.constant 0 : i32
        %dma_start3A_3155 = tpu.memref_slice %arg5[%squeeze3A_3147, %dma_start3A_3153, %dma_start3A_3154] : memref<125000x8x64xf32, #tpu.memory_space<hbm>> -> memref<1x8x64xf32, #tpu.memory_space<hbm>>
        %dma_start3A_3156 = tpu.memref_squeeze %dma_start3A_3155 : memref<1x8x64xf32, #tpu.memory_space<hbm>> -> memref<8x64xf32, #tpu.memory_space<hbm>>
        %dma_start3A_3157 = tpu.memref_slice %arg16[%select_n3A_3079] : memref<3x!tpu.dma_semaphore, #tpu.memory_space<semaphore_mem>> -> memref<1x!tpu.dma_semaphore, #tpu.memory_space<semaphore_mem>>
        %dma_start3A_3158 = tpu.memref_squeeze %dma_start3A_3157 : memref<1x!tpu.dma_semaphore, #tpu.memory_space<semaphore_mem>> -> memref<!tpu.dma_semaphore, #tpu.memory_space<semaphore_mem>>
        %dma_start3A_3159 = arith.constant 0 : i32
        %dma_start3A_3160 = arith.constant 0 : i32
        %dma_start3A_3161 = tpu.memref_slice %arg11[%select_n3A_3079, %dma_start3A_3148, %dma_start3A_3159, %dma_start3A_3160] : memref<3x16x8x64xf32, #tpu.memory_space<vmem>> -> memref<1x1x8x64xf32, #tpu.memory_space<vmem>>
        %dma_start3A_3162 = tpu.memref_squeeze %dma_start3A_3161 : memref<1x1x8x64xf32, #tpu.memory_space<vmem>> -> memref<8x64xf32, #tpu.memory_space<vmem>>
        %dma_start3A_3163 = arith.constant 0 : i32
        %dma_start3A_3164 = arith.constant 0 : i32
        %dma_start3A_3165 = tpu.memref_slice %arg5[%squeeze3A_3147, %dma_start3A_3163, %dma_start3A_3164] : memref<125000x8x64xf32, #tpu.memory_space<hbm>> -> memref<1x8x64xf32, #tpu.memory_space<hbm>>
        %dma_start3A_3166 = tpu.memref_squeeze %dma_start3A_3165 : memref<1x8x64xf32, #tpu.memory_space<hbm>> -> memref<8x64xf32, #tpu.memory_space<hbm>>
        tpu.enqueue_dma source(%dma_start3A_3166 : memref<8x64xf32, #tpu.memory_space<hbm>>) target(%dma_start3A_3162 : memref<8x64xf32, #tpu.memory_space<vmem>>) target_semaphore(%dma_start3A_3158 : memref<!tpu.dma_semaphore, #tpu.memory_space<semaphore_mem>>)
        %slice3A_3167 = vector.extract_strided_slice %shift_right_logical3A_3103 {offsets = [1], sizes = [1], strides = [1]} : vector<16xi32> to vector<1xi32>
        %squeeze3A_3168 = vector.extract %slice3A_3167[0] : i32 from vector<1xi32>
        %dma_start3A_3169 = arith.constant 1 : i32
        %dma_start3A_3170 = arith.constant 0 : i32
        %dma_start3A_3171 = arith.constant 0 : i32
        %dma_start3A_3172 = tpu.memref_slice %arg13[%select_n3A_3079, %dma_start3A_3169, %dma_start3A_3170, %dma_start3A_3171] : memref<3x16x8x64xf32, #tpu.memory_space<vmem>> -> memref<1x1x8x64xf32, #tpu.memory_space<vmem>>
        %dma_start3A_3173 = tpu.memref_squeeze %dma_start3A_3172 : memref<1x1x8x64xf32, #tpu.memory_space<vmem>> -> memref<8x64xf32, #tpu.memory_space<vmem>>
        %dma_start3A_3174 = arith.constant 0 : i32
        %dma_start3A_3175 = arith.constant 0 : i32
        %dma_start3A_3176 = tpu.memref_slice %arg5[%squeeze3A_3168, %dma_start3A_3174, %dma_start3A_3175] : memref<125000x8x64xf32, #tpu.memory_space<hbm>> -> memref<1x8x64xf32, #tpu.memory_space<hbm>>
        %dma_start3A_3177 = tpu.memref_squeeze %dma_start3A_3176 : memref<1x8x64xf32, #tpu.memory_space<hbm>> -> memref<8x64xf32, #tpu.memory_space<hbm>>
        %dma_start3A_3178 = tpu.memref_slice %arg16[%select_n3A_3079] : memref<3x!tpu.dma_semaphore, #tpu.memory_space<semaphore_mem>> -> memref<1x!tpu.dma_semaphore, #tpu.memory_space<semaphore_mem>>
        %dma_start3A_3179 = tpu.memref_squeeze %dma_start3A_3178 : memref<1x!tpu.dma_semaphore, #tpu.memory_space<semaphore_mem>> -> memref<!tpu.dma_semaphore, #tpu.memory_space<semaphore_mem>>
        %dma_start3A_3180 = arith.constant 0 : i32
        %dma_start3A_3181 = arith.constant 0 : i32
        %dma_start3A_3182 = tpu.memref_slice %arg13[%select_n3A_3079, %dma_start3A_3169, %dma_start3A_3180, %dma_start3A_3181] : memref<3x16x8x64xf32, #tpu.memory_space<vmem>> -> memref<1x1x8x64xf32, #tpu.memory_space<vmem>>
        %dma_start3A_3183 = tpu.memref_squeeze %dma_start3A_3182 : memref<1x1x8x64xf32, #tpu.memory_space<vmem>> -> memref<8x64xf32, #tpu.memory_space<vmem>>
        %dma_start3A_3184 = arith.constant 0 : i32
        %dma_start3A_3185 = arith.constant 0 : i32
        %dma_start3A_3186 = tpu.memref_slice %arg5[%squeeze3A_3168, %dma_start3A_3184, %dma_start3A_3185] : memref<125000x8x64xf32, #tpu.memory_space<hbm>> -> memref<1x8x64xf32, #tpu.memory_space<hbm>>
        %dma_start3A_3187 = tpu.memref_squeeze %dma_start3A_3186 : memref<1x8x64xf32, #tpu.memory_space<hbm>> -> memref<8x64xf32, #tpu.memory_space<hbm>>
        tpu.enqueue_dma source(%dma_start3A_3187 : memref<8x64xf32, #tpu.memory_space<hbm>>) target(%dma_start3A_3183 : memref<8x64xf32, #tpu.memory_space<vmem>>) target_semaphore(%dma_start3A_3179 : memref<!tpu.dma_semaphore, #tpu.memory_space<semaphore_mem>>)
        %slice3A_3188 = vector.extract_strided_slice %shift_right_logical3A_3097 {offsets = [2], sizes = [1], strides = [1]} : vector<16xi32> to vector<1xi32>
        %squeeze3A_3189 = vector.extract %slice3A_3188[0] : i32 from vector<1xi32>
        %dma_start3A_3190 = arith.constant 2 : i32
        %dma_start3A_3191 = arith.constant 0 : i32
        %dma_start3A_3192 = arith.constant 0 : i32
        %dma_start3A_3193 = tpu.memref_slice %arg11[%select_n3A_3079, %dma_start3A_3190, %dma_start3A_3191, %dma_start3A_3192] : memref<3x16x8x64xf32, #tpu.memory_space<vmem>> -> memref<1x1x8x64xf32, #tpu.memory_space<vmem>>
        %dma_start3A_3194 = tpu.memref_squeeze %dma_start3A_3193 : memref<1x1x8x64xf32, #tpu.memory_space<vmem>> -> memref<8x64xf32, #tpu.memory_space<vmem>>
        %dma_start3A_3195 = arith.constant 0 : i32
        %dma_start3A_3196 = arith.constant 0 : i32
        %dma_start3A_3197 = tpu.memref_slice %arg5[%squeeze3A_3189, %dma_start3A_3195, %dma_start3A_3196] : memref<125000x8x64xf32, #tpu.memory_space<hbm>> -> memref<1x8x64xf32, #tpu.memory_space<hbm>>
        %dma_start3A_3198 = tpu.memref_squeeze %dma_start3A_3197 : memref<1x8x64xf32, #tpu.memory_space<hbm>> -> memref<8x64xf32, #tpu.memory_space<hbm>>
        %dma_start3A_3199 = tpu.memref_slice %arg16[%select_n3A_3079] : memref<3x!tpu.dma_semaphore, #tpu.memory_space<semaphore_mem>> -> memref<1x!tpu.dma_semaphore, #tpu.memory_space<semaphore_mem>>
        %dma_start3A_3200 = tpu.memref_squeeze %dma_start3A_3199 : memref<1x!tpu.dma_semaphore, #tpu.memory_space<semaphore_mem>> -> memref<!tpu.dma_semaphore, #tpu.memory_space<semaphore_mem>>
        %dma_start3A_3201 = arith.constant 0 : i32
        %dma_start3A_3202 = arith.constant 0 : i32
        %dma_start3A_3203 = tpu.memref_slice %arg11[%select_n3A_3079, %dma_start3A_3190, %dma_start3A_3201, %dma_start3A_3202] : memref<3x16x8x64xf32, #tpu.memory_space<vmem>> -> memref<1x1x8x64xf32, #tpu.memory_space<vmem>>
        %dma_start3A_3204 = tpu.memref_squeeze %dma_start3A_3203 : memref<1x1x8x64xf32, #tpu.memory_space<vmem>> -> memref<8x64xf32, #tpu.memory_space<vmem>>
        %dma_start3A_3205 = arith.constant 0 : i32
        %dma_start3A_3206 = arith.constant 0 : i32
        %dma_start3A_3207 = tpu.memref_slice %arg5[%squeeze3A_3189, %dma_start3A_3205, %dma_start3A_3206] : memref<125000x8x64xf32, #tpu.memory_space<hbm>> -> memref<1x8x64xf32, #tpu.memory_space<hbm>>
        %dma_start3A_3208 = tpu.memref_squeeze %dma_start3A_3207 : memref<1x8x64xf32, #tpu.memory_space<hbm>> -> memref<8x64xf32, #tpu.memory_space<hbm>>
        tpu.enqueue_dma source(%dma_start3A_3208 : memref<8x64xf32, #tpu.memory_space<hbm>>) target(%dma_start3A_3204 : memref<8x64xf32, #tpu.memory_space<vmem>>) target_semaphore(%dma_start3A_3200 : memref<!tpu.dma_semaphore, #tpu.memory_space<semaphore_mem>>)
        %slice3A_3209 = vector.extract_strided_slice %shift_right_logical3A_3103 {offsets = [2], sizes = [1], strides = [1]} : vector<16xi32> to vector<1xi32>
        %squeeze3A_3210 = vector.extract %slice3A_3209[0] : i32 from vector<1xi32>
        %dma_start3A_3211 = arith.constant 2 : i32
        %dma_start3A_3212 = arith.constant 0 : i32
        %dma_start3A_3213 = arith.constant 0 : i32
        %dma_start3A_3214 = tpu.memref_slice %arg13[%select_n3A_3079, %dma_start3A_3211, %dma_start3A_3212, %dma_start3A_3213] : memref<3x16x8x64xf32, #tpu.memory_space<vmem>> -> memref<1x1x8x64xf32, #tpu.memory_space<vmem>>
        %dma_start3A_3215 = tpu.memref_squeeze %dma_start3A_3214 : memref<1x1x8x64xf32, #tpu.memory_space<vmem>> -> memref<8x64xf32, #tpu.memory_space<vmem>>
        %dma_start3A_3216 = arith.constant 0 : i32
        %dma_start3A_3217 = arith.constant 0 : i32
        %dma_start3A_3218 = tpu.memref_slice %arg5[%squeeze3A_3210, %dma_start3A_3216, %dma_start3A_3217] : memref<125000x8x64xf32, #tpu.memory_space<hbm>> -> memref<1x8x64xf32, #tpu.memory_space<hbm>>
        %dma_start3A_3219 = tpu.memref_squeeze %dma_start3A_3218 : memref<1x8x64xf32, #tpu.memory_space<hbm>> -> memref<8x64xf32, #tpu.memory_space<hbm>>
        %dma_start3A_3220 = tpu.memref_slice %arg16[%select_n3A_3079] : memref<3x!tpu.dma_semaphore, #tpu.memory_space<semaphore_mem>> -> memref<1x!tpu.dma_semaphore, #tpu.memory_space<semaphore_mem>>
        %dma_start3A_3221 = tpu.memref_squeeze %dma_start3A_3220 : memref<1x!tpu.dma_semaphore, #tpu.memory_space<semaphore_mem>> -> memref<!tpu.dma_semaphore, #tpu.memory_space<semaphore_mem>>
        %dma_start3A_3222 = arith.constant 0 : i32
        %dma_start3A_3223 = arith.constant 0 : i32
        %dma_start3A_3224 = tpu.memref_slice %arg13[%select_n3A_3079, %dma_start3A_3211, %dma_start3A_3222, %dma_start3A_3223] : memref<3x16x8x64xf32, #tpu.memory_space<vmem>> -> memref<1x1x8x64xf32, #tpu.memory_space<vmem>>
        %dma_start3A_3225 = tpu.memref_squeeze %dma_start3A_3224 : memref<1x1x8x64xf32, #tpu.memory_space<vmem>> -> memref<8x64xf32, #tpu.memory_space<vmem>>
        %dma_start3A_3226 = arith.constant 0 : i32
        %dma_start3A_3227 = arith.constant 0 : i32
        %dma_start3A_3228 = tpu.memref_slice %arg5[%squeeze3A_3210, %dma_start3A_3226, %dma_start3A_3227] : memref<125000x8x64xf32, #tpu.memory_space<hbm>> -> memref<1x8x64xf32, #tpu.memory_space<hbm>>
        %dma_start3A_3229 = tpu.memref_squeeze %dma_start3A_3228 : memref<1x8x64xf32, #tpu.memory_space<hbm>> -> memref<8x64xf32, #tpu.memory_space<hbm>>
        tpu.enqueue_dma source(%dma_start3A_3229 : memref<8x64xf32, #tpu.memory_space<hbm>>) target(%dma_start3A_3225 : memref<8x64xf32, #tpu.memory_space<vmem>>) target_semaphore(%dma_start3A_3221 : memref<!tpu.dma_semaphore, #tpu.memory_space<semaphore_mem>>)
        %slice3A_3230 = vector.extract_strided_slice %shift_right_logical3A_3097 {offsets = [3], sizes = [1], strides = [1]} : vector<16xi32> to vector<1xi32>
        %squeeze3A_3231 = vector.extract %slice3A_3230[0] : i32 from vector<1xi32>
        %dma_start3A_3232 = arith.constant 3 : i32
        %dma_start3A_3233 = arith.constant 0 : i32
        %dma_start3A_3234 = arith.constant 0 : i32
        %dma_start3A_3235 = tpu.memref_slice %arg11[%select_n3A_3079, %dma_start3A_3232, %dma_start3A_3233, %dma_start3A_3234] : memref<3x16x8x64xf32, #tpu.memory_space<vmem>> -> memref<1x1x8x64xf32, #tpu.memory_space<vmem>>
        %dma_start3A_3236 = tpu.memref_squeeze %dma_start3A_3235 : memref<1x1x8x64xf32, #tpu.memory_space<vmem>> -> memref<8x64xf32, #tpu.memory_space<vmem>>
        %dma_start3A_3237 = arith.constant 0 : i32
        %dma_start3A_3238 = arith.constant 0 : i32
        %dma_start3A_3239 = tpu.memref_slice %arg5[%squeeze3A_3231, %dma_start3A_3237, %dma_start3A_3238] : memref<125000x8x64xf32, #tpu.memory_space<hbm>> -> memref<1x8x64xf32, #tpu.memory_space<hbm>>
        %dma_start3A_3240 = tpu.memref_squeeze %dma_start3A_3239 : memref<1x8x64xf32, #tpu.memory_space<hbm>> -> memref<8x64xf32, #tpu.memory_space<hbm>>
        %dma_start3A_3241 = tpu.memref_slice %arg16[%select_n3A_3079] : memref<3x!tpu.dma_semaphore, #tpu.memory_space<semaphore_mem>> -> memref<1x!tpu.dma_semaphore, #tpu.memory_space<semaphore_mem>>
        %dma_start3A_3242 = tpu.memref_squeeze %dma_start3A_3241 : memref<1x!tpu.dma_semaphore, #tpu.memory_space<semaphore_mem>> -> memref<!tpu.dma_semaphore, #tpu.memory_space<semaphore_mem>>
        %dma_start3A_3243 = arith.constant 0 : i32
        %dma_start3A_3244 = arith.constant 0 : i32
        %dma_start3A_3245 = tpu.memref_slice %arg11[%select_n3A_3079, %dma_start3A_3232, %dma_start3A_3243, %dma_start3A_3244] : memref<3x16x8x64xf32, #tpu.memory_space<vmem>> -> memref<1x1x8x64xf32, #tpu.memory_space<vmem>>
        %dma_start3A_3246 = tpu.memref_squeeze %dma_start3A_3245 : memref<1x1x8x64xf32, #tpu.memory_space<vmem>> -> memref<8x64xf32, #tpu.memory_space<vmem>>
        %dma_start3A_3247 = arith.constant 0 : i32
        %dma_start3A_3248 = arith.constant 0 : i32
        %dma_start3A_3249 = tpu.memref_slice %arg5[%squeeze3A_3231, %dma_start3A_3247, %dma_start3A_3248] : memref<125000x8x64xf32, #tpu.memory_space<hbm>> -> memref<1x8x64xf32, #tpu.memory_space<hbm>>
        %dma_start3A_3250 = tpu.memref_squeeze %dma_start3A_3249 : memref<1x8x64xf32, #tpu.memory_space<hbm>> -> memref<8x64xf32, #tpu.memory_space<hbm>>
        tpu.enqueue_dma source(%dma_start3A_3250 : memref<8x64xf32, #tpu.memory_space<hbm>>) target(%dma_start3A_3246 : memref<8x64xf32, #tpu.memory_space<vmem>>) target_semaphore(%dma_start3A_3242 : memref<!tpu.dma_semaphore, #tpu.memory_space<semaphore_mem>>)
        %slice3A_3251 = vector.extract_strided_slice %shift_right_logical3A_3103 {offsets = [3], sizes = [1], strides = [1]} : vector<16xi32> to vector<1xi32>
        %squeeze3A_3252 = vector.extract %slice3A_3251[0] : i32 from vector<1xi32>
        %dma_start3A_3253 = arith.constant 3 : i32
        %dma_start3A_3254 = arith.constant 0 : i32
        %dma_start3A_3255 = arith.constant 0 : i32
        %dma_start3A_3256 = tpu.memref_slice %arg13[%select_n3A_3079, %dma_start3A_3253, %dma_start3A_3254, %dma_start3A_3255] : memref<3x16x8x64xf32, #tpu.memory_space<vmem>> -> memref<1x1x8x64xf32, #tpu.memory_space<vmem>>
        %dma_start3A_3257 = tpu.memref_squeeze %dma_start3A_3256 : memref<1x1x8x64xf32, #tpu.memory_space<vmem>> -> memref<8x64xf32, #tpu.memory_space<vmem>>
        %dma_start3A_3258 = arith.constant 0 : i32
        %dma_start3A_3259 = arith.constant 0 : i32
        %dma_start3A_3260 = tpu.memref_slice %arg5[%squeeze3A_3252, %dma_start3A_3258, %dma_start3A_3259] : memref<125000x8x64xf32, #tpu.memory_space<hbm>> -> memref<1x8x64xf32, #tpu.memory_space<hbm>>
        %dma_start3A_3261 = tpu.memref_squeeze %dma_start3A_3260 : memref<1x8x64xf32, #tpu.memory_space<hbm>> -> memref<8x64xf32, #tpu.memory_space<hbm>>
        %dma_start3A_3262 = tpu.memref_slice %arg16[%select_n3A_3079] : memref<3x!tpu.dma_semaphore, #tpu.memory_space<semaphore_mem>> -> memref<1x!tpu.dma_semaphore, #tpu.memory_space<semaphore_mem>>
        %dma_start3A_3263 = tpu.memref_squeeze %dma_start3A_3262 : memref<1x!tpu.dma_semaphore, #tpu.memory_space<semaphore_mem>> -> memref<!tpu.dma_semaphore, #tpu.memory_space<semaphore_mem>>
        %dma_start3A_3264 = arith.constant 0 : i32
        %dma_start3A_3265 = arith.constant 0 : i32
        %dma_start3A_3266 = tpu.memref_slice %arg13[%select_n3A_3079, %dma_start3A_3253, %dma_start3A_3264, %dma_start3A_3265] : memref<3x16x8x64xf32, #tpu.memory_space<vmem>> -> memref<1x1x8x64xf32, #tpu.memory_space<vmem>>
        %dma_start3A_3267 = tpu.memref_squeeze %dma_start3A_3266 : memref<1x1x8x64xf32, #tpu.memory_space<vmem>> -> memref<8x64xf32, #tpu.memory_space<vmem>>
        %dma_start3A_3268 = arith.constant 0 : i32
        %dma_start3A_3269 = arith.constant 0 : i32
        %dma_start3A_3270 = tpu.memref_slice %arg5[%squeeze3A_3252, %dma_start3A_3268, %dma_start3A_3269] : memref<125000x8x64xf32, #tpu.memory_space<hbm>> -> memref<1x8x64xf32, #tpu.memory_space<hbm>>
        %dma_start3A_3271 = tpu.memref_squeeze %dma_start3A_3270 : memref<1x8x64xf32, #tpu.memory_space<hbm>> -> memref<8x64xf32, #tpu.memory_space<hbm>>
        tpu.enqueue_dma source(%dma_start3A_3271 : memref<8x64xf32, #tpu.memory_space<hbm>>) target(%dma_start3A_3267 : memref<8x64xf32, #tpu.memory_space<vmem>>) target_semaphore(%dma_start3A_3263 : memref<!tpu.dma_semaphore, #tpu.memory_space<semaphore_mem>>)
        %slice3A_3272 = vector.extract_strided_slice %shift_right_logical3A_3097 {offsets = [4], sizes = [1], strides = [1]} : vector<16xi32> to vector<1xi32>
        %squeeze3A_3273 = vector.extract %slice3A_3272[0] : i32 from vector<1xi32>
        %dma_start3A_3274 = arith.constant 4 : i32
        %dma_start3A_3275 = arith.constant 0 : i32
        %dma_start3A_3276 = arith.constant 0 : i32
        %dma_start3A_3277 = tpu.memref_slice %arg11[%select_n3A_3079, %dma_start3A_3274, %dma_start3A_3275, %dma_start3A_3276] : memref<3x16x8x64xf32, #tpu.memory_space<vmem>> -> memref<1x1x8x64xf32, #tpu.memory_space<vmem>>
        %dma_start3A_3278 = tpu.memref_squeeze %dma_start3A_3277 : memref<1x1x8x64xf32, #tpu.memory_space<vmem>> -> memref<8x64xf32, #tpu.memory_space<vmem>>
        %dma_start3A_3279 = arith.constant 0 : i32
        %dma_start3A_3280 = arith.constant 0 : i32
        %dma_start3A_3281 = tpu.memref_slice %arg5[%squeeze3A_3273, %dma_start3A_3279, %dma_start3A_3280] : memref<125000x8x64xf32, #tpu.memory_space<hbm>> -> memref<1x8x64xf32, #tpu.memory_space<hbm>>
        %dma_start3A_3282 = tpu.memref_squeeze %dma_start3A_3281 : memref<1x8x64xf32, #tpu.memory_space<hbm>> -> memref<8x64xf32, #tpu.memory_space<hbm>>
        %dma_start3A_3283 = tpu.memref_slice %arg16[%select_n3A_3079] : memref<3x!tpu.dma_semaphore, #tpu.memory_space<semaphore_mem>> -> memref<1x!tpu.dma_semaphore, #tpu.memory_space<semaphore_mem>>
        %dma_start3A_3284 = tpu.memref_squeeze %dma_start3A_3283 : memref<1x!tpu.dma_semaphore, #tpu.memory_space<semaphore_mem>> -> memref<!tpu.dma_semaphore, #tpu.memory_space<semaphore_mem>>
        %dma_start3A_3285 = arith.constant 0 : i32
        %dma_start3A_3286 = arith.constant 0 : i32
        %dma_start3A_3287 = tpu.memref_slice %arg11[%select_n3A_3079, %dma_start3A_3274, %dma_start3A_3285, %dma_start3A_3286] : memref<3x16x8x64xf32, #tpu.memory_space<vmem>> -> memref<1x1x8x64xf32, #tpu.memory_space<vmem>>
        %dma_start3A_3288 = tpu.memref_squeeze %dma_start3A_3287 : memref<1x1x8x64xf32, #tpu.memory_space<vmem>> -> memref<8x64xf32, #tpu.memory_space<vmem>>
        %dma_start3A_3289 = arith.constant 0 : i32
        %dma_start3A_3290 = arith.constant 0 : i32
        %dma_start3A_3291 = tpu.memref_slice %arg5[%squeeze3A_3273, %dma_start3A_3289, %dma_start3A_3290] : memref<125000x8x64xf32, #tpu.memory_space<hbm>> -> memref<1x8x64xf32, #tpu.memory_space<hbm>>
        %dma_start3A_3292 = tpu.memref_squeeze %dma_start3A_3291 : memref<1x8x64xf32, #tpu.memory_space<hbm>> -> memref<8x64xf32, #tpu.memory_space<hbm>>
        tpu.enqueue_dma source(%dma_start3A_3292 : memref<8x64xf32, #tpu.memory_space<hbm>>) target(%dma_start3A_3288 : memref<8x64xf32, #tpu.memory_space<vmem>>) target_semaphore(%dma_start3A_3284 : memref<!tpu.dma_semaphore, #tpu.memory_space<semaphore_mem>>)
        %slice3A_3293 = vector.extract_strided_slice %shift_right_logical3A_3103 {offsets = [4], sizes = [1], strides = [1]} : vector<16xi32> to vector<1xi32>
        %squeeze3A_3294 = vector.extract %slice3A_3293[0] : i32 from vector<1xi32>
        %dma_start3A_3295 = arith.constant 4 : i32
        %dma_start3A_3296 = arith.constant 0 : i32
        %dma_start3A_3297 = arith.constant 0 : i32
        %dma_start3A_3298 = tpu.memref_slice %arg13[%select_n3A_3079, %dma_start3A_3295, %dma_start3A_3296, %dma_start3A_3297] : memref<3x16x8x64xf32, #tpu.memory_space<vmem>> -> memref<1x1x8x64xf32, #tpu.memory_space<vmem>>
        %dma_start3A_3299 = tpu.memref_squeeze %dma_start3A_3298 : memref<1x1x8x64xf32, #tpu.memory_space<vmem>> -> memref<8x64xf32, #tpu.memory_space<vmem>>
        %dma_start3A_3300 = arith.constant 0 : i32
        %dma_start3A_3301 = arith.constant 0 : i32
        %dma_start3A_3302 = tpu.memref_slice %arg5[%squeeze3A_3294, %dma_start3A_3300, %dma_start3A_3301] : memref<125000x8x64xf32, #tpu.memory_space<hbm>> -> memref<1x8x64xf32, #tpu.memory_space<hbm>>
        %dma_start3A_3303 = tpu.memref_squeeze %dma_start3A_3302 : memref<1x8x64xf32, #tpu.memory_space<hbm>> -> memref<8x64xf32, #tpu.memory_space<hbm>>
        %dma_start3A_3304 = tpu.memref_slice %arg16[%select_n3A_3079] : memref<3x!tpu.dma_semaphore, #tpu.memory_space<semaphore_mem>> -> memref<1x!tpu.dma_semaphore, #tpu.memory_space<semaphore_mem>>
        %dma_start3A_3305 = tpu.memref_squeeze %dma_start3A_3304 : memref<1x!tpu.dma_semaphore, #tpu.memory_space<semaphore_mem>> -> memref<!tpu.dma_semaphore, #tpu.memory_space<semaphore_mem>>
        %dma_start3A_3306 = arith.constant 0 : i32
        %dma_start3A_3307 = arith.constant 0 : i32
        %dma_start3A_3308 = tpu.memref_slice %arg13[%select_n3A_3079, %dma_start3A_3295, %dma_start3A_3306, %dma_start3A_3307] : memref<3x16x8x64xf32, #tpu.memory_space<vmem>> -> memref<1x1x8x64xf32, #tpu.memory_space<vmem>>
        %dma_start3A_3309 = tpu.memref_squeeze %dma_start3A_3308 : memref<1x1x8x64xf32, #tpu.memory_space<vmem>> -> memref<8x64xf32, #tpu.memory_space<vmem>>
        %dma_start3A_3310 = arith.constant 0 : i32
        %dma_start3A_3311 = arith.constant 0 : i32
        %dma_start3A_3312 = tpu.memref_slice %arg5[%squeeze3A_3294, %dma_start3A_3310, %dma_start3A_3311] : memref<125000x8x64xf32, #tpu.memory_space<hbm>> -> memref<1x8x64xf32, #tpu.memory_space<hbm>>
        %dma_start3A_3313 = tpu.memref_squeeze %dma_start3A_3312 : memref<1x8x64xf32, #tpu.memory_space<hbm>> -> memref<8x64xf32, #tpu.memory_space<hbm>>
        tpu.enqueue_dma source(%dma_start3A_3313 : memref<8x64xf32, #tpu.memory_space<hbm>>) target(%dma_start3A_3309 : memref<8x64xf32, #tpu.memory_space<vmem>>) target_semaphore(%dma_start3A_3305 : memref<!tpu.dma_semaphore, #tpu.memory_space<semaphore_mem>>)
        %slice3A_3314 = vector.extract_strided_slice %shift_right_logical3A_3097 {offsets = [5], sizes = [1], strides = [1]} : vector<16xi32> to vector<1xi32>
        %squeeze3A_3315 = vector.extract %slice3A_3314[0] : i32 from vector<1xi32>
        %dma_start3A_3316 = arith.constant 5 : i32
        %dma_start3A_3317 = arith.constant 0 : i32
        %dma_start3A_3318 = arith.constant 0 : i32
        %dma_start3A_3319 = tpu.memref_slice %arg11[%select_n3A_3079, %dma_start3A_3316, %dma_start3A_3317, %dma_start3A_3318] : memref<3x16x8x64xf32, #tpu.memory_space<vmem>> -> memref<1x1x8x64xf32, #tpu.memory_space<vmem>>
        %dma_start3A_3320 = tpu.memref_squeeze %dma_start3A_3319 : memref<1x1x8x64xf32, #tpu.memory_space<vmem>> -> memref<8x64xf32, #tpu.memory_space<vmem>>
        %dma_start3A_3321 = arith.constant 0 : i32
        %dma_start3A_3322 = arith.constant 0 : i32
        %dma_start3A_3323 = tpu.memref_slice %arg5[%squeeze3A_3315, %dma_start3A_3321, %dma_start3A_3322] : memref<125000x8x64xf32, #tpu.memory_space<hbm>> -> memref<1x8x64xf32, #tpu.memory_space<hbm>>
        %dma_start3A_3324 = tpu.memref_squeeze %dma_start3A_3323 : memref<1x8x64xf32, #tpu.memory_space<hbm>> -> memref<8x64xf32, #tpu.memory_space<hbm>>
        %dma_start3A_3325 = tpu.memref_slice %arg16[%select_n3A_3079] : memref<3x!tpu.dma_semaphore, #tpu.memory_space<semaphore_mem>> -> memref<1x!tpu.dma_semaphore, #tpu.memory_space<semaphore_mem>>
        %dma_start3A_3326 = tpu.memref_squeeze %dma_start3A_3325 : memref<1x!tpu.dma_semaphore, #tpu.memory_space<semaphore_mem>> -> memref<!tpu.dma_semaphore, #tpu.memory_space<semaphore_mem>>
        %dma_start3A_3327 = arith.constant 0 : i32
        %dma_start3A_3328 = arith.constant 0 : i32
        %dma_start3A_3329 = tpu.memref_slice %arg11[%select_n3A_3079, %dma_start3A_3316, %dma_start3A_3327, %dma_start3A_3328] : memref<3x16x8x64xf32, #tpu.memory_space<vmem>> -> memref<1x1x8x64xf32, #tpu.memory_space<vmem>>
        %dma_start3A_3330 = tpu.memref_squeeze %dma_start3A_3329 : memref<1x1x8x64xf32, #tpu.memory_space<vmem>> -> memref<8x64xf32, #tpu.memory_space<vmem>>
        %dma_start3A_3331 = arith.constant 0 : i32
        %dma_start3A_3332 = arith.constant 0 : i32
        %dma_start3A_3333 = tpu.memref_slice %arg5[%squeeze3A_3315, %dma_start3A_3331, %dma_start3A_3332] : memref<125000x8x64xf32, #tpu.memory_space<hbm>> -> memref<1x8x64xf32, #tpu.memory_space<hbm>>
        %dma_start3A_3334 = tpu.memref_squeeze %dma_start3A_3333 : memref<1x8x64xf32, #tpu.memory_space<hbm>> -> memref<8x64xf32, #tpu.memory_space<hbm>>
        tpu.enqueue_dma source(%dma_start3A_3334 : memref<8x64xf32, #tpu.memory_space<hbm>>) target(%dma_start3A_3330 : memref<8x64xf32, #tpu.memory_space<vmem>>) target_semaphore(%dma_start3A_3326 : memref<!tpu.dma_semaphore, #tpu.memory_space<semaphore_mem>>)
        %slice3A_3335 = vector.extract_strided_slice %shift_right_logical3A_3103 {offsets = [5], sizes = [1], strides = [1]} : vector<16xi32> to vector<1xi32>
        %squeeze3A_3336 = vector.extract %slice3A_3335[0] : i32 from vector<1xi32>
        %dma_start3A_3337 = arith.constant 5 : i32
        %dma_start3A_3338 = arith.constant 0 : i32
        %dma_start3A_3339 = arith.constant 0 : i32
        %dma_start3A_3340 = tpu.memref_slice %arg13[%select_n3A_3079, %dma_start3A_3337, %dma_start3A_3338, %dma_start3A_3339] : memref<3x16x8x64xf32, #tpu.memory_space<vmem>> -> memref<1x1x8x64xf32, #tpu.memory_space<vmem>>
        %dma_start3A_3341 = tpu.memref_squeeze %dma_start3A_3340 : memref<1x1x8x64xf32, #tpu.memory_space<vmem>> -> memref<8x64xf32, #tpu.memory_space<vmem>>
        %dma_start3A_3342 = arith.constant 0 : i32
        %dma_start3A_3343 = arith.constant 0 : i32
        %dma_start3A_3344 = tpu.memref_slice %arg5[%squeeze3A_3336, %dma_start3A_3342, %dma_start3A_3343] : memref<125000x8x64xf32, #tpu.memory_space<hbm>> -> memref<1x8x64xf32, #tpu.memory_space<hbm>>
        %dma_start3A_3345 = tpu.memref_squeeze %dma_start3A_3344 : memref<1x8x64xf32, #tpu.memory_space<hbm>> -> memref<8x64xf32, #tpu.memory_space<hbm>>
        %dma_start3A_3346 = tpu.memref_slice %arg16[%select_n3A_3079] : memref<3x!tpu.dma_semaphore, #tpu.memory_space<semaphore_mem>> -> memref<1x!tpu.dma_semaphore, #tpu.memory_space<semaphore_mem>>
        %dma_start3A_3347 = tpu.memref_squeeze %dma_start3A_3346 : memref<1x!tpu.dma_semaphore, #tpu.memory_space<semaphore_mem>> -> memref<!tpu.dma_semaphore, #tpu.memory_space<semaphore_mem>>
        %dma_start3A_3348 = arith.constant 0 : i32
        %dma_start3A_3349 = arith.constant 0 : i32
        %dma_start3A_3350 = tpu.memref_slice %arg13[%select_n3A_3079, %dma_start3A_3337, %dma_start3A_3348, %dma_start3A_3349] : memref<3x16x8x64xf32, #tpu.memory_space<vmem>> -> memref<1x1x8x64xf32, #tpu.memory_space<vmem>>
        %dma_start3A_3351 = tpu.memref_squeeze %dma_start3A_3350 : memref<1x1x8x64xf32, #tpu.memory_space<vmem>> -> memref<8x64xf32, #tpu.memory_space<vmem>>
        %dma_start3A_3352 = arith.constant 0 : i32
        %dma_start3A_3353 = arith.constant 0 : i32
        %dma_start3A_3354 = tpu.memref_slice %arg5[%squeeze3A_3336, %dma_start3A_3352, %dma_start3A_3353] : memref<125000x8x64xf32, #tpu.memory_space<hbm>> -> memref<1x8x64xf32, #tpu.memory_space<hbm>>
        %dma_start3A_3355 = tpu.memref_squeeze %dma_start3A_3354 : memref<1x8x64xf32, #tpu.memory_space<hbm>> -> memref<8x64xf32, #tpu.memory_space<hbm>>
        tpu.enqueue_dma source(%dma_start3A_3355 : memref<8x64xf32, #tpu.memory_space<hbm>>) target(%dma_start3A_3351 : memref<8x64xf32, #tpu.memory_space<vmem>>) target_semaphore(%dma_start3A_3347 : memref<!tpu.dma_semaphore, #tpu.memory_space<semaphore_mem>>)
        %slice3A_3356 = vector.extract_strided_slice %shift_right_logical3A_3097 {offsets = [6], sizes = [1], strides = [1]} : vector<16xi32> to vector<1xi32>
        %squeeze3A_3357 = vector.extract %slice3A_3356[0] : i32 from vector<1xi32>
        %dma_start3A_3358 = arith.constant 6 : i32
        %dma_start3A_3359 = arith.constant 0 : i32
        %dma_start3A_3360 = arith.constant 0 : i32
        %dma_start3A_3361 = tpu.memref_slice %arg11[%select_n3A_3079, %dma_start3A_3358, %dma_start3A_3359, %dma_start3A_3360] : memref<3x16x8x64xf32, #tpu.memory_space<vmem>> -> memref<1x1x8x64xf32, #tpu.memory_space<vmem>>
        %dma_start3A_3362 = tpu.memref_squeeze %dma_start3A_3361 : memref<1x1x8x64xf32, #tpu.memory_space<vmem>> -> memref<8x64xf32, #tpu.memory_space<vmem>>
        %dma_start3A_3363 = arith.constant 0 : i32
        %dma_start3A_3364 = arith.constant 0 : i32
        %dma_start3A_3365 = tpu.memref_slice %arg5[%squeeze3A_3357, %dma_start3A_3363, %dma_start3A_3364] : memref<125000x8x64xf32, #tpu.memory_space<hbm>> -> memref<1x8x64xf32, #tpu.memory_space<hbm>>
        %dma_start3A_3366 = tpu.memref_squeeze %dma_start3A_3365 : memref<1x8x64xf32, #tpu.memory_space<hbm>> -> memref<8x64xf32, #tpu.memory_space<hbm>>
        %dma_start3A_3367 = tpu.memref_slice %arg16[%select_n3A_3079] : memref<3x!tpu.dma_semaphore, #tpu.memory_space<semaphore_mem>> -> memref<1x!tpu.dma_semaphore, #tpu.memory_space<semaphore_mem>>
        %dma_start3A_3368 = tpu.memref_squeeze %dma_start3A_3367 : memref<1x!tpu.dma_semaphore, #tpu.memory_space<semaphore_mem>> -> memref<!tpu.dma_semaphore, #tpu.memory_space<semaphore_mem>>
        %dma_start3A_3369 = arith.constant 0 : i32
        %dma_start3A_3370 = arith.constant 0 : i32
        %dma_start3A_3371 = tpu.memref_slice %arg11[%select_n3A_3079, %dma_start3A_3358, %dma_start3A_3369, %dma_start3A_3370] : memref<3x16x8x64xf32, #tpu.memory_space<vmem>> -> memref<1x1x8x64xf32, #tpu.memory_space<vmem>>
        %dma_start3A_3372 = tpu.memref_squeeze %dma_start3A_3371 : memref<1x1x8x64xf32, #tpu.memory_space<vmem>> -> memref<8x64xf32, #tpu.memory_space<vmem>>
        %dma_start3A_3373 = arith.constant 0 : i32
        %dma_start3A_3374 = arith.constant 0 : i32
        %dma_start3A_3375 = tpu.memref_slice %arg5[%squeeze3A_3357, %dma_start3A_3373, %dma_start3A_3374] : memref<125000x8x64xf32, #tpu.memory_space<hbm>> -> memref<1x8x64xf32, #tpu.memory_space<hbm>>
        %dma_start3A_3376 = tpu.memref_squeeze %dma_start3A_3375 : memref<1x8x64xf32, #tpu.memory_space<hbm>> -> memref<8x64xf32, #tpu.memory_space<hbm>>
        tpu.enqueue_dma source(%dma_start3A_3376 : memref<8x64xf32, #tpu.memory_space<hbm>>) target(%dma_start3A_3372 : memref<8x64xf32, #tpu.memory_space<vmem>>) target_semaphore(%dma_start3A_3368 : memref<!tpu.dma_semaphore, #tpu.memory_space<semaphore_mem>>)
        %slice3A_3377 = vector.extract_strided_slice %shift_right_logical3A_3103 {offsets = [6], sizes = [1], strides = [1]} : vector<16xi32> to vector<1xi32>
        %squeeze3A_3378 = vector.extract %slice3A_3377[0] : i32 from vector<1xi32>
        %dma_start3A_3379 = arith.constant 6 : i32
        %dma_start3A_3380 = arith.constant 0 : i32
        %dma_start3A_3381 = arith.constant 0 : i32
        %dma_start3A_3382 = tpu.memref_slice %arg13[%select_n3A_3079, %dma_start3A_3379, %dma_start3A_3380, %dma_start3A_3381] : memref<3x16x8x64xf32, #tpu.memory_space<vmem>> -> memref<1x1x8x64xf32, #tpu.memory_space<vmem>>
        %dma_start3A_3383 = tpu.memref_squeeze %dma_start3A_3382 : memref<1x1x8x64xf32, #tpu.memory_space<vmem>> -> memref<8x64xf32, #tpu.memory_space<vmem>>
        %dma_start3A_3384 = arith.constant 0 : i32
        %dma_start3A_3385 = arith.constant 0 : i32
        %dma_start3A_3386 = tpu.memref_slice %arg5[%squeeze3A_3378, %dma_start3A_3384, %dma_start3A_3385] : memref<125000x8x64xf32, #tpu.memory_space<hbm>> -> memref<1x8x64xf32, #tpu.memory_space<hbm>>
        %dma_start3A_3387 = tpu.memref_squeeze %dma_start3A_3386 : memref<1x8x64xf32, #tpu.memory_space<hbm>> -> memref<8x64xf32, #tpu.memory_space<hbm>>
        %dma_start3A_3388 = tpu.memref_slice %arg16[%select_n3A_3079] : memref<3x!tpu.dma_semaphore, #tpu.memory_space<semaphore_mem>> -> memref<1x!tpu.dma_semaphore, #tpu.memory_space<semaphore_mem>>
        %dma_start3A_3389 = tpu.memref_squeeze %dma_start3A_3388 : memref<1x!tpu.dma_semaphore, #tpu.memory_space<semaphore_mem>> -> memref<!tpu.dma_semaphore, #tpu.memory_space<semaphore_mem>>
        %dma_start3A_3390 = arith.constant 0 : i32
        %dma_start3A_3391 = arith.constant 0 : i32
        %dma_start3A_3392 = tpu.memref_slice %arg13[%select_n3A_3079, %dma_start3A_3379, %dma_start3A_3390, %dma_start3A_3391] : memref<3x16x8x64xf32, #tpu.memory_space<vmem>> -> memref<1x1x8x64xf32, #tpu.memory_space<vmem>>
        %dma_start3A_3393 = tpu.memref_squeeze %dma_start3A_3392 : memref<1x1x8x64xf32, #tpu.memory_space<vmem>> -> memref<8x64xf32, #tpu.memory_space<vmem>>
        %dma_start3A_3394 = arith.constant 0 : i32
        %dma_start3A_3395 = arith.constant 0 : i32
        %dma_start3A_3396 = tpu.memref_slice %arg5[%squeeze3A_3378, %dma_start3A_3394, %dma_start3A_3395] : memref<125000x8x64xf32, #tpu.memory_space<hbm>> -> memref<1x8x64xf32, #tpu.memory_space<hbm>>
        %dma_start3A_3397 = tpu.memref_squeeze %dma_start3A_3396 : memref<1x8x64xf32, #tpu.memory_space<hbm>> -> memref<8x64xf32, #tpu.memory_space<hbm>>
        tpu.enqueue_dma source(%dma_start3A_3397 : memref<8x64xf32, #tpu.memory_space<hbm>>) target(%dma_start3A_3393 : memref<8x64xf32, #tpu.memory_space<vmem>>) target_semaphore(%dma_start3A_3389 : memref<!tpu.dma_semaphore, #tpu.memory_space<semaphore_mem>>)
        %slice3A_3398 = vector.extract_strided_slice %shift_right_logical3A_3097 {offsets = [7], sizes = [1], strides = [1]} : vector<16xi32> to vector<1xi32>
        %squeeze3A_3399 = vector.extract %slice3A_3398[0] : i32 from vector<1xi32>
        %dma_start3A_3400 = arith.constant 7 : i32
        %dma_start3A_3401 = arith.constant 0 : i32
        %dma_start3A_3402 = arith.constant 0 : i32
        %dma_start3A_3403 = tpu.memref_slice %arg11[%select_n3A_3079, %dma_start3A_3400, %dma_start3A_3401, %dma_start3A_3402] : memref<3x16x8x64xf32, #tpu.memory_space<vmem>> -> memref<1x1x8x64xf32, #tpu.memory_space<vmem>>
        %dma_start3A_3404 = tpu.memref_squeeze %dma_start3A_3403 : memref<1x1x8x64xf32, #tpu.memory_space<vmem>> -> memref<8x64xf32, #tpu.memory_space<vmem>>
        %dma_start3A_3405 = arith.constant 0 : i32
        %dma_start3A_3406 = arith.constant 0 : i32
        %dma_start3A_3407 = tpu.memref_slice %arg5[%squeeze3A_3399, %dma_start3A_3405, %dma_start3A_3406] : memref<125000x8x64xf32, #tpu.memory_space<hbm>> -> memref<1x8x64xf32, #tpu.memory_space<hbm>>
        %dma_start3A_3408 = tpu.memref_squeeze %dma_start3A_3407 : memref<1x8x64xf32, #tpu.memory_space<hbm>> -> memref<8x64xf32, #tpu.memory_space<hbm>>
        %dma_start3A_3409 = tpu.memref_slice %arg16[%select_n3A_3079] : memref<3x!tpu.dma_semaphore, #tpu.memory_space<semaphore_mem>> -> memref<1x!tpu.dma_semaphore, #tpu.memory_space<semaphore_mem>>
        %dma_start3A_3410 = tpu.memref_squeeze %dma_start3A_3409 : memref<1x!tpu.dma_semaphore, #tpu.memory_space<semaphore_mem>> -> memref<!tpu.dma_semaphore, #tpu.memory_space<semaphore_mem>>
        %dma_start3A_3411 = arith.constant 0 : i32
        %dma_start3A_3412 = arith.constant 0 : i32
        %dma_start3A_3413 = tpu.memref_slice %arg11[%select_n3A_3079, %dma_start3A_3400, %dma_start3A_3411, %dma_start3A_3412] : memref<3x16x8x64xf32, #tpu.memory_space<vmem>> -> memref<1x1x8x64xf32, #tpu.memory_space<vmem>>
        %dma_start3A_3414 = tpu.memref_squeeze %dma_start3A_3413 : memref<1x1x8x64xf32, #tpu.memory_space<vmem>> -> memref<8x64xf32, #tpu.memory_space<vmem>>
        %dma_start3A_3415 = arith.constant 0 : i32
        %dma_start3A_3416 = arith.constant 0 : i32
        %dma_start3A_3417 = tpu.memref_slice %arg5[%squeeze3A_3399, %dma_start3A_3415, %dma_start3A_3416] : memref<125000x8x64xf32, #tpu.memory_space<hbm>> -> memref<1x8x64xf32, #tpu.memory_space<hbm>>
        %dma_start3A_3418 = tpu.memref_squeeze %dma_start3A_3417 : memref<1x8x64xf32, #tpu.memory_space<hbm>> -> memref<8x64xf32, #tpu.memory_space<hbm>>
        tpu.enqueue_dma source(%dma_start3A_3418 : memref<8x64xf32, #tpu.memory_space<hbm>>) target(%dma_start3A_3414 : memref<8x64xf32, #tpu.memory_space<vmem>>) target_semaphore(%dma_start3A_3410 : memref<!tpu.dma_semaphore, #tpu.memory_space<semaphore_mem>>)
        %slice3A_3419 = vector.extract_strided_slice %shift_right_logical3A_3103 {offsets = [7], sizes = [1], strides = [1]} : vector<16xi32> to vector<1xi32>
        %squeeze3A_3420 = vector.extract %slice3A_3419[0] : i32 from vector<1xi32>
        %dma_start3A_3421 = arith.constant 7 : i32
        %dma_start3A_3422 = arith.constant 0 : i32
        %dma_start3A_3423 = arith.constant 0 : i32
        %dma_start3A_3424 = tpu.memref_slice %arg13[%select_n3A_3079, %dma_start3A_3421, %dma_start3A_3422, %dma_start3A_3423] : memref<3x16x8x64xf32, #tpu.memory_space<vmem>> -> memref<1x1x8x64xf32, #tpu.memory_space<vmem>>
        %dma_start3A_3425 = tpu.memref_squeeze %dma_start3A_3424 : memref<1x1x8x64xf32, #tpu.memory_space<vmem>> -> memref<8x64xf32, #tpu.memory_space<vmem>>
        %dma_start3A_3426 = arith.constant 0 : i32
        %dma_start3A_3427 = arith.constant 0 : i32
        %dma_start3A_3428 = tpu.memref_slice %arg5[%squeeze3A_3420, %dma_start3A_3426, %dma_start3A_3427] : memref<125000x8x64xf32, #tpu.memory_space<hbm>> -> memref<1x8x64xf32, #tpu.memory_space<hbm>>
        %dma_start3A_3429 = tpu.memref_squeeze %dma_start3A_3428 : memref<1x8x64xf32, #tpu.memory_space<hbm>> -> memref<8x64xf32, #tpu.memory_space<hbm>>
        %dma_start3A_3430 = tpu.memref_slice %arg16[%select_n3A_3079] : memref<3x!tpu.dma_semaphore, #tpu.memory_space<semaphore_mem>> -> memref<1x!tpu.dma_semaphore, #tpu.memory_space<semaphore_mem>>
        %dma_start3A_3431 = tpu.memref_squeeze %dma_start3A_3430 : memref<1x!tpu.dma_semaphore, #tpu.memory_space<semaphore_mem>> -> memref<!tpu.dma_semaphore, #tpu.memory_space<semaphore_mem>>
        %dma_start3A_3432 = arith.constant 0 : i32
        %dma_start3A_3433 = arith.constant 0 : i32
        %dma_start3A_3434 = tpu.memref_slice %arg13[%select_n3A_3079, %dma_start3A_3421, %dma_start3A_3432, %dma_start3A_3433] : memref<3x16x8x64xf32, #tpu.memory_space<vmem>> -> memref<1x1x8x64xf32, #tpu.memory_space<vmem>>
        %dma_start3A_3435 = tpu.memref_squeeze %dma_start3A_3434 : memref<1x1x8x64xf32, #tpu.memory_space<vmem>> -> memref<8x64xf32, #tpu.memory_space<vmem>>
        %dma_start3A_3436 = arith.constant 0 : i32
        %dma_start3A_3437 = arith.constant 0 : i32
        %dma_start3A_3438 = tpu.memref_slice %arg5[%squeeze3A_3420, %dma_start3A_3436, %dma_start3A_3437] : memref<125000x8x64xf32, #tpu.memory_space<hbm>> -> memref<1x8x64xf32, #tpu.memory_space<hbm>>
        %dma_start3A_3439 = tpu.memref_squeeze %dma_start3A_3438 : memref<1x8x64xf32, #tpu.memory_space<hbm>> -> memref<8x64xf32, #tpu.memory_space<hbm>>
        tpu.enqueue_dma source(%dma_start3A_3439 : memref<8x64xf32, #tpu.memory_space<hbm>>) target(%dma_start3A_3435 : memref<8x64xf32, #tpu.memory_space<vmem>>) target_semaphore(%dma_start3A_3431 : memref<!tpu.dma_semaphore, #tpu.memory_space<semaphore_mem>>)
        %slice3A_3440 = vector.extract_strided_slice %shift_right_logical3A_3097 {offsets = [8], sizes = [1], strides = [1]} : vector<16xi32> to vector<1xi32>
        %squeeze3A_3441 = vector.extract %slice3A_3440[0] : i32 from vector<1xi32>
        %dma_start3A_3442 = arith.constant 8 : i32
        %dma_start3A_3443 = arith.constant 0 : i32
        %dma_start3A_3444 = arith.constant 0 : i32
        %dma_start3A_3445 = tpu.memref_slice %arg11[%select_n3A_3079, %dma_start3A_3442, %dma_start3A_3443, %dma_start3A_3444] : memref<3x16x8x64xf32, #tpu.memory_space<vmem>> -> memref<1x1x8x64xf32, #tpu.memory_space<vmem>>
        %dma_start3A_3446 = tpu.memref_squeeze %dma_start3A_3445 : memref<1x1x8x64xf32, #tpu.memory_space<vmem>> -> memref<8x64xf32, #tpu.memory_space<vmem>>
        %dma_start3A_3447 = arith.constant 0 : i32
        %dma_start3A_3448 = arith.constant 0 : i32
        %dma_start3A_3449 = tpu.memref_slice %arg5[%squeeze3A_3441, %dma_start3A_3447, %dma_start3A_3448] : memref<125000x8x64xf32, #tpu.memory_space<hbm>> -> memref<1x8x64xf32, #tpu.memory_space<hbm>>
        %dma_start3A_3450 = tpu.memref_squeeze %dma_start3A_3449 : memref<1x8x64xf32, #tpu.memory_space<hbm>> -> memref<8x64xf32, #tpu.memory_space<hbm>>
        %dma_start3A_3451 = tpu.memref_slice %arg16[%select_n3A_3079] : memref<3x!tpu.dma_semaphore, #tpu.memory_space<semaphore_mem>> -> memref<1x!tpu.dma_semaphore, #tpu.memory_space<semaphore_mem>>
        %dma_start3A_3452 = tpu.memref_squeeze %dma_start3A_3451 : memref<1x!tpu.dma_semaphore, #tpu.memory_space<semaphore_mem>> -> memref<!tpu.dma_semaphore, #tpu.memory_space<semaphore_mem>>
        %dma_start3A_3453 = arith.constant 0 : i32
        %dma_start3A_3454 = arith.constant 0 : i32
        %dma_start3A_3455 = tpu.memref_slice %arg11[%select_n3A_3079, %dma_start3A_3442, %dma_start3A_3453, %dma_start3A_3454] : memref<3x16x8x64xf32, #tpu.memory_space<vmem>> -> memref<1x1x8x64xf32, #tpu.memory_space<vmem>>
        %dma_start3A_3456 = tpu.memref_squeeze %dma_start3A_3455 : memref<1x1x8x64xf32, #tpu.memory_space<vmem>> -> memref<8x64xf32, #tpu.memory_space<vmem>>
        %dma_start3A_3457 = arith.constant 0 : i32
        %dma_start3A_3458 = arith.constant 0 : i32
        %dma_start3A_3459 = tpu.memref_slice %arg5[%squeeze3A_3441, %dma_start3A_3457, %dma_start3A_3458] : memref<125000x8x64xf32, #tpu.memory_space<hbm>> -> memref<1x8x64xf32, #tpu.memory_space<hbm>>
        %dma_start3A_3460 = tpu.memref_squeeze %dma_start3A_3459 : memref<1x8x64xf32, #tpu.memory_space<hbm>> -> memref<8x64xf32, #tpu.memory_space<hbm>>
        tpu.enqueue_dma source(%dma_start3A_3460 : memref<8x64xf32, #tpu.memory_space<hbm>>) target(%dma_start3A_3456 : memref<8x64xf32, #tpu.memory_space<vmem>>) target_semaphore(%dma_start3A_3452 : memref<!tpu.dma_semaphore, #tpu.memory_space<semaphore_mem>>)
        %slice3A_3461 = vector.extract_strided_slice %shift_right_logical3A_3103 {offsets = [8], sizes = [1], strides = [1]} : vector<16xi32> to vector<1xi32>
        %squeeze3A_3462 = vector.extract %slice3A_3461[0] : i32 from vector<1xi32>
        %dma_start3A_3463 = arith.constant 8 : i32
        %dma_start3A_3464 = arith.constant 0 : i32
        %dma_start3A_3465 = arith.constant 0 : i32
        %dma_start3A_3466 = tpu.memref_slice %arg13[%select_n3A_3079, %dma_start3A_3463, %dma_start3A_3464, %dma_start3A_3465] : memref<3x16x8x64xf32, #tpu.memory_space<vmem>> -> memref<1x1x8x64xf32, #tpu.memory_space<vmem>>
        %dma_start3A_3467 = tpu.memref_squeeze %dma_start3A_3466 : memref<1x1x8x64xf32, #tpu.memory_space<vmem>> -> memref<8x64xf32, #tpu.memory_space<vmem>>
        %dma_start3A_3468 = arith.constant 0 : i32
        %dma_start3A_3469 = arith.constant 0 : i32
        %dma_start3A_3470 = tpu.memref_slice %arg5[%squeeze3A_3462, %dma_start3A_3468, %dma_start3A_3469] : memref<125000x8x64xf32, #tpu.memory_space<hbm>> -> memref<1x8x64xf32, #tpu.memory_space<hbm>>
        %dma_start3A_3471 = tpu.memref_squeeze %dma_start3A_3470 : memref<1x8x64xf32, #tpu.memory_space<hbm>> -> memref<8x64xf32, #tpu.memory_space<hbm>>
        %dma_start3A_3472 = tpu.memref_slice %arg16[%select_n3A_3079] : memref<3x!tpu.dma_semaphore, #tpu.memory_space<semaphore_mem>> -> memref<1x!tpu.dma_semaphore, #tpu.memory_space<semaphore_mem>>
        %dma_start3A_3473 = tpu.memref_squeeze %dma_start3A_3472 : memref<1x!tpu.dma_semaphore, #tpu.memory_space<semaphore_mem>> -> memref<!tpu.dma_semaphore, #tpu.memory_space<semaphore_mem>>
        %dma_start3A_3474 = arith.constant 0 : i32
        %dma_start3A_3475 = arith.constant 0 : i32
        %dma_start3A_3476 = tpu.memref_slice %arg13[%select_n3A_3079, %dma_start3A_3463, %dma_start3A_3474, %dma_start3A_3475] : memref<3x16x8x64xf32, #tpu.memory_space<vmem>> -> memref<1x1x8x64xf32, #tpu.memory_space<vmem>>
        %dma_start3A_3477 = tpu.memref_squeeze %dma_start3A_3476 : memref<1x1x8x64xf32, #tpu.memory_space<vmem>> -> memref<8x64xf32, #tpu.memory_space<vmem>>
        %dma_start3A_3478 = arith.constant 0 : i32
        %dma_start3A_3479 = arith.constant 0 : i32
        %dma_start3A_3480 = tpu.memref_slice %arg5[%squeeze3A_3462, %dma_start3A_3478, %dma_start3A_3479] : memref<125000x8x64xf32, #tpu.memory_space<hbm>> -> memref<1x8x64xf32, #tpu.memory_space<hbm>>
        %dma_start3A_3481 = tpu.memref_squeeze %dma_start3A_3480 : memref<1x8x64xf32, #tpu.memory_space<hbm>> -> memref<8x64xf32, #tpu.memory_space<hbm>>
        tpu.enqueue_dma source(%dma_start3A_3481 : memref<8x64xf32, #tpu.memory_space<hbm>>) target(%dma_start3A_3477 : memref<8x64xf32, #tpu.memory_space<vmem>>) target_semaphore(%dma_start3A_3473 : memref<!tpu.dma_semaphore, #tpu.memory_space<semaphore_mem>>)
        %slice3A_3482 = vector.extract_strided_slice %shift_right_logical3A_3097 {offsets = [9], sizes = [1], strides = [1]} : vector<16xi32> to vector<1xi32>
        %squeeze3A_3483 = vector.extract %slice3A_3482[0] : i32 from vector<1xi32>
        %dma_start3A_3484 = arith.constant 9 : i32
        %dma_start3A_3485 = arith.constant 0 : i32
        %dma_start3A_3486 = arith.constant 0 : i32
        %dma_start3A_3487 = tpu.memref_slice %arg11[%select_n3A_3079, %dma_start3A_3484, %dma_start3A_3485, %dma_start3A_3486] : memref<3x16x8x64xf32, #tpu.memory_space<vmem>> -> memref<1x1x8x64xf32, #tpu.memory_space<vmem>>
        %dma_start3A_3488 = tpu.memref_squeeze %dma_start3A_3487 : memref<1x1x8x64xf32, #tpu.memory_space<vmem>> -> memref<8x64xf32, #tpu.memory_space<vmem>>
        %dma_start3A_3489 = arith.constant 0 : i32
        %dma_start3A_3490 = arith.constant 0 : i32
        %dma_start3A_3491 = tpu.memref_slice %arg5[%squeeze3A_3483, %dma_start3A_3489, %dma_start3A_3490] : memref<125000x8x64xf32, #tpu.memory_space<hbm>> -> memref<1x8x64xf32, #tpu.memory_space<hbm>>
        %dma_start3A_3492 = tpu.memref_squeeze %dma_start3A_3491 : memref<1x8x64xf32, #tpu.memory_space<hbm>> -> memref<8x64xf32, #tpu.memory_space<hbm>>
        %dma_start3A_3493 = tpu.memref_slice %arg16[%select_n3A_3079] : memref<3x!tpu.dma_semaphore, #tpu.memory_space<semaphore_mem>> -> memref<1x!tpu.dma_semaphore, #tpu.memory_space<semaphore_mem>>
        %dma_start3A_3494 = tpu.memref_squeeze %dma_start3A_3493 : memref<1x!tpu.dma_semaphore, #tpu.memory_space<semaphore_mem>> -> memref<!tpu.dma_semaphore, #tpu.memory_space<semaphore_mem>>
        %dma_start3A_3495 = arith.constant 0 : i32
        %dma_start3A_3496 = arith.constant 0 : i32
        %dma_start3A_3497 = tpu.memref_slice %arg11[%select_n3A_3079, %dma_start3A_3484, %dma_start3A_3495, %dma_start3A_3496] : memref<3x16x8x64xf32, #tpu.memory_space<vmem>> -> memref<1x1x8x64xf32, #tpu.memory_space<vmem>>
        %dma_start3A_3498 = tpu.memref_squeeze %dma_start3A_3497 : memref<1x1x8x64xf32, #tpu.memory_space<vmem>> -> memref<8x64xf32, #tpu.memory_space<vmem>>
        %dma_start3A_3499 = arith.constant 0 : i32
        %dma_start3A_3500 = arith.constant 0 : i32
        %dma_start3A_3501 = tpu.memref_slice %arg5[%squeeze3A_3483, %dma_start3A_3499, %dma_start3A_3500] : memref<125000x8x64xf32, #tpu.memory_space<hbm>> -> memref<1x8x64xf32, #tpu.memory_space<hbm>>
        %dma_start3A_3502 = tpu.memref_squeeze %dma_start3A_3501 : memref<1x8x64xf32, #tpu.memory_space<hbm>> -> memref<8x64xf32, #tpu.memory_space<hbm>>
        tpu.enqueue_dma source(%dma_start3A_3502 : memref<8x64xf32, #tpu.memory_space<hbm>>) target(%dma_start3A_3498 : memref<8x64xf32, #tpu.memory_space<vmem>>) target_semaphore(%dma_start3A_3494 : memref<!tpu.dma_semaphore, #tpu.memory_space<semaphore_mem>>)
        %slice3A_3503 = vector.extract_strided_slice %shift_right_logical3A_3103 {offsets = [9], sizes = [1], strides = [1]} : vector<16xi32> to vector<1xi32>
        %squeeze3A_3504 = vector.extract %slice3A_3503[0] : i32 from vector<1xi32>
        %dma_start3A_3505 = arith.constant 9 : i32
        %dma_start3A_3506 = arith.constant 0 : i32
        %dma_start3A_3507 = arith.constant 0 : i32
        %dma_start3A_3508 = tpu.memref_slice %arg13[%select_n3A_3079, %dma_start3A_3505, %dma_start3A_3506, %dma_start3A_3507] : memref<3x16x8x64xf32, #tpu.memory_space<vmem>> -> memref<1x1x8x64xf32, #tpu.memory_space<vmem>>
        %dma_start3A_3509 = tpu.memref_squeeze %dma_start3A_3508 : memref<1x1x8x64xf32, #tpu.memory_space<vmem>> -> memref<8x64xf32, #tpu.memory_space<vmem>>
        %dma_start3A_3510 = arith.constant 0 : i32
        %dma_start3A_3511 = arith.constant 0 : i32
        %dma_start3A_3512 = tpu.memref_slice %arg5[%squeeze3A_3504, %dma_start3A_3510, %dma_start3A_3511] : memref<125000x8x64xf32, #tpu.memory_space<hbm>> -> memref<1x8x64xf32, #tpu.memory_space<hbm>>
        %dma_start3A_3513 = tpu.memref_squeeze %dma_start3A_3512 : memref<1x8x64xf32, #tpu.memory_space<hbm>> -> memref<8x64xf32, #tpu.memory_space<hbm>>
        %dma_start3A_3514 = tpu.memref_slice %arg16[%select_n3A_3079] : memref<3x!tpu.dma_semaphore, #tpu.memory_space<semaphore_mem>> -> memref<1x!tpu.dma_semaphore, #tpu.memory_space<semaphore_mem>>
        %dma_start3A_3515 = tpu.memref_squeeze %dma_start3A_3514 : memref<1x!tpu.dma_semaphore, #tpu.memory_space<semaphore_mem>> -> memref<!tpu.dma_semaphore, #tpu.memory_space<semaphore_mem>>
        %dma_start3A_3516 = arith.constant 0 : i32
        %dma_start3A_3517 = arith.constant 0 : i32
        %dma_start3A_3518 = tpu.memref_slice %arg13[%select_n3A_3079, %dma_start3A_3505, %dma_start3A_3516, %dma_start3A_3517] : memref<3x16x8x64xf32, #tpu.memory_space<vmem>> -> memref<1x1x8x64xf32, #tpu.memory_space<vmem>>
        %dma_start3A_3519 = tpu.memref_squeeze %dma_start3A_3518 : memref<1x1x8x64xf32, #tpu.memory_space<vmem>> -> memref<8x64xf32, #tpu.memory_space<vmem>>
        %dma_start3A_3520 = arith.constant 0 : i32
        %dma_start3A_3521 = arith.constant 0 : i32
        %dma_start3A_3522 = tpu.memref_slice %arg5[%squeeze3A_3504, %dma_start3A_3520, %dma_start3A_3521] : memref<125000x8x64xf32, #tpu.memory_space<hbm>> -> memref<1x8x64xf32, #tpu.memory_space<hbm>>
        %dma_start3A_3523 = tpu.memref_squeeze %dma_start3A_3522 : memref<1x8x64xf32, #tpu.memory_space<hbm>> -> memref<8x64xf32, #tpu.memory_space<hbm>>
        tpu.enqueue_dma source(%dma_start3A_3523 : memref<8x64xf32, #tpu.memory_space<hbm>>) target(%dma_start3A_3519 : memref<8x64xf32, #tpu.memory_space<vmem>>) target_semaphore(%dma_start3A_3515 : memref<!tpu.dma_semaphore, #tpu.memory_space<semaphore_mem>>)
        %slice3A_3524 = vector.extract_strided_slice %shift_right_logical3A_3097 {offsets = [10], sizes = [1], strides = [1]} : vector<16xi32> to vector<1xi32>
        %squeeze3A_3525 = vector.extract %slice3A_3524[0] : i32 from vector<1xi32>
        %dma_start3A_3526 = arith.constant 10 : i32
        %dma_start3A_3527 = arith.constant 0 : i32
        %dma_start3A_3528 = arith.constant 0 : i32
        %dma_start3A_3529 = tpu.memref_slice %arg11[%select_n3A_3079, %dma_start3A_3526, %dma_start3A_3527, %dma_start3A_3528] : memref<3x16x8x64xf32, #tpu.memory_space<vmem>> -> memref<1x1x8x64xf32, #tpu.memory_space<vmem>>
        %dma_start3A_3530 = tpu.memref_squeeze %dma_start3A_3529 : memref<1x1x8x64xf32, #tpu.memory_space<vmem>> -> memref<8x64xf32, #tpu.memory_space<vmem>>
        %dma_start3A_3531 = arith.constant 0 : i32
        %dma_start3A_3532 = arith.constant 0 : i32
        %dma_start3A_3533 = tpu.memref_slice %arg5[%squeeze3A_3525, %dma_start3A_3531, %dma_start3A_3532] : memref<125000x8x64xf32, #tpu.memory_space<hbm>> -> memref<1x8x64xf32, #tpu.memory_space<hbm>>
        %dma_start3A_3534 = tpu.memref_squeeze %dma_start3A_3533 : memref<1x8x64xf32, #tpu.memory_space<hbm>> -> memref<8x64xf32, #tpu.memory_space<hbm>>
        %dma_start3A_3535 = tpu.memref_slice %arg16[%select_n3A_3079] : memref<3x!tpu.dma_semaphore, #tpu.memory_space<semaphore_mem>> -> memref<1x!tpu.dma_semaphore, #tpu.memory_space<semaphore_mem>>
        %dma_start3A_3536 = tpu.memref_squeeze %dma_start3A_3535 : memref<1x!tpu.dma_semaphore, #tpu.memory_space<semaphore_mem>> -> memref<!tpu.dma_semaphore, #tpu.memory_space<semaphore_mem>>
        %dma_start3A_3537 = arith.constant 0 : i32
        %dma_start3A_3538 = arith.constant 0 : i32
        %dma_start3A_3539 = tpu.memref_slice %arg11[%select_n3A_3079, %dma_start3A_3526, %dma_start3A_3537, %dma_start3A_3538] : memref<3x16x8x64xf32, #tpu.memory_space<vmem>> -> memref<1x1x8x64xf32, #tpu.memory_space<vmem>>
        %dma_start3A_3540 = tpu.memref_squeeze %dma_start3A_3539 : memref<1x1x8x64xf32, #tpu.memory_space<vmem>> -> memref<8x64xf32, #tpu.memory_space<vmem>>
        %dma_start3A_3541 = arith.constant 0 : i32
        %dma_start3A_3542 = arith.constant 0 : i32
        %dma_start3A_3543 = tpu.memref_slice %arg5[%squeeze3A_3525, %dma_start3A_3541, %dma_start3A_3542] : memref<125000x8x64xf32, #tpu.memory_space<hbm>> -> memref<1x8x64xf32, #tpu.memory_space<hbm>>
        %dma_start3A_3544 = tpu.memref_squeeze %dma_start3A_3543 : memref<1x8x64xf32, #tpu.memory_space<hbm>> -> memref<8x64xf32, #tpu.memory_space<hbm>>
        tpu.enqueue_dma source(%dma_start3A_3544 : memref<8x64xf32, #tpu.memory_space<hbm>>) target(%dma_start3A_3540 : memref<8x64xf32, #tpu.memory_space<vmem>>) target_semaphore(%dma_start3A_3536 : memref<!tpu.dma_semaphore, #tpu.memory_space<semaphore_mem>>)
        %slice3A_3545 = vector.extract_strided_slice %shift_right_logical3A_3103 {offsets = [10], sizes = [1], strides = [1]} : vector<16xi32> to vector<1xi32>
        %squeeze3A_3546 = vector.extract %slice3A_3545[0] : i32 from vector<1xi32>
        %dma_start3A_3547 = arith.constant 10 : i32
        %dma_start3A_3548 = arith.constant 0 : i32
        %dma_start3A_3549 = arith.constant 0 : i32
        %dma_start3A_3550 = tpu.memref_slice %arg13[%select_n3A_3079, %dma_start3A_3547, %dma_start3A_3548, %dma_start3A_3549] : memref<3x16x8x64xf32, #tpu.memory_space<vmem>> -> memref<1x1x8x64xf32, #tpu.memory_space<vmem>>
        %dma_start3A_3551 = tpu.memref_squeeze %dma_start3A_3550 : memref<1x1x8x64xf32, #tpu.memory_space<vmem>> -> memref<8x64xf32, #tpu.memory_space<vmem>>
        %dma_start3A_3552 = arith.constant 0 : i32
        %dma_start3A_3553 = arith.constant 0 : i32
        %dma_start3A_3554 = tpu.memref_slice %arg5[%squeeze3A_3546, %dma_start3A_3552, %dma_start3A_3553] : memref<125000x8x64xf32, #tpu.memory_space<hbm>> -> memref<1x8x64xf32, #tpu.memory_space<hbm>>
        %dma_start3A_3555 = tpu.memref_squeeze %dma_start3A_3554 : memref<1x8x64xf32, #tpu.memory_space<hbm>> -> memref<8x64xf32, #tpu.memory_space<hbm>>
        %dma_start3A_3556 = tpu.memref_slice %arg16[%select_n3A_3079] : memref<3x!tpu.dma_semaphore, #tpu.memory_space<semaphore_mem>> -> memref<1x!tpu.dma_semaphore, #tpu.memory_space<semaphore_mem>>
        %dma_start3A_3557 = tpu.memref_squeeze %dma_start3A_3556 : memref<1x!tpu.dma_semaphore, #tpu.memory_space<semaphore_mem>> -> memref<!tpu.dma_semaphore, #tpu.memory_space<semaphore_mem>>
        %dma_start3A_3558 = arith.constant 0 : i32
        %dma_start3A_3559 = arith.constant 0 : i32
        %dma_start3A_3560 = tpu.memref_slice %arg13[%select_n3A_3079, %dma_start3A_3547, %dma_start3A_3558, %dma_start3A_3559] : memref<3x16x8x64xf32, #tpu.memory_space<vmem>> -> memref<1x1x8x64xf32, #tpu.memory_space<vmem>>
        %dma_start3A_3561 = tpu.memref_squeeze %dma_start3A_3560 : memref<1x1x8x64xf32, #tpu.memory_space<vmem>> -> memref<8x64xf32, #tpu.memory_space<vmem>>
        %dma_start3A_3562 = arith.constant 0 : i32
        %dma_start3A_3563 = arith.constant 0 : i32
        %dma_start3A_3564 = tpu.memref_slice %arg5[%squeeze3A_3546, %dma_start3A_3562, %dma_start3A_3563] : memref<125000x8x64xf32, #tpu.memory_space<hbm>> -> memref<1x8x64xf32, #tpu.memory_space<hbm>>
        %dma_start3A_3565 = tpu.memref_squeeze %dma_start3A_3564 : memref<1x8x64xf32, #tpu.memory_space<hbm>> -> memref<8x64xf32, #tpu.memory_space<hbm>>
        tpu.enqueue_dma source(%dma_start3A_3565 : memref<8x64xf32, #tpu.memory_space<hbm>>) target(%dma_start3A_3561 : memref<8x64xf32, #tpu.memory_space<vmem>>) target_semaphore(%dma_start3A_3557 : memref<!tpu.dma_semaphore, #tpu.memory_space<semaphore_mem>>)
        %slice3A_3566 = vector.extract_strided_slice %shift_right_logical3A_3097 {offsets = [11], sizes = [1], strides = [1]} : vector<16xi32> to vector<1xi32>
        %squeeze3A_3567 = vector.extract %slice3A_3566[0] : i32 from vector<1xi32>
        %dma_start3A_3568 = arith.constant 11 : i32
        %dma_start3A_3569 = arith.constant 0 : i32
        %dma_start3A_3570 = arith.constant 0 : i32
        %dma_start3A_3571 = tpu.memref_slice %arg11[%select_n3A_3079, %dma_start3A_3568, %dma_start3A_3569, %dma_start3A_3570] : memref<3x16x8x64xf32, #tpu.memory_space<vmem>> -> memref<1x1x8x64xf32, #tpu.memory_space<vmem>>
        %dma_start3A_3572 = tpu.memref_squeeze %dma_start3A_3571 : memref<1x1x8x64xf32, #tpu.memory_space<vmem>> -> memref<8x64xf32, #tpu.memory_space<vmem>>
        %dma_start3A_3573 = arith.constant 0 : i32
        %dma_start3A_3574 = arith.constant 0 : i32
        %dma_start3A_3575 = tpu.memref_slice %arg5[%squeeze3A_3567, %dma_start3A_3573, %dma_start3A_3574] : memref<125000x8x64xf32, #tpu.memory_space<hbm>> -> memref<1x8x64xf32, #tpu.memory_space<hbm>>
        %dma_start3A_3576 = tpu.memref_squeeze %dma_start3A_3575 : memref<1x8x64xf32, #tpu.memory_space<hbm>> -> memref<8x64xf32, #tpu.memory_space<hbm>>
        %dma_start3A_3577 = tpu.memref_slice %arg16[%select_n3A_3079] : memref<3x!tpu.dma_semaphore, #tpu.memory_space<semaphore_mem>> -> memref<1x!tpu.dma_semaphore, #tpu.memory_space<semaphore_mem>>
        %dma_start3A_3578 = tpu.memref_squeeze %dma_start3A_3577 : memref<1x!tpu.dma_semaphore, #tpu.memory_space<semaphore_mem>> -> memref<!tpu.dma_semaphore, #tpu.memory_space<semaphore_mem>>
        %dma_start3A_3579 = arith.constant 0 : i32
        %dma_start3A_3580 = arith.constant 0 : i32
        %dma_start3A_3581 = tpu.memref_slice %arg11[%select_n3A_3079, %dma_start3A_3568, %dma_start3A_3579, %dma_start3A_3580] : memref<3x16x8x64xf32, #tpu.memory_space<vmem>> -> memref<1x1x8x64xf32, #tpu.memory_space<vmem>>
        %dma_start3A_3582 = tpu.memref_squeeze %dma_start3A_3581 : memref<1x1x8x64xf32, #tpu.memory_space<vmem>> -> memref<8x64xf32, #tpu.memory_space<vmem>>
        %dma_start3A_3583 = arith.constant 0 : i32
        %dma_start3A_3584 = arith.constant 0 : i32
        %dma_start3A_3585 = tpu.memref_slice %arg5[%squeeze3A_3567, %dma_start3A_3583, %dma_start3A_3584] : memref<125000x8x64xf32, #tpu.memory_space<hbm>> -> memref<1x8x64xf32, #tpu.memory_space<hbm>>
        %dma_start3A_3586 = tpu.memref_squeeze %dma_start3A_3585 : memref<1x8x64xf32, #tpu.memory_space<hbm>> -> memref<8x64xf32, #tpu.memory_space<hbm>>
        tpu.enqueue_dma source(%dma_start3A_3586 : memref<8x64xf32, #tpu.memory_space<hbm>>) target(%dma_start3A_3582 : memref<8x64xf32, #tpu.memory_space<vmem>>) target_semaphore(%dma_start3A_3578 : memref<!tpu.dma_semaphore, #tpu.memory_space<semaphore_mem>>)
        %slice3A_3587 = vector.extract_strided_slice %shift_right_logical3A_3103 {offsets = [11], sizes = [1], strides = [1]} : vector<16xi32> to vector<1xi32>
        %squeeze3A_3588 = vector.extract %slice3A_3587[0] : i32 from vector<1xi32>
        %dma_start3A_3589 = arith.constant 11 : i32
        %dma_start3A_3590 = arith.constant 0 : i32
        %dma_start3A_3591 = arith.constant 0 : i32
        %dma_start3A_3592 = tpu.memref_slice %arg13[%select_n3A_3079, %dma_start3A_3589, %dma_start3A_3590, %dma_start3A_3591] : memref<3x16x8x64xf32, #tpu.memory_space<vmem>> -> memref<1x1x8x64xf32, #tpu.memory_space<vmem>>
        %dma_start3A_3593 = tpu.memref_squeeze %dma_start3A_3592 : memref<1x1x8x64xf32, #tpu.memory_space<vmem>> -> memref<8x64xf32, #tpu.memory_space<vmem>>
        %dma_start3A_3594 = arith.constant 0 : i32
        %dma_start3A_3595 = arith.constant 0 : i32
        %dma_start3A_3596 = tpu.memref_slice %arg5[%squeeze3A_3588, %dma_start3A_3594, %dma_start3A_3595] : memref<125000x8x64xf32, #tpu.memory_space<hbm>> -> memref<1x8x64xf32, #tpu.memory_space<hbm>>
        %dma_start3A_3597 = tpu.memref_squeeze %dma_start3A_3596 : memref<1x8x64xf32, #tpu.memory_space<hbm>> -> memref<8x64xf32, #tpu.memory_space<hbm>>
        %dma_start3A_3598 = tpu.memref_slice %arg16[%select_n3A_3079] : memref<3x!tpu.dma_semaphore, #tpu.memory_space<semaphore_mem>> -> memref<1x!tpu.dma_semaphore, #tpu.memory_space<semaphore_mem>>
        %dma_start3A_3599 = tpu.memref_squeeze %dma_start3A_3598 : memref<1x!tpu.dma_semaphore, #tpu.memory_space<semaphore_mem>> -> memref<!tpu.dma_semaphore, #tpu.memory_space<semaphore_mem>>
        %dma_start3A_3600 = arith.constant 0 : i32
        %dma_start3A_3601 = arith.constant 0 : i32
        %dma_start3A_3602 = tpu.memref_slice %arg13[%select_n3A_3079, %dma_start3A_3589, %dma_start3A_3600, %dma_start3A_3601] : memref<3x16x8x64xf32, #tpu.memory_space<vmem>> -> memref<1x1x8x64xf32, #tpu.memory_space<vmem>>
        %dma_start3A_3603 = tpu.memref_squeeze %dma_start3A_3602 : memref<1x1x8x64xf32, #tpu.memory_space<vmem>> -> memref<8x64xf32, #tpu.memory_space<vmem>>
        %dma_start3A_3604 = arith.constant 0 : i32
        %dma_start3A_3605 = arith.constant 0 : i32
        %dma_start3A_3606 = tpu.memref_slice %arg5[%squeeze3A_3588, %dma_start3A_3604, %dma_start3A_3605] : memref<125000x8x64xf32, #tpu.memory_space<hbm>> -> memref<1x8x64xf32, #tpu.memory_space<hbm>>
        %dma_start3A_3607 = tpu.memref_squeeze %dma_start3A_3606 : memref<1x8x64xf32, #tpu.memory_space<hbm>> -> memref<8x64xf32, #tpu.memory_space<hbm>>
        tpu.enqueue_dma source(%dma_start3A_3607 : memref<8x64xf32, #tpu.memory_space<hbm>>) target(%dma_start3A_3603 : memref<8x64xf32, #tpu.memory_space<vmem>>) target_semaphore(%dma_start3A_3599 : memref<!tpu.dma_semaphore, #tpu.memory_space<semaphore_mem>>)
        %slice3A_3608 = vector.extract_strided_slice %shift_right_logical3A_3097 {offsets = [12], sizes = [1], strides = [1]} : vector<16xi32> to vector<1xi32>
        %squeeze3A_3609 = vector.extract %slice3A_3608[0] : i32 from vector<1xi32>
        %dma_start3A_3610 = arith.constant 12 : i32
        %dma_start3A_3611 = arith.constant 0 : i32
        %dma_start3A_3612 = arith.constant 0 : i32
        %dma_start3A_3613 = tpu.memref_slice %arg11[%select_n3A_3079, %dma_start3A_3610, %dma_start3A_3611, %dma_start3A_3612] : memref<3x16x8x64xf32, #tpu.memory_space<vmem>> -> memref<1x1x8x64xf32, #tpu.memory_space<vmem>>
        %dma_start3A_3614 = tpu.memref_squeeze %dma_start3A_3613 : memref<1x1x8x64xf32, #tpu.memory_space<vmem>> -> memref<8x64xf32, #tpu.memory_space<vmem>>
        %dma_start3A_3615 = arith.constant 0 : i32
        %dma_start3A_3616 = arith.constant 0 : i32
        %dma_start3A_3617 = tpu.memref_slice %arg5[%squeeze3A_3609, %dma_start3A_3615, %dma_start3A_3616] : memref<125000x8x64xf32, #tpu.memory_space<hbm>> -> memref<1x8x64xf32, #tpu.memory_space<hbm>>
        %dma_start3A_3618 = tpu.memref_squeeze %dma_start3A_3617 : memref<1x8x64xf32, #tpu.memory_space<hbm>> -> memref<8x64xf32, #tpu.memory_space<hbm>>
        %dma_start3A_3619 = tpu.memref_slice %arg16[%select_n3A_3079] : memref<3x!tpu.dma_semaphore, #tpu.memory_space<semaphore_mem>> -> memref<1x!tpu.dma_semaphore, #tpu.memory_space<semaphore_mem>>
        %dma_start3A_3620 = tpu.memref_squeeze %dma_start3A_3619 : memref<1x!tpu.dma_semaphore, #tpu.memory_space<semaphore_mem>> -> memref<!tpu.dma_semaphore, #tpu.memory_space<semaphore_mem>>
        %dma_start3A_3621 = arith.constant 0 : i32
        %dma_start3A_3622 = arith.constant 0 : i32
        %dma_start3A_3623 = tpu.memref_slice %arg11[%select_n3A_3079, %dma_start3A_3610, %dma_start3A_3621, %dma_start3A_3622] : memref<3x16x8x64xf32, #tpu.memory_space<vmem>> -> memref<1x1x8x64xf32, #tpu.memory_space<vmem>>
        %dma_start3A_3624 = tpu.memref_squeeze %dma_start3A_3623 : memref<1x1x8x64xf32, #tpu.memory_space<vmem>> -> memref<8x64xf32, #tpu.memory_space<vmem>>
        %dma_start3A_3625 = arith.constant 0 : i32
        %dma_start3A_3626 = arith.constant 0 : i32
        %dma_start3A_3627 = tpu.memref_slice %arg5[%squeeze3A_3609, %dma_start3A_3625, %dma_start3A_3626] : memref<125000x8x64xf32, #tpu.memory_space<hbm>> -> memref<1x8x64xf32, #tpu.memory_space<hbm>>
        %dma_start3A_3628 = tpu.memref_squeeze %dma_start3A_3627 : memref<1x8x64xf32, #tpu.memory_space<hbm>> -> memref<8x64xf32, #tpu.memory_space<hbm>>
        tpu.enqueue_dma source(%dma_start3A_3628 : memref<8x64xf32, #tpu.memory_space<hbm>>) target(%dma_start3A_3624 : memref<8x64xf32, #tpu.memory_space<vmem>>) target_semaphore(%dma_start3A_3620 : memref<!tpu.dma_semaphore, #tpu.memory_space<semaphore_mem>>)
        %slice3A_3629 = vector.extract_strided_slice %shift_right_logical3A_3103 {offsets = [12], sizes = [1], strides = [1]} : vector<16xi32> to vector<1xi32>
        %squeeze3A_3630 = vector.extract %slice3A_3629[0] : i32 from vector<1xi32>
        %dma_start3A_3631 = arith.constant 12 : i32
        %dma_start3A_3632 = arith.constant 0 : i32
        %dma_start3A_3633 = arith.constant 0 : i32
        %dma_start3A_3634 = tpu.memref_slice %arg13[%select_n3A_3079, %dma_start3A_3631, %dma_start3A_3632, %dma_start3A_3633] : memref<3x16x8x64xf32, #tpu.memory_space<vmem>> -> memref<1x1x8x64xf32, #tpu.memory_space<vmem>>
        %dma_start3A_3635 = tpu.memref_squeeze %dma_start3A_3634 : memref<1x1x8x64xf32, #tpu.memory_space<vmem>> -> memref<8x64xf32, #tpu.memory_space<vmem>>
        %dma_start3A_3636 = arith.constant 0 : i32
        %dma_start3A_3637 = arith.constant 0 : i32
        %dma_start3A_3638 = tpu.memref_slice %arg5[%squeeze3A_3630, %dma_start3A_3636, %dma_start3A_3637] : memref<125000x8x64xf32, #tpu.memory_space<hbm>> -> memref<1x8x64xf32, #tpu.memory_space<hbm>>
        %dma_start3A_3639 = tpu.memref_squeeze %dma_start3A_3638 : memref<1x8x64xf32, #tpu.memory_space<hbm>> -> memref<8x64xf32, #tpu.memory_space<hbm>>
        %dma_start3A_3640 = tpu.memref_slice %arg16[%select_n3A_3079] : memref<3x!tpu.dma_semaphore, #tpu.memory_space<semaphore_mem>> -> memref<1x!tpu.dma_semaphore, #tpu.memory_space<semaphore_mem>>
        %dma_start3A_3641 = tpu.memref_squeeze %dma_start3A_3640 : memref<1x!tpu.dma_semaphore, #tpu.memory_space<semaphore_mem>> -> memref<!tpu.dma_semaphore, #tpu.memory_space<semaphore_mem>>
        %dma_start3A_3642 = arith.constant 0 : i32
        %dma_start3A_3643 = arith.constant 0 : i32
        %dma_start3A_3644 = tpu.memref_slice %arg13[%select_n3A_3079, %dma_start3A_3631, %dma_start3A_3642, %dma_start3A_3643] : memref<3x16x8x64xf32, #tpu.memory_space<vmem>> -> memref<1x1x8x64xf32, #tpu.memory_space<vmem>>
        %dma_start3A_3645 = tpu.memref_squeeze %dma_start3A_3644 : memref<1x1x8x64xf32, #tpu.memory_space<vmem>> -> memref<8x64xf32, #tpu.memory_space<vmem>>
        %dma_start3A_3646 = arith.constant 0 : i32
        %dma_start3A_3647 = arith.constant 0 : i32
        %dma_start3A_3648 = tpu.memref_slice %arg5[%squeeze3A_3630, %dma_start3A_3646, %dma_start3A_3647] : memref<125000x8x64xf32, #tpu.memory_space<hbm>> -> memref<1x8x64xf32, #tpu.memory_space<hbm>>
        %dma_start3A_3649 = tpu.memref_squeeze %dma_start3A_3648 : memref<1x8x64xf32, #tpu.memory_space<hbm>> -> memref<8x64xf32, #tpu.memory_space<hbm>>
        tpu.enqueue_dma source(%dma_start3A_3649 : memref<8x64xf32, #tpu.memory_space<hbm>>) target(%dma_start3A_3645 : memref<8x64xf32, #tpu.memory_space<vmem>>) target_semaphore(%dma_start3A_3641 : memref<!tpu.dma_semaphore, #tpu.memory_space<semaphore_mem>>)
        %slice3A_3650 = vector.extract_strided_slice %shift_right_logical3A_3097 {offsets = [13], sizes = [1], strides = [1]} : vector<16xi32> to vector<1xi32>
        %squeeze3A_3651 = vector.extract %slice3A_3650[0] : i32 from vector<1xi32>
        %dma_start3A_3652 = arith.constant 13 : i32
        %dma_start3A_3653 = arith.constant 0 : i32
        %dma_start3A_3654 = arith.constant 0 : i32
        %dma_start3A_3655 = tpu.memref_slice %arg11[%select_n3A_3079, %dma_start3A_3652, %dma_start3A_3653, %dma_start3A_3654] : memref<3x16x8x64xf32, #tpu.memory_space<vmem>> -> memref<1x1x8x64xf32, #tpu.memory_space<vmem>>
        %dma_start3A_3656 = tpu.memref_squeeze %dma_start3A_3655 : memref<1x1x8x64xf32, #tpu.memory_space<vmem>> -> memref<8x64xf32, #tpu.memory_space<vmem>>
        %dma_start3A_3657 = arith.constant 0 : i32
        %dma_start3A_3658 = arith.constant 0 : i32
        %dma_start3A_3659 = tpu.memref_slice %arg5[%squeeze3A_3651, %dma_start3A_3657, %dma_start3A_3658] : memref<125000x8x64xf32, #tpu.memory_space<hbm>> -> memref<1x8x64xf32, #tpu.memory_space<hbm>>
        %dma_start3A_3660 = tpu.memref_squeeze %dma_start3A_3659 : memref<1x8x64xf32, #tpu.memory_space<hbm>> -> memref<8x64xf32, #tpu.memory_space<hbm>>
        %dma_start3A_3661 = tpu.memref_slice %arg16[%select_n3A_3079] : memref<3x!tpu.dma_semaphore, #tpu.memory_space<semaphore_mem>> -> memref<1x!tpu.dma_semaphore, #tpu.memory_space<semaphore_mem>>
        %dma_start3A_3662 = tpu.memref_squeeze %dma_start3A_3661 : memref<1x!tpu.dma_semaphore, #tpu.memory_space<semaphore_mem>> -> memref<!tpu.dma_semaphore, #tpu.memory_space<semaphore_mem>>
        %dma_start3A_3663 = arith.constant 0 : i32
        %dma_start3A_3664 = arith.constant 0 : i32
        %dma_start3A_3665 = tpu.memref_slice %arg11[%select_n3A_3079, %dma_start3A_3652, %dma_start3A_3663, %dma_start3A_3664] : memref<3x16x8x64xf32, #tpu.memory_space<vmem>> -> memref<1x1x8x64xf32, #tpu.memory_space<vmem>>
        %dma_start3A_3666 = tpu.memref_squeeze %dma_start3A_3665 : memref<1x1x8x64xf32, #tpu.memory_space<vmem>> -> memref<8x64xf32, #tpu.memory_space<vmem>>
        %dma_start3A_3667 = arith.constant 0 : i32
        %dma_start3A_3668 = arith.constant 0 : i32
        %dma_start3A_3669 = tpu.memref_slice %arg5[%squeeze3A_3651, %dma_start3A_3667, %dma_start3A_3668] : memref<125000x8x64xf32, #tpu.memory_space<hbm>> -> memref<1x8x64xf32, #tpu.memory_space<hbm>>
        %dma_start3A_3670 = tpu.memref_squeeze %dma_start3A_3669 : memref<1x8x64xf32, #tpu.memory_space<hbm>> -> memref<8x64xf32, #tpu.memory_space<hbm>>
        tpu.enqueue_dma source(%dma_start3A_3670 : memref<8x64xf32, #tpu.memory_space<hbm>>) target(%dma_start3A_3666 : memref<8x64xf32, #tpu.memory_space<vmem>>) target_semaphore(%dma_start3A_3662 : memref<!tpu.dma_semaphore, #tpu.memory_space<semaphore_mem>>)
        %slice3A_3671 = vector.extract_strided_slice %shift_right_logical3A_3103 {offsets = [13], sizes = [1], strides = [1]} : vector<16xi32> to vector<1xi32>
        %squeeze3A_3672 = vector.extract %slice3A_3671[0] : i32 from vector<1xi32>
        %dma_start3A_3673 = arith.constant 13 : i32
        %dma_start3A_3674 = arith.constant 0 : i32
        %dma_start3A_3675 = arith.constant 0 : i32
        %dma_start3A_3676 = tpu.memref_slice %arg13[%select_n3A_3079, %dma_start3A_3673, %dma_start3A_3674, %dma_start3A_3675] : memref<3x16x8x64xf32, #tpu.memory_space<vmem>> -> memref<1x1x8x64xf32, #tpu.memory_space<vmem>>
        %dma_start3A_3677 = tpu.memref_squeeze %dma_start3A_3676 : memref<1x1x8x64xf32, #tpu.memory_space<vmem>> -> memref<8x64xf32, #tpu.memory_space<vmem>>
        %dma_start3A_3678 = arith.constant 0 : i32
        %dma_start3A_3679 = arith.constant 0 : i32
        %dma_start3A_3680 = tpu.memref_slice %arg5[%squeeze3A_3672, %dma_start3A_3678, %dma_start3A_3679] : memref<125000x8x64xf32, #tpu.memory_space<hbm>> -> memref<1x8x64xf32, #tpu.memory_space<hbm>>
        %dma_start3A_3681 = tpu.memref_squeeze %dma_start3A_3680 : memref<1x8x64xf32, #tpu.memory_space<hbm>> -> memref<8x64xf32, #tpu.memory_space<hbm>>
        %dma_start3A_3682 = tpu.memref_slice %arg16[%select_n3A_3079] : memref<3x!tpu.dma_semaphore, #tpu.memory_space<semaphore_mem>> -> memref<1x!tpu.dma_semaphore, #tpu.memory_space<semaphore_mem>>
        %dma_start3A_3683 = tpu.memref_squeeze %dma_start3A_3682 : memref<1x!tpu.dma_semaphore, #tpu.memory_space<semaphore_mem>> -> memref<!tpu.dma_semaphore, #tpu.memory_space<semaphore_mem>>
        %dma_start3A_3684 = arith.constant 0 : i32
        %dma_start3A_3685 = arith.constant 0 : i32
        %dma_start3A_3686 = tpu.memref_slice %arg13[%select_n3A_3079, %dma_start3A_3673, %dma_start3A_3684, %dma_start3A_3685] : memref<3x16x8x64xf32, #tpu.memory_space<vmem>> -> memref<1x1x8x64xf32, #tpu.memory_space<vmem>>
        %dma_start3A_3687 = tpu.memref_squeeze %dma_start3A_3686 : memref<1x1x8x64xf32, #tpu.memory_space<vmem>> -> memref<8x64xf32, #tpu.memory_space<vmem>>
        %dma_start3A_3688 = arith.constant 0 : i32
        %dma_start3A_3689 = arith.constant 0 : i32
        %dma_start3A_3690 = tpu.memref_slice %arg5[%squeeze3A_3672, %dma_start3A_3688, %dma_start3A_3689] : memref<125000x8x64xf32, #tpu.memory_space<hbm>> -> memref<1x8x64xf32, #tpu.memory_space<hbm>>
        %dma_start3A_3691 = tpu.memref_squeeze %dma_start3A_3690 : memref<1x8x64xf32, #tpu.memory_space<hbm>> -> memref<8x64xf32, #tpu.memory_space<hbm>>
        tpu.enqueue_dma source(%dma_start3A_3691 : memref<8x64xf32, #tpu.memory_space<hbm>>) target(%dma_start3A_3687 : memref<8x64xf32, #tpu.memory_space<vmem>>) target_semaphore(%dma_start3A_3683 : memref<!tpu.dma_semaphore, #tpu.memory_space<semaphore_mem>>)
        %slice3A_3692 = vector.extract_strided_slice %shift_right_logical3A_3097 {offsets = [14], sizes = [1], strides = [1]} : vector<16xi32> to vector<1xi32>
        %squeeze3A_3693 = vector.extract %slice3A_3692[0] : i32 from vector<1xi32>
        %dma_start3A_3694 = arith.constant 14 : i32
        %dma_start3A_3695 = arith.constant 0 : i32
        %dma_start3A_3696 = arith.constant 0 : i32
        %dma_start3A_3697 = tpu.memref_slice %arg11[%select_n3A_3079, %dma_start3A_3694, %dma_start3A_3695, %dma_start3A_3696] : memref<3x16x8x64xf32, #tpu.memory_space<vmem>> -> memref<1x1x8x64xf32, #tpu.memory_space<vmem>>
        %dma_start3A_3698 = tpu.memref_squeeze %dma_start3A_3697 : memref<1x1x8x64xf32, #tpu.memory_space<vmem>> -> memref<8x64xf32, #tpu.memory_space<vmem>>
        %dma_start3A_3699 = arith.constant 0 : i32
        %dma_start3A_3700 = arith.constant 0 : i32
        %dma_start3A_3701 = tpu.memref_slice %arg5[%squeeze3A_3693, %dma_start3A_3699, %dma_start3A_3700] : memref<125000x8x64xf32, #tpu.memory_space<hbm>> -> memref<1x8x64xf32, #tpu.memory_space<hbm>>
        %dma_start3A_3702 = tpu.memref_squeeze %dma_start3A_3701 : memref<1x8x64xf32, #tpu.memory_space<hbm>> -> memref<8x64xf32, #tpu.memory_space<hbm>>
        %dma_start3A_3703 = tpu.memref_slice %arg16[%select_n3A_3079] : memref<3x!tpu.dma_semaphore, #tpu.memory_space<semaphore_mem>> -> memref<1x!tpu.dma_semaphore, #tpu.memory_space<semaphore_mem>>
        %dma_start3A_3704 = tpu.memref_squeeze %dma_start3A_3703 : memref<1x!tpu.dma_semaphore, #tpu.memory_space<semaphore_mem>> -> memref<!tpu.dma_semaphore, #tpu.memory_space<semaphore_mem>>
        %dma_start3A_3705 = arith.constant 0 : i32
        %dma_start3A_3706 = arith.constant 0 : i32
        %dma_start3A_3707 = tpu.memref_slice %arg11[%select_n3A_3079, %dma_start3A_3694, %dma_start3A_3705, %dma_start3A_3706] : memref<3x16x8x64xf32, #tpu.memory_space<vmem>> -> memref<1x1x8x64xf32, #tpu.memory_space<vmem>>
        %dma_start3A_3708 = tpu.memref_squeeze %dma_start3A_3707 : memref<1x1x8x64xf32, #tpu.memory_space<vmem>> -> memref<8x64xf32, #tpu.memory_space<vmem>>
        %dma_start3A_3709 = arith.constant 0 : i32
        %dma_start3A_3710 = arith.constant 0 : i32
        %dma_start3A_3711 = tpu.memref_slice %arg5[%squeeze3A_3693, %dma_start3A_3709, %dma_start3A_3710] : memref<125000x8x64xf32, #tpu.memory_space<hbm>> -> memref<1x8x64xf32, #tpu.memory_space<hbm>>
        %dma_start3A_3712 = tpu.memref_squeeze %dma_start3A_3711 : memref<1x8x64xf32, #tpu.memory_space<hbm>> -> memref<8x64xf32, #tpu.memory_space<hbm>>
        tpu.enqueue_dma source(%dma_start3A_3712 : memref<8x64xf32, #tpu.memory_space<hbm>>) target(%dma_start3A_3708 : memref<8x64xf32, #tpu.memory_space<vmem>>) target_semaphore(%dma_start3A_3704 : memref<!tpu.dma_semaphore, #tpu.memory_space<semaphore_mem>>)
        %slice3A_3713 = vector.extract_strided_slice %shift_right_logical3A_3103 {offsets = [14], sizes = [1], strides = [1]} : vector<16xi32> to vector<1xi32>
        %squeeze3A_3714 = vector.extract %slice3A_3713[0] : i32 from vector<1xi32>
        %dma_start3A_3715 = arith.constant 14 : i32
        %dma_start3A_3716 = arith.constant 0 : i32
        %dma_start3A_3717 = arith.constant 0 : i32
        %dma_start3A_3718 = tpu.memref_slice %arg13[%select_n3A_3079, %dma_start3A_3715, %dma_start3A_3716, %dma_start3A_3717] : memref<3x16x8x64xf32, #tpu.memory_space<vmem>> -> memref<1x1x8x64xf32, #tpu.memory_space<vmem>>
        %dma_start3A_3719 = tpu.memref_squeeze %dma_start3A_3718 : memref<1x1x8x64xf32, #tpu.memory_space<vmem>> -> memref<8x64xf32, #tpu.memory_space<vmem>>
        %dma_start3A_3720 = arith.constant 0 : i32
        %dma_start3A_3721 = arith.constant 0 : i32
        %dma_start3A_3722 = tpu.memref_slice %arg5[%squeeze3A_3714, %dma_start3A_3720, %dma_start3A_3721] : memref<125000x8x64xf32, #tpu.memory_space<hbm>> -> memref<1x8x64xf32, #tpu.memory_space<hbm>>
        %dma_start3A_3723 = tpu.memref_squeeze %dma_start3A_3722 : memref<1x8x64xf32, #tpu.memory_space<hbm>> -> memref<8x64xf32, #tpu.memory_space<hbm>>
        %dma_start3A_3724 = tpu.memref_slice %arg16[%select_n3A_3079] : memref<3x!tpu.dma_semaphore, #tpu.memory_space<semaphore_mem>> -> memref<1x!tpu.dma_semaphore, #tpu.memory_space<semaphore_mem>>
        %dma_start3A_3725 = tpu.memref_squeeze %dma_start3A_3724 : memref<1x!tpu.dma_semaphore, #tpu.memory_space<semaphore_mem>> -> memref<!tpu.dma_semaphore, #tpu.memory_space<semaphore_mem>>
        %dma_start3A_3726 = arith.constant 0 : i32
        %dma_start3A_3727 = arith.constant 0 : i32
        %dma_start3A_3728 = tpu.memref_slice %arg13[%select_n3A_3079, %dma_start3A_3715, %dma_start3A_3726, %dma_start3A_3727] : memref<3x16x8x64xf32, #tpu.memory_space<vmem>> -> memref<1x1x8x64xf32, #tpu.memory_space<vmem>>
        %dma_start3A_3729 = tpu.memref_squeeze %dma_start3A_3728 : memref<1x1x8x64xf32, #tpu.memory_space<vmem>> -> memref<8x64xf32, #tpu.memory_space<vmem>>
        %dma_start3A_3730 = arith.constant 0 : i32
        %dma_start3A_3731 = arith.constant 0 : i32
        %dma_start3A_3732 = tpu.memref_slice %arg5[%squeeze3A_3714, %dma_start3A_3730, %dma_start3A_3731] : memref<125000x8x64xf32, #tpu.memory_space<hbm>> -> memref<1x8x64xf32, #tpu.memory_space<hbm>>
        %dma_start3A_3733 = tpu.memref_squeeze %dma_start3A_3732 : memref<1x8x64xf32, #tpu.memory_space<hbm>> -> memref<8x64xf32, #tpu.memory_space<hbm>>
        tpu.enqueue_dma source(%dma_start3A_3733 : memref<8x64xf32, #tpu.memory_space<hbm>>) target(%dma_start3A_3729 : memref<8x64xf32, #tpu.memory_space<vmem>>) target_semaphore(%dma_start3A_3725 : memref<!tpu.dma_semaphore, #tpu.memory_space<semaphore_mem>>)
        %slice3A_3734 = vector.extract_strided_slice %shift_right_logical3A_3097 {offsets = [15], sizes = [1], strides = [1]} : vector<16xi32> to vector<1xi32>
        %squeeze3A_3735 = vector.extract %slice3A_3734[0] : i32 from vector<1xi32>
        %dma_start3A_3736 = arith.constant 15 : i32
        %dma_start3A_3737 = arith.constant 0 : i32
        %dma_start3A_3738 = arith.constant 0 : i32
        %dma_start3A_3739 = tpu.memref_slice %arg11[%select_n3A_3079, %dma_start3A_3736, %dma_start3A_3737, %dma_start3A_3738] : memref<3x16x8x64xf32, #tpu.memory_space<vmem>> -> memref<1x1x8x64xf32, #tpu.memory_space<vmem>>
        %dma_start3A_3740 = tpu.memref_squeeze %dma_start3A_3739 : memref<1x1x8x64xf32, #tpu.memory_space<vmem>> -> memref<8x64xf32, #tpu.memory_space<vmem>>
        %dma_start3A_3741 = arith.constant 0 : i32
        %dma_start3A_3742 = arith.constant 0 : i32
        %dma_start3A_3743 = tpu.memref_slice %arg5[%squeeze3A_3735, %dma_start3A_3741, %dma_start3A_3742] : memref<125000x8x64xf32, #tpu.memory_space<hbm>> -> memref<1x8x64xf32, #tpu.memory_space<hbm>>
        %dma_start3A_3744 = tpu.memref_squeeze %dma_start3A_3743 : memref<1x8x64xf32, #tpu.memory_space<hbm>> -> memref<8x64xf32, #tpu.memory_space<hbm>>
        %dma_start3A_3745 = tpu.memref_slice %arg16[%select_n3A_3079] : memref<3x!tpu.dma_semaphore, #tpu.memory_space<semaphore_mem>> -> memref<1x!tpu.dma_semaphore, #tpu.memory_space<semaphore_mem>>
        %dma_start3A_3746 = tpu.memref_squeeze %dma_start3A_3745 : memref<1x!tpu.dma_semaphore, #tpu.memory_space<semaphore_mem>> -> memref<!tpu.dma_semaphore, #tpu.memory_space<semaphore_mem>>
        %dma_start3A_3747 = arith.constant 0 : i32
        %dma_start3A_3748 = arith.constant 0 : i32
        %dma_start3A_3749 = tpu.memref_slice %arg11[%select_n3A_3079, %dma_start3A_3736, %dma_start3A_3747, %dma_start3A_3748] : memref<3x16x8x64xf32, #tpu.memory_space<vmem>> -> memref<1x1x8x64xf32, #tpu.memory_space<vmem>>
        %dma_start3A_3750 = tpu.memref_squeeze %dma_start3A_3749 : memref<1x1x8x64xf32, #tpu.memory_space<vmem>> -> memref<8x64xf32, #tpu.memory_space<vmem>>
        %dma_start3A_3751 = arith.constant 0 : i32
        %dma_start3A_3752 = arith.constant 0 : i32
        %dma_start3A_3753 = tpu.memref_slice %arg5[%squeeze3A_3735, %dma_start3A_3751, %dma_start3A_3752] : memref<125000x8x64xf32, #tpu.memory_space<hbm>> -> memref<1x8x64xf32, #tpu.memory_space<hbm>>
        %dma_start3A_3754 = tpu.memref_squeeze %dma_start3A_3753 : memref<1x8x64xf32, #tpu.memory_space<hbm>> -> memref<8x64xf32, #tpu.memory_space<hbm>>
        tpu.enqueue_dma source(%dma_start3A_3754 : memref<8x64xf32, #tpu.memory_space<hbm>>) target(%dma_start3A_3750 : memref<8x64xf32, #tpu.memory_space<vmem>>) target_semaphore(%dma_start3A_3746 : memref<!tpu.dma_semaphore, #tpu.memory_space<semaphore_mem>>)
        %slice3A_3755 = vector.extract_strided_slice %shift_right_logical3A_3103 {offsets = [15], sizes = [1], strides = [1]} : vector<16xi32> to vector<1xi32>
        %squeeze3A_3756 = vector.extract %slice3A_3755[0] : i32 from vector<1xi32>
        %dma_start3A_3757 = arith.constant 15 : i32
        %dma_start3A_3758 = arith.constant 0 : i32
        %dma_start3A_3759 = arith.constant 0 : i32
        %dma_start3A_3760 = tpu.memref_slice %arg13[%select_n3A_3079, %dma_start3A_3757, %dma_start3A_3758, %dma_start3A_3759] : memref<3x16x8x64xf32, #tpu.memory_space<vmem>> -> memref<1x1x8x64xf32, #tpu.memory_space<vmem>>
        %dma_start3A_3761 = tpu.memref_squeeze %dma_start3A_3760 : memref<1x1x8x64xf32, #tpu.memory_space<vmem>> -> memref<8x64xf32, #tpu.memory_space<vmem>>
        %dma_start3A_3762 = arith.constant 0 : i32
        %dma_start3A_3763 = arith.constant 0 : i32
        %dma_start3A_3764 = tpu.memref_slice %arg5[%squeeze3A_3756, %dma_start3A_3762, %dma_start3A_3763] : memref<125000x8x64xf32, #tpu.memory_space<hbm>> -> memref<1x8x64xf32, #tpu.memory_space<hbm>>
        %dma_start3A_3765 = tpu.memref_squeeze %dma_start3A_3764 : memref<1x8x64xf32, #tpu.memory_space<hbm>> -> memref<8x64xf32, #tpu.memory_space<hbm>>
        %dma_start3A_3766 = tpu.memref_slice %arg16[%select_n3A_3079] : memref<3x!tpu.dma_semaphore, #tpu.memory_space<semaphore_mem>> -> memref<1x!tpu.dma_semaphore, #tpu.memory_space<semaphore_mem>>
        %dma_start3A_3767 = tpu.memref_squeeze %dma_start3A_3766 : memref<1x!tpu.dma_semaphore, #tpu.memory_space<semaphore_mem>> -> memref<!tpu.dma_semaphore, #tpu.memory_space<semaphore_mem>>
        %dma_start3A_3768 = arith.constant 0 : i32
        %dma_start3A_3769 = arith.constant 0 : i32
        %dma_start3A_3770 = tpu.memref_slice %arg13[%select_n3A_3079, %dma_start3A_3757, %dma_start3A_3768, %dma_start3A_3769] : memref<3x16x8x64xf32, #tpu.memory_space<vmem>> -> memref<1x1x8x64xf32, #tpu.memory_space<vmem>>
        %dma_start3A_3771 = tpu.memref_squeeze %dma_start3A_3770 : memref<1x1x8x64xf32, #tpu.memory_space<vmem>> -> memref<8x64xf32, #tpu.memory_space<vmem>>
        %dma_start3A_3772 = arith.constant 0 : i32
        %dma_start3A_3773 = arith.constant 0 : i32
        %dma_start3A_3774 = tpu.memref_slice %arg5[%squeeze3A_3756, %dma_start3A_3772, %dma_start3A_3773] : memref<125000x8x64xf32, #tpu.memory_space<hbm>> -> memref<1x8x64xf32, #tpu.memory_space<hbm>>
        %dma_start3A_3775 = tpu.memref_squeeze %dma_start3A_3774 : memref<1x8x64xf32, #tpu.memory_space<hbm>> -> memref<8x64xf32, #tpu.memory_space<hbm>>
        tpu.enqueue_dma source(%dma_start3A_3775 : memref<8x64xf32, #tpu.memory_space<hbm>>) target(%dma_start3A_3771 : memref<8x64xf32, #tpu.memory_space<vmem>>) target_semaphore(%dma_start3A_3767 : memref<!tpu.dma_semaphore, #tpu.memory_space<semaphore_mem>>)
      } else {
      }
      %jit3A = arith.constant 3 : i32
      %eq3A = arith.constant 0 : i32
      %eq3A_1541 = arith.cmpi eq, %jit3A, %eq3A : i32
      %jit3A_1542 = arith.constant 1 : i32
      %select_n3A = arith.select %eq3A_1541, %jit3A_1542, %jit3A : i32
      %rem3A = arith.remsi %scan3A_1535, %select_n3A : i32
      %ne3A = arith.constant 0 : i32
      %ne3A_1543 = arith.cmpi ne, %rem3A, %ne3A : i32
      %lt3A_1544 = arith.constant 0 : i32
      %lt3A_1545 = arith.cmpi slt, %rem3A, %lt3A_1544 : i32
      %lt3A_1546 = arith.constant 0 : i32
      %lt3A_1547 = arith.cmpi slt, %select_n3A, %lt3A_1546 : i32
      %ne3A_1548 = arith.xori %lt3A_1545, %lt3A_1547 : i1
      %and3A = arith.andi %ne3A_1548, %ne3A_1543 : i1
      %add3A_1549 = arith.addi %rem3A, %select_n3A : i32
      %select_n3A_1550 = arith.select %and3A, %add3A_1549, %rem3A : i32
      %dma_wait3A = arith.constant 0 : i32
      %dma_wait3A_1551 = arith.constant 0 : i32
      %dma_wait3A_1552 = tpu.memref_slice %arg12[%select_n3A_1550, %dma_wait3A, %dma_wait3A_1551] : memref<3x16x128xf32, #tpu.memory_space<vmem>> -> memref<1x16x128xf32, #tpu.memory_space<vmem>>
      %dma_wait3A_1553 = tpu.memref_squeeze %dma_wait3A_1552 : memref<1x16x128xf32, #tpu.memory_space<vmem>> -> memref<16x128xf32, #tpu.memory_space<vmem>>
      %dma_wait3A_1554 = arith.constant 0 : i32
      %dma_wait3A_1555 = arith.constant 0 : i32
      %dma_wait3A_1556 = tpu.memref_slice %arg6[%dma_wait3A_1554, %dma_wait3A_1555] : memref<1000x128xf32, #tpu.memory_space<hbm>> -> memref<16x128xf32, #tpu.memory_space<hbm>>
      %dma_wait3A_1557 = tpu.memref_slice %arg16[%select_n3A_1550] : memref<3x!tpu.dma_semaphore, #tpu.memory_space<semaphore_mem>> -> memref<1x!tpu.dma_semaphore, #tpu.memory_space<semaphore_mem>>
      %dma_wait3A_1558 = tpu.memref_squeeze %dma_wait3A_1557 : memref<1x!tpu.dma_semaphore, #tpu.memory_space<semaphore_mem>> -> memref<!tpu.dma_semaphore, #tpu.memory_space<semaphore_mem>>
      %dma_wait3A_1559 = arith.constant 0 : i32
      %dma_wait3A_1560 = arith.constant 0 : i32
      %dma_wait3A_1561 = tpu.memref_slice %arg12[%select_n3A_1550, %dma_wait3A_1559, %dma_wait3A_1560] : memref<3x16x128xf32, #tpu.memory_space<vmem>> -> memref<1x16x128xf32, #tpu.memory_space<vmem>>
      %dma_wait3A_1562 = tpu.memref_squeeze %dma_wait3A_1561 : memref<1x16x128xf32, #tpu.memory_space<vmem>> -> memref<16x128xf32, #tpu.memory_space<vmem>>
      %dma_wait3A_1563 = arith.constant 0 : i32
      %dma_wait3A_1564 = arith.constant 0 : i32
      %dma_wait3A_1565 = tpu.memref_slice %arg6[%dma_wait3A_1563, %dma_wait3A_1564] : memref<1000x128xf32, #tpu.memory_space<hbm>> -> memref<16x128xf32, #tpu.memory_space<hbm>>
      tpu.wait_dma2 semaphore(%dma_wait3A_1558 : memref<!tpu.dma_semaphore, #tpu.memory_space<semaphore_mem>>) src(%dma_wait3A_1565 : memref<16x128xf32, #tpu.memory_space<hbm>>) dst(%dma_wait3A_1562 : memref<16x128xf32, #tpu.memory_space<vmem>>)
      %dma_wait3A_1566 = arith.constant 0 : i32
      %dma_wait3A_1567 = arith.constant 0 : i32
      %dma_wait3A_1568 = arith.constant 0 : i32
      %dma_wait3A_1569 = tpu.memref_slice %arg11[%select_n3A_1550, %dma_wait3A_1566, %dma_wait3A_1567, %dma_wait3A_1568] : memref<3x16x8x64xf32, #tpu.memory_space<vmem>> -> memref<1x16x8x64xf32, #tpu.memory_space<vmem>>
      %dma_wait3A_1570 = tpu.memref_squeeze %dma_wait3A_1569 : memref<1x16x8x64xf32, #tpu.memory_space<vmem>> -> memref<16x8x64xf32, #tpu.memory_space<vmem>>
      %dma_wait3A_1571 = arith.constant 0 : i32
      %dma_wait3A_1572 = arith.constant 0 : i32
      %dma_wait3A_1573 = arith.constant 0 : i32
      %dma_wait3A_1574 = tpu.memref_slice %arg5[%dma_wait3A_1571, %dma_wait3A_1572, %dma_wait3A_1573] : memref<125000x8x64xf32, #tpu.memory_space<hbm>> -> memref<16x8x64xf32, #tpu.memory_space<hbm>>
      %dma_wait3A_1575 = tpu.memref_slice %arg16[%select_n3A_1550] : memref<3x!tpu.dma_semaphore, #tpu.memory_space<semaphore_mem>> -> memref<1x!tpu.dma_semaphore, #tpu.memory_space<semaphore_mem>>
      %dma_wait3A_1576 = tpu.memref_squeeze %dma_wait3A_1575 : memref<1x!tpu.dma_semaphore, #tpu.memory_space<semaphore_mem>> -> memref<!tpu.dma_semaphore, #tpu.memory_space<semaphore_mem>>
      %dma_wait3A_1577 = arith.constant 0 : i32
      %dma_wait3A_1578 = arith.constant 0 : i32
      %dma_wait3A_1579 = arith.constant 0 : i32
      %dma_wait3A_1580 = tpu.memref_slice %arg11[%select_n3A_1550, %dma_wait3A_1577, %dma_wait3A_1578, %dma_wait3A_1579] : memref<3x16x8x64xf32, #tpu.memory_space<vmem>> -> memref<1x16x8x64xf32, #tpu.memory_space<vmem>>
      %dma_wait3A_1581 = tpu.memref_squeeze %dma_wait3A_1580 : memref<1x16x8x64xf32, #tpu.memory_space<vmem>> -> memref<16x8x64xf32, #tpu.memory_space<vmem>>
      %dma_wait3A_1582 = arith.constant 0 : i32
      %dma_wait3A_1583 = arith.constant 0 : i32
      %dma_wait3A_1584 = arith.constant 0 : i32
      %dma_wait3A_1585 = tpu.memref_slice %arg5[%dma_wait3A_1582, %dma_wait3A_1583, %dma_wait3A_1584] : memref<125000x8x64xf32, #tpu.memory_space<hbm>> -> memref<16x8x64xf32, #tpu.memory_space<hbm>>
      tpu.wait_dma2 semaphore(%dma_wait3A_1576 : memref<!tpu.dma_semaphore, #tpu.memory_space<semaphore_mem>>) src(%dma_wait3A_1585 : memref<16x8x64xf32, #tpu.memory_space<hbm>>) dst(%dma_wait3A_1581 : memref<16x8x64xf32, #tpu.memory_space<vmem>>)
      %dma_wait3A_1586 = arith.constant 0 : i32
      %dma_wait3A_1587 = arith.constant 0 : i32
      %dma_wait3A_1588 = arith.constant 0 : i32
      %dma_wait3A_1589 = tpu.memref_slice %arg13[%select_n3A_1550, %dma_wait3A_1586, %dma_wait3A_1587, %dma_wait3A_1588] : memref<3x16x8x64xf32, #tpu.memory_space<vmem>> -> memref<1x16x8x64xf32, #tpu.memory_space<vmem>>
      %dma_wait3A_1590 = tpu.memref_squeeze %dma_wait3A_1589 : memref<1x16x8x64xf32, #tpu.memory_space<vmem>> -> memref<16x8x64xf32, #tpu.memory_space<vmem>>
      %dma_wait3A_1591 = arith.constant 0 : i32
      %dma_wait3A_1592 = arith.constant 0 : i32
      %dma_wait3A_1593 = arith.constant 0 : i32
      %dma_wait3A_1594 = tpu.memref_slice %arg5[%dma_wait3A_1591, %dma_wait3A_1592, %dma_wait3A_1593] : memref<125000x8x64xf32, #tpu.memory_space<hbm>> -> memref<16x8x64xf32, #tpu.memory_space<hbm>>
      %dma_wait3A_1595 = tpu.memref_slice %arg16[%select_n3A_1550] : memref<3x!tpu.dma_semaphore, #tpu.memory_space<semaphore_mem>> -> memref<1x!tpu.dma_semaphore, #tpu.memory_space<semaphore_mem>>
      %dma_wait3A_1596 = tpu.memref_squeeze %dma_wait3A_1595 : memref<1x!tpu.dma_semaphore, #tpu.memory_space<semaphore_mem>> -> memref<!tpu.dma_semaphore, #tpu.memory_space<semaphore_mem>>
      %dma_wait3A_1597 = arith.constant 0 : i32
      %dma_wait3A_1598 = arith.constant 0 : i32
      %dma_wait3A_1599 = arith.constant 0 : i32
      %dma_wait3A_1600 = tpu.memref_slice %arg13[%select_n3A_1550, %dma_wait3A_1597, %dma_wait3A_1598, %dma_wait3A_1599] : memref<3x16x8x64xf32, #tpu.memory_space<vmem>> -> memref<1x16x8x64xf32, #tpu.memory_space<vmem>>
      %dma_wait3A_1601 = tpu.memref_squeeze %dma_wait3A_1600 : memref<1x16x8x64xf32, #tpu.memory_space<vmem>> -> memref<16x8x64xf32, #tpu.memory_space<vmem>>
      %dma_wait3A_1602 = arith.constant 0 : i32
      %dma_wait3A_1603 = arith.constant 0 : i32
      %dma_wait3A_1604 = arith.constant 0 : i32
      %dma_wait3A_1605 = tpu.memref_slice %arg5[%dma_wait3A_1602, %dma_wait3A_1603, %dma_wait3A_1604] : memref<125000x8x64xf32, #tpu.memory_space<hbm>> -> memref<16x8x64xf32, #tpu.memory_space<hbm>>
      tpu.wait_dma2 semaphore(%dma_wait3A_1596 : memref<!tpu.dma_semaphore, #tpu.memory_space<semaphore_mem>>) src(%dma_wait3A_1605 : memref<16x8x64xf32, #tpu.memory_space<hbm>>) dst(%dma_wait3A_1601 : memref<16x8x64xf32, #tpu.memory_space<vmem>>)
      %jit3A_1606 = arith.constant 3 : i32
      %eq3A_1607 = arith.constant 0 : i32
      %eq3A_1608 = arith.cmpi eq, %jit3A_1606, %eq3A_1607 : i32
      %jit3A_1609 = arith.constant 1 : i32
      %select_n3A_1610 = arith.select %eq3A_1608, %jit3A_1609, %jit3A_1606 : i32
      %rem3A_1611 = arith.remsi %scan3A_1535, %select_n3A_1610 : i32
      %ne3A_1612 = arith.constant 0 : i32
      %ne3A_1613 = arith.cmpi ne, %rem3A_1611, %ne3A_1612 : i32
      %lt3A_1614 = arith.constant 0 : i32
      %lt3A_1615 = arith.cmpi slt, %rem3A_1611, %lt3A_1614 : i32
      %lt3A_1616 = arith.constant 0 : i32
      %lt3A_1617 = arith.cmpi slt, %select_n3A_1610, %lt3A_1616 : i32
      %ne3A_1618 = arith.xori %lt3A_1615, %lt3A_1617 : i1
      %and3A_1619 = arith.andi %ne3A_1618, %ne3A_1613 : i1
      %add3A_1620 = arith.addi %rem3A_1611, %select_n3A_1610 : i32
      %select_n3A_1621 = arith.select %and3A_1619, %add3A_1620, %rem3A_1611 : i32
      %get3A_1622 = arith.index_cast %scan3A_1535 : i32 to index
      %get3A_1623 = arith.constant 0 : index
      %get3A_1624 = tpu.vector_load %arg8[%get3A_1622, %get3A_1623] {strides = array<i32>} : memref<32x16xi32, #tpu.memory_space<vmem>>, vector<16xi32>,
      %and3A_1625 = arith.constant 7 : i32
      %and3A_1626 = vector.broadcast %and3A_1625 : i32 to vector<16xi32>
      %and3A_1627 = arith.andi %get3A_1624, %and3A_1626 : vector<16xi32>
      %get3A_1628 = arith.index_cast %scan3A_1535 : i32 to index
      %get3A_1629 = arith.constant 0 : index
      %get3A_1630 = tpu.vector_load %arg10[%get3A_1628, %get3A_1629] {strides = array<i32>} : memref<32x16xi32, #tpu.memory_space<vmem>>, vector<16xi32>,
      %and3A_1631 = arith.constant 7 : i32
      %and3A_1632 = vector.broadcast %and3A_1631 : i32 to vector<16xi32>
      %and3A_1633 = arith.andi %get3A_1630, %and3A_1632 : vector<16xi32>
      %slice3A_1634 = vector.extract_strided_slice %and3A_1627 {offsets = [0], sizes = [1], strides = [1]} : vector<16xi32> to vector<1xi32>
      %squeeze3A_1635 = vector.extract %slice3A_1634[0] : i32 from vector<1xi32>
      %slice3A_1636 = vector.extract_strided_slice %and3A_1633 {offsets = [0], sizes = [1], strides = [1]} : vector<16xi32> to vector<1xi32>
      %squeeze3A_1637 = vector.extract %slice3A_1636[0] : i32 from vector<1xi32>
      %get3A_1638 = arith.constant 0 : i32
      %get3A_1639 = arith.index_cast %select_n3A_1621 : i32 to index
      %get3A_1640 = arith.index_cast %get3A_1638 : i32 to index
      %get3A_1641 = arith.index_cast %squeeze3A_1635 : i32 to index
      %get3A_1642 = arith.constant 0 : index
      %get3A_1643 = tpu.vector_load %arg11[%get3A_1639, %get3A_1640, %get3A_1641, %get3A_1642] {strides = array<i32>} : memref<3x16x8x64xf32, #tpu.memory_space<vmem>>, vector<16xf32>,
      %get3A_1644 = arith.constant 0 : i32
      %get3A_1645 = arith.index_cast %select_n3A_1621 : i32 to index
      %get3A_1646 = arith.index_cast %get3A_1644 : i32 to index
      %get3A_1647 = arith.constant 0 : index
      %get3A_1648 = tpu.vector_load %arg12[%get3A_1645, %get3A_1646, %get3A_1647] {strides = array<i32>} : memref<3x16x128xf32, #tpu.memory_space<vmem>>, vector<16xf32>,
      %mul3A_1649 = arith.mulf %get3A_1643, %get3A_1648 : vector<16xf32>
      %get3A_1650 = arith.constant 0 : i32
      %get3A_1651 = arith.index_cast %select_n3A_1621 : i32 to index
      %get3A_1652 = arith.index_cast %get3A_1650 : i32 to index
      %get3A_1653 = arith.index_cast %squeeze3A_1637 : i32 to index
      %get3A_1654 = arith.constant 0 : index
      %get3A_1655 = tpu.vector_load %arg13[%get3A_1651, %get3A_1652, %get3A_1653, %get3A_1654] {strides = array<i32>} : memref<3x16x8x64xf32, #tpu.memory_space<vmem>>, vector<16xf32>,
      %mul3A_1656 = arith.mulf %mul3A_1649, %get3A_1655 : vector<16xf32>
      %get3A_1657 = arith.constant 0 : i32
      %get3A_1658 = arith.index_cast %select_n3A_1621 : i32 to index
      %get3A_1659 = arith.index_cast %get3A_1657 : i32 to index
      %get3A_1660 = arith.index_cast %squeeze3A_1635 : i32 to index
      %get3A_1661 = arith.constant 16 : index
      %get3A_1662 = tpu.vector_load %arg11[%get3A_1658, %get3A_1659, %get3A_1660, %get3A_1661] {strides = array<i32>} : memref<3x16x8x64xf32, #tpu.memory_space<vmem>>, vector<16xf32>,
      %get3A_1663 = arith.constant 0 : i32
      %get3A_1664 = arith.index_cast %select_n3A_1621 : i32 to index
      %get3A_1665 = arith.index_cast %get3A_1663 : i32 to index
      %get3A_1666 = arith.constant 16 : index
      %get3A_1667 = tpu.vector_load %arg12[%get3A_1664, %get3A_1665, %get3A_1666] {strides = array<i32>} : memref<3x16x128xf32, #tpu.memory_space<vmem>>, vector<16xf32>,
      %mul3A_1668 = arith.mulf %get3A_1662, %get3A_1667 : vector<16xf32>
      %get3A_1669 = arith.constant 0 : i32
      %get3A_1670 = arith.index_cast %select_n3A_1621 : i32 to index
      %get3A_1671 = arith.index_cast %get3A_1669 : i32 to index
      %get3A_1672 = arith.index_cast %squeeze3A_1637 : i32 to index
      %get3A_1673 = arith.constant 16 : index
      %get3A_1674 = tpu.vector_load %arg13[%get3A_1670, %get3A_1671, %get3A_1672, %get3A_1673] {strides = array<i32>} : memref<3x16x8x64xf32, #tpu.memory_space<vmem>>, vector<16xf32>,
      %mul3A_1675 = arith.mulf %mul3A_1668, %get3A_1674 : vector<16xf32>
      %add3A_1676 = arith.addf %mul3A_1656, %mul3A_1675 : vector<16xf32>
      %get3A_1677 = arith.constant 0 : i32
      %get3A_1678 = arith.index_cast %select_n3A_1621 : i32 to index
      %get3A_1679 = arith.index_cast %get3A_1677 : i32 to index
      %get3A_1680 = arith.index_cast %squeeze3A_1635 : i32 to index
      %get3A_1681 = arith.constant 32 : index
      %get3A_1682 = tpu.vector_load %arg11[%get3A_1678, %get3A_1679, %get3A_1680, %get3A_1681] {strides = array<i32>} : memref<3x16x8x64xf32, #tpu.memory_space<vmem>>, vector<16xf32>,
      %get3A_1683 = arith.constant 0 : i32
      %get3A_1684 = arith.index_cast %select_n3A_1621 : i32 to index
      %get3A_1685 = arith.index_cast %get3A_1683 : i32 to index
      %get3A_1686 = arith.constant 32 : index
      %get3A_1687 = tpu.vector_load %arg12[%get3A_1684, %get3A_1685, %get3A_1686] {strides = array<i32>} : memref<3x16x128xf32, #tpu.memory_space<vmem>>, vector<16xf32>,
      %mul3A_1688 = arith.mulf %get3A_1682, %get3A_1687 : vector<16xf32>
      %get3A_1689 = arith.constant 0 : i32
      %get3A_1690 = arith.index_cast %select_n3A_1621 : i32 to index
      %get3A_1691 = arith.index_cast %get3A_1689 : i32 to index
      %get3A_1692 = arith.index_cast %squeeze3A_1637 : i32 to index
      %get3A_1693 = arith.constant 32 : index
      %get3A_1694 = tpu.vector_load %arg13[%get3A_1690, %get3A_1691, %get3A_1692, %get3A_1693] {strides = array<i32>} : memref<3x16x8x64xf32, #tpu.memory_space<vmem>>, vector<16xf32>,
      %mul3A_1695 = arith.mulf %mul3A_1688, %get3A_1694 : vector<16xf32>
      %add3A_1696 = arith.addf %add3A_1676, %mul3A_1695 : vector<16xf32>
      %get3A_1697 = arith.constant 0 : i32
      %get3A_1698 = arith.index_cast %select_n3A_1621 : i32 to index
      %get3A_1699 = arith.index_cast %get3A_1697 : i32 to index
      %get3A_1700 = arith.index_cast %squeeze3A_1635 : i32 to index
      %get3A_1701 = arith.constant 48 : index
      %get3A_1702 = tpu.vector_load %arg11[%get3A_1698, %get3A_1699, %get3A_1700, %get3A_1701] {strides = array<i32>} : memref<3x16x8x64xf32, #tpu.memory_space<vmem>>, vector<16xf32>,
      %get3A_1703 = arith.constant 0 : i32
      %get3A_1704 = arith.index_cast %select_n3A_1621 : i32 to index
      %get3A_1705 = arith.index_cast %get3A_1703 : i32 to index
      %get3A_1706 = arith.constant 48 : index
      %get3A_1707 = tpu.vector_load %arg12[%get3A_1704, %get3A_1705, %get3A_1706] {strides = array<i32>} : memref<3x16x128xf32, #tpu.memory_space<vmem>>, vector<16xf32>,
      %mul3A_1708 = arith.mulf %get3A_1702, %get3A_1707 : vector<16xf32>
      %get3A_1709 = arith.constant 0 : i32
      %get3A_1710 = arith.index_cast %select_n3A_1621 : i32 to index
      %get3A_1711 = arith.index_cast %get3A_1709 : i32 to index
      %get3A_1712 = arith.index_cast %squeeze3A_1637 : i32 to index
      %get3A_1713 = arith.constant 48 : index
      %get3A_1714 = tpu.vector_load %arg13[%get3A_1710, %get3A_1711, %get3A_1712, %get3A_1713] {strides = array<i32>} : memref<3x16x8x64xf32, #tpu.memory_space<vmem>>, vector<16xf32>,
      %mul3A_1715 = arith.mulf %mul3A_1708, %get3A_1714 : vector<16xf32>
      %add3A_1716 = arith.addf %add3A_1696, %mul3A_1715 : vector<16xf32>
      %add3A_1717 = arith.constant 0 : i32
      %add3A_1718 = vector.broadcast %add3A_1717 : i32 to vector<16xi32>
      %add3A_1719 = arith.addi %mul3A_5, %add3A_1718 : vector<16xi32>
      tpu.vector_store_idx %arg15[%add3A_1719], %add3A_1716 : memref<272xf32, #tpu.memory_space<vmem>>[vector<16xi32>], vector<16xf32>,
      %slice3A_1720 = vector.extract_strided_slice %and3A_1627 {offsets = [1], sizes = [1], strides = [1]} : vector<16xi32> to vector<1xi32>
      %squeeze3A_1721 = vector.extract %slice3A_1720[0] : i32 from vector<1xi32>
      %slice3A_1722 = vector.extract_strided_slice %and3A_1633 {offsets = [1], sizes = [1], strides = [1]} : vector<16xi32> to vector<1xi32>
      %squeeze3A_1723 = vector.extract %slice3A_1722[0] : i32 from vector<1xi32>
      %get3A_1724 = arith.constant 1 : i32
      %get3A_1725 = arith.index_cast %select_n3A_1621 : i32 to index
      %get3A_1726 = arith.index_cast %get3A_1724 : i32 to index
      %get3A_1727 = arith.index_cast %squeeze3A_1721 : i32 to index
      %get3A_1728 = arith.constant 0 : index
      %get3A_1729 = tpu.vector_load %arg11[%get3A_1725, %get3A_1726, %get3A_1727, %get3A_1728] {strides = array<i32>} : memref<3x16x8x64xf32, #tpu.memory_space<vmem>>, vector<16xf32>,
      %get3A_1730 = arith.constant 1 : i32
      %get3A_1731 = arith.index_cast %select_n3A_1621 : i32 to index
      %get3A_1732 = arith.index_cast %get3A_1730 : i32 to index
      %get3A_1733 = arith.constant 0 : index
      %get3A_1734 = tpu.vector_load %arg12[%get3A_1731, %get3A_1732, %get3A_1733] {strides = array<i32>} : memref<3x16x128xf32, #tpu.memory_space<vmem>>, vector<16xf32>,
      %mul3A_1735 = arith.mulf %get3A_1729, %get3A_1734 : vector<16xf32>
      %get3A_1736 = arith.constant 1 : i32
      %get3A_1737 = arith.index_cast %select_n3A_1621 : i32 to index
      %get3A_1738 = arith.index_cast %get3A_1736 : i32 to index
      %get3A_1739 = arith.index_cast %squeeze3A_1723 : i32 to index
      %get3A_1740 = arith.constant 0 : index
      %get3A_1741 = tpu.vector_load %arg13[%get3A_1737, %get3A_1738, %get3A_1739, %get3A_1740] {strides = array<i32>} : memref<3x16x8x64xf32, #tpu.memory_space<vmem>>, vector<16xf32>,
      %mul3A_1742 = arith.mulf %mul3A_1735, %get3A_1741 : vector<16xf32>
      %get3A_1743 = arith.constant 1 : i32
      %get3A_1744 = arith.index_cast %select_n3A_1621 : i32 to index
      %get3A_1745 = arith.index_cast %get3A_1743 : i32 to index
      %get3A_1746 = arith.index_cast %squeeze3A_1721 : i32 to index
      %get3A_1747 = arith.constant 16 : index
      %get3A_1748 = tpu.vector_load %arg11[%get3A_1744, %get3A_1745, %get3A_1746, %get3A_1747] {strides = array<i32>} : memref<3x16x8x64xf32, #tpu.memory_space<vmem>>, vector<16xf32>,
      %get3A_1749 = arith.constant 1 : i32
      %get3A_1750 = arith.index_cast %select_n3A_1621 : i32 to index
      %get3A_1751 = arith.index_cast %get3A_1749 : i32 to index
      %get3A_1752 = arith.constant 16 : index
      %get3A_1753 = tpu.vector_load %arg12[%get3A_1750, %get3A_1751, %get3A_1752] {strides = array<i32>} : memref<3x16x128xf32, #tpu.memory_space<vmem>>, vector<16xf32>,
      %mul3A_1754 = arith.mulf %get3A_1748, %get3A_1753 : vector<16xf32>
      %get3A_1755 = arith.constant 1 : i32
      %get3A_1756 = arith.index_cast %select_n3A_1621 : i32 to index
      %get3A_1757 = arith.index_cast %get3A_1755 : i32 to index
      %get3A_1758 = arith.index_cast %squeeze3A_1723 : i32 to index
      %get3A_1759 = arith.constant 16 : index
      %get3A_1760 = tpu.vector_load %arg13[%get3A_1756, %get3A_1757, %get3A_1758, %get3A_1759] {strides = array<i32>} : memref<3x16x8x64xf32, #tpu.memory_space<vmem>>, vector<16xf32>,
      %mul3A_1761 = arith.mulf %mul3A_1754, %get3A_1760 : vector<16xf32>
      %add3A_1762 = arith.addf %mul3A_1742, %mul3A_1761 : vector<16xf32>
      %get3A_1763 = arith.constant 1 : i32
      %get3A_1764 = arith.index_cast %select_n3A_1621 : i32 to index
      %get3A_1765 = arith.index_cast %get3A_1763 : i32 to index
      %get3A_1766 = arith.index_cast %squeeze3A_1721 : i32 to index
      %get3A_1767 = arith.constant 32 : index
      %get3A_1768 = tpu.vector_load %arg11[%get3A_1764, %get3A_1765, %get3A_1766, %get3A_1767] {strides = array<i32>} : memref<3x16x8x64xf32, #tpu.memory_space<vmem>>, vector<16xf32>,
      %get3A_1769 = arith.constant 1 : i32
      %get3A_1770 = arith.index_cast %select_n3A_1621 : i32 to index
      %get3A_1771 = arith.index_cast %get3A_1769 : i32 to index
      %get3A_1772 = arith.constant 32 : index
      %get3A_1773 = tpu.vector_load %arg12[%get3A_1770, %get3A_1771, %get3A_1772] {strides = array<i32>} : memref<3x16x128xf32, #tpu.memory_space<vmem>>, vector<16xf32>,
      %mul3A_1774 = arith.mulf %get3A_1768, %get3A_1773 : vector<16xf32>
      %get3A_1775 = arith.constant 1 : i32
      %get3A_1776 = arith.index_cast %select_n3A_1621 : i32 to index
      %get3A_1777 = arith.index_cast %get3A_1775 : i32 to index
      %get3A_1778 = arith.index_cast %squeeze3A_1723 : i32 to index
      %get3A_1779 = arith.constant 32 : index
      %get3A_1780 = tpu.vector_load %arg13[%get3A_1776, %get3A_1777, %get3A_1778, %get3A_1779] {strides = array<i32>} : memref<3x16x8x64xf32, #tpu.memory_space<vmem>>, vector<16xf32>,
      %mul3A_1781 = arith.mulf %mul3A_1774, %get3A_1780 : vector<16xf32>
      %add3A_1782 = arith.addf %add3A_1762, %mul3A_1781 : vector<16xf32>
      %get3A_1783 = arith.constant 1 : i32
      %get3A_1784 = arith.index_cast %select_n3A_1621 : i32 to index
      %get3A_1785 = arith.index_cast %get3A_1783 : i32 to index
      %get3A_1786 = arith.index_cast %squeeze3A_1721 : i32 to index
      %get3A_1787 = arith.constant 48 : index
      %get3A_1788 = tpu.vector_load %arg11[%get3A_1784, %get3A_1785, %get3A_1786, %get3A_1787] {strides = array<i32>} : memref<3x16x8x64xf32, #tpu.memory_space<vmem>>, vector<16xf32>,
      %get3A_1789 = arith.constant 1 : i32
      %get3A_1790 = arith.index_cast %select_n3A_1621 : i32 to index
      %get3A_1791 = arith.index_cast %get3A_1789 : i32 to index
      %get3A_1792 = arith.constant 48 : index
      %get3A_1793 = tpu.vector_load %arg12[%get3A_1790, %get3A_1791, %get3A_1792] {strides = array<i32>} : memref<3x16x128xf32, #tpu.memory_space<vmem>>, vector<16xf32>,
      %mul3A_1794 = arith.mulf %get3A_1788, %get3A_1793 : vector<16xf32>
      %get3A_1795 = arith.constant 1 : i32
      %get3A_1796 = arith.index_cast %select_n3A_1621 : i32 to index
      %get3A_1797 = arith.index_cast %get3A_1795 : i32 to index
      %get3A_1798 = arith.index_cast %squeeze3A_1723 : i32 to index
      %get3A_1799 = arith.constant 48 : index
      %get3A_1800 = tpu.vector_load %arg13[%get3A_1796, %get3A_1797, %get3A_1798, %get3A_1799] {strides = array<i32>} : memref<3x16x8x64xf32, #tpu.memory_space<vmem>>, vector<16xf32>,
      %mul3A_1801 = arith.mulf %mul3A_1794, %get3A_1800 : vector<16xf32>
      %add3A_1802 = arith.addf %add3A_1782, %mul3A_1801 : vector<16xf32>
      %add3A_1803 = arith.constant 1 : i32
      %add3A_1804 = vector.broadcast %add3A_1803 : i32 to vector<16xi32>
      %add3A_1805 = arith.addi %mul3A_5, %add3A_1804 : vector<16xi32>
      tpu.vector_store_idx %arg15[%add3A_1805], %add3A_1802 : memref<272xf32, #tpu.memory_space<vmem>>[vector<16xi32>], vector<16xf32>,
      %slice3A_1806 = vector.extract_strided_slice %and3A_1627 {offsets = [2], sizes = [1], strides = [1]} : vector<16xi32> to vector<1xi32>
      %squeeze3A_1807 = vector.extract %slice3A_1806[0] : i32 from vector<1xi32>
      %slice3A_1808 = vector.extract_strided_slice %and3A_1633 {offsets = [2], sizes = [1], strides = [1]} : vector<16xi32> to vector<1xi32>
      %squeeze3A_1809 = vector.extract %slice3A_1808[0] : i32 from vector<1xi32>
      %get3A_1810 = arith.constant 2 : i32
      %get3A_1811 = arith.index_cast %select_n3A_1621 : i32 to index
      %get3A_1812 = arith.index_cast %get3A_1810 : i32 to index
      %get3A_1813 = arith.index_cast %squeeze3A_1807 : i32 to index
      %get3A_1814 = arith.constant 0 : index
      %get3A_1815 = tpu.vector_load %arg11[%get3A_1811, %get3A_1812, %get3A_1813, %get3A_1814] {strides = array<i32>} : memref<3x16x8x64xf32, #tpu.memory_space<vmem>>, vector<16xf32>,
      %get3A_1816 = arith.constant 2 : i32
      %get3A_1817 = arith.index_cast %select_n3A_1621 : i32 to index
      %get3A_1818 = arith.index_cast %get3A_1816 : i32 to index
      %get3A_1819 = arith.constant 0 : index
      %get3A_1820 = tpu.vector_load %arg12[%get3A_1817, %get3A_1818, %get3A_1819] {strides = array<i32>} : memref<3x16x128xf32, #tpu.memory_space<vmem>>, vector<16xf32>,
      %mul3A_1821 = arith.mulf %get3A_1815, %get3A_1820 : vector<16xf32>
      %get3A_1822 = arith.constant 2 : i32
      %get3A_1823 = arith.index_cast %select_n3A_1621 : i32 to index
      %get3A_1824 = arith.index_cast %get3A_1822 : i32 to index
      %get3A_1825 = arith.index_cast %squeeze3A_1809 : i32 to index
      %get3A_1826 = arith.constant 0 : index
      %get3A_1827 = tpu.vector_load %arg13[%get3A_1823, %get3A_1824, %get3A_1825, %get3A_1826] {strides = array<i32>} : memref<3x16x8x64xf32, #tpu.memory_space<vmem>>, vector<16xf32>,
      %mul3A_1828 = arith.mulf %mul3A_1821, %get3A_1827 : vector<16xf32>
      %get3A_1829 = arith.constant 2 : i32
      %get3A_1830 = arith.index_cast %select_n3A_1621 : i32 to index
      %get3A_1831 = arith.index_cast %get3A_1829 : i32 to index
      %get3A_1832 = arith.index_cast %squeeze3A_1807 : i32 to index
      %get3A_1833 = arith.constant 16 : index
      %get3A_1834 = tpu.vector_load %arg11[%get3A_1830, %get3A_1831, %get3A_1832, %get3A_1833] {strides = array<i32>} : memref<3x16x8x64xf32, #tpu.memory_space<vmem>>, vector<16xf32>,
      %get3A_1835 = arith.constant 2 : i32
      %get3A_1836 = arith.index_cast %select_n3A_1621 : i32 to index
      %get3A_1837 = arith.index_cast %get3A_1835 : i32 to index
      %get3A_1838 = arith.constant 16 : index
      %get3A_1839 = tpu.vector_load %arg12[%get3A_1836, %get3A_1837, %get3A_1838] {strides = array<i32>} : memref<3x16x128xf32, #tpu.memory_space<vmem>>, vector<16xf32>,
      %mul3A_1840 = arith.mulf %get3A_1834, %get3A_1839 : vector<16xf32>
      %get3A_1841 = arith.constant 2 : i32
      %get3A_1842 = arith.index_cast %select_n3A_1621 : i32 to index
      %get3A_1843 = arith.index_cast %get3A_1841 : i32 to index
      %get3A_1844 = arith.index_cast %squeeze3A_1809 : i32 to index
      %get3A_1845 = arith.constant 16 : index
      %get3A_1846 = tpu.vector_load %arg13[%get3A_1842, %get3A_1843, %get3A_1844, %get3A_1845] {strides = array<i32>} : memref<3x16x8x64xf32, #tpu.memory_space<vmem>>, vector<16xf32>,
      %mul3A_1847 = arith.mulf %mul3A_1840, %get3A_1846 : vector<16xf32>
      %add3A_1848 = arith.addf %mul3A_1828, %mul3A_1847 : vector<16xf32>
      %get3A_1849 = arith.constant 2 : i32
      %get3A_1850 = arith.index_cast %select_n3A_1621 : i32 to index
      %get3A_1851 = arith.index_cast %get3A_1849 : i32 to index
      %get3A_1852 = arith.index_cast %squeeze3A_1807 : i32 to index
      %get3A_1853 = arith.constant 32 : index
      %get3A_1854 = tpu.vector_load %arg11[%get3A_1850, %get3A_1851, %get3A_1852, %get3A_1853] {strides = array<i32>} : memref<3x16x8x64xf32, #tpu.memory_space<vmem>>, vector<16xf32>,
      %get3A_1855 = arith.constant 2 : i32
      %get3A_1856 = arith.index_cast %select_n3A_1621 : i32 to index
      %get3A_1857 = arith.index_cast %get3A_1855 : i32 to index
      %get3A_1858 = arith.constant 32 : index
      %get3A_1859 = tpu.vector_load %arg12[%get3A_1856, %get3A_1857, %get3A_1858] {strides = array<i32>} : memref<3x16x128xf32, #tpu.memory_space<vmem>>, vector<16xf32>,
      %mul3A_1860 = arith.mulf %get3A_1854, %get3A_1859 : vector<16xf32>
      %get3A_1861 = arith.constant 2 : i32
      %get3A_1862 = arith.index_cast %select_n3A_1621 : i32 to index
      %get3A_1863 = arith.index_cast %get3A_1861 : i32 to index
      %get3A_1864 = arith.index_cast %squeeze3A_1809 : i32 to index
      %get3A_1865 = arith.constant 32 : index
      %get3A_1866 = tpu.vector_load %arg13[%get3A_1862, %get3A_1863, %get3A_1864, %get3A_1865] {strides = array<i32>} : memref<3x16x8x64xf32, #tpu.memory_space<vmem>>, vector<16xf32>,
      %mul3A_1867 = arith.mulf %mul3A_1860, %get3A_1866 : vector<16xf32>
      %add3A_1868 = arith.addf %add3A_1848, %mul3A_1867 : vector<16xf32>
      %get3A_1869 = arith.constant 2 : i32
      %get3A_1870 = arith.index_cast %select_n3A_1621 : i32 to index
      %get3A_1871 = arith.index_cast %get3A_1869 : i32 to index
      %get3A_1872 = arith.index_cast %squeeze3A_1807 : i32 to index
      %get3A_1873 = arith.constant 48 : index
      %get3A_1874 = tpu.vector_load %arg11[%get3A_1870, %get3A_1871, %get3A_1872, %get3A_1873] {strides = array<i32>} : memref<3x16x8x64xf32, #tpu.memory_space<vmem>>, vector<16xf32>,
      %get3A_1875 = arith.constant 2 : i32
      %get3A_1876 = arith.index_cast %select_n3A_1621 : i32 to index
      %get3A_1877 = arith.index_cast %get3A_1875 : i32 to index
      %get3A_1878 = arith.constant 48 : index
      %get3A_1879 = tpu.vector_load %arg12[%get3A_1876, %get3A_1877, %get3A_1878] {strides = array<i32>} : memref<3x16x128xf32, #tpu.memory_space<vmem>>, vector<16xf32>,
      %mul3A_1880 = arith.mulf %get3A_1874, %get3A_1879 : vector<16xf32>
      %get3A_1881 = arith.constant 2 : i32
      %get3A_1882 = arith.index_cast %select_n3A_1621 : i32 to index
      %get3A_1883 = arith.index_cast %get3A_1881 : i32 to index
      %get3A_1884 = arith.index_cast %squeeze3A_1809 : i32 to index
      %get3A_1885 = arith.constant 48 : index
      %get3A_1886 = tpu.vector_load %arg13[%get3A_1882, %get3A_1883, %get3A_1884, %get3A_1885] {strides = array<i32>} : memref<3x16x8x64xf32, #tpu.memory_space<vmem>>, vector<16xf32>,
      %mul3A_1887 = arith.mulf %mul3A_1880, %get3A_1886 : vector<16xf32>
      %add3A_1888 = arith.addf %add3A_1868, %mul3A_1887 : vector<16xf32>
      %add3A_1889 = arith.constant 2 : i32
      %add3A_1890 = vector.broadcast %add3A_1889 : i32 to vector<16xi32>
      %add3A_1891 = arith.addi %mul3A_5, %add3A_1890 : vector<16xi32>
      tpu.vector_store_idx %arg15[%add3A_1891], %add3A_1888 : memref<272xf32, #tpu.memory_space<vmem>>[vector<16xi32>], vector<16xf32>,
      %slice3A_1892 = vector.extract_strided_slice %and3A_1627 {offsets = [3], sizes = [1], strides = [1]} : vector<16xi32> to vector<1xi32>
      %squeeze3A_1893 = vector.extract %slice3A_1892[0] : i32 from vector<1xi32>
      %slice3A_1894 = vector.extract_strided_slice %and3A_1633 {offsets = [3], sizes = [1], strides = [1]} : vector<16xi32> to vector<1xi32>
      %squeeze3A_1895 = vector.extract %slice3A_1894[0] : i32 from vector<1xi32>
      %get3A_1896 = arith.constant 3 : i32
      %get3A_1897 = arith.index_cast %select_n3A_1621 : i32 to index
      %get3A_1898 = arith.index_cast %get3A_1896 : i32 to index
      %get3A_1899 = arith.index_cast %squeeze3A_1893 : i32 to index
      %get3A_1900 = arith.constant 0 : index
      %get3A_1901 = tpu.vector_load %arg11[%get3A_1897, %get3A_1898, %get3A_1899, %get3A_1900] {strides = array<i32>} : memref<3x16x8x64xf32, #tpu.memory_space<vmem>>, vector<16xf32>,
      %get3A_1902 = arith.constant 3 : i32
      %get3A_1903 = arith.index_cast %select_n3A_1621 : i32 to index
      %get3A_1904 = arith.index_cast %get3A_1902 : i32 to index
      %get3A_1905 = arith.constant 0 : index
      %get3A_1906 = tpu.vector_load %arg12[%get3A_1903, %get3A_1904, %get3A_1905] {strides = array<i32>} : memref<3x16x128xf32, #tpu.memory_space<vmem>>, vector<16xf32>,
      %mul3A_1907 = arith.mulf %get3A_1901, %get3A_1906 : vector<16xf32>
      %get3A_1908 = arith.constant 3 : i32
      %get3A_1909 = arith.index_cast %select_n3A_1621 : i32 to index
      %get3A_1910 = arith.index_cast %get3A_1908 : i32 to index
      %get3A_1911 = arith.index_cast %squeeze3A_1895 : i32 to index
      %get3A_1912 = arith.constant 0 : index
      %get3A_1913 = tpu.vector_load %arg13[%get3A_1909, %get3A_1910, %get3A_1911, %get3A_1912] {strides = array<i32>} : memref<3x16x8x64xf32, #tpu.memory_space<vmem>>, vector<16xf32>,
      %mul3A_1914 = arith.mulf %mul3A_1907, %get3A_1913 : vector<16xf32>
      %get3A_1915 = arith.constant 3 : i32
      %get3A_1916 = arith.index_cast %select_n3A_1621 : i32 to index
      %get3A_1917 = arith.index_cast %get3A_1915 : i32 to index
      %get3A_1918 = arith.index_cast %squeeze3A_1893 : i32 to index
      %get3A_1919 = arith.constant 16 : index
      %get3A_1920 = tpu.vector_load %arg11[%get3A_1916, %get3A_1917, %get3A_1918, %get3A_1919] {strides = array<i32>} : memref<3x16x8x64xf32, #tpu.memory_space<vmem>>, vector<16xf32>,
      %get3A_1921 = arith.constant 3 : i32
      %get3A_1922 = arith.index_cast %select_n3A_1621 : i32 to index
      %get3A_1923 = arith.index_cast %get3A_1921 : i32 to index
      %get3A_1924 = arith.constant 16 : index
      %get3A_1925 = tpu.vector_load %arg12[%get3A_1922, %get3A_1923, %get3A_1924] {strides = array<i32>} : memref<3x16x128xf32, #tpu.memory_space<vmem>>, vector<16xf32>,
      %mul3A_1926 = arith.mulf %get3A_1920, %get3A_1925 : vector<16xf32>
      %get3A_1927 = arith.constant 3 : i32
      %get3A_1928 = arith.index_cast %select_n3A_1621 : i32 to index
      %get3A_1929 = arith.index_cast %get3A_1927 : i32 to index
      %get3A_1930 = arith.index_cast %squeeze3A_1895 : i32 to index
      %get3A_1931 = arith.constant 16 : index
      %get3A_1932 = tpu.vector_load %arg13[%get3A_1928, %get3A_1929, %get3A_1930, %get3A_1931] {strides = array<i32>} : memref<3x16x8x64xf32, #tpu.memory_space<vmem>>, vector<16xf32>,
      %mul3A_1933 = arith.mulf %mul3A_1926, %get3A_1932 : vector<16xf32>
      %add3A_1934 = arith.addf %mul3A_1914, %mul3A_1933 : vector<16xf32>
      %get3A_1935 = arith.constant 3 : i32
      %get3A_1936 = arith.index_cast %select_n3A_1621 : i32 to index
      %get3A_1937 = arith.index_cast %get3A_1935 : i32 to index
      %get3A_1938 = arith.index_cast %squeeze3A_1893 : i32 to index
      %get3A_1939 = arith.constant 32 : index
      %get3A_1940 = tpu.vector_load %arg11[%get3A_1936, %get3A_1937, %get3A_1938, %get3A_1939] {strides = array<i32>} : memref<3x16x8x64xf32, #tpu.memory_space<vmem>>, vector<16xf32>,
      %get3A_1941 = arith.constant 3 : i32
      %get3A_1942 = arith.index_cast %select_n3A_1621 : i32 to index
      %get3A_1943 = arith.index_cast %get3A_1941 : i32 to index
      %get3A_1944 = arith.constant 32 : index
      %get3A_1945 = tpu.vector_load %arg12[%get3A_1942, %get3A_1943, %get3A_1944] {strides = array<i32>} : memref<3x16x128xf32, #tpu.memory_space<vmem>>, vector<16xf32>,
      %mul3A_1946 = arith.mulf %get3A_1940, %get3A_1945 : vector<16xf32>
      %get3A_1947 = arith.constant 3 : i32
      %get3A_1948 = arith.index_cast %select_n3A_1621 : i32 to index
      %get3A_1949 = arith.index_cast %get3A_1947 : i32 to index
      %get3A_1950 = arith.index_cast %squeeze3A_1895 : i32 to index
      %get3A_1951 = arith.constant 32 : index
      %get3A_1952 = tpu.vector_load %arg13[%get3A_1948, %get3A_1949, %get3A_1950, %get3A_1951] {strides = array<i32>} : memref<3x16x8x64xf32, #tpu.memory_space<vmem>>, vector<16xf32>,
      %mul3A_1953 = arith.mulf %mul3A_1946, %get3A_1952 : vector<16xf32>
      %add3A_1954 = arith.addf %add3A_1934, %mul3A_1953 : vector<16xf32>
      %get3A_1955 = arith.constant 3 : i32
      %get3A_1956 = arith.index_cast %select_n3A_1621 : i32 to index
      %get3A_1957 = arith.index_cast %get3A_1955 : i32 to index
      %get3A_1958 = arith.index_cast %squeeze3A_1893 : i32 to index
      %get3A_1959 = arith.constant 48 : index
      %get3A_1960 = tpu.vector_load %arg11[%get3A_1956, %get3A_1957, %get3A_1958, %get3A_1959] {strides = array<i32>} : memref<3x16x8x64xf32, #tpu.memory_space<vmem>>, vector<16xf32>,
      %get3A_1961 = arith.constant 3 : i32
      %get3A_1962 = arith.index_cast %select_n3A_1621 : i32 to index
      %get3A_1963 = arith.index_cast %get3A_1961 : i32 to index
      %get3A_1964 = arith.constant 48 : index
      %get3A_1965 = tpu.vector_load %arg12[%get3A_1962, %get3A_1963, %get3A_1964] {strides = array<i32>} : memref<3x16x128xf32, #tpu.memory_space<vmem>>, vector<16xf32>,
      %mul3A_1966 = arith.mulf %get3A_1960, %get3A_1965 : vector<16xf32>
      %get3A_1967 = arith.constant 3 : i32
      %get3A_1968 = arith.index_cast %select_n3A_1621 : i32 to index
      %get3A_1969 = arith.index_cast %get3A_1967 : i32 to index
      %get3A_1970 = arith.index_cast %squeeze3A_1895 : i32 to index
      %get3A_1971 = arith.constant 48 : index
      %get3A_1972 = tpu.vector_load %arg13[%get3A_1968, %get3A_1969, %get3A_1970, %get3A_1971] {strides = array<i32>} : memref<3x16x8x64xf32, #tpu.memory_space<vmem>>, vector<16xf32>,
      %mul3A_1973 = arith.mulf %mul3A_1966, %get3A_1972 : vector<16xf32>
      %add3A_1974 = arith.addf %add3A_1954, %mul3A_1973 : vector<16xf32>
      %add3A_1975 = arith.constant 3 : i32
      %add3A_1976 = vector.broadcast %add3A_1975 : i32 to vector<16xi32>
      %add3A_1977 = arith.addi %mul3A_5, %add3A_1976 : vector<16xi32>
      tpu.vector_store_idx %arg15[%add3A_1977], %add3A_1974 : memref<272xf32, #tpu.memory_space<vmem>>[vector<16xi32>], vector<16xf32>,
      %slice3A_1978 = vector.extract_strided_slice %and3A_1627 {offsets = [4], sizes = [1], strides = [1]} : vector<16xi32> to vector<1xi32>
      %squeeze3A_1979 = vector.extract %slice3A_1978[0] : i32 from vector<1xi32>
      %slice3A_1980 = vector.extract_strided_slice %and3A_1633 {offsets = [4], sizes = [1], strides = [1]} : vector<16xi32> to vector<1xi32>
      %squeeze3A_1981 = vector.extract %slice3A_1980[0] : i32 from vector<1xi32>
      %get3A_1982 = arith.constant 4 : i32
      %get3A_1983 = arith.index_cast %select_n3A_1621 : i32 to index
      %get3A_1984 = arith.index_cast %get3A_1982 : i32 to index
      %get3A_1985 = arith.index_cast %squeeze3A_1979 : i32 to index
      %get3A_1986 = arith.constant 0 : index
      %get3A_1987 = tpu.vector_load %arg11[%get3A_1983, %get3A_1984, %get3A_1985, %get3A_1986] {strides = array<i32>} : memref<3x16x8x64xf32, #tpu.memory_space<vmem>>, vector<16xf32>,
      %get3A_1988 = arith.constant 4 : i32
      %get3A_1989 = arith.index_cast %select_n3A_1621 : i32 to index
      %get3A_1990 = arith.index_cast %get3A_1988 : i32 to index
      %get3A_1991 = arith.constant 0 : index
      %get3A_1992 = tpu.vector_load %arg12[%get3A_1989, %get3A_1990, %get3A_1991] {strides = array<i32>} : memref<3x16x128xf32, #tpu.memory_space<vmem>>, vector<16xf32>,
      %mul3A_1993 = arith.mulf %get3A_1987, %get3A_1992 : vector<16xf32>
      %get3A_1994 = arith.constant 4 : i32
      %get3A_1995 = arith.index_cast %select_n3A_1621 : i32 to index
      %get3A_1996 = arith.index_cast %get3A_1994 : i32 to index
      %get3A_1997 = arith.index_cast %squeeze3A_1981 : i32 to index
      %get3A_1998 = arith.constant 0 : index
      %get3A_1999 = tpu.vector_load %arg13[%get3A_1995, %get3A_1996, %get3A_1997, %get3A_1998] {strides = array<i32>} : memref<3x16x8x64xf32, #tpu.memory_space<vmem>>, vector<16xf32>,
      %mul3A_2000 = arith.mulf %mul3A_1993, %get3A_1999 : vector<16xf32>
      %get3A_2001 = arith.constant 4 : i32
      %get3A_2002 = arith.index_cast %select_n3A_1621 : i32 to index
      %get3A_2003 = arith.index_cast %get3A_2001 : i32 to index
      %get3A_2004 = arith.index_cast %squeeze3A_1979 : i32 to index
      %get3A_2005 = arith.constant 16 : index
      %get3A_2006 = tpu.vector_load %arg11[%get3A_2002, %get3A_2003, %get3A_2004, %get3A_2005] {strides = array<i32>} : memref<3x16x8x64xf32, #tpu.memory_space<vmem>>, vector<16xf32>,
      %get3A_2007 = arith.constant 4 : i32
      %get3A_2008 = arith.index_cast %select_n3A_1621 : i32 to index
      %get3A_2009 = arith.index_cast %get3A_2007 : i32 to index
      %get3A_2010 = arith.constant 16 : index
      %get3A_2011 = tpu.vector_load %arg12[%get3A_2008, %get3A_2009, %get3A_2010] {strides = array<i32>} : memref<3x16x128xf32, #tpu.memory_space<vmem>>, vector<16xf32>,
      %mul3A_2012 = arith.mulf %get3A_2006, %get3A_2011 : vector<16xf32>
      %get3A_2013 = arith.constant 4 : i32
      %get3A_2014 = arith.index_cast %select_n3A_1621 : i32 to index
      %get3A_2015 = arith.index_cast %get3A_2013 : i32 to index
      %get3A_2016 = arith.index_cast %squeeze3A_1981 : i32 to index
      %get3A_2017 = arith.constant 16 : index
      %get3A_2018 = tpu.vector_load %arg13[%get3A_2014, %get3A_2015, %get3A_2016, %get3A_2017] {strides = array<i32>} : memref<3x16x8x64xf32, #tpu.memory_space<vmem>>, vector<16xf32>,
      %mul3A_2019 = arith.mulf %mul3A_2012, %get3A_2018 : vector<16xf32>
      %add3A_2020 = arith.addf %mul3A_2000, %mul3A_2019 : vector<16xf32>
      %get3A_2021 = arith.constant 4 : i32
      %get3A_2022 = arith.index_cast %select_n3A_1621 : i32 to index
      %get3A_2023 = arith.index_cast %get3A_2021 : i32 to index
      %get3A_2024 = arith.index_cast %squeeze3A_1979 : i32 to index
      %get3A_2025 = arith.constant 32 : index
      %get3A_2026 = tpu.vector_load %arg11[%get3A_2022, %get3A_2023, %get3A_2024, %get3A_2025] {strides = array<i32>} : memref<3x16x8x64xf32, #tpu.memory_space<vmem>>, vector<16xf32>,
      %get3A_2027 = arith.constant 4 : i32
      %get3A_2028 = arith.index_cast %select_n3A_1621 : i32 to index
      %get3A_2029 = arith.index_cast %get3A_2027 : i32 to index
      %get3A_2030 = arith.constant 32 : index
      %get3A_2031 = tpu.vector_load %arg12[%get3A_2028, %get3A_2029, %get3A_2030] {strides = array<i32>} : memref<3x16x128xf32, #tpu.memory_space<vmem>>, vector<16xf32>,
      %mul3A_2032 = arith.mulf %get3A_2026, %get3A_2031 : vector<16xf32>
      %get3A_2033 = arith.constant 4 : i32
      %get3A_2034 = arith.index_cast %select_n3A_1621 : i32 to index
      %get3A_2035 = arith.index_cast %get3A_2033 : i32 to index
      %get3A_2036 = arith.index_cast %squeeze3A_1981 : i32 to index
      %get3A_2037 = arith.constant 32 : index
      %get3A_2038 = tpu.vector_load %arg13[%get3A_2034, %get3A_2035, %get3A_2036, %get3A_2037] {strides = array<i32>} : memref<3x16x8x64xf32, #tpu.memory_space<vmem>>, vector<16xf32>,
      %mul3A_2039 = arith.mulf %mul3A_2032, %get3A_2038 : vector<16xf32>
      %add3A_2040 = arith.addf %add3A_2020, %mul3A_2039 : vector<16xf32>
      %get3A_2041 = arith.constant 4 : i32
      %get3A_2042 = arith.index_cast %select_n3A_1621 : i32 to index
      %get3A_2043 = arith.index_cast %get3A_2041 : i32 to index
      %get3A_2044 = arith.index_cast %squeeze3A_1979 : i32 to index
      %get3A_2045 = arith.constant 48 : index
      %get3A_2046 = tpu.vector_load %arg11[%get3A_2042, %get3A_2043, %get3A_2044, %get3A_2045] {strides = array<i32>} : memref<3x16x8x64xf32, #tpu.memory_space<vmem>>, vector<16xf32>,
      %get3A_2047 = arith.constant 4 : i32
      %get3A_2048 = arith.index_cast %select_n3A_1621 : i32 to index
      %get3A_2049 = arith.index_cast %get3A_2047 : i32 to index
      %get3A_2050 = arith.constant 48 : index
      %get3A_2051 = tpu.vector_load %arg12[%get3A_2048, %get3A_2049, %get3A_2050] {strides = array<i32>} : memref<3x16x128xf32, #tpu.memory_space<vmem>>, vector<16xf32>,
      %mul3A_2052 = arith.mulf %get3A_2046, %get3A_2051 : vector<16xf32>
      %get3A_2053 = arith.constant 4 : i32
      %get3A_2054 = arith.index_cast %select_n3A_1621 : i32 to index
      %get3A_2055 = arith.index_cast %get3A_2053 : i32 to index
      %get3A_2056 = arith.index_cast %squeeze3A_1981 : i32 to index
      %get3A_2057 = arith.constant 48 : index
      %get3A_2058 = tpu.vector_load %arg13[%get3A_2054, %get3A_2055, %get3A_2056, %get3A_2057] {strides = array<i32>} : memref<3x16x8x64xf32, #tpu.memory_space<vmem>>, vector<16xf32>,
      %mul3A_2059 = arith.mulf %mul3A_2052, %get3A_2058 : vector<16xf32>
      %add3A_2060 = arith.addf %add3A_2040, %mul3A_2059 : vector<16xf32>
      %add3A_2061 = arith.constant 4 : i32
      %add3A_2062 = vector.broadcast %add3A_2061 : i32 to vector<16xi32>
      %add3A_2063 = arith.addi %mul3A_5, %add3A_2062 : vector<16xi32>
      tpu.vector_store_idx %arg15[%add3A_2063], %add3A_2060 : memref<272xf32, #tpu.memory_space<vmem>>[vector<16xi32>], vector<16xf32>,
      %slice3A_2064 = vector.extract_strided_slice %and3A_1627 {offsets = [5], sizes = [1], strides = [1]} : vector<16xi32> to vector<1xi32>
      %squeeze3A_2065 = vector.extract %slice3A_2064[0] : i32 from vector<1xi32>
      %slice3A_2066 = vector.extract_strided_slice %and3A_1633 {offsets = [5], sizes = [1], strides = [1]} : vector<16xi32> to vector<1xi32>
      %squeeze3A_2067 = vector.extract %slice3A_2066[0] : i32 from vector<1xi32>
      %get3A_2068 = arith.constant 5 : i32
      %get3A_2069 = arith.index_cast %select_n3A_1621 : i32 to index
      %get3A_2070 = arith.index_cast %get3A_2068 : i32 to index
      %get3A_2071 = arith.index_cast %squeeze3A_2065 : i32 to index
      %get3A_2072 = arith.constant 0 : index
      %get3A_2073 = tpu.vector_load %arg11[%get3A_2069, %get3A_2070, %get3A_2071, %get3A_2072] {strides = array<i32>} : memref<3x16x8x64xf32, #tpu.memory_space<vmem>>, vector<16xf32>,
      %get3A_2074 = arith.constant 5 : i32
      %get3A_2075 = arith.index_cast %select_n3A_1621 : i32 to index
      %get3A_2076 = arith.index_cast %get3A_2074 : i32 to index
      %get3A_2077 = arith.constant 0 : index
      %get3A_2078 = tpu.vector_load %arg12[%get3A_2075, %get3A_2076, %get3A_2077] {strides = array<i32>} : memref<3x16x128xf32, #tpu.memory_space<vmem>>, vector<16xf32>,
      %mul3A_2079 = arith.mulf %get3A_2073, %get3A_2078 : vector<16xf32>
      %get3A_2080 = arith.constant 5 : i32
      %get3A_2081 = arith.index_cast %select_n3A_1621 : i32 to index
      %get3A_2082 = arith.index_cast %get3A_2080 : i32 to index
      %get3A_2083 = arith.index_cast %squeeze3A_2067 : i32 to index
      %get3A_2084 = arith.constant 0 : index
      %get3A_2085 = tpu.vector_load %arg13[%get3A_2081, %get3A_2082, %get3A_2083, %get3A_2084] {strides = array<i32>} : memref<3x16x8x64xf32, #tpu.memory_space<vmem>>, vector<16xf32>,
      %mul3A_2086 = arith.mulf %mul3A_2079, %get3A_2085 : vector<16xf32>
      %get3A_2087 = arith.constant 5 : i32
      %get3A_2088 = arith.index_cast %select_n3A_1621 : i32 to index
      %get3A_2089 = arith.index_cast %get3A_2087 : i32 to index
      %get3A_2090 = arith.index_cast %squeeze3A_2065 : i32 to index
      %get3A_2091 = arith.constant 16 : index
      %get3A_2092 = tpu.vector_load %arg11[%get3A_2088, %get3A_2089, %get3A_2090, %get3A_2091] {strides = array<i32>} : memref<3x16x8x64xf32, #tpu.memory_space<vmem>>, vector<16xf32>,
      %get3A_2093 = arith.constant 5 : i32
      %get3A_2094 = arith.index_cast %select_n3A_1621 : i32 to index
      %get3A_2095 = arith.index_cast %get3A_2093 : i32 to index
      %get3A_2096 = arith.constant 16 : index
      %get3A_2097 = tpu.vector_load %arg12[%get3A_2094, %get3A_2095, %get3A_2096] {strides = array<i32>} : memref<3x16x128xf32, #tpu.memory_space<vmem>>, vector<16xf32>,
      %mul3A_2098 = arith.mulf %get3A_2092, %get3A_2097 : vector<16xf32>
      %get3A_2099 = arith.constant 5 : i32
      %get3A_2100 = arith.index_cast %select_n3A_1621 : i32 to index
      %get3A_2101 = arith.index_cast %get3A_2099 : i32 to index
      %get3A_2102 = arith.index_cast %squeeze3A_2067 : i32 to index
      %get3A_2103 = arith.constant 16 : index
      %get3A_2104 = tpu.vector_load %arg13[%get3A_2100, %get3A_2101, %get3A_2102, %get3A_2103] {strides = array<i32>} : memref<3x16x8x64xf32, #tpu.memory_space<vmem>>, vector<16xf32>,
      %mul3A_2105 = arith.mulf %mul3A_2098, %get3A_2104 : vector<16xf32>
      %add3A_2106 = arith.addf %mul3A_2086, %mul3A_2105 : vector<16xf32>
      %get3A_2107 = arith.constant 5 : i32
      %get3A_2108 = arith.index_cast %select_n3A_1621 : i32 to index
      %get3A_2109 = arith.index_cast %get3A_2107 : i32 to index
      %get3A_2110 = arith.index_cast %squeeze3A_2065 : i32 to index
      %get3A_2111 = arith.constant 32 : index
      %get3A_2112 = tpu.vector_load %arg11[%get3A_2108, %get3A_2109, %get3A_2110, %get3A_2111] {strides = array<i32>} : memref<3x16x8x64xf32, #tpu.memory_space<vmem>>, vector<16xf32>,
      %get3A_2113 = arith.constant 5 : i32
      %get3A_2114 = arith.index_cast %select_n3A_1621 : i32 to index
      %get3A_2115 = arith.index_cast %get3A_2113 : i32 to index
      %get3A_2116 = arith.constant 32 : index
      %get3A_2117 = tpu.vector_load %arg12[%get3A_2114, %get3A_2115, %get3A_2116] {strides = array<i32>} : memref<3x16x128xf32, #tpu.memory_space<vmem>>, vector<16xf32>,
      %mul3A_2118 = arith.mulf %get3A_2112, %get3A_2117 : vector<16xf32>
      %get3A_2119 = arith.constant 5 : i32
      %get3A_2120 = arith.index_cast %select_n3A_1621 : i32 to index
      %get3A_2121 = arith.index_cast %get3A_2119 : i32 to index
      %get3A_2122 = arith.index_cast %squeeze3A_2067 : i32 to index
      %get3A_2123 = arith.constant 32 : index
      %get3A_2124 = tpu.vector_load %arg13[%get3A_2120, %get3A_2121, %get3A_2122, %get3A_2123] {strides = array<i32>} : memref<3x16x8x64xf32, #tpu.memory_space<vmem>>, vector<16xf32>,
      %mul3A_2125 = arith.mulf %mul3A_2118, %get3A_2124 : vector<16xf32>
      %add3A_2126 = arith.addf %add3A_2106, %mul3A_2125 : vector<16xf32>
      %get3A_2127 = arith.constant 5 : i32
      %get3A_2128 = arith.index_cast %select_n3A_1621 : i32 to index
      %get3A_2129 = arith.index_cast %get3A_2127 : i32 to index
      %get3A_2130 = arith.index_cast %squeeze3A_2065 : i32 to index
      %get3A_2131 = arith.constant 48 : index
      %get3A_2132 = tpu.vector_load %arg11[%get3A_2128, %get3A_2129, %get3A_2130, %get3A_2131] {strides = array<i32>} : memref<3x16x8x64xf32, #tpu.memory_space<vmem>>, vector<16xf32>,
      %get3A_2133 = arith.constant 5 : i32
      %get3A_2134 = arith.index_cast %select_n3A_1621 : i32 to index
      %get3A_2135 = arith.index_cast %get3A_2133 : i32 to index
      %get3A_2136 = arith.constant 48 : index
      %get3A_2137 = tpu.vector_load %arg12[%get3A_2134, %get3A_2135, %get3A_2136] {strides = array<i32>} : memref<3x16x128xf32, #tpu.memory_space<vmem>>, vector<16xf32>,
      %mul3A_2138 = arith.mulf %get3A_2132, %get3A_2137 : vector<16xf32>
      %get3A_2139 = arith.constant 5 : i32
      %get3A_2140 = arith.index_cast %select_n3A_1621 : i32 to index
      %get3A_2141 = arith.index_cast %get3A_2139 : i32 to index
      %get3A_2142 = arith.index_cast %squeeze3A_2067 : i32 to index
      %get3A_2143 = arith.constant 48 : index
      %get3A_2144 = tpu.vector_load %arg13[%get3A_2140, %get3A_2141, %get3A_2142, %get3A_2143] {strides = array<i32>} : memref<3x16x8x64xf32, #tpu.memory_space<vmem>>, vector<16xf32>,
      %mul3A_2145 = arith.mulf %mul3A_2138, %get3A_2144 : vector<16xf32>
      %add3A_2146 = arith.addf %add3A_2126, %mul3A_2145 : vector<16xf32>
      %add3A_2147 = arith.constant 5 : i32
      %add3A_2148 = vector.broadcast %add3A_2147 : i32 to vector<16xi32>
      %add3A_2149 = arith.addi %mul3A_5, %add3A_2148 : vector<16xi32>
      tpu.vector_store_idx %arg15[%add3A_2149], %add3A_2146 : memref<272xf32, #tpu.memory_space<vmem>>[vector<16xi32>], vector<16xf32>,
      %slice3A_2150 = vector.extract_strided_slice %and3A_1627 {offsets = [6], sizes = [1], strides = [1]} : vector<16xi32> to vector<1xi32>
      %squeeze3A_2151 = vector.extract %slice3A_2150[0] : i32 from vector<1xi32>
      %slice3A_2152 = vector.extract_strided_slice %and3A_1633 {offsets = [6], sizes = [1], strides = [1]} : vector<16xi32> to vector<1xi32>
      %squeeze3A_2153 = vector.extract %slice3A_2152[0] : i32 from vector<1xi32>
      %get3A_2154 = arith.constant 6 : i32
      %get3A_2155 = arith.index_cast %select_n3A_1621 : i32 to index
      %get3A_2156 = arith.index_cast %get3A_2154 : i32 to index
      %get3A_2157 = arith.index_cast %squeeze3A_2151 : i32 to index
      %get3A_2158 = arith.constant 0 : index
      %get3A_2159 = tpu.vector_load %arg11[%get3A_2155, %get3A_2156, %get3A_2157, %get3A_2158] {strides = array<i32>} : memref<3x16x8x64xf32, #tpu.memory_space<vmem>>, vector<16xf32>,
      %get3A_2160 = arith.constant 6 : i32
      %get3A_2161 = arith.index_cast %select_n3A_1621 : i32 to index
      %get3A_2162 = arith.index_cast %get3A_2160 : i32 to index
      %get3A_2163 = arith.constant 0 : index
      %get3A_2164 = tpu.vector_load %arg12[%get3A_2161, %get3A_2162, %get3A_2163] {strides = array<i32>} : memref<3x16x128xf32, #tpu.memory_space<vmem>>, vector<16xf32>,
      %mul3A_2165 = arith.mulf %get3A_2159, %get3A_2164 : vector<16xf32>
      %get3A_2166 = arith.constant 6 : i32
      %get3A_2167 = arith.index_cast %select_n3A_1621 : i32 to index
      %get3A_2168 = arith.index_cast %get3A_2166 : i32 to index
      %get3A_2169 = arith.index_cast %squeeze3A_2153 : i32 to index
      %get3A_2170 = arith.constant 0 : index
      %get3A_2171 = tpu.vector_load %arg13[%get3A_2167, %get3A_2168, %get3A_2169, %get3A_2170] {strides = array<i32>} : memref<3x16x8x64xf32, #tpu.memory_space<vmem>>, vector<16xf32>,
      %mul3A_2172 = arith.mulf %mul3A_2165, %get3A_2171 : vector<16xf32>
      %get3A_2173 = arith.constant 6 : i32
      %get3A_2174 = arith.index_cast %select_n3A_1621 : i32 to index
      %get3A_2175 = arith.index_cast %get3A_2173 : i32 to index
      %get3A_2176 = arith.index_cast %squeeze3A_2151 : i32 to index
      %get3A_2177 = arith.constant 16 : index
      %get3A_2178 = tpu.vector_load %arg11[%get3A_2174, %get3A_2175, %get3A_2176, %get3A_2177] {strides = array<i32>} : memref<3x16x8x64xf32, #tpu.memory_space<vmem>>, vector<16xf32>,
      %get3A_2179 = arith.constant 6 : i32
      %get3A_2180 = arith.index_cast %select_n3A_1621 : i32 to index
      %get3A_2181 = arith.index_cast %get3A_2179 : i32 to index
      %get3A_2182 = arith.constant 16 : index
      %get3A_2183 = tpu.vector_load %arg12[%get3A_2180, %get3A_2181, %get3A_2182] {strides = array<i32>} : memref<3x16x128xf32, #tpu.memory_space<vmem>>, vector<16xf32>,
      %mul3A_2184 = arith.mulf %get3A_2178, %get3A_2183 : vector<16xf32>
      %get3A_2185 = arith.constant 6 : i32
      %get3A_2186 = arith.index_cast %select_n3A_1621 : i32 to index
      %get3A_2187 = arith.index_cast %get3A_2185 : i32 to index
      %get3A_2188 = arith.index_cast %squeeze3A_2153 : i32 to index
      %get3A_2189 = arith.constant 16 : index
      %get3A_2190 = tpu.vector_load %arg13[%get3A_2186, %get3A_2187, %get3A_2188, %get3A_2189] {strides = array<i32>} : memref<3x16x8x64xf32, #tpu.memory_space<vmem>>, vector<16xf32>,
      %mul3A_2191 = arith.mulf %mul3A_2184, %get3A_2190 : vector<16xf32>
      %add3A_2192 = arith.addf %mul3A_2172, %mul3A_2191 : vector<16xf32>
      %get3A_2193 = arith.constant 6 : i32
      %get3A_2194 = arith.index_cast %select_n3A_1621 : i32 to index
      %get3A_2195 = arith.index_cast %get3A_2193 : i32 to index
      %get3A_2196 = arith.index_cast %squeeze3A_2151 : i32 to index
      %get3A_2197 = arith.constant 32 : index
      %get3A_2198 = tpu.vector_load %arg11[%get3A_2194, %get3A_2195, %get3A_2196, %get3A_2197] {strides = array<i32>} : memref<3x16x8x64xf32, #tpu.memory_space<vmem>>, vector<16xf32>,
      %get3A_2199 = arith.constant 6 : i32
      %get3A_2200 = arith.index_cast %select_n3A_1621 : i32 to index
      %get3A_2201 = arith.index_cast %get3A_2199 : i32 to index
      %get3A_2202 = arith.constant 32 : index
      %get3A_2203 = tpu.vector_load %arg12[%get3A_2200, %get3A_2201, %get3A_2202] {strides = array<i32>} : memref<3x16x128xf32, #tpu.memory_space<vmem>>, vector<16xf32>,
      %mul3A_2204 = arith.mulf %get3A_2198, %get3A_2203 : vector<16xf32>
      %get3A_2205 = arith.constant 6 : i32
      %get3A_2206 = arith.index_cast %select_n3A_1621 : i32 to index
      %get3A_2207 = arith.index_cast %get3A_2205 : i32 to index
      %get3A_2208 = arith.index_cast %squeeze3A_2153 : i32 to index
      %get3A_2209 = arith.constant 32 : index
      %get3A_2210 = tpu.vector_load %arg13[%get3A_2206, %get3A_2207, %get3A_2208, %get3A_2209] {strides = array<i32>} : memref<3x16x8x64xf32, #tpu.memory_space<vmem>>, vector<16xf32>,
      %mul3A_2211 = arith.mulf %mul3A_2204, %get3A_2210 : vector<16xf32>
      %add3A_2212 = arith.addf %add3A_2192, %mul3A_2211 : vector<16xf32>
      %get3A_2213 = arith.constant 6 : i32
      %get3A_2214 = arith.index_cast %select_n3A_1621 : i32 to index
      %get3A_2215 = arith.index_cast %get3A_2213 : i32 to index
      %get3A_2216 = arith.index_cast %squeeze3A_2151 : i32 to index
      %get3A_2217 = arith.constant 48 : index
      %get3A_2218 = tpu.vector_load %arg11[%get3A_2214, %get3A_2215, %get3A_2216, %get3A_2217] {strides = array<i32>} : memref<3x16x8x64xf32, #tpu.memory_space<vmem>>, vector<16xf32>,
      %get3A_2219 = arith.constant 6 : i32
      %get3A_2220 = arith.index_cast %select_n3A_1621 : i32 to index
      %get3A_2221 = arith.index_cast %get3A_2219 : i32 to index
      %get3A_2222 = arith.constant 48 : index
      %get3A_2223 = tpu.vector_load %arg12[%get3A_2220, %get3A_2221, %get3A_2222] {strides = array<i32>} : memref<3x16x128xf32, #tpu.memory_space<vmem>>, vector<16xf32>,
      %mul3A_2224 = arith.mulf %get3A_2218, %get3A_2223 : vector<16xf32>
      %get3A_2225 = arith.constant 6 : i32
      %get3A_2226 = arith.index_cast %select_n3A_1621 : i32 to index
      %get3A_2227 = arith.index_cast %get3A_2225 : i32 to index
      %get3A_2228 = arith.index_cast %squeeze3A_2153 : i32 to index
      %get3A_2229 = arith.constant 48 : index
      %get3A_2230 = tpu.vector_load %arg13[%get3A_2226, %get3A_2227, %get3A_2228, %get3A_2229] {strides = array<i32>} : memref<3x16x8x64xf32, #tpu.memory_space<vmem>>, vector<16xf32>,
      %mul3A_2231 = arith.mulf %mul3A_2224, %get3A_2230 : vector<16xf32>
      %add3A_2232 = arith.addf %add3A_2212, %mul3A_2231 : vector<16xf32>
      %add3A_2233 = arith.constant 6 : i32
      %add3A_2234 = vector.broadcast %add3A_2233 : i32 to vector<16xi32>
      %add3A_2235 = arith.addi %mul3A_5, %add3A_2234 : vector<16xi32>
      tpu.vector_store_idx %arg15[%add3A_2235], %add3A_2232 : memref<272xf32, #tpu.memory_space<vmem>>[vector<16xi32>], vector<16xf32>,
      %slice3A_2236 = vector.extract_strided_slice %and3A_1627 {offsets = [7], sizes = [1], strides = [1]} : vector<16xi32> to vector<1xi32>
      %squeeze3A_2237 = vector.extract %slice3A_2236[0] : i32 from vector<1xi32>
      %slice3A_2238 = vector.extract_strided_slice %and3A_1633 {offsets = [7], sizes = [1], strides = [1]} : vector<16xi32> to vector<1xi32>
      %squeeze3A_2239 = vector.extract %slice3A_2238[0] : i32 from vector<1xi32>
      %get3A_2240 = arith.constant 7 : i32
      %get3A_2241 = arith.index_cast %select_n3A_1621 : i32 to index
      %get3A_2242 = arith.index_cast %get3A_2240 : i32 to index
      %get3A_2243 = arith.index_cast %squeeze3A_2237 : i32 to index
      %get3A_2244 = arith.constant 0 : index
      %get3A_2245 = tpu.vector_load %arg11[%get3A_2241, %get3A_2242, %get3A_2243, %get3A_2244] {strides = array<i32>} : memref<3x16x8x64xf32, #tpu.memory_space<vmem>>, vector<16xf32>,
      %get3A_2246 = arith.constant 7 : i32
      %get3A_2247 = arith.index_cast %select_n3A_1621 : i32 to index
      %get3A_2248 = arith.index_cast %get3A_2246 : i32 to index
      %get3A_2249 = arith.constant 0 : index
      %get3A_2250 = tpu.vector_load %arg12[%get3A_2247, %get3A_2248, %get3A_2249] {strides = array<i32>} : memref<3x16x128xf32, #tpu.memory_space<vmem>>, vector<16xf32>,
      %mul3A_2251 = arith.mulf %get3A_2245, %get3A_2250 : vector<16xf32>
      %get3A_2252 = arith.constant 7 : i32
      %get3A_2253 = arith.index_cast %select_n3A_1621 : i32 to index
      %get3A_2254 = arith.index_cast %get3A_2252 : i32 to index
      %get3A_2255 = arith.index_cast %squeeze3A_2239 : i32 to index
      %get3A_2256 = arith.constant 0 : index
      %get3A_2257 = tpu.vector_load %arg13[%get3A_2253, %get3A_2254, %get3A_2255, %get3A_2256] {strides = array<i32>} : memref<3x16x8x64xf32, #tpu.memory_space<vmem>>, vector<16xf32>,
      %mul3A_2258 = arith.mulf %mul3A_2251, %get3A_2257 : vector<16xf32>
      %get3A_2259 = arith.constant 7 : i32
      %get3A_2260 = arith.index_cast %select_n3A_1621 : i32 to index
      %get3A_2261 = arith.index_cast %get3A_2259 : i32 to index
      %get3A_2262 = arith.index_cast %squeeze3A_2237 : i32 to index
      %get3A_2263 = arith.constant 16 : index
      %get3A_2264 = tpu.vector_load %arg11[%get3A_2260, %get3A_2261, %get3A_2262, %get3A_2263] {strides = array<i32>} : memref<3x16x8x64xf32, #tpu.memory_space<vmem>>, vector<16xf32>,
      %get3A_2265 = arith.constant 7 : i32
      %get3A_2266 = arith.index_cast %select_n3A_1621 : i32 to index
      %get3A_2267 = arith.index_cast %get3A_2265 : i32 to index
      %get3A_2268 = arith.constant 16 : index
      %get3A_2269 = tpu.vector_load %arg12[%get3A_2266, %get3A_2267, %get3A_2268] {strides = array<i32>} : memref<3x16x128xf32, #tpu.memory_space<vmem>>, vector<16xf32>,
      %mul3A_2270 = arith.mulf %get3A_2264, %get3A_2269 : vector<16xf32>
      %get3A_2271 = arith.constant 7 : i32
      %get3A_2272 = arith.index_cast %select_n3A_1621 : i32 to index
      %get3A_2273 = arith.index_cast %get3A_2271 : i32 to index
      %get3A_2274 = arith.index_cast %squeeze3A_2239 : i32 to index
      %get3A_2275 = arith.constant 16 : index
      %get3A_2276 = tpu.vector_load %arg13[%get3A_2272, %get3A_2273, %get3A_2274, %get3A_2275] {strides = array<i32>} : memref<3x16x8x64xf32, #tpu.memory_space<vmem>>, vector<16xf32>,
      %mul3A_2277 = arith.mulf %mul3A_2270, %get3A_2276 : vector<16xf32>
      %add3A_2278 = arith.addf %mul3A_2258, %mul3A_2277 : vector<16xf32>
      %get3A_2279 = arith.constant 7 : i32
      %get3A_2280 = arith.index_cast %select_n3A_1621 : i32 to index
      %get3A_2281 = arith.index_cast %get3A_2279 : i32 to index
      %get3A_2282 = arith.index_cast %squeeze3A_2237 : i32 to index
      %get3A_2283 = arith.constant 32 : index
      %get3A_2284 = tpu.vector_load %arg11[%get3A_2280, %get3A_2281, %get3A_2282, %get3A_2283] {strides = array<i32>} : memref<3x16x8x64xf32, #tpu.memory_space<vmem>>, vector<16xf32>,
      %get3A_2285 = arith.constant 7 : i32
      %get3A_2286 = arith.index_cast %select_n3A_1621 : i32 to index
      %get3A_2287 = arith.index_cast %get3A_2285 : i32 to index
      %get3A_2288 = arith.constant 32 : index
      %get3A_2289 = tpu.vector_load %arg12[%get3A_2286, %get3A_2287, %get3A_2288] {strides = array<i32>} : memref<3x16x128xf32, #tpu.memory_space<vmem>>, vector<16xf32>,
      %mul3A_2290 = arith.mulf %get3A_2284, %get3A_2289 : vector<16xf32>
      %get3A_2291 = arith.constant 7 : i32
      %get3A_2292 = arith.index_cast %select_n3A_1621 : i32 to index
      %get3A_2293 = arith.index_cast %get3A_2291 : i32 to index
      %get3A_2294 = arith.index_cast %squeeze3A_2239 : i32 to index
      %get3A_2295 = arith.constant 32 : index
      %get3A_2296 = tpu.vector_load %arg13[%get3A_2292, %get3A_2293, %get3A_2294, %get3A_2295] {strides = array<i32>} : memref<3x16x8x64xf32, #tpu.memory_space<vmem>>, vector<16xf32>,
      %mul3A_2297 = arith.mulf %mul3A_2290, %get3A_2296 : vector<16xf32>
      %add3A_2298 = arith.addf %add3A_2278, %mul3A_2297 : vector<16xf32>
      %get3A_2299 = arith.constant 7 : i32
      %get3A_2300 = arith.index_cast %select_n3A_1621 : i32 to index
      %get3A_2301 = arith.index_cast %get3A_2299 : i32 to index
      %get3A_2302 = arith.index_cast %squeeze3A_2237 : i32 to index
      %get3A_2303 = arith.constant 48 : index
      %get3A_2304 = tpu.vector_load %arg11[%get3A_2300, %get3A_2301, %get3A_2302, %get3A_2303] {strides = array<i32>} : memref<3x16x8x64xf32, #tpu.memory_space<vmem>>, vector<16xf32>,
      %get3A_2305 = arith.constant 7 : i32
      %get3A_2306 = arith.index_cast %select_n3A_1621 : i32 to index
      %get3A_2307 = arith.index_cast %get3A_2305 : i32 to index
      %get3A_2308 = arith.constant 48 : index
      %get3A_2309 = tpu.vector_load %arg12[%get3A_2306, %get3A_2307, %get3A_2308] {strides = array<i32>} : memref<3x16x128xf32, #tpu.memory_space<vmem>>, vector<16xf32>,
      %mul3A_2310 = arith.mulf %get3A_2304, %get3A_2309 : vector<16xf32>
      %get3A_2311 = arith.constant 7 : i32
      %get3A_2312 = arith.index_cast %select_n3A_1621 : i32 to index
      %get3A_2313 = arith.index_cast %get3A_2311 : i32 to index
      %get3A_2314 = arith.index_cast %squeeze3A_2239 : i32 to index
      %get3A_2315 = arith.constant 48 : index
      %get3A_2316 = tpu.vector_load %arg13[%get3A_2312, %get3A_2313, %get3A_2314, %get3A_2315] {strides = array<i32>} : memref<3x16x8x64xf32, #tpu.memory_space<vmem>>, vector<16xf32>,
      %mul3A_2317 = arith.mulf %mul3A_2310, %get3A_2316 : vector<16xf32>
      %add3A_2318 = arith.addf %add3A_2298, %mul3A_2317 : vector<16xf32>
      %add3A_2319 = arith.constant 7 : i32
      %add3A_2320 = vector.broadcast %add3A_2319 : i32 to vector<16xi32>
      %add3A_2321 = arith.addi %mul3A_5, %add3A_2320 : vector<16xi32>
      tpu.vector_store_idx %arg15[%add3A_2321], %add3A_2318 : memref<272xf32, #tpu.memory_space<vmem>>[vector<16xi32>], vector<16xf32>,
      %slice3A_2322 = vector.extract_strided_slice %and3A_1627 {offsets = [8], sizes = [1], strides = [1]} : vector<16xi32> to vector<1xi32>
      %squeeze3A_2323 = vector.extract %slice3A_2322[0] : i32 from vector<1xi32>
      %slice3A_2324 = vector.extract_strided_slice %and3A_1633 {offsets = [8], sizes = [1], strides = [1]} : vector<16xi32> to vector<1xi32>
      %squeeze3A_2325 = vector.extract %slice3A_2324[0] : i32 from vector<1xi32>
      %get3A_2326 = arith.constant 8 : i32
      %get3A_2327 = arith.index_cast %select_n3A_1621 : i32 to index
      %get3A_2328 = arith.index_cast %get3A_2326 : i32 to index
      %get3A_2329 = arith.index_cast %squeeze3A_2323 : i32 to index
      %get3A_2330 = arith.constant 0 : index
      %get3A_2331 = tpu.vector_load %arg11[%get3A_2327, %get3A_2328, %get3A_2329, %get3A_2330] {strides = array<i32>} : memref<3x16x8x64xf32, #tpu.memory_space<vmem>>, vector<16xf32>,
      %get3A_2332 = arith.constant 8 : i32
      %get3A_2333 = arith.index_cast %select_n3A_1621 : i32 to index
      %get3A_2334 = arith.index_cast %get3A_2332 : i32 to index
      %get3A_2335 = arith.constant 0 : index
      %get3A_2336 = tpu.vector_load %arg12[%get3A_2333, %get3A_2334, %get3A_2335] {strides = array<i32>} : memref<3x16x128xf32, #tpu.memory_space<vmem>>, vector<16xf32>,
      %mul3A_2337 = arith.mulf %get3A_2331, %get3A_2336 : vector<16xf32>
      %get3A_2338 = arith.constant 8 : i32
      %get3A_2339 = arith.index_cast %select_n3A_1621 : i32 to index
      %get3A_2340 = arith.index_cast %get3A_2338 : i32 to index
      %get3A_2341 = arith.index_cast %squeeze3A_2325 : i32 to index
      %get3A_2342 = arith.constant 0 : index
      %get3A_2343 = tpu.vector_load %arg13[%get3A_2339, %get3A_2340, %get3A_2341, %get3A_2342] {strides = array<i32>} : memref<3x16x8x64xf32, #tpu.memory_space<vmem>>, vector<16xf32>,
      %mul3A_2344 = arith.mulf %mul3A_2337, %get3A_2343 : vector<16xf32>
      %get3A_2345 = arith.constant 8 : i32
      %get3A_2346 = arith.index_cast %select_n3A_1621 : i32 to index
      %get3A_2347 = arith.index_cast %get3A_2345 : i32 to index
      %get3A_2348 = arith.index_cast %squeeze3A_2323 : i32 to index
      %get3A_2349 = arith.constant 16 : index
      %get3A_2350 = tpu.vector_load %arg11[%get3A_2346, %get3A_2347, %get3A_2348, %get3A_2349] {strides = array<i32>} : memref<3x16x8x64xf32, #tpu.memory_space<vmem>>, vector<16xf32>,
      %get3A_2351 = arith.constant 8 : i32
      %get3A_2352 = arith.index_cast %select_n3A_1621 : i32 to index
      %get3A_2353 = arith.index_cast %get3A_2351 : i32 to index
      %get3A_2354 = arith.constant 16 : index
      %get3A_2355 = tpu.vector_load %arg12[%get3A_2352, %get3A_2353, %get3A_2354] {strides = array<i32>} : memref<3x16x128xf32, #tpu.memory_space<vmem>>, vector<16xf32>,
      %mul3A_2356 = arith.mulf %get3A_2350, %get3A_2355 : vector<16xf32>
      %get3A_2357 = arith.constant 8 : i32
      %get3A_2358 = arith.index_cast %select_n3A_1621 : i32 to index
      %get3A_2359 = arith.index_cast %get3A_2357 : i32 to index
      %get3A_2360 = arith.index_cast %squeeze3A_2325 : i32 to index
      %get3A_2361 = arith.constant 16 : index
      %get3A_2362 = tpu.vector_load %arg13[%get3A_2358, %get3A_2359, %get3A_2360, %get3A_2361] {strides = array<i32>} : memref<3x16x8x64xf32, #tpu.memory_space<vmem>>, vector<16xf32>,
      %mul3A_2363 = arith.mulf %mul3A_2356, %get3A_2362 : vector<16xf32>
      %add3A_2364 = arith.addf %mul3A_2344, %mul3A_2363 : vector<16xf32>
      %get3A_2365 = arith.constant 8 : i32
      %get3A_2366 = arith.index_cast %select_n3A_1621 : i32 to index
      %get3A_2367 = arith.index_cast %get3A_2365 : i32 to index
      %get3A_2368 = arith.index_cast %squeeze3A_2323 : i32 to index
      %get3A_2369 = arith.constant 32 : index
      %get3A_2370 = tpu.vector_load %arg11[%get3A_2366, %get3A_2367, %get3A_2368, %get3A_2369] {strides = array<i32>} : memref<3x16x8x64xf32, #tpu.memory_space<vmem>>, vector<16xf32>,
      %get3A_2371 = arith.constant 8 : i32
      %get3A_2372 = arith.index_cast %select_n3A_1621 : i32 to index
      %get3A_2373 = arith.index_cast %get3A_2371 : i32 to index
      %get3A_2374 = arith.constant 32 : index
      %get3A_2375 = tpu.vector_load %arg12[%get3A_2372, %get3A_2373, %get3A_2374] {strides = array<i32>} : memref<3x16x128xf32, #tpu.memory_space<vmem>>, vector<16xf32>,
      %mul3A_2376 = arith.mulf %get3A_2370, %get3A_2375 : vector<16xf32>
      %get3A_2377 = arith.constant 8 : i32
      %get3A_2378 = arith.index_cast %select_n3A_1621 : i32 to index
      %get3A_2379 = arith.index_cast %get3A_2377 : i32 to index
      %get3A_2380 = arith.index_cast %squeeze3A_2325 : i32 to index
      %get3A_2381 = arith.constant 32 : index
      %get3A_2382 = tpu.vector_load %arg13[%get3A_2378, %get3A_2379, %get3A_2380, %get3A_2381] {strides = array<i32>} : memref<3x16x8x64xf32, #tpu.memory_space<vmem>>, vector<16xf32>,
      %mul3A_2383 = arith.mulf %mul3A_2376, %get3A_2382 : vector<16xf32>
      %add3A_2384 = arith.addf %add3A_2364, %mul3A_2383 : vector<16xf32>
      %get3A_2385 = arith.constant 8 : i32
      %get3A_2386 = arith.index_cast %select_n3A_1621 : i32 to index
      %get3A_2387 = arith.index_cast %get3A_2385 : i32 to index
      %get3A_2388 = arith.index_cast %squeeze3A_2323 : i32 to index
      %get3A_2389 = arith.constant 48 : index
      %get3A_2390 = tpu.vector_load %arg11[%get3A_2386, %get3A_2387, %get3A_2388, %get3A_2389] {strides = array<i32>} : memref<3x16x8x64xf32, #tpu.memory_space<vmem>>, vector<16xf32>,
      %get3A_2391 = arith.constant 8 : i32
      %get3A_2392 = arith.index_cast %select_n3A_1621 : i32 to index
      %get3A_2393 = arith.index_cast %get3A_2391 : i32 to index
      %get3A_2394 = arith.constant 48 : index
      %get3A_2395 = tpu.vector_load %arg12[%get3A_2392, %get3A_2393, %get3A_2394] {strides = array<i32>} : memref<3x16x128xf32, #tpu.memory_space<vmem>>, vector<16xf32>,
      %mul3A_2396 = arith.mulf %get3A_2390, %get3A_2395 : vector<16xf32>
      %get3A_2397 = arith.constant 8 : i32
      %get3A_2398 = arith.index_cast %select_n3A_1621 : i32 to index
      %get3A_2399 = arith.index_cast %get3A_2397 : i32 to index
      %get3A_2400 = arith.index_cast %squeeze3A_2325 : i32 to index
      %get3A_2401 = arith.constant 48 : index
      %get3A_2402 = tpu.vector_load %arg13[%get3A_2398, %get3A_2399, %get3A_2400, %get3A_2401] {strides = array<i32>} : memref<3x16x8x64xf32, #tpu.memory_space<vmem>>, vector<16xf32>,
      %mul3A_2403 = arith.mulf %mul3A_2396, %get3A_2402 : vector<16xf32>
      %add3A_2404 = arith.addf %add3A_2384, %mul3A_2403 : vector<16xf32>
      %add3A_2405 = arith.constant 8 : i32
      %add3A_2406 = vector.broadcast %add3A_2405 : i32 to vector<16xi32>
      %add3A_2407 = arith.addi %mul3A_5, %add3A_2406 : vector<16xi32>
      tpu.vector_store_idx %arg15[%add3A_2407], %add3A_2404 : memref<272xf32, #tpu.memory_space<vmem>>[vector<16xi32>], vector<16xf32>,
      %slice3A_2408 = vector.extract_strided_slice %and3A_1627 {offsets = [9], sizes = [1], strides = [1]} : vector<16xi32> to vector<1xi32>
      %squeeze3A_2409 = vector.extract %slice3A_2408[0] : i32 from vector<1xi32>
      %slice3A_2410 = vector.extract_strided_slice %and3A_1633 {offsets = [9], sizes = [1], strides = [1]} : vector<16xi32> to vector<1xi32>
      %squeeze3A_2411 = vector.extract %slice3A_2410[0] : i32 from vector<1xi32>
      %get3A_2412 = arith.constant 9 : i32
      %get3A_2413 = arith.index_cast %select_n3A_1621 : i32 to index
      %get3A_2414 = arith.index_cast %get3A_2412 : i32 to index
      %get3A_2415 = arith.index_cast %squeeze3A_2409 : i32 to index
      %get3A_2416 = arith.constant 0 : index
      %get3A_2417 = tpu.vector_load %arg11[%get3A_2413, %get3A_2414, %get3A_2415, %get3A_2416] {strides = array<i32>} : memref<3x16x8x64xf32, #tpu.memory_space<vmem>>, vector<16xf32>,
      %get3A_2418 = arith.constant 9 : i32
      %get3A_2419 = arith.index_cast %select_n3A_1621 : i32 to index
      %get3A_2420 = arith.index_cast %get3A_2418 : i32 to index
      %get3A_2421 = arith.constant 0 : index
      %get3A_2422 = tpu.vector_load %arg12[%get3A_2419, %get3A_2420, %get3A_2421] {strides = array<i32>} : memref<3x16x128xf32, #tpu.memory_space<vmem>>, vector<16xf32>,
      %mul3A_2423 = arith.mulf %get3A_2417, %get3A_2422 : vector<16xf32>
      %get3A_2424 = arith.constant 9 : i32
      %get3A_2425 = arith.index_cast %select_n3A_1621 : i32 to index
      %get3A_2426 = arith.index_cast %get3A_2424 : i32 to index
      %get3A_2427 = arith.index_cast %squeeze3A_2411 : i32 to index
      %get3A_2428 = arith.constant 0 : index
      %get3A_2429 = tpu.vector_load %arg13[%get3A_2425, %get3A_2426, %get3A_2427, %get3A_2428] {strides = array<i32>} : memref<3x16x8x64xf32, #tpu.memory_space<vmem>>, vector<16xf32>,
      %mul3A_2430 = arith.mulf %mul3A_2423, %get3A_2429 : vector<16xf32>
      %get3A_2431 = arith.constant 9 : i32
      %get3A_2432 = arith.index_cast %select_n3A_1621 : i32 to index
      %get3A_2433 = arith.index_cast %get3A_2431 : i32 to index
      %get3A_2434 = arith.index_cast %squeeze3A_2409 : i32 to index
      %get3A_2435 = arith.constant 16 : index
      %get3A_2436 = tpu.vector_load %arg11[%get3A_2432, %get3A_2433, %get3A_2434, %get3A_2435] {strides = array<i32>} : memref<3x16x8x64xf32, #tpu.memory_space<vmem>>, vector<16xf32>,
      %get3A_2437 = arith.constant 9 : i32
      %get3A_2438 = arith.index_cast %select_n3A_1621 : i32 to index
      %get3A_2439 = arith.index_cast %get3A_2437 : i32 to index
      %get3A_2440 = arith.constant 16 : index
      %get3A_2441 = tpu.vector_load %arg12[%get3A_2438, %get3A_2439, %get3A_2440] {strides = array<i32>} : memref<3x16x128xf32, #tpu.memory_space<vmem>>, vector<16xf32>,
      %mul3A_2442 = arith.mulf %get3A_2436, %get3A_2441 : vector<16xf32>
      %get3A_2443 = arith.constant 9 : i32
      %get3A_2444 = arith.index_cast %select_n3A_1621 : i32 to index
      %get3A_2445 = arith.index_cast %get3A_2443 : i32 to index
      %get3A_2446 = arith.index_cast %squeeze3A_2411 : i32 to index
      %get3A_2447 = arith.constant 16 : index
      %get3A_2448 = tpu.vector_load %arg13[%get3A_2444, %get3A_2445, %get3A_2446, %get3A_2447] {strides = array<i32>} : memref<3x16x8x64xf32, #tpu.memory_space<vmem>>, vector<16xf32>,
      %mul3A_2449 = arith.mulf %mul3A_2442, %get3A_2448 : vector<16xf32>
      %add3A_2450 = arith.addf %mul3A_2430, %mul3A_2449 : vector<16xf32>
      %get3A_2451 = arith.constant 9 : i32
      %get3A_2452 = arith.index_cast %select_n3A_1621 : i32 to index
      %get3A_2453 = arith.index_cast %get3A_2451 : i32 to index
      %get3A_2454 = arith.index_cast %squeeze3A_2409 : i32 to index
      %get3A_2455 = arith.constant 32 : index
      %get3A_2456 = tpu.vector_load %arg11[%get3A_2452, %get3A_2453, %get3A_2454, %get3A_2455] {strides = array<i32>} : memref<3x16x8x64xf32, #tpu.memory_space<vmem>>, vector<16xf32>,
      %get3A_2457 = arith.constant 9 : i32
      %get3A_2458 = arith.index_cast %select_n3A_1621 : i32 to index
      %get3A_2459 = arith.index_cast %get3A_2457 : i32 to index
      %get3A_2460 = arith.constant 32 : index
      %get3A_2461 = tpu.vector_load %arg12[%get3A_2458, %get3A_2459, %get3A_2460] {strides = array<i32>} : memref<3x16x128xf32, #tpu.memory_space<vmem>>, vector<16xf32>,
      %mul3A_2462 = arith.mulf %get3A_2456, %get3A_2461 : vector<16xf32>
      %get3A_2463 = arith.constant 9 : i32
      %get3A_2464 = arith.index_cast %select_n3A_1621 : i32 to index
      %get3A_2465 = arith.index_cast %get3A_2463 : i32 to index
      %get3A_2466 = arith.index_cast %squeeze3A_2411 : i32 to index
      %get3A_2467 = arith.constant 32 : index
      %get3A_2468 = tpu.vector_load %arg13[%get3A_2464, %get3A_2465, %get3A_2466, %get3A_2467] {strides = array<i32>} : memref<3x16x8x64xf32, #tpu.memory_space<vmem>>, vector<16xf32>,
      %mul3A_2469 = arith.mulf %mul3A_2462, %get3A_2468 : vector<16xf32>
      %add3A_2470 = arith.addf %add3A_2450, %mul3A_2469 : vector<16xf32>
      %get3A_2471 = arith.constant 9 : i32
      %get3A_2472 = arith.index_cast %select_n3A_1621 : i32 to index
      %get3A_2473 = arith.index_cast %get3A_2471 : i32 to index
      %get3A_2474 = arith.index_cast %squeeze3A_2409 : i32 to index
      %get3A_2475 = arith.constant 48 : index
      %get3A_2476 = tpu.vector_load %arg11[%get3A_2472, %get3A_2473, %get3A_2474, %get3A_2475] {strides = array<i32>} : memref<3x16x8x64xf32, #tpu.memory_space<vmem>>, vector<16xf32>,
      %get3A_2477 = arith.constant 9 : i32
      %get3A_2478 = arith.index_cast %select_n3A_1621 : i32 to index
      %get3A_2479 = arith.index_cast %get3A_2477 : i32 to index
      %get3A_2480 = arith.constant 48 : index
      %get3A_2481 = tpu.vector_load %arg12[%get3A_2478, %get3A_2479, %get3A_2480] {strides = array<i32>} : memref<3x16x128xf32, #tpu.memory_space<vmem>>, vector<16xf32>,
      %mul3A_2482 = arith.mulf %get3A_2476, %get3A_2481 : vector<16xf32>
      %get3A_2483 = arith.constant 9 : i32
      %get3A_2484 = arith.index_cast %select_n3A_1621 : i32 to index
      %get3A_2485 = arith.index_cast %get3A_2483 : i32 to index
      %get3A_2486 = arith.index_cast %squeeze3A_2411 : i32 to index
      %get3A_2487 = arith.constant 48 : index
      %get3A_2488 = tpu.vector_load %arg13[%get3A_2484, %get3A_2485, %get3A_2486, %get3A_2487] {strides = array<i32>} : memref<3x16x8x64xf32, #tpu.memory_space<vmem>>, vector<16xf32>,
      %mul3A_2489 = arith.mulf %mul3A_2482, %get3A_2488 : vector<16xf32>
      %add3A_2490 = arith.addf %add3A_2470, %mul3A_2489 : vector<16xf32>
      %add3A_2491 = arith.constant 9 : i32
      %add3A_2492 = vector.broadcast %add3A_2491 : i32 to vector<16xi32>
      %add3A_2493 = arith.addi %mul3A_5, %add3A_2492 : vector<16xi32>
      tpu.vector_store_idx %arg15[%add3A_2493], %add3A_2490 : memref<272xf32, #tpu.memory_space<vmem>>[vector<16xi32>], vector<16xf32>,
      %slice3A_2494 = vector.extract_strided_slice %and3A_1627 {offsets = [10], sizes = [1], strides = [1]} : vector<16xi32> to vector<1xi32>
      %squeeze3A_2495 = vector.extract %slice3A_2494[0] : i32 from vector<1xi32>
      %slice3A_2496 = vector.extract_strided_slice %and3A_1633 {offsets = [10], sizes = [1], strides = [1]} : vector<16xi32> to vector<1xi32>
      %squeeze3A_2497 = vector.extract %slice3A_2496[0] : i32 from vector<1xi32>
      %get3A_2498 = arith.constant 10 : i32
      %get3A_2499 = arith.index_cast %select_n3A_1621 : i32 to index
      %get3A_2500 = arith.index_cast %get3A_2498 : i32 to index
      %get3A_2501 = arith.index_cast %squeeze3A_2495 : i32 to index
      %get3A_2502 = arith.constant 0 : index
      %get3A_2503 = tpu.vector_load %arg11[%get3A_2499, %get3A_2500, %get3A_2501, %get3A_2502] {strides = array<i32>} : memref<3x16x8x64xf32, #tpu.memory_space<vmem>>, vector<16xf32>,
      %get3A_2504 = arith.constant 10 : i32
      %get3A_2505 = arith.index_cast %select_n3A_1621 : i32 to index
      %get3A_2506 = arith.index_cast %get3A_2504 : i32 to index
      %get3A_2507 = arith.constant 0 : index
      %get3A_2508 = tpu.vector_load %arg12[%get3A_2505, %get3A_2506, %get3A_2507] {strides = array<i32>} : memref<3x16x128xf32, #tpu.memory_space<vmem>>, vector<16xf32>,
      %mul3A_2509 = arith.mulf %get3A_2503, %get3A_2508 : vector<16xf32>
      %get3A_2510 = arith.constant 10 : i32
      %get3A_2511 = arith.index_cast %select_n3A_1621 : i32 to index
      %get3A_2512 = arith.index_cast %get3A_2510 : i32 to index
      %get3A_2513 = arith.index_cast %squeeze3A_2497 : i32 to index
      %get3A_2514 = arith.constant 0 : index
      %get3A_2515 = tpu.vector_load %arg13[%get3A_2511, %get3A_2512, %get3A_2513, %get3A_2514] {strides = array<i32>} : memref<3x16x8x64xf32, #tpu.memory_space<vmem>>, vector<16xf32>,
      %mul3A_2516 = arith.mulf %mul3A_2509, %get3A_2515 : vector<16xf32>
      %get3A_2517 = arith.constant 10 : i32
      %get3A_2518 = arith.index_cast %select_n3A_1621 : i32 to index
      %get3A_2519 = arith.index_cast %get3A_2517 : i32 to index
      %get3A_2520 = arith.index_cast %squeeze3A_2495 : i32 to index
      %get3A_2521 = arith.constant 16 : index
      %get3A_2522 = tpu.vector_load %arg11[%get3A_2518, %get3A_2519, %get3A_2520, %get3A_2521] {strides = array<i32>} : memref<3x16x8x64xf32, #tpu.memory_space<vmem>>, vector<16xf32>,
      %get3A_2523 = arith.constant 10 : i32
      %get3A_2524 = arith.index_cast %select_n3A_1621 : i32 to index
      %get3A_2525 = arith.index_cast %get3A_2523 : i32 to index
      %get3A_2526 = arith.constant 16 : index
      %get3A_2527 = tpu.vector_load %arg12[%get3A_2524, %get3A_2525, %get3A_2526] {strides = array<i32>} : memref<3x16x128xf32, #tpu.memory_space<vmem>>, vector<16xf32>,
      %mul3A_2528 = arith.mulf %get3A_2522, %get3A_2527 : vector<16xf32>
      %get3A_2529 = arith.constant 10 : i32
      %get3A_2530 = arith.index_cast %select_n3A_1621 : i32 to index
      %get3A_2531 = arith.index_cast %get3A_2529 : i32 to index
      %get3A_2532 = arith.index_cast %squeeze3A_2497 : i32 to index
      %get3A_2533 = arith.constant 16 : index
      %get3A_2534 = tpu.vector_load %arg13[%get3A_2530, %get3A_2531, %get3A_2532, %get3A_2533] {strides = array<i32>} : memref<3x16x8x64xf32, #tpu.memory_space<vmem>>, vector<16xf32>,
      %mul3A_2535 = arith.mulf %mul3A_2528, %get3A_2534 : vector<16xf32>
      %add3A_2536 = arith.addf %mul3A_2516, %mul3A_2535 : vector<16xf32>
      %get3A_2537 = arith.constant 10 : i32
      %get3A_2538 = arith.index_cast %select_n3A_1621 : i32 to index
      %get3A_2539 = arith.index_cast %get3A_2537 : i32 to index
      %get3A_2540 = arith.index_cast %squeeze3A_2495 : i32 to index
      %get3A_2541 = arith.constant 32 : index
      %get3A_2542 = tpu.vector_load %arg11[%get3A_2538, %get3A_2539, %get3A_2540, %get3A_2541] {strides = array<i32>} : memref<3x16x8x64xf32, #tpu.memory_space<vmem>>, vector<16xf32>,
      %get3A_2543 = arith.constant 10 : i32
      %get3A_2544 = arith.index_cast %select_n3A_1621 : i32 to index
      %get3A_2545 = arith.index_cast %get3A_2543 : i32 to index
      %get3A_2546 = arith.constant 32 : index
      %get3A_2547 = tpu.vector_load %arg12[%get3A_2544, %get3A_2545, %get3A_2546] {strides = array<i32>} : memref<3x16x128xf32, #tpu.memory_space<vmem>>, vector<16xf32>,
      %mul3A_2548 = arith.mulf %get3A_2542, %get3A_2547 : vector<16xf32>
      %get3A_2549 = arith.constant 10 : i32
      %get3A_2550 = arith.index_cast %select_n3A_1621 : i32 to index
      %get3A_2551 = arith.index_cast %get3A_2549 : i32 to index
      %get3A_2552 = arith.index_cast %squeeze3A_2497 : i32 to index
      %get3A_2553 = arith.constant 32 : index
      %get3A_2554 = tpu.vector_load %arg13[%get3A_2550, %get3A_2551, %get3A_2552, %get3A_2553] {strides = array<i32>} : memref<3x16x8x64xf32, #tpu.memory_space<vmem>>, vector<16xf32>,
      %mul3A_2555 = arith.mulf %mul3A_2548, %get3A_2554 : vector<16xf32>
      %add3A_2556 = arith.addf %add3A_2536, %mul3A_2555 : vector<16xf32>
      %get3A_2557 = arith.constant 10 : i32
      %get3A_2558 = arith.index_cast %select_n3A_1621 : i32 to index
      %get3A_2559 = arith.index_cast %get3A_2557 : i32 to index
      %get3A_2560 = arith.index_cast %squeeze3A_2495 : i32 to index
      %get3A_2561 = arith.constant 48 : index
      %get3A_2562 = tpu.vector_load %arg11[%get3A_2558, %get3A_2559, %get3A_2560, %get3A_2561] {strides = array<i32>} : memref<3x16x8x64xf32, #tpu.memory_space<vmem>>, vector<16xf32>,
      %get3A_2563 = arith.constant 10 : i32
      %get3A_2564 = arith.index_cast %select_n3A_1621 : i32 to index
      %get3A_2565 = arith.index_cast %get3A_2563 : i32 to index
      %get3A_2566 = arith.constant 48 : index
      %get3A_2567 = tpu.vector_load %arg12[%get3A_2564, %get3A_2565, %get3A_2566] {strides = array<i32>} : memref<3x16x128xf32, #tpu.memory_space<vmem>>, vector<16xf32>,
      %mul3A_2568 = arith.mulf %get3A_2562, %get3A_2567 : vector<16xf32>
      %get3A_2569 = arith.constant 10 : i32
      %get3A_2570 = arith.index_cast %select_n3A_1621 : i32 to index
      %get3A_2571 = arith.index_cast %get3A_2569 : i32 to index
      %get3A_2572 = arith.index_cast %squeeze3A_2497 : i32 to index
      %get3A_2573 = arith.constant 48 : index
      %get3A_2574 = tpu.vector_load %arg13[%get3A_2570, %get3A_2571, %get3A_2572, %get3A_2573] {strides = array<i32>} : memref<3x16x8x64xf32, #tpu.memory_space<vmem>>, vector<16xf32>,
      %mul3A_2575 = arith.mulf %mul3A_2568, %get3A_2574 : vector<16xf32>
      %add3A_2576 = arith.addf %add3A_2556, %mul3A_2575 : vector<16xf32>
      %add3A_2577 = arith.constant 10 : i32
      %add3A_2578 = vector.broadcast %add3A_2577 : i32 to vector<16xi32>
      %add3A_2579 = arith.addi %mul3A_5, %add3A_2578 : vector<16xi32>
      tpu.vector_store_idx %arg15[%add3A_2579], %add3A_2576 : memref<272xf32, #tpu.memory_space<vmem>>[vector<16xi32>], vector<16xf32>,
      %slice3A_2580 = vector.extract_strided_slice %and3A_1627 {offsets = [11], sizes = [1], strides = [1]} : vector<16xi32> to vector<1xi32>
      %squeeze3A_2581 = vector.extract %slice3A_2580[0] : i32 from vector<1xi32>
      %slice3A_2582 = vector.extract_strided_slice %and3A_1633 {offsets = [11], sizes = [1], strides = [1]} : vector<16xi32> to vector<1xi32>
      %squeeze3A_2583 = vector.extract %slice3A_2582[0] : i32 from vector<1xi32>
      %get3A_2584 = arith.constant 11 : i32
      %get3A_2585 = arith.index_cast %select_n3A_1621 : i32 to index
      %get3A_2586 = arith.index_cast %get3A_2584 : i32 to index
      %get3A_2587 = arith.index_cast %squeeze3A_2581 : i32 to index
      %get3A_2588 = arith.constant 0 : index
      %get3A_2589 = tpu.vector_load %arg11[%get3A_2585, %get3A_2586, %get3A_2587, %get3A_2588] {strides = array<i32>} : memref<3x16x8x64xf32, #tpu.memory_space<vmem>>, vector<16xf32>,
      %get3A_2590 = arith.constant 11 : i32
      %get3A_2591 = arith.index_cast %select_n3A_1621 : i32 to index
      %get3A_2592 = arith.index_cast %get3A_2590 : i32 to index
      %get3A_2593 = arith.constant 0 : index
      %get3A_2594 = tpu.vector_load %arg12[%get3A_2591, %get3A_2592, %get3A_2593] {strides = array<i32>} : memref<3x16x128xf32, #tpu.memory_space<vmem>>, vector<16xf32>,
      %mul3A_2595 = arith.mulf %get3A_2589, %get3A_2594 : vector<16xf32>
      %get3A_2596 = arith.constant 11 : i32
      %get3A_2597 = arith.index_cast %select_n3A_1621 : i32 to index
      %get3A_2598 = arith.index_cast %get3A_2596 : i32 to index
      %get3A_2599 = arith.index_cast %squeeze3A_2583 : i32 to index
      %get3A_2600 = arith.constant 0 : index
      %get3A_2601 = tpu.vector_load %arg13[%get3A_2597, %get3A_2598, %get3A_2599, %get3A_2600] {strides = array<i32>} : memref<3x16x8x64xf32, #tpu.memory_space<vmem>>, vector<16xf32>,
      %mul3A_2602 = arith.mulf %mul3A_2595, %get3A_2601 : vector<16xf32>
      %get3A_2603 = arith.constant 11 : i32
      %get3A_2604 = arith.index_cast %select_n3A_1621 : i32 to index
      %get3A_2605 = arith.index_cast %get3A_2603 : i32 to index
      %get3A_2606 = arith.index_cast %squeeze3A_2581 : i32 to index
      %get3A_2607 = arith.constant 16 : index
      %get3A_2608 = tpu.vector_load %arg11[%get3A_2604, %get3A_2605, %get3A_2606, %get3A_2607] {strides = array<i32>} : memref<3x16x8x64xf32, #tpu.memory_space<vmem>>, vector<16xf32>,
      %get3A_2609 = arith.constant 11 : i32
      %get3A_2610 = arith.index_cast %select_n3A_1621 : i32 to index
      %get3A_2611 = arith.index_cast %get3A_2609 : i32 to index
      %get3A_2612 = arith.constant 16 : index
      %get3A_2613 = tpu.vector_load %arg12[%get3A_2610, %get3A_2611, %get3A_2612] {strides = array<i32>} : memref<3x16x128xf32, #tpu.memory_space<vmem>>, vector<16xf32>,
      %mul3A_2614 = arith.mulf %get3A_2608, %get3A_2613 : vector<16xf32>
      %get3A_2615 = arith.constant 11 : i32
      %get3A_2616 = arith.index_cast %select_n3A_1621 : i32 to index
      %get3A_2617 = arith.index_cast %get3A_2615 : i32 to index
      %get3A_2618 = arith.index_cast %squeeze3A_2583 : i32 to index
      %get3A_2619 = arith.constant 16 : index
      %get3A_2620 = tpu.vector_load %arg13[%get3A_2616, %get3A_2617, %get3A_2618, %get3A_2619] {strides = array<i32>} : memref<3x16x8x64xf32, #tpu.memory_space<vmem>>, vector<16xf32>,
      %mul3A_2621 = arith.mulf %mul3A_2614, %get3A_2620 : vector<16xf32>
      %add3A_2622 = arith.addf %mul3A_2602, %mul3A_2621 : vector<16xf32>
      %get3A_2623 = arith.constant 11 : i32
      %get3A_2624 = arith.index_cast %select_n3A_1621 : i32 to index
      %get3A_2625 = arith.index_cast %get3A_2623 : i32 to index
      %get3A_2626 = arith.index_cast %squeeze3A_2581 : i32 to index
      %get3A_2627 = arith.constant 32 : index
      %get3A_2628 = tpu.vector_load %arg11[%get3A_2624, %get3A_2625, %get3A_2626, %get3A_2627] {strides = array<i32>} : memref<3x16x8x64xf32, #tpu.memory_space<vmem>>, vector<16xf32>,
      %get3A_2629 = arith.constant 11 : i32
      %get3A_2630 = arith.index_cast %select_n3A_1621 : i32 to index
      %get3A_2631 = arith.index_cast %get3A_2629 : i32 to index
      %get3A_2632 = arith.constant 32 : index
      %get3A_2633 = tpu.vector_load %arg12[%get3A_2630, %get3A_2631, %get3A_2632] {strides = array<i32>} : memref<3x16x128xf32, #tpu.memory_space<vmem>>, vector<16xf32>,
      %mul3A_2634 = arith.mulf %get3A_2628, %get3A_2633 : vector<16xf32>
      %get3A_2635 = arith.constant 11 : i32
      %get3A_2636 = arith.index_cast %select_n3A_1621 : i32 to index
      %get3A_2637 = arith.index_cast %get3A_2635 : i32 to index
      %get3A_2638 = arith.index_cast %squeeze3A_2583 : i32 to index
      %get3A_2639 = arith.constant 32 : index
      %get3A_2640 = tpu.vector_load %arg13[%get3A_2636, %get3A_2637, %get3A_2638, %get3A_2639] {strides = array<i32>} : memref<3x16x8x64xf32, #tpu.memory_space<vmem>>, vector<16xf32>,
      %mul3A_2641 = arith.mulf %mul3A_2634, %get3A_2640 : vector<16xf32>
      %add3A_2642 = arith.addf %add3A_2622, %mul3A_2641 : vector<16xf32>
      %get3A_2643 = arith.constant 11 : i32
      %get3A_2644 = arith.index_cast %select_n3A_1621 : i32 to index
      %get3A_2645 = arith.index_cast %get3A_2643 : i32 to index
      %get3A_2646 = arith.index_cast %squeeze3A_2581 : i32 to index
      %get3A_2647 = arith.constant 48 : index
      %get3A_2648 = tpu.vector_load %arg11[%get3A_2644, %get3A_2645, %get3A_2646, %get3A_2647] {strides = array<i32>} : memref<3x16x8x64xf32, #tpu.memory_space<vmem>>, vector<16xf32>,
      %get3A_2649 = arith.constant 11 : i32
      %get3A_2650 = arith.index_cast %select_n3A_1621 : i32 to index
      %get3A_2651 = arith.index_cast %get3A_2649 : i32 to index
      %get3A_2652 = arith.constant 48 : index
      %get3A_2653 = tpu.vector_load %arg12[%get3A_2650, %get3A_2651, %get3A_2652] {strides = array<i32>} : memref<3x16x128xf32, #tpu.memory_space<vmem>>, vector<16xf32>,
      %mul3A_2654 = arith.mulf %get3A_2648, %get3A_2653 : vector<16xf32>
      %get3A_2655 = arith.constant 11 : i32
      %get3A_2656 = arith.index_cast %select_n3A_1621 : i32 to index
      %get3A_2657 = arith.index_cast %get3A_2655 : i32 to index
      %get3A_2658 = arith.index_cast %squeeze3A_2583 : i32 to index
      %get3A_2659 = arith.constant 48 : index
      %get3A_2660 = tpu.vector_load %arg13[%get3A_2656, %get3A_2657, %get3A_2658, %get3A_2659] {strides = array<i32>} : memref<3x16x8x64xf32, #tpu.memory_space<vmem>>, vector<16xf32>,
      %mul3A_2661 = arith.mulf %mul3A_2654, %get3A_2660 : vector<16xf32>
      %add3A_2662 = arith.addf %add3A_2642, %mul3A_2661 : vector<16xf32>
      %add3A_2663 = arith.constant 11 : i32
      %add3A_2664 = vector.broadcast %add3A_2663 : i32 to vector<16xi32>
      %add3A_2665 = arith.addi %mul3A_5, %add3A_2664 : vector<16xi32>
      tpu.vector_store_idx %arg15[%add3A_2665], %add3A_2662 : memref<272xf32, #tpu.memory_space<vmem>>[vector<16xi32>], vector<16xf32>,
      %slice3A_2666 = vector.extract_strided_slice %and3A_1627 {offsets = [12], sizes = [1], strides = [1]} : vector<16xi32> to vector<1xi32>
      %squeeze3A_2667 = vector.extract %slice3A_2666[0] : i32 from vector<1xi32>
      %slice3A_2668 = vector.extract_strided_slice %and3A_1633 {offsets = [12], sizes = [1], strides = [1]} : vector<16xi32> to vector<1xi32>
      %squeeze3A_2669 = vector.extract %slice3A_2668[0] : i32 from vector<1xi32>
      %get3A_2670 = arith.constant 12 : i32
      %get3A_2671 = arith.index_cast %select_n3A_1621 : i32 to index
      %get3A_2672 = arith.index_cast %get3A_2670 : i32 to index
      %get3A_2673 = arith.index_cast %squeeze3A_2667 : i32 to index
      %get3A_2674 = arith.constant 0 : index
      %get3A_2675 = tpu.vector_load %arg11[%get3A_2671, %get3A_2672, %get3A_2673, %get3A_2674] {strides = array<i32>} : memref<3x16x8x64xf32, #tpu.memory_space<vmem>>, vector<16xf32>,
      %get3A_2676 = arith.constant 12 : i32
      %get3A_2677 = arith.index_cast %select_n3A_1621 : i32 to index
      %get3A_2678 = arith.index_cast %get3A_2676 : i32 to index
      %get3A_2679 = arith.constant 0 : index
      %get3A_2680 = tpu.vector_load %arg12[%get3A_2677, %get3A_2678, %get3A_2679] {strides = array<i32>} : memref<3x16x128xf32, #tpu.memory_space<vmem>>, vector<16xf32>,
      %mul3A_2681 = arith.mulf %get3A_2675, %get3A_2680 : vector<16xf32>
      %get3A_2682 = arith.constant 12 : i32
      %get3A_2683 = arith.index_cast %select_n3A_1621 : i32 to index
      %get3A_2684 = arith.index_cast %get3A_2682 : i32 to index
      %get3A_2685 = arith.index_cast %squeeze3A_2669 : i32 to index
      %get3A_2686 = arith.constant 0 : index
      %get3A_2687 = tpu.vector_load %arg13[%get3A_2683, %get3A_2684, %get3A_2685, %get3A_2686] {strides = array<i32>} : memref<3x16x8x64xf32, #tpu.memory_space<vmem>>, vector<16xf32>,
      %mul3A_2688 = arith.mulf %mul3A_2681, %get3A_2687 : vector<16xf32>
      %get3A_2689 = arith.constant 12 : i32
      %get3A_2690 = arith.index_cast %select_n3A_1621 : i32 to index
      %get3A_2691 = arith.index_cast %get3A_2689 : i32 to index
      %get3A_2692 = arith.index_cast %squeeze3A_2667 : i32 to index
      %get3A_2693 = arith.constant 16 : index
      %get3A_2694 = tpu.vector_load %arg11[%get3A_2690, %get3A_2691, %get3A_2692, %get3A_2693] {strides = array<i32>} : memref<3x16x8x64xf32, #tpu.memory_space<vmem>>, vector<16xf32>,
      %get3A_2695 = arith.constant 12 : i32
      %get3A_2696 = arith.index_cast %select_n3A_1621 : i32 to index
      %get3A_2697 = arith.index_cast %get3A_2695 : i32 to index
      %get3A_2698 = arith.constant 16 : index
      %get3A_2699 = tpu.vector_load %arg12[%get3A_2696, %get3A_2697, %get3A_2698] {strides = array<i32>} : memref<3x16x128xf32, #tpu.memory_space<vmem>>, vector<16xf32>,
      %mul3A_2700 = arith.mulf %get3A_2694, %get3A_2699 : vector<16xf32>
      %get3A_2701 = arith.constant 12 : i32
      %get3A_2702 = arith.index_cast %select_n3A_1621 : i32 to index
      %get3A_2703 = arith.index_cast %get3A_2701 : i32 to index
      %get3A_2704 = arith.index_cast %squeeze3A_2669 : i32 to index
      %get3A_2705 = arith.constant 16 : index
      %get3A_2706 = tpu.vector_load %arg13[%get3A_2702, %get3A_2703, %get3A_2704, %get3A_2705] {strides = array<i32>} : memref<3x16x8x64xf32, #tpu.memory_space<vmem>>, vector<16xf32>,
      %mul3A_2707 = arith.mulf %mul3A_2700, %get3A_2706 : vector<16xf32>
      %add3A_2708 = arith.addf %mul3A_2688, %mul3A_2707 : vector<16xf32>
      %get3A_2709 = arith.constant 12 : i32
      %get3A_2710 = arith.index_cast %select_n3A_1621 : i32 to index
      %get3A_2711 = arith.index_cast %get3A_2709 : i32 to index
      %get3A_2712 = arith.index_cast %squeeze3A_2667 : i32 to index
      %get3A_2713 = arith.constant 32 : index
      %get3A_2714 = tpu.vector_load %arg11[%get3A_2710, %get3A_2711, %get3A_2712, %get3A_2713] {strides = array<i32>} : memref<3x16x8x64xf32, #tpu.memory_space<vmem>>, vector<16xf32>,
      %get3A_2715 = arith.constant 12 : i32
      %get3A_2716 = arith.index_cast %select_n3A_1621 : i32 to index
      %get3A_2717 = arith.index_cast %get3A_2715 : i32 to index
      %get3A_2718 = arith.constant 32 : index
      %get3A_2719 = tpu.vector_load %arg12[%get3A_2716, %get3A_2717, %get3A_2718] {strides = array<i32>} : memref<3x16x128xf32, #tpu.memory_space<vmem>>, vector<16xf32>,
      %mul3A_2720 = arith.mulf %get3A_2714, %get3A_2719 : vector<16xf32>
      %get3A_2721 = arith.constant 12 : i32
      %get3A_2722 = arith.index_cast %select_n3A_1621 : i32 to index
      %get3A_2723 = arith.index_cast %get3A_2721 : i32 to index
      %get3A_2724 = arith.index_cast %squeeze3A_2669 : i32 to index
      %get3A_2725 = arith.constant 32 : index
      %get3A_2726 = tpu.vector_load %arg13[%get3A_2722, %get3A_2723, %get3A_2724, %get3A_2725] {strides = array<i32>} : memref<3x16x8x64xf32, #tpu.memory_space<vmem>>, vector<16xf32>,
      %mul3A_2727 = arith.mulf %mul3A_2720, %get3A_2726 : vector<16xf32>
      %add3A_2728 = arith.addf %add3A_2708, %mul3A_2727 : vector<16xf32>
      %get3A_2729 = arith.constant 12 : i32
      %get3A_2730 = arith.index_cast %select_n3A_1621 : i32 to index
      %get3A_2731 = arith.index_cast %get3A_2729 : i32 to index
      %get3A_2732 = arith.index_cast %squeeze3A_2667 : i32 to index
      %get3A_2733 = arith.constant 48 : index
      %get3A_2734 = tpu.vector_load %arg11[%get3A_2730, %get3A_2731, %get3A_2732, %get3A_2733] {strides = array<i32>} : memref<3x16x8x64xf32, #tpu.memory_space<vmem>>, vector<16xf32>,
      %get3A_2735 = arith.constant 12 : i32
      %get3A_2736 = arith.index_cast %select_n3A_1621 : i32 to index
      %get3A_2737 = arith.index_cast %get3A_2735 : i32 to index
      %get3A_2738 = arith.constant 48 : index
      %get3A_2739 = tpu.vector_load %arg12[%get3A_2736, %get3A_2737, %get3A_2738] {strides = array<i32>} : memref<3x16x128xf32, #tpu.memory_space<vmem>>, vector<16xf32>,
      %mul3A_2740 = arith.mulf %get3A_2734, %get3A_2739 : vector<16xf32>
      %get3A_2741 = arith.constant 12 : i32
      %get3A_2742 = arith.index_cast %select_n3A_1621 : i32 to index
      %get3A_2743 = arith.index_cast %get3A_2741 : i32 to index
      %get3A_2744 = arith.index_cast %squeeze3A_2669 : i32 to index
      %get3A_2745 = arith.constant 48 : index
      %get3A_2746 = tpu.vector_load %arg13[%get3A_2742, %get3A_2743, %get3A_2744, %get3A_2745] {strides = array<i32>} : memref<3x16x8x64xf32, #tpu.memory_space<vmem>>, vector<16xf32>,
      %mul3A_2747 = arith.mulf %mul3A_2740, %get3A_2746 : vector<16xf32>
      %add3A_2748 = arith.addf %add3A_2728, %mul3A_2747 : vector<16xf32>
      %add3A_2749 = arith.constant 12 : i32
      %add3A_2750 = vector.broadcast %add3A_2749 : i32 to vector<16xi32>
      %add3A_2751 = arith.addi %mul3A_5, %add3A_2750 : vector<16xi32>
      tpu.vector_store_idx %arg15[%add3A_2751], %add3A_2748 : memref<272xf32, #tpu.memory_space<vmem>>[vector<16xi32>], vector<16xf32>,
      %slice3A_2752 = vector.extract_strided_slice %and3A_1627 {offsets = [13], sizes = [1], strides = [1]} : vector<16xi32> to vector<1xi32>
      %squeeze3A_2753 = vector.extract %slice3A_2752[0] : i32 from vector<1xi32>
      %slice3A_2754 = vector.extract_strided_slice %and3A_1633 {offsets = [13], sizes = [1], strides = [1]} : vector<16xi32> to vector<1xi32>
      %squeeze3A_2755 = vector.extract %slice3A_2754[0] : i32 from vector<1xi32>
      %get3A_2756 = arith.constant 13 : i32
      %get3A_2757 = arith.index_cast %select_n3A_1621 : i32 to index
      %get3A_2758 = arith.index_cast %get3A_2756 : i32 to index
      %get3A_2759 = arith.index_cast %squeeze3A_2753 : i32 to index
      %get3A_2760 = arith.constant 0 : index
      %get3A_2761 = tpu.vector_load %arg11[%get3A_2757, %get3A_2758, %get3A_2759, %get3A_2760] {strides = array<i32>} : memref<3x16x8x64xf32, #tpu.memory_space<vmem>>, vector<16xf32>,
      %get3A_2762 = arith.constant 13 : i32
      %get3A_2763 = arith.index_cast %select_n3A_1621 : i32 to index
      %get3A_2764 = arith.index_cast %get3A_2762 : i32 to index
      %get3A_2765 = arith.constant 0 : index
      %get3A_2766 = tpu.vector_load %arg12[%get3A_2763, %get3A_2764, %get3A_2765] {strides = array<i32>} : memref<3x16x128xf32, #tpu.memory_space<vmem>>, vector<16xf32>,
      %mul3A_2767 = arith.mulf %get3A_2761, %get3A_2766 : vector<16xf32>
      %get3A_2768 = arith.constant 13 : i32
      %get3A_2769 = arith.index_cast %select_n3A_1621 : i32 to index
      %get3A_2770 = arith.index_cast %get3A_2768 : i32 to index
      %get3A_2771 = arith.index_cast %squeeze3A_2755 : i32 to index
      %get3A_2772 = arith.constant 0 : index
      %get3A_2773 = tpu.vector_load %arg13[%get3A_2769, %get3A_2770, %get3A_2771, %get3A_2772] {strides = array<i32>} : memref<3x16x8x64xf32, #tpu.memory_space<vmem>>, vector<16xf32>,
      %mul3A_2774 = arith.mulf %mul3A_2767, %get3A_2773 : vector<16xf32>
      %get3A_2775 = arith.constant 13 : i32
      %get3A_2776 = arith.index_cast %select_n3A_1621 : i32 to index
      %get3A_2777 = arith.index_cast %get3A_2775 : i32 to index
      %get3A_2778 = arith.index_cast %squeeze3A_2753 : i32 to index
      %get3A_2779 = arith.constant 16 : index
      %get3A_2780 = tpu.vector_load %arg11[%get3A_2776, %get3A_2777, %get3A_2778, %get3A_2779] {strides = array<i32>} : memref<3x16x8x64xf32, #tpu.memory_space<vmem>>, vector<16xf32>,
      %get3A_2781 = arith.constant 13 : i32
      %get3A_2782 = arith.index_cast %select_n3A_1621 : i32 to index
      %get3A_2783 = arith.index_cast %get3A_2781 : i32 to index
      %get3A_2784 = arith.constant 16 : index
      %get3A_2785 = tpu.vector_load %arg12[%get3A_2782, %get3A_2783, %get3A_2784] {strides = array<i32>} : memref<3x16x128xf32, #tpu.memory_space<vmem>>, vector<16xf32>,
      %mul3A_2786 = arith.mulf %get3A_2780, %get3A_2785 : vector<16xf32>
      %get3A_2787 = arith.constant 13 : i32
      %get3A_2788 = arith.index_cast %select_n3A_1621 : i32 to index
      %get3A_2789 = arith.index_cast %get3A_2787 : i32 to index
      %get3A_2790 = arith.index_cast %squeeze3A_2755 : i32 to index
      %get3A_2791 = arith.constant 16 : index
      %get3A_2792 = tpu.vector_load %arg13[%get3A_2788, %get3A_2789, %get3A_2790, %get3A_2791] {strides = array<i32>} : memref<3x16x8x64xf32, #tpu.memory_space<vmem>>, vector<16xf32>,
      %mul3A_2793 = arith.mulf %mul3A_2786, %get3A_2792 : vector<16xf32>
      %add3A_2794 = arith.addf %mul3A_2774, %mul3A_2793 : vector<16xf32>
      %get3A_2795 = arith.constant 13 : i32
      %get3A_2796 = arith.index_cast %select_n3A_1621 : i32 to index
      %get3A_2797 = arith.index_cast %get3A_2795 : i32 to index
      %get3A_2798 = arith.index_cast %squeeze3A_2753 : i32 to index
      %get3A_2799 = arith.constant 32 : index
      %get3A_2800 = tpu.vector_load %arg11[%get3A_2796, %get3A_2797, %get3A_2798, %get3A_2799] {strides = array<i32>} : memref<3x16x8x64xf32, #tpu.memory_space<vmem>>, vector<16xf32>,
      %get3A_2801 = arith.constant 13 : i32
      %get3A_2802 = arith.index_cast %select_n3A_1621 : i32 to index
      %get3A_2803 = arith.index_cast %get3A_2801 : i32 to index
      %get3A_2804 = arith.constant 32 : index
      %get3A_2805 = tpu.vector_load %arg12[%get3A_2802, %get3A_2803, %get3A_2804] {strides = array<i32>} : memref<3x16x128xf32, #tpu.memory_space<vmem>>, vector<16xf32>,
      %mul3A_2806 = arith.mulf %get3A_2800, %get3A_2805 : vector<16xf32>
      %get3A_2807 = arith.constant 13 : i32
      %get3A_2808 = arith.index_cast %select_n3A_1621 : i32 to index
      %get3A_2809 = arith.index_cast %get3A_2807 : i32 to index
      %get3A_2810 = arith.index_cast %squeeze3A_2755 : i32 to index
      %get3A_2811 = arith.constant 32 : index
      %get3A_2812 = tpu.vector_load %arg13[%get3A_2808, %get3A_2809, %get3A_2810, %get3A_2811] {strides = array<i32>} : memref<3x16x8x64xf32, #tpu.memory_space<vmem>>, vector<16xf32>,
      %mul3A_2813 = arith.mulf %mul3A_2806, %get3A_2812 : vector<16xf32>
      %add3A_2814 = arith.addf %add3A_2794, %mul3A_2813 : vector<16xf32>
      %get3A_2815 = arith.constant 13 : i32
      %get3A_2816 = arith.index_cast %select_n3A_1621 : i32 to index
      %get3A_2817 = arith.index_cast %get3A_2815 : i32 to index
      %get3A_2818 = arith.index_cast %squeeze3A_2753 : i32 to index
      %get3A_2819 = arith.constant 48 : index
      %get3A_2820 = tpu.vector_load %arg11[%get3A_2816, %get3A_2817, %get3A_2818, %get3A_2819] {strides = array<i32>} : memref<3x16x8x64xf32, #tpu.memory_space<vmem>>, vector<16xf32>,
      %get3A_2821 = arith.constant 13 : i32
      %get3A_2822 = arith.index_cast %select_n3A_1621 : i32 to index
      %get3A_2823 = arith.index_cast %get3A_2821 : i32 to index
      %get3A_2824 = arith.constant 48 : index
      %get3A_2825 = tpu.vector_load %arg12[%get3A_2822, %get3A_2823, %get3A_2824] {strides = array<i32>} : memref<3x16x128xf32, #tpu.memory_space<vmem>>, vector<16xf32>,
      %mul3A_2826 = arith.mulf %get3A_2820, %get3A_2825 : vector<16xf32>
      %get3A_2827 = arith.constant 13 : i32
      %get3A_2828 = arith.index_cast %select_n3A_1621 : i32 to index
      %get3A_2829 = arith.index_cast %get3A_2827 : i32 to index
      %get3A_2830 = arith.index_cast %squeeze3A_2755 : i32 to index
      %get3A_2831 = arith.constant 48 : index
      %get3A_2832 = tpu.vector_load %arg13[%get3A_2828, %get3A_2829, %get3A_2830, %get3A_2831] {strides = array<i32>} : memref<3x16x8x64xf32, #tpu.memory_space<vmem>>, vector<16xf32>,
      %mul3A_2833 = arith.mulf %mul3A_2826, %get3A_2832 : vector<16xf32>
      %add3A_2834 = arith.addf %add3A_2814, %mul3A_2833 : vector<16xf32>
      %add3A_2835 = arith.constant 13 : i32
      %add3A_2836 = vector.broadcast %add3A_2835 : i32 to vector<16xi32>
      %add3A_2837 = arith.addi %mul3A_5, %add3A_2836 : vector<16xi32>
      tpu.vector_store_idx %arg15[%add3A_2837], %add3A_2834 : memref<272xf32, #tpu.memory_space<vmem>>[vector<16xi32>], vector<16xf32>,
      %slice3A_2838 = vector.extract_strided_slice %and3A_1627 {offsets = [14], sizes = [1], strides = [1]} : vector<16xi32> to vector<1xi32>
      %squeeze3A_2839 = vector.extract %slice3A_2838[0] : i32 from vector<1xi32>
      %slice3A_2840 = vector.extract_strided_slice %and3A_1633 {offsets = [14], sizes = [1], strides = [1]} : vector<16xi32> to vector<1xi32>
      %squeeze3A_2841 = vector.extract %slice3A_2840[0] : i32 from vector<1xi32>
      %get3A_2842 = arith.constant 14 : i32
      %get3A_2843 = arith.index_cast %select_n3A_1621 : i32 to index
      %get3A_2844 = arith.index_cast %get3A_2842 : i32 to index
      %get3A_2845 = arith.index_cast %squeeze3A_2839 : i32 to index
      %get3A_2846 = arith.constant 0 : index
      %get3A_2847 = tpu.vector_load %arg11[%get3A_2843, %get3A_2844, %get3A_2845, %get3A_2846] {strides = array<i32>} : memref<3x16x8x64xf32, #tpu.memory_space<vmem>>, vector<16xf32>,
      %get3A_2848 = arith.constant 14 : i32
      %get3A_2849 = arith.index_cast %select_n3A_1621 : i32 to index
      %get3A_2850 = arith.index_cast %get3A_2848 : i32 to index
      %get3A_2851 = arith.constant 0 : index
      %get3A_2852 = tpu.vector_load %arg12[%get3A_2849, %get3A_2850, %get3A_2851] {strides = array<i32>} : memref<3x16x128xf32, #tpu.memory_space<vmem>>, vector<16xf32>,
      %mul3A_2853 = arith.mulf %get3A_2847, %get3A_2852 : vector<16xf32>
      %get3A_2854 = arith.constant 14 : i32
      %get3A_2855 = arith.index_cast %select_n3A_1621 : i32 to index
      %get3A_2856 = arith.index_cast %get3A_2854 : i32 to index
      %get3A_2857 = arith.index_cast %squeeze3A_2841 : i32 to index
      %get3A_2858 = arith.constant 0 : index
      %get3A_2859 = tpu.vector_load %arg13[%get3A_2855, %get3A_2856, %get3A_2857, %get3A_2858] {strides = array<i32>} : memref<3x16x8x64xf32, #tpu.memory_space<vmem>>, vector<16xf32>,
      %mul3A_2860 = arith.mulf %mul3A_2853, %get3A_2859 : vector<16xf32>
      %get3A_2861 = arith.constant 14 : i32
      %get3A_2862 = arith.index_cast %select_n3A_1621 : i32 to index
      %get3A_2863 = arith.index_cast %get3A_2861 : i32 to index
      %get3A_2864 = arith.index_cast %squeeze3A_2839 : i32 to index
      %get3A_2865 = arith.constant 16 : index
      %get3A_2866 = tpu.vector_load %arg11[%get3A_2862, %get3A_2863, %get3A_2864, %get3A_2865] {strides = array<i32>} : memref<3x16x8x64xf32, #tpu.memory_space<vmem>>, vector<16xf32>,
      %get3A_2867 = arith.constant 14 : i32
      %get3A_2868 = arith.index_cast %select_n3A_1621 : i32 to index
      %get3A_2869 = arith.index_cast %get3A_2867 : i32 to index
      %get3A_2870 = arith.constant 16 : index
      %get3A_2871 = tpu.vector_load %arg12[%get3A_2868, %get3A_2869, %get3A_2870] {strides = array<i32>} : memref<3x16x128xf32, #tpu.memory_space<vmem>>, vector<16xf32>,
      %mul3A_2872 = arith.mulf %get3A_2866, %get3A_2871 : vector<16xf32>
      %get3A_2873 = arith.constant 14 : i32
      %get3A_2874 = arith.index_cast %select_n3A_1621 : i32 to index
      %get3A_2875 = arith.index_cast %get3A_2873 : i32 to index
      %get3A_2876 = arith.index_cast %squeeze3A_2841 : i32 to index
      %get3A_2877 = arith.constant 16 : index
      %get3A_2878 = tpu.vector_load %arg13[%get3A_2874, %get3A_2875, %get3A_2876, %get3A_2877] {strides = array<i32>} : memref<3x16x8x64xf32, #tpu.memory_space<vmem>>, vector<16xf32>,
      %mul3A_2879 = arith.mulf %mul3A_2872, %get3A_2878 : vector<16xf32>
      %add3A_2880 = arith.addf %mul3A_2860, %mul3A_2879 : vector<16xf32>
      %get3A_2881 = arith.constant 14 : i32
      %get3A_2882 = arith.index_cast %select_n3A_1621 : i32 to index
      %get3A_2883 = arith.index_cast %get3A_2881 : i32 to index
      %get3A_2884 = arith.index_cast %squeeze3A_2839 : i32 to index
      %get3A_2885 = arith.constant 32 : index
      %get3A_2886 = tpu.vector_load %arg11[%get3A_2882, %get3A_2883, %get3A_2884, %get3A_2885] {strides = array<i32>} : memref<3x16x8x64xf32, #tpu.memory_space<vmem>>, vector<16xf32>,
      %get3A_2887 = arith.constant 14 : i32
      %get3A_2888 = arith.index_cast %select_n3A_1621 : i32 to index
      %get3A_2889 = arith.index_cast %get3A_2887 : i32 to index
      %get3A_2890 = arith.constant 32 : index
      %get3A_2891 = tpu.vector_load %arg12[%get3A_2888, %get3A_2889, %get3A_2890] {strides = array<i32>} : memref<3x16x128xf32, #tpu.memory_space<vmem>>, vector<16xf32>,
      %mul3A_2892 = arith.mulf %get3A_2886, %get3A_2891 : vector<16xf32>
      %get3A_2893 = arith.constant 14 : i32
      %get3A_2894 = arith.index_cast %select_n3A_1621 : i32 to index
      %get3A_2895 = arith.index_cast %get3A_2893 : i32 to index
      %get3A_2896 = arith.index_cast %squeeze3A_2841 : i32 to index
      %get3A_2897 = arith.constant 32 : index
      %get3A_2898 = tpu.vector_load %arg13[%get3A_2894, %get3A_2895, %get3A_2896, %get3A_2897] {strides = array<i32>} : memref<3x16x8x64xf32, #tpu.memory_space<vmem>>, vector<16xf32>,
      %mul3A_2899 = arith.mulf %mul3A_2892, %get3A_2898 : vector<16xf32>
      %add3A_2900 = arith.addf %add3A_2880, %mul3A_2899 : vector<16xf32>
      %get3A_2901 = arith.constant 14 : i32
      %get3A_2902 = arith.index_cast %select_n3A_1621 : i32 to index
      %get3A_2903 = arith.index_cast %get3A_2901 : i32 to index
      %get3A_2904 = arith.index_cast %squeeze3A_2839 : i32 to index
      %get3A_2905 = arith.constant 48 : index
      %get3A_2906 = tpu.vector_load %arg11[%get3A_2902, %get3A_2903, %get3A_2904, %get3A_2905] {strides = array<i32>} : memref<3x16x8x64xf32, #tpu.memory_space<vmem>>, vector<16xf32>,
      %get3A_2907 = arith.constant 14 : i32
      %get3A_2908 = arith.index_cast %select_n3A_1621 : i32 to index
      %get3A_2909 = arith.index_cast %get3A_2907 : i32 to index
      %get3A_2910 = arith.constant 48 : index
      %get3A_2911 = tpu.vector_load %arg12[%get3A_2908, %get3A_2909, %get3A_2910] {strides = array<i32>} : memref<3x16x128xf32, #tpu.memory_space<vmem>>, vector<16xf32>,
      %mul3A_2912 = arith.mulf %get3A_2906, %get3A_2911 : vector<16xf32>
      %get3A_2913 = arith.constant 14 : i32
      %get3A_2914 = arith.index_cast %select_n3A_1621 : i32 to index
      %get3A_2915 = arith.index_cast %get3A_2913 : i32 to index
      %get3A_2916 = arith.index_cast %squeeze3A_2841 : i32 to index
      %get3A_2917 = arith.constant 48 : index
      %get3A_2918 = tpu.vector_load %arg13[%get3A_2914, %get3A_2915, %get3A_2916, %get3A_2917] {strides = array<i32>} : memref<3x16x8x64xf32, #tpu.memory_space<vmem>>, vector<16xf32>,
      %mul3A_2919 = arith.mulf %mul3A_2912, %get3A_2918 : vector<16xf32>
      %add3A_2920 = arith.addf %add3A_2900, %mul3A_2919 : vector<16xf32>
      %add3A_2921 = arith.constant 14 : i32
      %add3A_2922 = vector.broadcast %add3A_2921 : i32 to vector<16xi32>
      %add3A_2923 = arith.addi %mul3A_5, %add3A_2922 : vector<16xi32>
      tpu.vector_store_idx %arg15[%add3A_2923], %add3A_2920 : memref<272xf32, #tpu.memory_space<vmem>>[vector<16xi32>], vector<16xf32>,
      %slice3A_2924 = vector.extract_strided_slice %and3A_1627 {offsets = [15], sizes = [1], strides = [1]} : vector<16xi32> to vector<1xi32>
      %squeeze3A_2925 = vector.extract %slice3A_2924[0] : i32 from vector<1xi32>
      %slice3A_2926 = vector.extract_strided_slice %and3A_1633 {offsets = [15], sizes = [1], strides = [1]} : vector<16xi32> to vector<1xi32>
      %squeeze3A_2927 = vector.extract %slice3A_2926[0] : i32 from vector<1xi32>
      %get3A_2928 = arith.constant 15 : i32
      %get3A_2929 = arith.index_cast %select_n3A_1621 : i32 to index
      %get3A_2930 = arith.index_cast %get3A_2928 : i32 to index
      %get3A_2931 = arith.index_cast %squeeze3A_2925 : i32 to index
      %get3A_2932 = arith.constant 0 : index
      %get3A_2933 = tpu.vector_load %arg11[%get3A_2929, %get3A_2930, %get3A_2931, %get3A_2932] {strides = array<i32>} : memref<3x16x8x64xf32, #tpu.memory_space<vmem>>, vector<16xf32>,
      %get3A_2934 = arith.constant 15 : i32
      %get3A_2935 = arith.index_cast %select_n3A_1621 : i32 to index
      %get3A_2936 = arith.index_cast %get3A_2934 : i32 to index
      %get3A_2937 = arith.constant 0 : index
      %get3A_2938 = tpu.vector_load %arg12[%get3A_2935, %get3A_2936, %get3A_2937] {strides = array<i32>} : memref<3x16x128xf32, #tpu.memory_space<vmem>>, vector<16xf32>,
      %mul3A_2939 = arith.mulf %get3A_2933, %get3A_2938 : vector<16xf32>
      %get3A_2940 = arith.constant 15 : i32
      %get3A_2941 = arith.index_cast %select_n3A_1621 : i32 to index
      %get3A_2942 = arith.index_cast %get3A_2940 : i32 to index
      %get3A_2943 = arith.index_cast %squeeze3A_2927 : i32 to index
      %get3A_2944 = arith.constant 0 : index
      %get3A_2945 = tpu.vector_load %arg13[%get3A_2941, %get3A_2942, %get3A_2943, %get3A_2944] {strides = array<i32>} : memref<3x16x8x64xf32, #tpu.memory_space<vmem>>, vector<16xf32>,
      %mul3A_2946 = arith.mulf %mul3A_2939, %get3A_2945 : vector<16xf32>
      %get3A_2947 = arith.constant 15 : i32
      %get3A_2948 = arith.index_cast %select_n3A_1621 : i32 to index
      %get3A_2949 = arith.index_cast %get3A_2947 : i32 to index
      %get3A_2950 = arith.index_cast %squeeze3A_2925 : i32 to index
      %get3A_2951 = arith.constant 16 : index
      %get3A_2952 = tpu.vector_load %arg11[%get3A_2948, %get3A_2949, %get3A_2950, %get3A_2951] {strides = array<i32>} : memref<3x16x8x64xf32, #tpu.memory_space<vmem>>, vector<16xf32>,
      %get3A_2953 = arith.constant 15 : i32
      %get3A_2954 = arith.index_cast %select_n3A_1621 : i32 to index
      %get3A_2955 = arith.index_cast %get3A_2953 : i32 to index
      %get3A_2956 = arith.constant 16 : index
      %get3A_2957 = tpu.vector_load %arg12[%get3A_2954, %get3A_2955, %get3A_2956] {strides = array<i32>} : memref<3x16x128xf32, #tpu.memory_space<vmem>>, vector<16xf32>,
      %mul3A_2958 = arith.mulf %get3A_2952, %get3A_2957 : vector<16xf32>
      %get3A_2959 = arith.constant 15 : i32
      %get3A_2960 = arith.index_cast %select_n3A_1621 : i32 to index
      %get3A_2961 = arith.index_cast %get3A_2959 : i32 to index
      %get3A_2962 = arith.index_cast %squeeze3A_2927 : i32 to index
      %get3A_2963 = arith.constant 16 : index
      %get3A_2964 = tpu.vector_load %arg13[%get3A_2960, %get3A_2961, %get3A_2962, %get3A_2963] {strides = array<i32>} : memref<3x16x8x64xf32, #tpu.memory_space<vmem>>, vector<16xf32>,
      %mul3A_2965 = arith.mulf %mul3A_2958, %get3A_2964 : vector<16xf32>
      %add3A_2966 = arith.addf %mul3A_2946, %mul3A_2965 : vector<16xf32>
      %get3A_2967 = arith.constant 15 : i32
      %get3A_2968 = arith.index_cast %select_n3A_1621 : i32 to index
      %get3A_2969 = arith.index_cast %get3A_2967 : i32 to index
      %get3A_2970 = arith.index_cast %squeeze3A_2925 : i32 to index
      %get3A_2971 = arith.constant 32 : index
      %get3A_2972 = tpu.vector_load %arg11[%get3A_2968, %get3A_2969, %get3A_2970, %get3A_2971] {strides = array<i32>} : memref<3x16x8x64xf32, #tpu.memory_space<vmem>>, vector<16xf32>,
      %get3A_2973 = arith.constant 15 : i32
      %get3A_2974 = arith.index_cast %select_n3A_1621 : i32 to index
      %get3A_2975 = arith.index_cast %get3A_2973 : i32 to index
      %get3A_2976 = arith.constant 32 : index
      %get3A_2977 = tpu.vector_load %arg12[%get3A_2974, %get3A_2975, %get3A_2976] {strides = array<i32>} : memref<3x16x128xf32, #tpu.memory_space<vmem>>, vector<16xf32>,
      %mul3A_2978 = arith.mulf %get3A_2972, %get3A_2977 : vector<16xf32>
      %get3A_2979 = arith.constant 15 : i32
      %get3A_2980 = arith.index_cast %select_n3A_1621 : i32 to index
      %get3A_2981 = arith.index_cast %get3A_2979 : i32 to index
      %get3A_2982 = arith.index_cast %squeeze3A_2927 : i32 to index
      %get3A_2983 = arith.constant 32 : index
      %get3A_2984 = tpu.vector_load %arg13[%get3A_2980, %get3A_2981, %get3A_2982, %get3A_2983] {strides = array<i32>} : memref<3x16x8x64xf32, #tpu.memory_space<vmem>>, vector<16xf32>,
      %mul3A_2985 = arith.mulf %mul3A_2978, %get3A_2984 : vector<16xf32>
      %add3A_2986 = arith.addf %add3A_2966, %mul3A_2985 : vector<16xf32>
      %get3A_2987 = arith.constant 15 : i32
      %get3A_2988 = arith.index_cast %select_n3A_1621 : i32 to index
      %get3A_2989 = arith.index_cast %get3A_2987 : i32 to index
      %get3A_2990 = arith.index_cast %squeeze3A_2925 : i32 to index
      %get3A_2991 = arith.constant 48 : index
      %get3A_2992 = tpu.vector_load %arg11[%get3A_2988, %get3A_2989, %get3A_2990, %get3A_2991] {strides = array<i32>} : memref<3x16x8x64xf32, #tpu.memory_space<vmem>>, vector<16xf32>,
      %get3A_2993 = arith.constant 15 : i32
      %get3A_2994 = arith.index_cast %select_n3A_1621 : i32 to index
      %get3A_2995 = arith.index_cast %get3A_2993 : i32 to index
      %get3A_2996 = arith.constant 48 : index
      %get3A_2997 = tpu.vector_load %arg12[%get3A_2994, %get3A_2995, %get3A_2996] {strides = array<i32>} : memref<3x16x128xf32, #tpu.memory_space<vmem>>, vector<16xf32>,
      %mul3A_2998 = arith.mulf %get3A_2992, %get3A_2997 : vector<16xf32>
      %get3A_2999 = arith.constant 15 : i32
      %get3A_3000 = arith.index_cast %select_n3A_1621 : i32 to index
      %get3A_3001 = arith.index_cast %get3A_2999 : i32 to index
      %get3A_3002 = arith.index_cast %squeeze3A_2927 : i32 to index
      %get3A_3003 = arith.constant 48 : index
      %get3A_3004 = tpu.vector_load %arg13[%get3A_3000, %get3A_3001, %get3A_3002, %get3A_3003] {strides = array<i32>} : memref<3x16x8x64xf32, #tpu.memory_space<vmem>>, vector<16xf32>,
      %mul3A_3005 = arith.mulf %mul3A_2998, %get3A_3004 : vector<16xf32>
      %add3A_3006 = arith.addf %add3A_2986, %mul3A_3005 : vector<16xf32>
      %add3A_3007 = arith.constant 15 : i32
      %add3A_3008 = vector.broadcast %add3A_3007 : i32 to vector<16xi32>
      %add3A_3009 = arith.addi %mul3A_5, %add3A_3008 : vector<16xi32>
      tpu.vector_store_idx %arg15[%add3A_3009], %add3A_3006 : memref<272xf32, #tpu.memory_space<vmem>>[vector<16xi32>], vector<16xf32>,
      %get3A_3010 = arith.constant 0 : index
      %get3A_3011 = tpu.vector_load %arg15[%get3A_3010] {strides = array<i32>} : memref<272xf32, #tpu.memory_space<vmem>>, vector<16xf32>,
      %get3A_3012 = arith.constant 17 : index
      %get3A_3013 = tpu.vector_load %arg15[%get3A_3012] {strides = array<i32>} : memref<272xf32, #tpu.memory_space<vmem>>, vector<16xf32>,
      %add3A_3014 = arith.addf %get3A_3011, %get3A_3013 : vector<16xf32>
      %get3A_3015 = arith.constant 34 : index
      %get3A_3016 = tpu.vector_load %arg15[%get3A_3015] {strides = array<i32>} : memref<272xf32, #tpu.memory_space<vmem>>, vector<16xf32>,
      %add3A_3017 = arith.addf %add3A_3014, %get3A_3016 : vector<16xf32>
      %get3A_3018 = arith.constant 51 : index
      %get3A_3019 = tpu.vector_load %arg15[%get3A_3018] {strides = array<i32>} : memref<272xf32, #tpu.memory_space<vmem>>, vector<16xf32>,
      %add3A_3020 = arith.addf %add3A_3017, %get3A_3019 : vector<16xf32>
      %get3A_3021 = arith.constant 68 : index
      %get3A_3022 = tpu.vector_load %arg15[%get3A_3021] {strides = array<i32>} : memref<272xf32, #tpu.memory_space<vmem>>, vector<16xf32>,
      %add3A_3023 = arith.addf %add3A_3020, %get3A_3022 : vector<16xf32>
      %get3A_3024 = arith.constant 85 : index
      %get3A_3025 = tpu.vector_load %arg15[%get3A_3024] {strides = array<i32>} : memref<272xf32, #tpu.memory_space<vmem>>, vector<16xf32>,
      %add3A_3026 = arith.addf %add3A_3023, %get3A_3025 : vector<16xf32>
      %get3A_3027 = arith.constant 102 : index
      %get3A_3028 = tpu.vector_load %arg15[%get3A_3027] {strides = array<i32>} : memref<272xf32, #tpu.memory_space<vmem>>, vector<16xf32>,
      %add3A_3029 = arith.addf %add3A_3026, %get3A_3028 : vector<16xf32>
      %get3A_3030 = arith.constant 119 : index
      %get3A_3031 = tpu.vector_load %arg15[%get3A_3030] {strides = array<i32>} : memref<272xf32, #tpu.memory_space<vmem>>, vector<16xf32>,
      %add3A_3032 = arith.addf %add3A_3029, %get3A_3031 : vector<16xf32>
      %get3A_3033 = arith.constant 136 : index
      %get3A_3034 = tpu.vector_load %arg15[%get3A_3033] {strides = array<i32>} : memref<272xf32, #tpu.memory_space<vmem>>, vector<16xf32>,
      %add3A_3035 = arith.addf %add3A_3032, %get3A_3034 : vector<16xf32>
      %get3A_3036 = arith.constant 153 : index
      %get3A_3037 = tpu.vector_load %arg15[%get3A_3036] {strides = array<i32>} : memref<272xf32, #tpu.memory_space<vmem>>, vector<16xf32>,
      %add3A_3038 = arith.addf %add3A_3035, %get3A_3037 : vector<16xf32>
      %get3A_3039 = arith.constant 170 : index
      %get3A_3040 = tpu.vector_load %arg15[%get3A_3039] {strides = array<i32>} : memref<272xf32, #tpu.memory_space<vmem>>, vector<16xf32>,
      %add3A_3041 = arith.addf %add3A_3038, %get3A_3040 : vector<16xf32>
      %get3A_3042 = arith.constant 187 : index
      %get3A_3043 = tpu.vector_load %arg15[%get3A_3042] {strides = array<i32>} : memref<272xf32, #tpu.memory_space<vmem>>, vector<16xf32>,
      %add3A_3044 = arith.addf %add3A_3041, %get3A_3043 : vector<16xf32>
      %get3A_3045 = arith.constant 204 : index
      %get3A_3046 = tpu.vector_load %arg15[%get3A_3045] {strides = array<i32>} : memref<272xf32, #tpu.memory_space<vmem>>, vector<16xf32>,
      %add3A_3047 = arith.addf %add3A_3044, %get3A_3046 : vector<16xf32>
      %get3A_3048 = arith.constant 221 : index
      %get3A_3049 = tpu.vector_load %arg15[%get3A_3048] {strides = array<i32>} : memref<272xf32, #tpu.memory_space<vmem>>, vector<16xf32>,
      %add3A_3050 = arith.addf %add3A_3047, %get3A_3049 : vector<16xf32>
      %get3A_3051 = arith.constant 238 : index
      %get3A_3052 = tpu.vector_load %arg15[%get3A_3051] {strides = array<i32>} : memref<272xf32, #tpu.memory_space<vmem>>, vector<16xf32>,
      %add3A_3053 = arith.addf %add3A_3050, %get3A_3052 : vector<16xf32>
      %get3A_3054 = arith.constant 255 : index
      %get3A_3055 = tpu.vector_load %arg15[%get3A_3054] {strides = array<i32>} : memref<272xf32, #tpu.memory_space<vmem>>, vector<16xf32>,
      %add3A_3056 = arith.addf %add3A_3053, %get3A_3055 : vector<16xf32>
      %mul3A_3057 = arith.constant 16 : i32
      %mul3A_3058 = arith.muli %scan3A_1535, %mul3A_3057 : i32
      %swap3A = arith.index_cast %mul3A_3058 : i32 to index
      %swap3A_3059 = tpu.vector_load %arg14[%swap3A] {strides = array<i32>} : memref<512xf32, #tpu.memory_space<vmem>>, vector<16xf32>,
      tpu.vector_store %arg14[%swap3A], %add3A_3056 {strides = array<i32>} : memref<512xf32, #tpu.memory_space<vmem>>, vector<16xf32>,
    }
    %scan3A_1534 = arith.constant 32 : i32
    "tpu.region"() ({
      %run_scoped3A = tpu.sem_alloc : memref<!tpu.dma_semaphore, #tpu.memory_space<semaphore_mem>>
      %dma_start3A_1535 = arith.constant 0 : i32
      %dma_start3A_1536 = tpu.memref_slice %arg7[%add3A, %dma_start3A_1535] : memref<32x512xf32, #tpu.memory_space<hbm>> -> memref<1x512xf32, #tpu.memory_space<hbm>>
      %dma_start3A_1537 = tpu.memref_squeeze %dma_start3A_1536 : memref<1x512xf32, #tpu.memory_space<hbm>> -> memref<512xf32, #tpu.memory_space<hbm>>
      %dma_start3A_1538 = arith.constant 0 : i32
      %dma_start3A_1539 = tpu.memref_slice %arg7[%add3A, %dma_start3A_1538] : memref<32x512xf32, #tpu.memory_space<hbm>> -> memref<1x512xf32, #tpu.memory_space<hbm>>
      %dma_start3A_1540 = tpu.memref_squeeze %dma_start3A_1539 : memref<1x512xf32, #tpu.memory_space<hbm>> -> memref<512xf32, #tpu.memory_space<hbm>>
      tpu.enqueue_dma source(%arg14 : memref<512xf32, #tpu.memory_space<vmem>>) target(%dma_start3A_1540 : memref<512xf32, #tpu.memory_space<hbm>>) target_semaphore(%run_scoped3A : memref<!tpu.dma_semaphore, #tpu.memory_space<semaphore_mem>>)
      %dma_wait3A = arith.constant 0 : i32
      %dma_wait3A_1541 = tpu.memref_slice %arg7[%add3A, %dma_wait3A] : memref<32x512xf32, #tpu.memory_space<hbm>> -> memref<1x512xf32, #tpu.memory_space<hbm>>
      %dma_wait3A_1542 = tpu.memref_squeeze %dma_wait3A_1541 : memref<1x512xf32, #tpu.memory_space<hbm>> -> memref<512xf32, #tpu.memory_space<hbm>>
      %dma_wait3A_1543 = arith.constant 0 : i32
      %dma_wait3A_1544 = tpu.memref_slice %arg7[%add3A, %dma_wait3A_1543] : memref<32x512xf32, #tpu.memory_space<hbm>> -> memref<1x512xf32, #tpu.memory_space<hbm>>
      %dma_wait3A_1545 = tpu.memref_squeeze %dma_wait3A_1544 : memref<1x512xf32, #tpu.memory_space<hbm>> -> memref<512xf32, #tpu.memory_space<hbm>>
      tpu.wait_dma2 semaphore(%run_scoped3A : memref<!tpu.dma_semaphore, #tpu.memory_space<semaphore_mem>>) src(%arg14 : memref<512xf32, #tpu.memory_space<vmem>>) dst(%dma_wait3A_1545 : memref<512xf32, #tpu.memory_space<hbm>>)
      tpu.yield
    }) : () -> ()
    return
  }
}

</mosaic_0001>

<sc_bundles>
// kernel: kernel.3.cloned.1.call-start
scs
__scs_entry_jumppad:
0x0: {  	(pc) =	sbr.rel $0x88, $3  }
0x1: {  	(tag) =	ssettag $0x0;
	lr =	simm.s32 $0x1  }
0x2: {  	[smem:$0x3F9C] =	sst lr;
	_ =	strace $0xD0000000  }
0x3: {  	_ = 	snop  }
0x4: {  	_ = 	snop  }
0x5: {  	_ = 	snop  }
0x6: {  	_ = 	snop  }
0x7: {  	_ = 	snop  }
__scs_overlays_trampoline_lowered:
0x8: {  	[smem:$0x3FAB] =	sst s0  }
0x9: {  	[smem:$0x3FAC] =	sst s1  }
0xa: {  	[smem:$0x3FAD] =	sst s2  }
0xb: {  	[smem:$0x3FAE] =	sst s3  }
0xc: {  	[smem:$0x3FAF] =	sst s4  }
0xd: {  	[smem:$0x3FB0] =	sst s5  }
0xe: {  	[smem:$0x3FB1] =	sst s6  }
0xf: {  	[smem:$0x3FB2] =	sst s7  }
0x10: {  	[smem:$0x3FB3] =	sst s8  }
0x11: {  	[smem:$0x3FB4] =	sst s9;
	s0 =	simm.s32 @!p0 $0x0  }
0x12: {  	s1 =	sld [smem:$0x3F9A];
	s0 =	simm.s32 @p0 $0x1  }
0x13: {  	[smem:$0x3FB5] =	sst s0;
	s0 =	simm.s32 @!p1 $0x0  }
0x14: {  	s2 =	sld [smem:$0x3F99];
	s0 =	simm.s32 @p1 $0x1  }
0x15: {  	[smem:$0x3FB6] =	sst s0;
	s0 =	simm.s32 @!p2 $0x0  }
0x16: {  	s3 =	sld [smem:$0x3FDB];
	s0 =	simm.s32 @p2 $0x1  }
0x17: {  	s4 =	simm.s32 $0x1BF5;
	[smem:$0x3FB8] =	sst s0  }
0x18: {  	s0 =	sld [smem:$0x3F9B];
	_ =	swait.ge [sflag:s4], $0x0  }
0x19: {  	s7 =	sld [smem:$0x3F9C]  }
0x1a: {  	s8 =	sadd.s32 $0xFFFFE003, lr  }
0x1b: {  	s9 =	sadd.s32 $0xFFFFFEF7, lr;
	s5 =	simm.s32 $0xFFFFFFFF;
	p2 =	slt.u32 s8, $0xFFFFF086  }
0x1c: {  	p1 =	slt.u32 s9, $0xF7A;
	s5 =	simm.s32 @!p2 $0x0  }
0x1d: {  	s5 =	simm.s32 @p1 $0x1;
	p0 =	seq.s32 s7, s2  }
0x1e: {  	s7 =	smul.u32 @!p0 $0xF7A, s2;
	p2 =	seq.s32 @!p0 s5, $0x0  }
0x1f: {  	s9 =	smul.u32 $0xF7A, s1;
	s8 =	simm.s32 @!p0 $0x1BF5;
	p2 =	por !p2, p0  }
0x20: {  	[sflag:s8] =	ssyncset.s32 @!p0 $0xFFFFF086;
	s6 =	sadd.s32 @!p0 s3, s7;
	s7 =	simm.s32 @!p0 $0x108  }
0x21: {  	s3 =	sadd.s32 s3, s9;
	s6 =	sadd.s32 @!p0 $0x88, s6;
	s7 =	simm.s32 @p2 $0x1082  }
0x22: {  	[simem:s7], [sflag:s8] =	dma.local @!p0 [hbm:s6], $0xF7A  }
0x23: {  	s9 =	sor.u32 $0xD0000000, s2;
	s6 =	simm.s32 $0x108;
	_ =	swait.ge @!p0 [sflag:s8], $0x0  }
0x24: {  	s3 =	sadd.s32 $0x88, s3;
	s6 =	simm.s32 @!p1 $0x1082;
	[sflag:s4] =	ssyncset.s32 $0xFFFFF086  }
0x25: {  	[simem:s6], [sflag:s4] =	dma.local [hbm:s3], $0xF7A  }
0x26: {  	[smem:$0x3F9C] =	sst s1;
	(tag) =	ssettag s2;
	_ =	strace s9  }
0x27: {  	s1 =	sld [smem:$0x3FAC]  }
0x28: {  	s2 =	sld [smem:$0x3FAD]  }
0x29: {  	s4 =	sld [smem:$0x3FAF]  }
0x2a: {  	p0 =	seq.s32 s5, $0x0;
	s5 =	sld [smem:$0x3FB0]  }
0x2b: {  	s6 =	sld [smem:$0x3FB1]  }
0x2c: {  	s7 =	sld [smem:$0x3FB2]  }
0x2d: {  	s3 =	simm.s32 $0x108;
	s8 =	sld [smem:$0x3FB3]  }
0x2e: {  	s3 =	simm.s32 @!p0 $0x1082;
	s9 =	sld [smem:$0x3FB4]  }
0x2f: {  	lr =	sadd.s32 s0, s3;
	s0 =	sld [smem:$0x3FAB]  }
0x30: {  	s3 =	sld [smem:$0x3FAE]  }
0x31: {  	[smem:$0x3FB7] =	sst s10  }
0x32: {  	s10 =	sld [smem:$0x3FB5];
	_ =	sdelay $0x3  }
0x33: {  	p0 =	seq.s32 s10, $0x1;
	s10 =	sld [smem:$0x3FB7];
	_ =	sdelay $0x3  }
0x34: {  	[smem:$0x3FB7] =	sst s10  }
0x35: {  	s10 =	sld [smem:$0x3FB6];
	_ =	sdelay $0x3  }
0x36: {  	p1 =	seq.s32 s10, $0x1;
	s10 =	sld [smem:$0x3FB7];
	_ =	sdelay $0x3  }
0x37: {  	[smem:$0x3FB7] =	sst s10  }
0x38: {  	s10 =	sld [smem:$0x3FB8]  }
0x39: {  	_ = 	snop;
	(pc) =	sbr.ind lr, $3  }
0x3a: {  	_ = 	snop  }
0x3b: {  	_ = 	snop  }
0x3c: {  	p2 =	seq.s32 s10, $0x1;
	s10 =	sld [smem:$0x3FB7]  }
0x3d: {  	_ =	shalt  }
0x3e: {  	_ =	shalt  }
0x3f: {  	_ =	shalt  }
0x40: {  	_ =	shalt  }
0x41: {  	_ =	shalt  }
0x42: {  	_ =	shalt  }
0x43: {  	_ =	shalt  }
0x44: {  	_ =	shalt  }
0x45: {  	_ =	shalt  }
0x46: {  	_ =	shalt  }
0x47: {  	_ =	shalt  }
0x48: {  	_ =	shalt  }
0x49: {  	_ =	shalt  }
0x4a: {  	_ =	shalt  }
0x4b: {  	_ =	shalt  }
0x4c: {  	_ =	shalt  }
0x4d: {  	_ =	shalt  }
0x4e: {  	_ =	shalt  }
0x4f: {  	_ =	shalt  }
0x50: {  	_ =	shalt  }
0x51: {  	_ =	shalt  }
0x52: {  	_ =	shalt  }
0x53: {  	_ =	shalt  }
0x54: {  	_ =	shalt  }
0x55: {  	_ =	shalt  }
0x56: {  	_ =	shalt  }
0x57: {  	_ =	shalt  }
0x58: {  	_ =	shalt  }
0x59: {  	_ =	shalt  }
0x5a: {  	_ =	shalt  }
0x5b: {  	_ =	shalt  }
0x5c: {  	_ =	shalt  }
0x5d: {  	_ =	shalt  }
0x5e: {  	_ =	shalt  }
0x5f: {  	_ =	shalt  }
0x60: {  	_ =	shalt  }
0x61: {  	_ =	shalt  }
0x62: {  	_ =	shalt  }
0x63: {  	_ =	shalt  }
0x64: {  	_ =	shalt  }
0x65: {  	_ =	shalt  }
0x66: {  	_ =	shalt  }
0x67: {  	_ =	shalt  }
0x68: {  	_ =	shalt  }
0x69: {  	_ =	shalt  }
0x6a: {  	_ =	shalt  }
0x6b: {  	_ =	shalt  }
0x6c: {  	_ =	shalt  }
0x6d: {  	_ =	shalt  }
0x6e: {  	_ =	shalt  }
0x6f: {  	_ =	shalt  }
0x70: {  	_ =	shalt  }
0x71: {  	_ =	shalt  }
0x72: {  	_ =	shalt  }
0x73: {  	_ =	shalt  }
0x74: {  	_ =	shalt  }
0x75: {  	_ =	shalt  }
0x76: {  	_ =	shalt  }
0x77: {  	_ =	shalt  }
0x78: {  	_ =	shalt  }
0x79: {  	_ =	shalt  }
0x7a: {  	_ =	shalt  }
0x7b: {  	_ =	shalt  }
0x7c: {  	_ =	shalt  }
0x7d: {  	_ =	shalt  }
0x7e: {  	_ =	shalt  }
0x7f: {  	_ =	shalt  }
0x80: {  	_ =	shalt  }
0x81: {  	_ =	shalt  }
0x82: {  	_ =	shalt  }
0x83: {  	_ =	shalt  }
0x84: {  	_ =	shalt  }
0x85: {  	_ =	shalt  }
0x86: {  	_ =	shalt  }
0x87: {  	_ =	shalt  }
.Lfunc_end0:
.L_simem_size_0:
called_computation_lowered:
.L_overlay_start_0:
0x88: {  	s2 =	sld [smem:$0x3FD9]  }
0x89: {  	s3 =	sld [smem:$0x3FFE];
	_ =	sdelay $0x1  }
0x8a: {  	s1 =	srdreg.scid  }
0x8b: {  	s0 =	sand.u32 $0x1, s1  }
0x8c: {  	s16 =	sshll.u32 s0, $0xA;
	s2 =	sadd.s32 s3, s2  }
0x8d: {  	s2 =	sadd.s32 s2, s16  }
0x8e: {  	[smem:$0x3FC3] =	sst s2  }
0x8f: {  	_ = 	snop  }
0x90: {  	(tm) =	ssettm $0x1  }
0x91: {  	s17 =	sld [smem:$0x3FFB];
	_ =	sdelay $0x3  }
0x92: {  	_ =	strace s17  }
0x93: {  	s2 =	sld [smem:$0x3FFC];
	_ =	sdelay $0x3  }
0x94: {  	_ =	strace s2  }
0x95: {  	s2 =	sld [smem:$0x3FFD];
	_ =	sdelay $0x3  }
0x96: {  	_ =	strace s2  }
0x97: {  	_ =	strace $0x8FFFFFFF  }
0x98: {  	s18 =	sld [smem:$0x3FDB];
	_ =	sdelay $0x1  }
0x99: {  	s19 =	simm.s32 $_scs_section_size  }
0x9a: {  	s4 =	simm.s32 $_size__tile_overlayer_lowered;
	s5 =	simm.s32 $_tile_overlayer_lowered  }
0x9b: {  	s22 =	simm.s32 $0x1BFF;
	s21 =	sshll.u32 s5, $0x1;
	s2 =	sadd.s32 s19, s18  }
0x9c: {  	s6 =	simm.s32 $0x0;
	s20 =	sshll.u32 s4, $0x1;
	s4 =	sadd.s32 s21, s2  }
0x9d: {  	[timem:s6], [sflag:s22] =	dma.local [hbm:s4], s20  }
0x9e: {  	_ =	swait.ge [sflag:s22], s20  }
0x9f: {  	s3 =	ssub.s32 $0x0, s20;
	[sflag:s22] =	ssyncset.done $0x0  }
0xa0: {  	[sflag:s22] =	ssyncadd.s32 s3;
	_ =	sdelay $0x1  }
0xa1: {  	s23 =	simm.s32 $0x1B8B  }
0xa2: {  	_ =	swait.ge [sflag:s23], $0x1  }
0xa3: {  	[sflag:s23] =	ssyncset.done $0x0  }
0xa4: {  	s25 =	simm.s32 $0x1B8E;
	s24 =	sld [smem:$0x3FFE];
	[sflag:s23] =	ssyncadd.s32 $0xFFFFFFFF  }
0xa5: {  	s26 =	simm.s32 $execute0_lowered;
	[smem:$0x3FD2] =	sst s25  }
0xa6: {  	s4 =	sshll.u32 s26, $0x1;
	_ =	strace $0x80000046;
	[dreg:$0x1] =	wrdreg $0xFFFFFFFF  }
0xa7: {  	s28 =	simm.s32 $_size_execute0_lowered;
	s2 =	sadd.s32 s2, s4;
	[dreg:$0x0] =	wrdreg $0x0  }
0xa8: {  	s4 =	sshll.u32 s28, $0x1;
	[dreg:$0x2] =	wrdreg s2  }
0xa9: {  	[dreg:$0x3] =	wrdreg s4  }
0xaa: {  	[dreg:$0x4] =	wrdreg $0xC0  }
0xab: {  	_ =	task [dreg:s6], $0x5FFFF  }
0xac: {  	[dreg:$0x1] =	wrdreg $0xFFFFFFFF  }
0xad: {  	[dreg:$0x0] =	wrdreg $0x60  }
0xae: {  	[dreg:$0x2] =	wrdreg s24  }
0xaf: {  	[dreg:$0x3] =	wrdreg $0x9  }
0xb0: {  	_ =	task.clear_ibuf [dreg:s6], $0x4FFFF;
	_ =	strace $0x90000046  }
0xb1: {  	s29 =	simm.s32 $0x9;
	_ =	strace $0x80000048  }
0xb2: {  	_ =	swait.ge [sflag:s29], $0x1  }
0xb3: {  	[sflag:s29] =	ssyncadd.s32 $0xFFFFFFFF  }
0xb4: {  	_ =	strace $0x90000048  }
0xb5: {  	_ =	sfence  }
0xb6: {  	s30 =	sld [smem:$0x0];
	_ =	sdelay $0x2  }
0xb7: {  	s31 =	sshll.u32 s1, $0xD;
	s1 =	sshrl.u32 s1, $0x2  }
0xb8: {  	s3 =	sand.u32 $0x4000, s31;
	s1 =	sadd.s32 s1, s30  }
0xb9: {  	s0 =	sor.u32 s3, s0;
	s1 =	sshll.u32 s1, $0x11  }
0xba: {  	s0 =	sor.u32 s1, s0  }
0xbb: {  	s0 =	sadd.s32 $0x8F2B, s0  }
0xbc: {  	[sflag:s0] =	ssyncadd.remote.s32 $0x1  }
0xbd: {  	_ =	sfence.sel $0xFFFF  }
0xbe: {  	[dreg:$0x0] =	wrdreg $0xFFFFFFFF;
	(pc) =	sbr.abs _section_cstart, $3  }
0xbf: {  	[dreg:$0x1] =	wrdreg $0xFFFFFFFF  }
0xc0: {  	_ =	task.clear_ibuf [dreg:s6], $0x2FFFF;
	_ =	strace $0x9FFFFFFF  }
0xc1: {  	(tm) =	ssettm $0x7FFFFFFF  }
tec
execute0_lowered:
.L_overlay_start_1:
0x0: {  	(tag) =	ssettag $0x1  }
0x1: {  	s0 =	srdreg.scid  }
0x2: {  	s2 =	stileid.u32;
	s1 =	rddreg [dreg:$0x0]  }
0x3: {  	s10 =	simm.s32 $0x4;
	s11 =	simm.s32 $0x1000;
	s13 =	simm.s32 $0x10  }
0x4: {  	s18 =	simm.s32 $0x18000;
	s19 =	simm.s32 $0xAC00;
	s20 =	simm.s32 $0x18400  }
0x5: {  	s21 =	simm.s32 $0x1CA00;
	s22 =	simm.s32 $0x80;
	s23 =	simm.s32 $0x400  }
0x6: {  	s24 =	simm.s32 $0x1C800;
	s0 =	sand.u32 $0x1, s0;
	s3 =	sshll.u32 s2, $0x1  }
0x7: {  	v0 =	vlaneseq.u32;
	s25 =	simm.s32 $0x0;
	s2 =	simm.s32 $0x0;
	s3 =	sor.u32 s0, s3  }
0x8: {  	v0 =	vmul.u32 $0x11, v0;
	[smem:$0x7FF] =	sst s2;
	s0 =	ssub.s32 $0x2, s0;
	s4 =	sshll.u32 s3, $0x9  }
0x9: {  	s3 =	sshll.u32 s3, $0x7;
	_ =	strace $0x80000047;
	s6 =	sshrl.u32 s0, $0x1  }
.Ltmp0:
0xa: {  	v1 =	vadd.s32 $0x1, v0;
	v2 =	vadd.s32 $0x2, v0;
	v3 =	vadd.s32 $0x3, v0;
	s5 =	sand.u32 $0x3000, s4;
	s3 =	sand.u32 $0x380, s3;
	(pc) =	sbr.rel .LBB2_1-.Ltmp0, $4  }
0xb: {  	v4 =	vadd.s32 $0x4, v0;
	v5 =	vadd.s32 $0x5, v0;
	v6 =	vadd.s32 $0x6, v0;
	s7 =	sadd.s32 s4, s1;
	s4 =	sadd.s32 $0x600, s1;
	s31 =	sor.u32 s3, s5  }
0xc: {  	v7 =	vadd.s32 $0x7, v0;
	v9 =	vadd.s32 $0x9, v0;
	v10 =	vadd.s32 $0xA, v0;
	s0 =	ssub.s32 s0, s6;
	s3 =	sadd.s32 $0x10600, s1;
	s5 =	sshrl.u32 s31, $0x3  }
0xd: {  	v11 =	vadd.s32 $0xB, v0;
	v12 =	vadd.s32 $0xC, v0;
	v13 =	vadd.s32 $0xD, v0;
	s6 =	sadd.s32 $0x8600, s7;
	s9 =	smax.u32 s0, $0x1;
	s1 =	sadd.s32 s5, s1  }
0xe: {  	v8 =	vadd.s32 $0x8, v0;
	v14 =	vadd.s32 $0xE, v0;
	v15 =	vadd.s32 $0xF, v0;
	s5 =	sadd.s32 $0x4600, s7;
	s7 =	sadd.s32 $0xC600, s7;
	s8 =	sadd.s32 $0xF52A00, s1  }
.LBB2_5:
0xf: {  	s25 =	sadd.s32 $0x1, s25  }
0x10: {  	p0 =	sne.s32 s25, s9  }
.Ltmp1:
0x11: {  	_ = 	snop;
	(pc) =	sbr.rel @!p0 .LBB2_6-.Ltmp1, $4  }
0x12: {  	[hbm4b:s8+s22] =	stream.strided.scatter [tilespmem:s24], [sflag:$0x4], $0x200, s23, s22, $0x38;
	[tilespmem:$0x1CB80] =	vst v63  }
0x13: {  	_ =	swait.ge [sflag:s10], $0x200  }
0x14: {  	[sflag:s10] =	ssyncset.done $0x0  }
0x15: {  	[sflag:s10] =	ssyncadd.s32 $0xFFFFFE00  }
.LBB2_1:
0x16: {  	[tilespmem:s2], [sflag:$0x4] =	stream.linear.gather [hbm4b:s5+s2], $0x1000, $0x38;
	[tilespmem:$0x1CB80] =	vst v63  }
0x17: {  	_ =	swait.ge [sflag:s10], $0x1000  }
0x18: {  	[sflag:s10] =	ssyncset.done $0x0  }
0x19: {  	[sflag:s10] =	ssyncadd.s32 $0xFFFFF000  }
0x1a: {  	[tilespmem:s11], [sflag:$0x4] =	stream.linear.gather [hbm4b:s6+s2], $0x1000, $0x38;
	[tilespmem:$0x1CB80] =	vst v63  }
0x1b: {  	_ =	swait.ge [sflag:s10], $0x1000  }
0x1c: {  	[sflag:s10] =	ssyncset.done $0x0  }
0x1d: {  	s0 =	simm.s32 $0x2000;
	[sflag:s10] =	ssyncadd.s32 $0xFFFFF000  }
0x1e: {  	[tilespmem:s0], [sflag:$0x4] =	stream.linear.gather [hbm4b:s7+s2], $0x1000, $0x38;
	[tilespmem:$0x1CB80] =	vst v63  }
0x1f: {  	_ =	swait.ge [sflag:s10], $0x1000  }
0x20: {  	[sflag:s10] =	ssyncset.done $0x0  }
0x21: {  	s12 =	simm.s32 $0xF000;
	[sflag:s10] =	ssyncadd.s32 $0xFFFFF000  }
0x22: {  	[tilespmem:s12], [sflag:$0x1] =	stream.indirect.gather [hbm4b:s4+s13], $0x80, s11, s13, $0xb8;
	[tilespmem:$0x1CB80] =	vst v63  }
0x23: {  	v16 =	vld [tilespmem:$0x0];
	_ =	sdelay $0x1  }
0x24: {  	v18 =	vld [tilespmem:$0x2000];
	_ =	sdelay $0x2  }
0x25: {  	v16 =	vshrl.u32 v16, $0x3  }
0x26: {  	v17 =	vshll.u32 v16, $0x7  }
0x27: {  	v16 =	vshrl.u32 v18, $0x3;
	(v2sf) =	vpush v17, $0x0  }
0x28: {  	v16 =	vshll.u32 v16, $0x7  }
0x29: {  	(v2sf) =	vpush v16, $0x0;
	_ =	sdelay $0x1  }
0x2a: {  	(v2sf) =	vpush v17, $0x1;
	_ =	sdelay $0x8  }
0x2b: {  	(v2sf) =	vpush v16, $0x1;
	_ =	sdelay $0x1  }
0x2c: {  	s14 =	spop (v2sf);
	(v2sf) =	vpush v17, $0x2;
	_ =	sdelay $0x1  }
0x2d: {  	s15 =	spop (v2sf);
	(v2sf) =	vpush v16, $0x2;
	_ =	sdelay $0x1  }
0x2e: {  	s17 =	spop (v2sf);
	(v2sf) =	vpush v17, $0x3;
	_ =	sdelay $0x2  }
0x2f: {  	(v2sf) =	vpush v16, $0x3;
	_ =	sdelay $0x1  }
0x30: {  	s0 =	sand.u32 $0x1FFFFF80, s14  }
0x31: {  	s1 =	simm.s32 $0x3000;
	s0 =	sadd.s32 s3, s0  }
0x32: {  	[tilespmem:s1], [sflag:$0x1] =	stream.linear.gather [hbm4b:s0+s2], $0x400, $0x38;
	[tilespmem:$0x1CB80] =	vst v63  }
0x33: {  	s0 =	sand.u32 $0x1FFFFF80, s15  }
0x34: {  	s16 =	simm.s32 $0x10800;
	s12 =	spop (v2sf);
	s0 =	sadd.s32 s3, s0  }
0x35: {  	[tilespmem:s16], [sflag:$0x1] =	stream.linear.gather [hbm4b:s0+s2], $0x400, $0x38;
	[tilespmem:$0x1CB80] =	vst v63  }
0x36: {  	s15 =	spop (v2sf);
	(v2sf) =	vpush v17, $0x4  }
0x37: {  	s0 =	sand.u32 $0x1FFFFF80, s17  }
0x38: {  	s26 =	simm.s32 $0x3400;
	s0 =	sadd.s32 s3, s0;
	s17 =	spop (v2sf);
	(v2sf) =	vpush v16, $0x4  }
0x39: {  	[tilespmem:s26], [sflag:$0x1] =	stream.linear.gather [hbm4b:s0+s2], $0x400, $0x38;
	[tilespmem:$0x1CB80] =	vst v63  }
0x3a: {  	s0 =	sand.u32 $0x1FFFFF80, s12;
	s12 =	spop (v2sf);
	(v2sf) =	vpush v17, $0x5  }
0x3b: {  	s14 =	simm.s32 $0x10C00;
	s0 =	sadd.s32 s3, s0  }
0x3c: {  	[tilespmem:s14], [sflag:$0x1] =	stream.linear.gather [hbm4b:s0+s2], $0x400, $0x38;
	[tilespmem:$0x1CB80] =	vst v63  }
0x3d: {  	s0 =	sand.u32 $0x1FFFFF80, s15;
	s15 =	spop (v2sf);
	(v2sf) =	vpush v16, $0x5;
	_ =	sdelay $0x2  }
0x3e: {  	s16 =	simm.s32 $0x3800;
	s0 =	sadd.s32 s3, s0  }
0x3f: {  	[tilespmem:s16], [sflag:$0x1] =	stream.linear.gather [hbm4b:s0+s2], $0x400, $0x38;
	[tilespmem:$0x1CB80] =	vst v63  }
0x40: {  	s0 =	sand.u32 $0x1FFFFF80, s17  }
0x41: {  	s26 =	simm.s32 $0x11000;
	s0 =	sadd.s32 s3, s0  }
0x42: {  	[tilespmem:s26], [sflag:$0x1] =	stream.linear.gather [hbm4b:s0+s2], $0x400, $0x38;
	[tilespmem:$0x1CB80] =	vst v63  }
0x43: {  	s17 =	spop (v2sf);
	(v2sf) =	vpush v17, $0x6  }
0x44: {  	s0 =	sand.u32 $0x1FFFFF80, s12  }
0x45: {  	s14 =	simm.s32 $0x3C00;
	s0 =	sadd.s32 s3, s0;
	s12 =	spop (v2sf);
	(v2sf) =	vpush v16, $0x6  }
0x46: {  	[tilespmem:s14], [sflag:$0x1] =	stream.linear.gather [hbm4b:s0+s2], $0x400, $0x38;
	[tilespmem:$0x1CB80] =	vst v63  }
0x47: {  	s0 =	sand.u32 $0x1FFFFF80, s15;
	s15 =	spop (v2sf);
	(v2sf) =	vpush v17, $0x7  }
0x48: {  	s16 =	simm.s32 $0x11400;
	s0 =	sadd.s32 s3, s0  }
0x49: {  	[tilespmem:s16], [sflag:$0x1] =	stream.linear.gather [hbm4b:s0+s2], $0x400, $0x38;
	[tilespmem:$0x1CB80] =	vst v63  }
0x4a: {  	s0 =	sand.u32 $0x1FFFFF80, s17;
	s17 =	spop (v2sf);
	(v2sf) =	vpush v16, $0x7;
	_ =	sdelay $0x2  }
0x4b: {  	s26 =	simm.s32 $0x4000;
	s0 =	sadd.s32 s3, s0  }
0x4c: {  	[tilespmem:s26], [sflag:$0x1] =	stream.linear.gather [hbm4b:s0+s2], $0x400, $0x38;
	[tilespmem:$0x1CB80] =	vst v63  }
0x4d: {  	s0 =	sand.u32 $0x1FFFFF80, s12  }
0x4e: {  	s14 =	simm.s32 $0x11800;
	s0 =	sadd.s32 s3, s0  }
0x4f: {  	[tilespmem:s14], [sflag:$0x1] =	stream.linear.gather [hbm4b:s0+s2], $0x400, $0x38;
	[tilespmem:$0x1CB80] =	vst v63  }
0x50: {  	s12 =	spop (v2sf);
	(v2sf) =	vpush v17, $0x8  }
0x51: {  	s0 =	sand.u32 $0x1FFFFF80, s15  }
0x52: {  	s16 =	simm.s32 $0x4400;
	s0 =	sadd.s32 s3, s0;
	s15 =	spop (v2sf);
	(v2sf) =	vpush v16, $0x8  }
0x53: {  	[tilespmem:s16], [sflag:$0x1] =	stream.linear.gather [hbm4b:s0+s2], $0x400, $0x38;
	[tilespmem:$0x1CB80] =	vst v63  }
0x54: {  	s0 =	sand.u32 $0x1FFFFF80, s17;
	s17 =	spop (v2sf);
	(v2sf) =	vpush v17, $0x9  }
0x55: {  	s26 =	simm.s32 $0x11C00;
	s0 =	sadd.s32 s3, s0  }
0x56: {  	[tilespmem:s26], [sflag:$0x1] =	stream.linear.gather [hbm4b:s0+s2], $0x400, $0x38;
	[tilespmem:$0x1CB80] =	vst v63  }
0x57: {  	s0 =	sand.u32 $0x1FFFFF80, s12;
	s12 =	spop (v2sf);
	(v2sf) =	vpush v16, $0x9;
	_ =	sdelay $0x1  }
0x58: {  	s14 =	simm.s32 $0x4800;
	s0 =	sadd.s32 s3, s0  }
0x59: {  	[tilespmem:s14], [sflag:$0x1] =	stream.linear.gather [hbm4b:s0+s2], $0x400, $0x38;
	[tilespmem:$0x1CB80] =	vst v63  }
0x5a: {  	s0 =	sand.u32 $0x1FFFFF80, s15  }
0x5b: {  	s16 =	simm.s32 $0x12000;
	s0 =	sadd.s32 s3, s0  }
0x5c: {  	[tilespmem:s16], [sflag:$0x1] =	stream.linear.gather [hbm4b:s0+s2], $0x400, $0x38;
	[tilespmem:$0x1CB80] =	vst v63  }
0x5d: {  	s0 =	sand.u32 $0x1FFFFF80, s17  }
0x5e: {  	s26 =	simm.s32 $0x4C00;
	s0 =	sadd.s32 s3, s0;
	s15 =	spop (v2sf);
	(v2sf) =	vpush v17, $0xA  }
0x5f: {  	[tilespmem:s26], [sflag:$0x1] =	stream.linear.gather [hbm4b:s0+s2], $0x400, $0x38;
	[tilespmem:$0x1CB80] =	vst v63  }
0x60: {  	s17 =	spop (v2sf);
	(v2sf) =	vpush v16, $0xA  }
0x61: {  	s0 =	sand.u32 $0x1FFFFF80, s12  }
0x62: {  	s14 =	simm.s32 $0x12400;
	s0 =	sadd.s32 s3, s0;
	s12 =	spop (v2sf);
	(v2sf) =	vpush v17, $0xB  }
0x63: {  	[tilespmem:s14], [sflag:$0x1] =	stream.linear.gather [hbm4b:s0+s2], $0x400, $0x38;
	[tilespmem:$0x1CB80] =	vst v63  }
0x64: {  	s0 =	sand.u32 $0x1FFFFF80, s15  }
0x65: {  	s16 =	simm.s32 $0x5000;
	s0 =	sadd.s32 s3, s0;
	s15 =	spop (v2sf);
	(v2sf) =	vpush v16, $0xB  }
0x66: {  	[tilespmem:s16], [sflag:$0x1] =	stream.linear.gather [hbm4b:s0+s2], $0x400, $0x38;
	[tilespmem:$0x1CB80] =	vst v63  }
0x67: {  	s0 =	sand.u32 $0x1FFFFF80, s17  }
0x68: {  	s26 =	simm.s32 $0x12800;
	s0 =	sadd.s32 s3, s0  }
0x69: {  	[tilespmem:s26], [sflag:$0x1] =	stream.linear.gather [hbm4b:s0+s2], $0x400, $0x38;
	[tilespmem:$0x1CB80] =	vst v63  }
0x6a: {  	s0 =	sand.u32 $0x1FFFFF80, s12  }
0x6b: {  	s14 =	simm.s32 $0x5400;
	s0 =	sadd.s32 s3, s0  }
0x6c: {  	[tilespmem:s14], [sflag:$0x1] =	stream.linear.gather [hbm4b:s0+s2], $0x400, $0x38;
	[tilespmem:$0x1CB80] =	vst v63  }
0x6d: {  	s17 =	spop (v2sf);
	(v2sf) =	vpush v17, $0xC  }
0x6e: {  	s0 =	sand.u32 $0x1FFFFF80, s15  }
0x6f: {  	s16 =	simm.s32 $0x12C00;
	s0 =	sadd.s32 s3, s0;
	s12 =	spop (v2sf);
	(v2sf) =	vpush v16, $0xC  }
0x70: {  	[tilespmem:s16], [sflag:$0x1] =	stream.linear.gather [hbm4b:s0+s2], $0x400, $0x38;
	[tilespmem:$0x1CB80] =	vst v63  }
0x71: {  	s0 =	sand.u32 $0x1FFFFF80, s17;
	s15 =	spop (v2sf);
	(v2sf) =	vpush v17, $0xD  }
0x72: {  	s26 =	simm.s32 $0x5800;
	s0 =	sadd.s32 s3, s0  }
0x73: {  	[tilespmem:s26], [sflag:$0x1] =	stream.linear.gather [hbm4b:s0+s2], $0x400, $0x38;
	[tilespmem:$0x1CB80] =	vst v63  }
0x74: {  	s17 =	spop (v2sf);
	(v2sf) =	vpush v16, $0xD  }
0x75: {  	s0 =	sand.u32 $0x1FFFFF80, s12  }
0x76: {  	s14 =	simm.s32 $0x13000;
	s0 =	sadd.s32 s3, s0  }
0x77: {  	[tilespmem:s14], [sflag:$0x1] =	stream.linear.gather [hbm4b:s0+s2], $0x400, $0x38;
	[tilespmem:$0x1CB80] =	vst v63  }
0x78: {  	s0 =	sand.u32 $0x1FFFFF80, s15  }
0x79: {  	s16 =	simm.s32 $0x5C00;
	s0 =	sadd.s32 s3, s0  }
0x7a: {  	[tilespmem:s16], [sflag:$0x1] =	stream.linear.gather [hbm4b:s0+s2], $0x400, $0x38;
	[tilespmem:$0x1CB80] =	vst v63  }
0x7b: {  	s0 =	sand.u32 $0x1FFFFF80, s17  }
0x7c: {  	s26 =	simm.s32 $0x13400;
	s0 =	sadd.s32 s3, s0;
	s12 =	spop (v2sf);
	(v2sf) =	vpush v17, $0xE  }
0x7d: {  	[tilespmem:s26], [sflag:$0x1] =	stream.linear.gather [hbm4b:s0+s2], $0x400, $0x38;
	[tilespmem:$0x1CB80] =	vst v63  }
0x7e: {  	s15 =	spop (v2sf);
	(v2sf) =	vpush v16, $0xE  }
0x7f: {  	s0 =	sand.u32 $0x1FFFFF80, s12  }
0x80: {  	s14 =	simm.s32 $0x6000;
	s0 =	sadd.s32 s3, s0;
	s17 =	spop (v2sf)  }
0x81: {  	(v2sf) =	vpush v17, $0xF;
	[tilespmem:s14], [sflag:$0x1] =	stream.linear.gather [hbm4b:s0+s2], $0x400, $0x38;
	[tilespmem:$0x1CB80] =	vst v63  }
0x82: {  	s0 =	sand.u32 $0x1FFFFF80, s15  }
0x83: {  	s16 =	simm.s32 $0x13800;
	s12 =	spop (v2sf);
	s0 =	sadd.s32 s3, s0  }
0x84: {  	(v2sf) =	vpush v16, $0xF;
	[tilespmem:s16], [sflag:$0x1] =	stream.linear.gather [hbm4b:s0+s2], $0x400, $0x38;
	[tilespmem:$0x1CB80] =	vst v63  }
0x85: {  	s0 =	sand.u32 $0x1FFFFF80, s17  }
0x86: {  	s26 =	simm.s32 $0x6400;
	s0 =	sadd.s32 s3, s0  }
0x87: {  	[tilespmem:s26], [sflag:$0x1] =	stream.linear.gather [hbm4b:s0+s2], $0x400, $0x38;
	[tilespmem:$0x1CB80] =	vst v63  }
0x88: {  	s0 =	sand.u32 $0x1FFFFF80, s12  }
0x89: {  	s14 =	simm.s32 $0x13C00;
	s0 =	sadd.s32 s3, s0  }
0x8a: {  	[tilespmem:s14], [sflag:$0x1] =	stream.linear.gather [hbm4b:s0+s2], $0x400, $0x38;
	[tilespmem:$0x1CB80] =	vst v63  }
0x8b: {  	s15 =	spop (v2sf)  }
0x8c: {  	s0 =	sand.u32 $0x1FFFFF80, s15  }
0x8d: {  	s16 =	simm.s32 $0x6800;
	s17 =	spop (v2sf);
	s0 =	sadd.s32 s3, s0  }
0x8e: {  	[tilespmem:s16], [sflag:$0x1] =	stream.linear.gather [hbm4b:s0+s2], $0x400, $0x38;
	[tilespmem:$0x1CB80] =	vst v63  }
0x8f: {  	s0 =	sand.u32 $0x1FFFFF80, s17  }
0x90: {  	s26 =	simm.s32 $0x14000;
	s12 =	spop (v2sf);
	s0 =	sadd.s32 s3, s0  }
0x91: {  	[tilespmem:s26], [sflag:$0x1] =	stream.linear.gather [hbm4b:s0+s2], $0x400, $0x38;
	[tilespmem:$0x1CB80] =	vst v63  }
0x92: {  	s0 =	sand.u32 $0x1FFFFF80, s12  }
0x93: {  	s14 =	simm.s32 $0x6C00;
	s15 =	spop (v2sf);
	s0 =	sadd.s32 s3, s0  }
0x94: {  	[tilespmem:s14], [sflag:$0x1] =	stream.linear.gather [hbm4b:s0+s2], $0x400, $0x38;
	[tilespmem:$0x1CB80] =	vst v63  }
0x95: {  	s0 =	sand.u32 $0x1FFFFF80, s15  }
0x96: {  	s16 =	simm.s32 $0x14400;
	s0 =	sadd.s32 s3, s0  }
0x97: {  	[tilespmem:s16], [sflag:$0x1] =	stream.linear.gather [hbm4b:s0+s2], $0x400, $0x38;
	[tilespmem:$0x1CB80] =	vst v63  }
0x98: {  	s17 =	simm.s32 $0x1080;
	s26 =	simm.s32 $0xF800  }
0x99: {  	[tilespmem:s26], [sflag:$0x2] =	stream.indirect.gather [hbm4b:s4+s13], $0x80, s17, s13, $0xb8;
	[tilespmem:$0x1CB80] =	vst v63  }
0x9a: {  	v16 =	vld [tilespmem:$0x80];
	_ =	sdelay $0x2  }
0x9b: {  	v63 =	vld [tilespmem:$0x2080];
	_ =	sdelay $0x1  }
0x9c: {  	v16 =	vshrl.u32 v16, $0x3  }
0x9d: {  	v17 =	vshll.u32 v16, $0x7  }
0x9e: {  	(v2sf) =	vpush v17, $0x0  }
0x9f: {  	v16 =	vshrl.u32 v63, $0x3  }
0xa0: {  	v16 =	vshll.u32 v16, $0x7  }
0xa1: {  	(v2sf) =	vpush v16, $0x0  }
0xa2: {  	(v2sf) =	vpush v17, $0x1;
	_ =	sdelay $0x2  }
0xa3: {  	(v2sf) =	vpush v16, $0x1;
	_ =	sdelay $0x1  }
0xa4: {  	(v2sf) =	vpush v17, $0x2;
	_ =	sdelay $0x5  }
0xa5: {  	s12 =	spop (v2sf);
	(v2sf) =	vpush v16, $0x2;
	_ =	sdelay $0x2  }
0xa6: {  	s15 =	spop (v2sf)  }
0xa7: {  	s17 =	spop (v2sf);
	(v2sf) =	vpush v17, $0x3;
	_ =	sdelay $0x1  }
0xa8: {  	s0 =	sand.u32 $0x1FFFFF80, s12  }
0xa9: {  	s14 =	simm.s32 $0x7000;
	s0 =	sadd.s32 s3, s0;
	s12 =	spop (v2sf);
	(v2sf) =	vpush v16, $0x3  }
0xaa: {  	[tilespmem:s14], [sflag:$0x2] =	stream.linear.gather [hbm4b:s0+s2], $0x400, $0x38;
	[tilespmem:$0x1CB80] =	vst v63  }
0xab: {  	s0 =	sand.u32 $0x1FFFFF80, s15;
	s15 =	spop (v2sf);
	(v2sf) =	vpush v17, $0x4;
	_ =	sdelay $0x3  }
0xac: {  	s16 =	simm.s32 $0x14800;
	s0 =	sadd.s32 s3, s0  }
0xad: {  	[tilespmem:s16], [sflag:$0x2] =	stream.linear.gather [hbm4b:s0+s2], $0x400, $0x38;
	[tilespmem:$0x1CB80] =	vst v63  }
0xae: {  	s0 =	sand.u32 $0x1FFFFF80, s17;
	s17 =	spop (v2sf);
	(v2sf) =	vpush v16, $0x4  }
0xaf: {  	s26 =	simm.s32 $0x7400;
	s0 =	sadd.s32 s3, s0  }
0xb0: {  	[tilespmem:s26], [sflag:$0x2] =	stream.linear.gather [hbm4b:s0+s2], $0x400, $0x38;
	[tilespmem:$0x1CB80] =	vst v63  }
0xb1: {  	s0 =	sand.u32 $0x1FFFFF80, s12  }
0xb2: {  	s14 =	simm.s32 $0x14C00;
	s0 =	sadd.s32 s3, s0;
	s12 =	spop (v2sf);
	(v2sf) =	vpush v17, $0x5  }
0xb3: {  	[tilespmem:s14], [sflag:$0x2] =	stream.linear.gather [hbm4b:s0+s2], $0x400, $0x38;
	[tilespmem:$0x1CB80] =	vst v63  }
0xb4: {  	s0 =	sand.u32 $0x1FFFFF80, s15  }
0xb5: {  	s16 =	simm.s32 $0x7800;
	s0 =	sadd.s32 s3, s0;
	s15 =	spop (v2sf);
	(v2sf) =	vpush v16, $0x5  }
0xb6: {  	[tilespmem:s16], [sflag:$0x2] =	stream.linear.gather [hbm4b:s0+s2], $0x400, $0x38;
	[tilespmem:$0x1CB80] =	vst v63  }
0xb7: {  	s0 =	sand.u32 $0x1FFFFF80, s17;
	s17 =	spop (v2sf);
	(v2sf) =	vpush v17, $0x6;
	_ =	sdelay $0x3  }
0xb8: {  	s26 =	simm.s32 $0x15000;
	s0 =	sadd.s32 s3, s0  }
0xb9: {  	[tilespmem:s26], [sflag:$0x2] =	stream.linear.gather [hbm4b:s0+s2], $0x400, $0x38;
	[tilespmem:$0x1CB80] =	vst v63  }
0xba: {  	s0 =	sand.u32 $0x1FFFFF80, s12;
	s12 =	spop (v2sf);
	(v2sf) =	vpush v16, $0x6  }
0xbb: {  	s14 =	simm.s32 $0x7C00;
	s0 =	sadd.s32 s3, s0  }
0xbc: {  	[tilespmem:s14], [sflag:$0x2] =	stream.linear.gather [hbm4b:s0+s2], $0x400, $0x38;
	[tilespmem:$0x1CB80] =	vst v63  }
0xbd: {  	s0 =	sand.u32 $0x1FFFFF80, s15  }
0xbe: {  	s16 =	simm.s32 $0x15400;
	s0 =	sadd.s32 s3, s0;
	s15 =	spop (v2sf);
	(v2sf) =	vpush v17, $0x7  }
0xbf: {  	[tilespmem:s16], [sflag:$0x2] =	stream.linear.gather [hbm4b:s0+s2], $0x400, $0x38;
	[tilespmem:$0x1CB80] =	vst v63  }
0xc0: {  	s0 =	sand.u32 $0x1FFFFF80, s17  }
0xc1: {  	s26 =	simm.s32 $0x8000;
	s0 =	sadd.s32 s3, s0;
	s17 =	spop (v2sf);
	(v2sf) =	vpush v16, $0x7  }
0xc2: {  	[tilespmem:s26], [sflag:$0x2] =	stream.linear.gather [hbm4b:s0+s2], $0x400, $0x38;
	[tilespmem:$0x1CB80] =	vst v63  }
0xc3: {  	s0 =	sand.u32 $0x1FFFFF80, s12;
	s12 =	spop (v2sf);
	(v2sf) =	vpush v17, $0x8;
	_ =	sdelay $0x3  }
0xc4: {  	s14 =	simm.s32 $0x15800;
	s0 =	sadd.s32 s3, s0  }
0xc5: {  	[tilespmem:s14], [sflag:$0x2] =	stream.linear.gather [hbm4b:s0+s2], $0x400, $0x38;
	[tilespmem:$0x1CB80] =	vst v63  }
0xc6: {  	s0 =	sand.u32 $0x1FFFFF80, s15;
	s15 =	spop (v2sf);
	(v2sf) =	vpush v16, $0x8  }
0xc7: {  	s16 =	simm.s32 $0x8400;
	s0 =	sadd.s32 s3, s0  }
0xc8: {  	[tilespmem:s16], [sflag:$0x2] =	stream.linear.gather [hbm4b:s0+s2], $0x400, $0x38;
	[tilespmem:$0x1CB80] =	vst v63  }
0xc9: {  	s0 =	sand.u32 $0x1FFFFF80, s17  }
0xca: {  	s26 =	simm.s32 $0x15C00;
	s0 =	sadd.s32 s3, s0;
	s17 =	spop (v2sf);
	(v2sf) =	vpush v17, $0x9  }
0xcb: {  	[tilespmem:s26], [sflag:$0x2] =	stream.linear.gather [hbm4b:s0+s2], $0x400, $0x38;
	[tilespmem:$0x1CB80] =	vst v63  }
0xcc: {  	s0 =	sand.u32 $0x1FFFFF80, s12  }
0xcd: {  	s14 =	simm.s32 $0x8800;
	s0 =	sadd.s32 s3, s0;
	s12 =	spop (v2sf);
	(v2sf) =	vpush v16, $0x9  }
0xce: {  	[tilespmem:s14], [sflag:$0x2] =	stream.linear.gather [hbm4b:s0+s2], $0x400, $0x38;
	[tilespmem:$0x1CB80] =	vst v63  }
0xcf: {  	s0 =	sand.u32 $0x1FFFFF80, s15;
	s15 =	spop (v2sf);
	(v2sf) =	vpush v17, $0xA  }
0xd0: {  	s16 =	simm.s32 $0x16000;
	s0 =	sadd.s32 s3, s0  }
0xd1: {  	[tilespmem:s16], [sflag:$0x2] =	stream.linear.gather [hbm4b:s0+s2], $0x400, $0x38;
	[tilespmem:$0x1CB80] =	vst v63  }
0xd2: {  	s0 =	sand.u32 $0x1FFFFF80, s17  }
0xd3: {  	s26 =	simm.s32 $0x8C00;
	s0 =	sadd.s32 s3, s0  }
0xd4: {  	[tilespmem:s26], [sflag:$0x2] =	stream.linear.gather [hbm4b:s0+s2], $0x400, $0x38;
	[tilespmem:$0x1CB80] =	vst v63  }
0xd5: {  	s0 =	sand.u32 $0x1FFFFF80, s12;
	s17 =	spop (v2sf);
	(v2sf) =	vpush v16, $0xA  }
0xd6: {  	s14 =	simm.s32 $0x16400;
	s0 =	sadd.s32 s3, s0  }
0xd7: {  	[tilespmem:s14], [sflag:$0x2] =	stream.linear.gather [hbm4b:s0+s2], $0x400, $0x38;
	[tilespmem:$0x1CB80] =	vst v63  }
0xd8: {  	s0 =	sand.u32 $0x1FFFFF80, s15  }
0xd9: {  	s16 =	simm.s32 $0x9000;
	s0 =	sadd.s32 s3, s0;
	s12 =	spop (v2sf);
	(v2sf) =	vpush v17, $0xB  }
0xda: {  	[tilespmem:s16], [sflag:$0x2] =	stream.linear.gather [hbm4b:s0+s2], $0x400, $0x38;
	[tilespmem:$0x1CB80] =	vst v63  }
0xdb: {  	s0 =	sand.u32 $0x1FFFFF80, s17  }
0xdc: {  	s26 =	simm.s32 $0x16800;
	s0 =	sadd.s32 s3, s0;
	s15 =	spop (v2sf);
	(v2sf) =	vpush v16, $0xB  }
0xdd: {  	[tilespmem:s26], [sflag:$0x2] =	stream.linear.gather [hbm4b:s0+s2], $0x400, $0x38;
	[tilespmem:$0x1CB80] =	vst v63  }
0xde: {  	s0 =	sand.u32 $0x1FFFFF80, s12;
	s17 =	spop (v2sf);
	(v2sf) =	vpush v17, $0xC  }
0xdf: {  	s14 =	simm.s32 $0x9400;
	s0 =	sadd.s32 s3, s0  }
0xe0: {  	[tilespmem:s14], [sflag:$0x2] =	stream.linear.gather [hbm4b:s0+s2], $0x400, $0x38;
	[tilespmem:$0x1CB80] =	vst v63  }
0xe1: {  	s0 =	sand.u32 $0x1FFFFF80, s15  }
0xe2: {  	s16 =	simm.s32 $0x16C00;
	s0 =	sadd.s32 s3, s0  }
0xe3: {  	[tilespmem:s16], [sflag:$0x2] =	stream.linear.gather [hbm4b:s0+s2], $0x400, $0x38;
	[tilespmem:$0x1CB80] =	vst v63  }
0xe4: {  	s12 =	spop (v2sf);
	(v2sf) =	vpush v16, $0xC  }
0xe5: {  	s0 =	sand.u32 $0x1FFFFF80, s17  }
0xe6: {  	s26 =	simm.s32 $0x9800;
	s0 =	sadd.s32 s3, s0;
	(v2sf) =	vpush v17, $0xD  }
0xe7: {  	[tilespmem:s26], [sflag:$0x2] =	stream.linear.gather [hbm4b:s0+s2], $0x400, $0x38;
	[tilespmem:$0x1CB80] =	vst v63  }
0xe8: {  	s0 =	sand.u32 $0x1FFFFF80, s12;
	s15 =	spop (v2sf);
	(v2sf) =	vpush v16, $0xD  }
0xe9: {  	s14 =	simm.s32 $0x17000;
	s0 =	sadd.s32 s3, s0  }
0xea: {  	[tilespmem:s14], [sflag:$0x2] =	stream.linear.gather [hbm4b:s0+s2], $0x400, $0x38;
	[tilespmem:$0x1CB80] =	vst v63  }
0xeb: {  	s17 =	spop (v2sf);
	(v2sf) =	vpush v17, $0xE  }
0xec: {  	s0 =	sand.u32 $0x1FFFFF80, s15  }
0xed: {  	s16 =	simm.s32 $0x9C00;
	s0 =	sadd.s32 s3, s0;
	s12 =	spop (v2sf);
	(v2sf) =	vpush v16, $0xE  }
0xee: {  	[tilespmem:s16], [sflag:$0x2] =	stream.linear.gather [hbm4b:s0+s2], $0x400, $0x38;
	[tilespmem:$0x1CB80] =	vst v63  }
0xef: {  	s0 =	sand.u32 $0x1FFFFF80, s17  }
0xf0: {  	s26 =	simm.s32 $0x17400;
	s0 =	sadd.s32 s3, s0  }
0xf1: {  	[tilespmem:s26], [sflag:$0x2] =	stream.linear.gather [hbm4b:s0+s2], $0x400, $0x38;
	[tilespmem:$0x1CB80] =	vst v63  }
0xf2: {  	s0 =	sand.u32 $0x1FFFFF80, s12  }
0xf3: {  	s14 =	simm.s32 $0xA000;
	s0 =	sadd.s32 s3, s0;
	s15 =	spop (v2sf);
	(v2sf) =	vpush v17, $0xF  }
0xf4: {  	[tilespmem:s14], [sflag:$0x2] =	stream.linear.gather [hbm4b:s0+s2], $0x400, $0x38;
	[tilespmem:$0x1CB80] =	vst v63  }
0xf5: {  	s17 =	spop (v2sf);
	(v2sf) =	vpush v16, $0xF  }
0xf6: {  	s0 =	sand.u32 $0x1FFFFF80, s15  }
0xf7: {  	s16 =	simm.s32 $0x17800;
	s0 =	sadd.s32 s3, s0;
	s26 =	spop (v2sf)  }
0xf8: {  	[tilespmem:s16], [sflag:$0x2] =	stream.linear.gather [hbm4b:s0+s2], $0x400, $0x38;
	[tilespmem:$0x1CB80] =	vst v63  }
0xf9: {  	s12 =	simm.s32 $0xA400;
	s0 =	sand.u32 $0x1FFFFF80, s17;
	s14 =	sand.u32 $0x1FFFFF80, s26  }
0xfa: {  	s15 =	spop (v2sf);
	s16 =	simm.s32 $0x17C00;
	s0 =	sadd.s32 s3, s0  }
0xfb: {  	[tilespmem:s12], [sflag:$0x2] =	stream.linear.gather [hbm4b:s0+s2], $0x400, $0x38;
	[tilespmem:$0x1CB80] =	vst v63  }
0xfc: {  	s17 =	sand.u32 $0x1FFFFF80, s15;
	s26 =	spop (v2sf);
	s0 =	sadd.s32 s3, s14  }
0xfd: {  	[tilespmem:s16], [sflag:$0x2] =	stream.linear.gather [hbm4b:s0+s2], $0x400, $0x38;
	[tilespmem:$0x1CB80] =	vst v63  }
0xfe: {  	s14 =	simm.s32 $0xA800;
	s15 =	sand.u32 $0x1FFFFF80, s26;
	s0 =	sadd.s32 s3, s17  }
0xff: {  	[tilespmem:s14], [sflag:$0x2] =	stream.linear.gather [hbm4b:s0+s2], $0x400, $0x38;
	[tilespmem:$0x1CB80] =	vst v63  }
0x100: {  	s0 =	sadd.s32 s3, s15  }
0x101: {  	[tilespmem:s18], [sflag:$0x2] =	stream.linear.gather [hbm4b:s0+s2], $0x400, $0x38;
	[tilespmem:$0x1CB80] =	vst v63  }
0x102: {  	s16 =	spop (v2sf)  }
0x103: {  	s28 =	simm.s32 $0x2100;
	s17 =	sand.u32 $0x1FFFFF80, s16  }
.Ltmp2:
0x104: {  	s26 =	spop (v2sf);
	s0 =	sadd.s32 s3, s17;
	(pc) =	sbr.rel .LBB2_2-.Ltmp2, $4  }
0x105: {  	[tilespmem:s19], [sflag:$0x2] =	stream.linear.gather [hbm4b:s0+s2], $0x400, $0x38;
	[tilespmem:$0x1CB80] =	vst v63  }
0x106: {  	s29 =	simm.s32 $0x100;
	s30 =	simm.s32 $0x1C800;
	s0 =	sand.u32 $0x1FFFFF80, s26  }
0x107: {  	s31 =	simm.s32 $0x0;
	s26 =	simm.s32 $0x1100;
	s0 =	sadd.s32 s3, s0  }
0x108: {  	[tilespmem:s20], [sflag:$0x2] =	stream.linear.gather [hbm4b:s0+s2], $0x400, $0x38;
	[tilespmem:$0x1CB80] =	vst v63  }
.LBB2_4:
0x109: {  	s0 =	smul.u32 $0xAB, s31;
	_ =	sdelay $0x1  }
0x10a: {  	s0 =	sshrl.u32 s0, $0x9  }
0x10b: {  	s0 =	sand.u32 $0x7F, s0  }
0x10c: {  	s0 =	smul.u32 $0x3, s0;
	_ =	sdelay $0x1  }
0x10d: {  	s0 =	ssub.s32 s31, s0  }
0x10e: {  	s1 =	sand.u32 $0xFF, s0  }
0x10f: {  	s0 =	sadd.s32 $0x1, s1  }
0x110: {  	_ =	swait.ge [sflag:s0], $0x800  }
0x111: {  	[sflag:s0] =	ssyncset.done $0x0  }
0x112: {  	[sflag:s0] =	ssyncadd.s32 $0xFFFFF800  }
0x113: {  	_ =	swait.ge [sflag:s0], $0x4000  }
0x114: {  	[sflag:s0] =	ssyncset.done $0x0  }
0x115: {  	[sflag:s0] =	ssyncadd.s32 $0xFFFFC000  }
0x116: {  	_ =	swait.ge [sflag:s0], $0x4000  }
0x117: {  	[sflag:s0] =	ssyncset.done $0x0  }
0x118: {  	[sflag:s0] =	ssyncadd.s32 $0xFFFFC000  }
0x119: {  	v16 =	vld [tilespmem:s29+$0xFFFFFF00];
	_ =	sdelay $0x2  }
0x11a: {  	v18 =	vld [tilespmem:s28+$0xFFFFFF00];
	_ =	sdelay $0x1  }
0x11b: {  	v16 =	vand.u32 $0x7, v16  }
0x11c: {  	v17 =	vshll.u32 v16, $0x7  }
0x11d: {  	(v2sf) =	vpush v17, $0x1  }
0x11e: {  	v16 =	vand.u32 $0x7, v18;
	(v2sf) =	vpush v17, $0x0  }
0x11f: {  	v16 =	vshll.u32 v16, $0x7  }
0x120: {  	(v2sf) =	vpush v16, $0x0;
	_ =	sdelay $0x9  }
0x121: {  	s0 =	sshll.u32 s1, $0xE;
	s1 =	sshll.u32 s1, $0xB  }
0x122: {  	v19 =	vld [tilespmem:s1+$0xF000]  }
0x123: {  	v22 =	vld [tilespmem:s1+$0xF010];
	s14 =	spop (v2sf)  }
0x124: {  	s12 =	sor.u32 $0x3000, s0;
	v25 =	vld [tilespmem:s1+$0xF020];
	s15 =	spop (v2sf)  }
0x125: {  	v38 =	vld [tilespmem:s1+$0xF030];
	s15 =	sor.u32 s15, s12  }
0x126: {  	s16 =	spop (v2sf);
	v37 =	vld [tilespmem:s15+$0x0]  }
0x127: {  	s16 =	sor.u32 s16, s0;
	v21 =	vld [tilespmem:s15+$0x10]  }
0x128: {  	(v2sf) =	vpush v16, $0x1;
	v24 =	vld [tilespmem:s15+$0x20];
	s17 =	sor.u32 $0x10800, s16  }
0x129: {  	v20 =	vld [tilespmem:s17+$0x0];
	s17 =	sor.u32 $0x10810, s16  }
0x12a: {  	v23 =	vld [tilespmem:s17+$0x0]  }
0x12b: {  	v27 =	vld [tilespmem:s15+$0x30];
	s17 =	sor.u32 $0x10820, s16  }
0x12c: {  	v26 =	vld [tilespmem:s17+$0x0]  }
0x12d: {  	s17 =	sor.u32 $0x10830, s16;
	v18 =	vmul.f32 v19, v37;
	v21 =	vmul.f32 v22, v21  }
0x12e: {  	v39 =	vld [tilespmem:s17+$0x0];
	v40 =	vmul.f32 v25, v24  }
0x12f: {  	v18 =	vmul.f32 v20, v18;
	v21 =	vmul.f32 v23, v21;
	_ =	sdelay $0x1  }
0x130: {  	v19 =	vmul.f32 v38, v27;
	v41 =	vmul.f32 v26, v40;
	v18 =	vadd.f32 v21, v18;
	_ =	sdelay $0x1  }
0x131: {  	v19 =	vmul.f32 v39, v19;
	v18 =	vadd.f32 v41, v18;
	_ =	sdelay $0x1  }
0x132: {  	v18 =	vadd.f32 v19, v18  }
0x133: {  	s16 =	sor.u32 $0x400, s0  }
0x134: {  	s14 =	sor.u32 s14, s16;
	s17 =	spop (v2sf);
	[tilespmem:v0+s21+$0x0] =	vst.idx.msk $0xffff, v18  }
0x135: {  	s15 =	sor.u32 s17, s16;
	v18 =	vld [tilespmem:s14+$0x3000]  }
0x136: {  	s16 =	sor.u32 $0x10800, s15;
	v42 =	vld [tilespmem:s1+$0xF080]  }
0x137: {  	v43 =	vld [tilespmem:s16+$0x0]  }
0x138: {  	v44 =	vld [tilespmem:s14+$0x3010]  }
0x139: {  	s17 =	sor.u32 $0x10810, s15;
	v45 =	vld [tilespmem:s1+$0xF090]  }
0x13a: {  	(v2sf) =	vpush v17, $0x2;
	v46 =	vld [tilespmem:s17+$0x0]  }
0x13b: {  	(v2sf) =	vpush v17, $0x3;
	v47 =	vld [tilespmem:s14+$0x3020]  }
0x13c: {  	(v2sf) =	vpush v16, $0x2;
	v48 =	vld [tilespmem:s1+$0xF0A0]  }
0x13d: {  	v50 =	vld [tilespmem:s14+$0x3030]  }
0x13e: {  	s17 =	sor.u32 $0x10820, s15;
	v51 =	vld [tilespmem:s1+$0xF0B0]  }
0x13f: {  	v49 =	vld [tilespmem:s17+$0x0]  }
0x140: {  	s15 =	sor.u32 $0x10830, s15;
	v18 =	vmul.f32 v42, v18;
	v21 =	vmul.f32 v45, v44  }
0x141: {  	v52 =	vld [tilespmem:s15+$0x0];
	v53 =	vmul.f32 v48, v47  }
0x142: {  	v18 =	vmul.f32 v43, v18;
	v21 =	vmul.f32 v46, v21;
	_ =	sdelay $0x1  }
0x143: {  	v19 =	vmul.f32 v51, v50;
	v54 =	vmul.f32 v49, v53;
	v18 =	vadd.f32 v21, v18;
	_ =	sdelay $0x1  }
0x144: {  	v19 =	vmul.f32 v52, v19;
	v18 =	vadd.f32 v54, v18;
	_ =	sdelay $0x1  }
0x145: {  	v18 =	vadd.f32 v19, v18  }
0x146: {  	s14 =	sor.u32 $0x800, s0;
	s16 =	spop (v2sf)  }
0x147: {  	s15 =	sor.u32 s16, s14;
	s16 =	spop (v2sf);
	[tilespmem:v1+s21+$0x0] =	vst.idx.msk $0xffff, v18  }
0x148: {  	s17 =	spop (v2sf);
	v18 =	vld [tilespmem:s15+$0x3000]  }
0x149: {  	s14 =	sor.u32 s17, s14;
	v55 =	vld [tilespmem:s1+$0xF100]  }
0x14a: {  	v56 =	vld [tilespmem:s14+$0x10800]  }
0x14b: {  	v57 =	vld [tilespmem:s15+$0x3010]  }
0x14c: {  	v58 =	vld [tilespmem:s1+$0xF110]  }
0x14d: {  	v60 =	vld [tilespmem:s15+$0x3020]  }
0x14e: {  	v61 =	vld [tilespmem:s1+$0xF120]  }
0x14f: {  	(v2sf) =	vpush v16, $0x3;
	s14 =	sadd.s32 $0x10800, s14;
	v63 =	vld [tilespmem:s15+$0x3030]  }
0x150: {  	v59 =	vld [tilespmem:s14+$0x10]  }
0x151: {  	v28 =	vld [tilespmem:s1+$0xF130]  }
0x152: {  	v62 =	vld [tilespmem:s14+$0x20]  }
0x153: {  	v18 =	vmul.f32 v55, v18;
	v21 =	vmul.f32 v58, v57  }
0x154: {  	v29 =	vld [tilespmem:s14+$0x30];
	v30 =	vmul.f32 v61, v60  }
0x155: {  	v18 =	vmul.f32 v56, v18;
	v21 =	vmul.f32 v59, v21;
	_ =	sdelay $0x1  }
0x156: {  	v19 =	vmul.f32 v28, v63;
	v31 =	vmul.f32 v62, v30;
	v18 =	vadd.f32 v21, v18;
	_ =	sdelay $0x1  }
0x157: {  	v19 =	vmul.f32 v29, v19;
	v18 =	vadd.f32 v31, v18;
	_ =	sdelay $0x1  }
0x158: {  	v18 =	vadd.f32 v19, v18  }
0x159: {  	s14 =	sor.u32 $0xC00, s0  }
0x15a: {  	s15 =	sor.u32 s16, s14;
	[tilespmem:v2+s21+$0x0] =	vst.idx.msk $0xffff, v18  }
0x15b: {  	s17 =	spop (v2sf);
	v18 =	vld [tilespmem:s15+$0x3000]  }
0x15c: {  	s14 =	sor.u32 s17, s14;
	v32 =	vld [tilespmem:s1+$0xF180]  }
0x15d: {  	v33 =	vld [tilespmem:s14+$0x10800]  }
0x15e: {  	v34 =	vld [tilespmem:s15+$0x3010]  }
0x15f: {  	(v2sf) =	vpush v17, $0x4;
	v35 =	vld [tilespmem:s1+$0xF190]  }
0x160: {  	(v2sf) =	vpush v17, $0x5;
	v37 =	vld [tilespmem:s15+$0x3020]  }
0x161: {  	(v2sf) =	vpush v16, $0x4;
	v38 =	vld [tilespmem:s1+$0xF1A0]  }
0x162: {  	s14 =	sadd.s32 $0x10800, s14;
	v40 =	vld [tilespmem:s15+$0x3030]  }
0x163: {  	v36 =	vld [tilespmem:s14+$0x10]  }
0x164: {  	v41 =	vld [tilespmem:s1+$0xF1B0]  }
0x165: {  	v39 =	vld [tilespmem:s14+$0x20]  }
0x166: {  	v18 =	vmul.f32 v32, v18;
	v21 =	vmul.f32 v35, v34  }
0x167: {  	v42 =	vld [tilespmem:s14+$0x30];
	v43 =	vmul.f32 v38, v37  }
0x168: {  	v18 =	vmul.f32 v33, v18;
	v21 =	vmul.f32 v36, v21;
	_ =	sdelay $0x1  }
0x169: {  	v19 =	vmul.f32 v41, v40;
	v44 =	vmul.f32 v39, v43;
	v18 =	vadd.f32 v21, v18;
	_ =	sdelay $0x1  }
0x16a: {  	v19 =	vmul.f32 v42, v19;
	v18 =	vadd.f32 v44, v18;
	_ =	sdelay $0x1  }
0x16b: {  	s17 =	spop (v2sf);
	v18 =	vadd.f32 v19, v18  }
0x16c: {  	s16 =	spop (v2sf);
	s15 =	sor.u32 $0x1000, s0  }
0x16d: {  	s14 =	sor.u32 s17, s15;
	s17 =	spop (v2sf);
	[tilespmem:v3+s21+$0x0] =	vst.idx.msk $0xffff, v18  }
0x16e: {  	s15 =	sor.u32 s17, s15;
	v18 =	vld [tilespmem:s14+$0x3000]  }
0x16f: {  	s17 =	sor.u32 $0x10800, s15;
	v45 =	vld [tilespmem:s1+$0xF200]  }
0x170: {  	v46 =	vld [tilespmem:s17+$0x0]  }
0x171: {  	v47 =	vld [tilespmem:s14+$0x3010]  }
0x172: {  	v48 =	vld [tilespmem:s1+$0xF210]  }
0x173: {  	v50 =	vld [tilespmem:s14+$0x3020]  }
0x174: {  	(v2sf) =	vpush v16, $0x5;
	v51 =	vld [tilespmem:s1+$0xF220]  }
0x175: {  	s17 =	sor.u32 $0x10810, s15;
	v53 =	vld [tilespmem:s14+$0x3030]  }
0x176: {  	v49 =	vld [tilespmem:s17+$0x0]  }
0x177: {  	v54 =	vld [tilespmem:s1+$0xF230];
	s17 =	sor.u32 $0x10820, s15  }
0x178: {  	v52 =	vld [tilespmem:s17+$0x0]  }
0x179: {  	s17 =	sor.u32 $0x10830, s15;
	v18 =	vmul.f32 v45, v18;
	v21 =	vmul.f32 v48, v47  }
0x17a: {  	v55 =	vld [tilespmem:s17+$0x0];
	v56 =	vmul.f32 v51, v50  }
0x17b: {  	v18 =	vmul.f32 v46, v18;
	v21 =	vmul.f32 v49, v21;
	_ =	sdelay $0x1  }
0x17c: {  	v19 =	vmul.f32 v54, v53;
	v57 =	vmul.f32 v52, v56;
	v18 =	vadd.f32 v21, v18;
	_ =	sdelay $0x1  }
0x17d: {  	v19 =	vmul.f32 v55, v19;
	v18 =	vadd.f32 v57, v18;
	_ =	sdelay $0x1  }
0x17e: {  	v18 =	vadd.f32 v19, v18  }
0x17f: {  	s15 =	sor.u32 $0x1400, s0  }
0x180: {  	s17 =	spop (v2sf);
	s16 =	sor.u32 s16, s15;
	[tilespmem:v4+s21+$0x0] =	vst.idx.msk $0xffff, v18  }
0x181: {  	s14 =	sor.u32 s17, s15;
	v18 =	vld [tilespmem:s16+$0x3000]  }
0x182: {  	s15 =	sor.u32 $0x10800, s14;
	v58 =	vld [tilespmem:s1+$0xF280]  }
0x183: {  	v59 =	vld [tilespmem:s15+$0x0]  }
0x184: {  	v60 =	vld [tilespmem:s16+$0x3010]  }
0x185: {  	s17 =	sor.u32 $0x10810, s14;
	v61 =	vld [tilespmem:s1+$0xF290]  }
0x186: {  	(v2sf) =	vpush v17, $0x6;
	v62 =	vld [tilespmem:s17+$0x0]  }
0x187: {  	(v2sf) =	vpush v17, $0x7;
	v63 =	vld [tilespmem:s16+$0x3020]  }
0x188: {  	(v2sf) =	vpush v16, $0x6;
	v30 =	vld [tilespmem:s1+$0xF2A0]  }
0x189: {  	v32 =	vld [tilespmem:s16+$0x3030]  }
0x18a: {  	s17 =	sor.u32 $0x10820, s14;
	v33 =	vld [tilespmem:s1+$0xF2B0]  }
0x18b: {  	v31 =	vld [tilespmem:s17+$0x0]  }
0x18c: {  	s14 =	sor.u32 $0x10830, s14;
	v18 =	vmul.f32 v58, v18;
	v21 =	vmul.f32 v61, v60  }
0x18d: {  	v34 =	vld [tilespmem:s14+$0x0];
	v35 =	vmul.f32 v30, v63  }
0x18e: {  	v18 =	vmul.f32 v59, v18;
	v21 =	vmul.f32 v62, v21;
	_ =	sdelay $0x1  }
0x18f: {  	v19 =	vmul.f32 v33, v32;
	v36 =	vmul.f32 v31, v35;
	v18 =	vadd.f32 v21, v18;
	_ =	sdelay $0x1  }
0x190: {  	v19 =	vmul.f32 v34, v19;
	v18 =	vadd.f32 v36, v18;
	_ =	sdelay $0x1  }
0x191: {  	v18 =	vadd.f32 v19, v18  }
0x192: {  	s16 =	spop (v2sf);
	s14 =	sor.u32 $0x1800, s0  }
0x193: {  	s15 =	sor.u32 s16, s14;
	s16 =	spop (v2sf);
	[tilespmem:v5+s21+$0x0] =	vst.idx.msk $0xffff, v18  }
0x194: {  	s17 =	spop (v2sf);
	v18 =	vld [tilespmem:s15+$0x3000]  }
0x195: {  	s14 =	sor.u32 s17, s14;
	v37 =	vld [tilespmem:s1+$0xF300]  }
0x196: {  	v38 =	vld [tilespmem:s14+$0x10800]  }
0x197: {  	v39 =	vld [tilespmem:s15+$0x3010]  }
0x198: {  	v40 =	vld [tilespmem:s1+$0xF310]  }
0x199: {  	v42 =	vld [tilespmem:s15+$0x3020]  }
0x19a: {  	v43 =	vld [tilespmem:s1+$0xF320]  }
0x19b: {  	(v2sf) =	vpush v16, $0x7;
	s14 =	sadd.s32 $0x10800, s14;
	v45 =	vld [tilespmem:s15+$0x3030]  }
0x19c: {  	v41 =	vld [tilespmem:s14+$0x10]  }
0x19d: {  	v46 =	vld [tilespmem:s1+$0xF330]  }
0x19e: {  	v44 =	vld [tilespmem:s14+$0x20]  }
0x19f: {  	v18 =	vmul.f32 v37, v18;
	v21 =	vmul.f32 v40, v39  }
0x1a0: {  	v47 =	vld [tilespmem:s14+$0x30];
	v48 =	vmul.f32 v43, v42  }
0x1a1: {  	v18 =	vmul.f32 v38, v18;
	v21 =	vmul.f32 v41, v21;
	_ =	sdelay $0x1  }
0x1a2: {  	v19 =	vmul.f32 v46, v45;
	v49 =	vmul.f32 v44, v48;
	v18 =	vadd.f32 v21, v18;
	_ =	sdelay $0x1  }
0x1a3: {  	v19 =	vmul.f32 v47, v19;
	v18 =	vadd.f32 v49, v18;
	_ =	sdelay $0x1  }
0x1a4: {  	v18 =	vadd.f32 v19, v18  }
0x1a5: {  	s14 =	sor.u32 $0x1C00, s0  }
0x1a6: {  	s15 =	sor.u32 s16, s14;
	[tilespmem:v6+s21+$0x0] =	vst.idx.msk $0xffff, v18  }
0x1a7: {  	s17 =	spop (v2sf);
	v18 =	vld [tilespmem:s15+$0x3000]  }
0x1a8: {  	s14 =	sor.u32 s17, s14;
	v50 =	vld [tilespmem:s1+$0xF380]  }
0x1a9: {  	v51 =	vld [tilespmem:s14+$0x10800]  }
0x1aa: {  	v52 =	vld [tilespmem:s15+$0x3010]  }
0x1ab: {  	(v2sf) =	vpush v17, $0x8;
	v53 =	vld [tilespmem:s1+$0xF390]  }
0x1ac: {  	(v2sf) =	vpush v17, $0x9;
	v55 =	vld [tilespmem:s15+$0x3020]  }
0x1ad: {  	(v2sf) =	vpush v16, $0x8;
	v56 =	vld [tilespmem:s1+$0xF3A0]  }
0x1ae: {  	s14 =	sadd.s32 $0x10800, s14;
	v58 =	vld [tilespmem:s15+$0x3030]  }
0x1af: {  	v54 =	vld [tilespmem:s14+$0x10]  }
0x1b0: {  	v59 =	vld [tilespmem:s1+$0xF3B0]  }
0x1b1: {  	v57 =	vld [tilespmem:s14+$0x20]  }
0x1b2: {  	v18 =	vmul.f32 v50, v18;
	v21 =	vmul.f32 v53, v52  }
0x1b3: {  	v60 =	vld [tilespmem:s14+$0x30];
	v61 =	vmul.f32 v56, v55  }
0x1b4: {  	v18 =	vmul.f32 v51, v18;
	v21 =	vmul.f32 v54, v21;
	_ =	sdelay $0x1  }
0x1b5: {  	v19 =	vmul.f32 v59, v58;
	v62 =	vmul.f32 v57, v61;
	v18 =	vadd.f32 v21, v18;
	_ =	sdelay $0x1  }
0x1b6: {  	v19 =	vmul.f32 v60, v19;
	v18 =	vadd.f32 v62, v18;
	_ =	sdelay $0x1  }
0x1b7: {  	s17 =	spop (v2sf);
	v18 =	vadd.f32 v19, v18  }
0x1b8: {  	s15 =	sor.u32 $0x2000, s0;
	s16 =	spop (v2sf)  }
0x1b9: {  	s14 =	sor.u32 s17, s15;
	s17 =	spop (v2sf);
	[tilespmem:v7+s21+$0x0] =	vst.idx.msk $0xffff, v18  }
0x1ba: {  	s15 =	sor.u32 s17, s15;
	v18 =	vld [tilespmem:s14+$0x3000]  }
0x1bb: {  	s17 =	sor.u32 $0x10800, s15;
	v63 =	vld [tilespmem:s1+$0xF400]  }
0x1bc: {  	v30 =	vld [tilespmem:s17+$0x0]  }
0x1bd: {  	v31 =	vld [tilespmem:s14+$0x3010]  }
0x1be: {  	v32 =	vld [tilespmem:s1+$0xF410]  }
0x1bf: {  	v34 =	vld [tilespmem:s14+$0x3020]  }
0x1c0: {  	(v2sf) =	vpush v16, $0x9;
	v35 =	vld [tilespmem:s1+$0xF420]  }
0x1c1: {  	s17 =	sor.u32 $0x10810, s15;
	v37 =	vld [tilespmem:s14+$0x3030]  }
0x1c2: {  	v33 =	vld [tilespmem:s17+$0x0]  }
0x1c3: {  	v38 =	vld [tilespmem:s1+$0xF430];
	s17 =	sor.u32 $0x10820, s15  }
0x1c4: {  	v36 =	vld [tilespmem:s17+$0x0]  }
0x1c5: {  	s17 =	sor.u32 $0x10830, s15;
	v18 =	vmul.f32 v63, v18;
	v21 =	vmul.f32 v32, v31  }
0x1c6: {  	v39 =	vld [tilespmem:s17+$0x0];
	v40 =	vmul.f32 v35, v34  }
0x1c7: {  	v18 =	vmul.f32 v30, v18;
	v21 =	vmul.f32 v33, v21;
	_ =	sdelay $0x1  }
0x1c8: {  	v19 =	vmul.f32 v38, v37;
	v41 =	vmul.f32 v36, v40;
	v18 =	vadd.f32 v21, v18;
	_ =	sdelay $0x1  }
0x1c9: {  	v19 =	vmul.f32 v39, v19;
	v18 =	vadd.f32 v41, v18;
	_ =	sdelay $0x1  }
0x1ca: {  	v18 =	vadd.f32 v19, v18  }
0x1cb: {  	s15 =	sor.u32 $0x2400, s0  }
0x1cc: {  	s17 =	spop (v2sf);
	s16 =	sor.u32 s16, s15;
	[tilespmem:v8+s21+$0x0] =	vst.idx.msk $0xffff, v18  }
0x1cd: {  	s14 =	sor.u32 s17, s15;
	v18 =	vld [tilespmem:s16+$0x3000]  }
0x1ce: {  	s15 =	sor.u32 $0x10800, s14;
	v42 =	vld [tilespmem:s1+$0xF480]  }
0x1cf: {  	v43 =	vld [tilespmem:s15+$0x0]  }
0x1d0: {  	v44 =	vld [tilespmem:s16+$0x3010]  }
0x1d1: {  	s17 =	sor.u32 $0x10810, s14;
	v45 =	vld [tilespmem:s1+$0xF490]  }
0x1d2: {  	(v2sf) =	vpush v17, $0xA;
	v46 =	vld [tilespmem:s17+$0x0]  }
0x1d3: {  	(v2sf) =	vpush v17, $0xB;
	v47 =	vld [tilespmem:s16+$0x3020]  }
0x1d4: {  	(v2sf) =	vpush v16, $0xA;
	v48 =	vld [tilespmem:s1+$0xF4A0]  }
0x1d5: {  	v50 =	vld [tilespmem:s16+$0x3030]  }
0x1d6: {  	s17 =	sor.u32 $0x10820, s14;
	v51 =	vld [tilespmem:s1+$0xF4B0]  }
0x1d7: {  	v49 =	vld [tilespmem:s17+$0x0]  }
0x1d8: {  	s14 =	sor.u32 $0x10830, s14;
	v18 =	vmul.f32 v42, v18;
	v21 =	vmul.f32 v45, v44  }
0x1d9: {  	v52 =	vld [tilespmem:s14+$0x0];
	v53 =	vmul.f32 v48, v47  }
0x1da: {  	v18 =	vmul.f32 v43, v18;
	v21 =	vmul.f32 v46, v21;
	_ =	sdelay $0x1  }
0x1db: {  	v19 =	vmul.f32 v51, v50;
	v54 =	vmul.f32 v49, v53;
	v18 =	vadd.f32 v21, v18;
	_ =	sdelay $0x1  }
0x1dc: {  	v19 =	vmul.f32 v52, v19;
	v18 =	vadd.f32 v54, v18;
	_ =	sdelay $0x1  }
0x1dd: {  	v18 =	vadd.f32 v19, v18  }
0x1de: {  	s16 =	spop (v2sf);
	s14 =	sor.u32 $0x2800, s0  }
0x1df: {  	s15 =	sor.u32 s16, s14;
	s16 =	spop (v2sf);
	[tilespmem:v9+s21+$0x0] =	vst.idx.msk $0xffff, v18  }
0x1e0: {  	s17 =	spop (v2sf);
	v18 =	vld [tilespmem:s15+$0x3000]  }
0x1e1: {  	s14 =	sor.u32 s17, s14;
	v55 =	vld [tilespmem:s1+$0xF500]  }
0x1e2: {  	v56 =	vld [tilespmem:s14+$0x10800]  }
0x1e3: {  	v57 =	vld [tilespmem:s15+$0x3010]  }
0x1e4: {  	v58 =	vld [tilespmem:s1+$0xF510]  }
0x1e5: {  	v60 =	vld [tilespmem:s15+$0x3020]  }
0x1e6: {  	v61 =	vld [tilespmem:s1+$0xF520]  }
0x1e7: {  	(v2sf) =	vpush v16, $0xB;
	s14 =	sadd.s32 $0x10800, s14;
	v63 =	vld [tilespmem:s15+$0x3030]  }
0x1e8: {  	v59 =	vld [tilespmem:s14+$0x10]  }
0x1e9: {  	v28 =	vld [tilespmem:s1+$0xF530]  }
0x1ea: {  	v62 =	vld [tilespmem:s14+$0x20]  }
0x1eb: {  	v18 =	vmul.f32 v55, v18;
	v21 =	vmul.f32 v58, v57  }
0x1ec: {  	v29 =	vld [tilespmem:s14+$0x30];
	v30 =	vmul.f32 v61, v60  }
0x1ed: {  	v18 =	vmul.f32 v56, v18;
	v21 =	vmul.f32 v59, v21;
	_ =	sdelay $0x1  }
0x1ee: {  	v19 =	vmul.f32 v28, v63;
	v31 =	vmul.f32 v62, v30;
	v18 =	vadd.f32 v21, v18;
	_ =	sdelay $0x1  }
0x1ef: {  	v19 =	vmul.f32 v29, v19;
	v18 =	vadd.f32 v31, v18;
	_ =	sdelay $0x1  }
0x1f0: {  	v18 =	vadd.f32 v19, v18  }
0x1f1: {  	s14 =	sor.u32 $0x2C00, s0  }
0x1f2: {  	s15 =	sor.u32 s16, s14;
	[tilespmem:v10+s21+$0x0] =	vst.idx.msk $0xffff, v18  }
0x1f3: {  	s17 =	spop (v2sf);
	v18 =	vld [tilespmem:s15+$0x3000]  }
0x1f4: {  	s14 =	sor.u32 s17, s14;
	v32 =	vld [tilespmem:s1+$0xF580]  }
0x1f5: {  	v33 =	vld [tilespmem:s14+$0x10800]  }
0x1f6: {  	v34 =	vld [tilespmem:s15+$0x3010]  }
0x1f7: {  	(v2sf) =	vpush v17, $0xC;
	v35 =	vld [tilespmem:s1+$0xF590]  }
0x1f8: {  	(v2sf) =	vpush v17, $0xD;
	v37 =	vld [tilespmem:s15+$0x3020]  }
0x1f9: {  	(v2sf) =	vpush v16, $0xC;
	v38 =	vld [tilespmem:s1+$0xF5A0]  }
0x1fa: {  	s14 =	sadd.s32 $0x10800, s14;
	v40 =	vld [tilespmem:s15+$0x3030]  }
0x1fb: {  	v36 =	vld [tilespmem:s14+$0x10]  }
0x1fc: {  	v41 =	vld [tilespmem:s1+$0xF5B0]  }
0x1fd: {  	v39 =	vld [tilespmem:s14+$0x20]  }
0x1fe: {  	v18 =	vmul.f32 v32, v18;
	v21 =	vmul.f32 v35, v34  }
0x1ff: {  	v42 =	vld [tilespmem:s14+$0x30];
	v43 =	vmul.f32 v38, v37  }
0x200: {  	v18 =	vmul.f32 v33, v18;
	v21 =	vmul.f32 v36, v21;
	_ =	sdelay $0x1  }
0x201: {  	v19 =	vmul.f32 v41, v40;
	v44 =	vmul.f32 v39, v43;
	v18 =	vadd.f32 v21, v18;
	_ =	sdelay $0x1  }
0x202: {  	v19 =	vmul.f32 v42, v19;
	v18 =	vadd.f32 v44, v18;
	_ =	sdelay $0x1  }
0x203: {  	s16 =	spop (v2sf);
	v18 =	vadd.f32 v19, v18  }
0x204: {  	s15 =	spop (v2sf)  }
0x205: {  	s14 =	sor.u32 s16, s12;
	s17 =	spop (v2sf);
	[tilespmem:v11+s21+$0x0] =	vst.idx.msk $0xffff, v18  }
0x206: {  	s12 =	sor.u32 s17, s12;
	v18 =	vld [tilespmem:s14+$0x3000]  }
0x207: {  	s16 =	sor.u32 $0x10800, s12;
	v45 =	vld [tilespmem:s1+$0xF600]  }
0x208: {  	v46 =	vld [tilespmem:s16+$0x0]  }
0x209: {  	v47 =	vld [tilespmem:s14+$0x3010]  }
0x20a: {  	s17 =	sor.u32 $0x10810, s12;
	v48 =	vld [tilespmem:s1+$0xF610]  }
0x20b: {  	v49 =	vld [tilespmem:s17+$0x0]  }
0x20c: {  	(v2sf) =	vpush v16, $0xD;
	v50 =	vld [tilespmem:s14+$0x3020]  }
0x20d: {  	v51 =	vld [tilespmem:s1+$0xF620]  }
0x20e: {  	v53 =	vld [tilespmem:s14+$0x3030]  }
0x20f: {  	s17 =	sor.u32 $0x10820, s12;
	v54 =	vld [tilespmem:s1+$0xF630]  }
0x210: {  	v52 =	vld [tilespmem:s17+$0x0]  }
0x211: {  	s12 =	sor.u32 $0x10830, s12;
	v18 =	vmul.f32 v45, v18;
	v21 =	vmul.f32 v48, v47  }
0x212: {  	v55 =	vld [tilespmem:s12+$0x0];
	v56 =	vmul.f32 v51, v50  }
0x213: {  	v18 =	vmul.f32 v46, v18;
	v21 =	vmul.f32 v49, v21;
	_ =	sdelay $0x1  }
0x214: {  	v19 =	vmul.f32 v54, v53;
	v57 =	vmul.f32 v52, v56;
	v18 =	vadd.f32 v21, v18;
	_ =	sdelay $0x1  }
0x215: {  	v19 =	vmul.f32 v55, v19;
	v18 =	vadd.f32 v57, v18;
	_ =	sdelay $0x1  }
0x216: {  	v18 =	vadd.f32 v19, v18  }
0x217: {  	s16 =	sor.u32 $0x3400, s0  }
0x218: {  	s17 =	spop (v2sf);
	s15 =	sor.u32 s15, s16;
	[tilespmem:v12+s21+$0x0] =	vst.idx.msk $0xffff, v18  }
0x219: {  	s12 =	sor.u32 s17, s16;
	v18 =	vld [tilespmem:s15+$0x3000]  }
0x21a: {  	s14 =	sor.u32 $0x10800, s12;
	v58 =	vld [tilespmem:s1+$0xF680]  }
0x21b: {  	v59 =	vld [tilespmem:s14+$0x0]  }
0x21c: {  	v60 =	vld [tilespmem:s15+$0x3010]  }
0x21d: {  	s16 =	sor.u32 $0x10810, s12;
	v61 =	vld [tilespmem:s1+$0xF690]  }
0x21e: {  	(v2sf) =	vpush v17, $0xE;
	v62 =	vld [tilespmem:s16+$0x0]  }
0x21f: {  	(v2sf) =	vpush v17, $0xF;
	v63 =	vld [tilespmem:s15+$0x3020]  }
0x220: {  	(v2sf) =	vpush v16, $0xE;
	s17 =	sor.u32 $0x10820, s12;
	v17 =	vld [tilespmem:s1+$0xF6A0]  }
0x221: {  	v28 =	vld [tilespmem:s17+$0x0]  }
0x222: {  	v29 =	vld [tilespmem:s15+$0x3030]  }
0x223: {  	v30 =	vld [tilespmem:s1+$0xF6B0]  }
0x224: {  	s12 =	sor.u32 $0x10830, s12;
	v18 =	vmul.f32 v58, v18;
	v21 =	vmul.f32 v61, v60  }
0x225: {  	v31 =	vld [tilespmem:s12+$0x0];
	v17 =	vmul.f32 v17, v63  }
0x226: {  	v18 =	vmul.f32 v59, v18;
	v21 =	vmul.f32 v62, v21;
	_ =	sdelay $0x1  }
0x227: {  	v19 =	vmul.f32 v30, v29;
	v17 =	vmul.f32 v28, v17;
	v18 =	vadd.f32 v21, v18;
	_ =	sdelay $0x1  }
0x228: {  	v32 =	vmul.f32 v31, v19;
	v17 =	vadd.f32 v17, v18;
	_ =	sdelay $0x1  }
0x229: {  	v17 =	vadd.f32 v32, v17  }
0x22a: {  	s14 =	spop (v2sf);
	s16 =	sor.u32 $0x3800, s0  }
0x22b: {  	s15 =	spop (v2sf);
	s12 =	sor.u32 s14, s16;
	[tilespmem:v13+s21+$0x0] =	vst.idx.msk $0xffff, v17  }
0x22c: {  	s17 =	spop (v2sf);
	v17 =	vld [tilespmem:s12+$0x3000]  }
0x22d: {  	s14 =	sor.u32 s17, s16;
	v33 =	vld [tilespmem:s1+$0xF700]  }
0x22e: {  	v34 =	vld [tilespmem:s14+$0x10800]  }
0x22f: {  	v35 =	vld [tilespmem:s12+$0x3010]  }
0x230: {  	v36 =	vld [tilespmem:s1+$0xF710]  }
0x231: {  	v38 =	vld [tilespmem:s12+$0x3020]  }
0x232: {  	(v2sf) =	vpush v16, $0xF;
	v16 =	vld [tilespmem:s1+$0xF720]  }
0x233: {  	s14 =	sadd.s32 $0x10800, s14;
	v40 =	vld [tilespmem:s12+$0x3030]  }
0x234: {  	v37 =	vld [tilespmem:s14+$0x10]  }
0x235: {  	v41 =	vld [tilespmem:s1+$0xF730]  }
0x236: {  	v39 =	vld [tilespmem:s14+$0x20]  }
0x237: {  	v17 =	vmul.f32 v33, v17;
	v20 =	vmul.f32 v36, v35  }
0x238: {  	v42 =	vld [tilespmem:s14+$0x30];
	v16 =	vmul.f32 v16, v38  }
0x239: {  	v17 =	vmul.f32 v34, v17;
	v20 =	vmul.f32 v37, v20;
	_ =	sdelay $0x1  }
0x23a: {  	v18 =	vmul.f32 v41, v40;
	v16 =	vmul.f32 v39, v16;
	v17 =	vadd.f32 v20, v17;
	_ =	sdelay $0x1  }
0x23b: {  	v16 =	vadd.f32 v16, v17;
	v17 =	vmul.f32 v42, v18;
	_ =	sdelay $0x1  }
0x23c: {  	v16 =	vadd.f32 v17, v16  }
0x23d: {  	s0 =	sor.u32 $0x3C00, s0  }
0x23e: {  	s16 =	sor.u32 s15, s0;
	[tilespmem:v14+s21+$0x0] =	vst.idx.msk $0xffff, v16  }
0x23f: {  	s17 =	spop (v2sf);
	v16 =	vld [tilespmem:s16+$0x3000]  }
0x240: {  	s0 =	sor.u32 s17, s0;
	v17 =	vld [tilespmem:s1+$0xF780]  }
0x241: {  	v43 =	vld [tilespmem:s0+$0x10800]  }
0x242: {  	v44 =	vld [tilespmem:s16+$0x3010]  }
0x243: {  	v45 =	vld [tilespmem:s1+$0xF790]  }
0x244: {  	v47 =	vld [tilespmem:s16+$0x3020]  }
0x245: {  	v48 =	vld [tilespmem:s1+$0xF7A0]  }
0x246: {  	s0 =	sadd.s32 $0x10800, s0;
	v50 =	vld [tilespmem:s16+$0x3030]  }
0x247: {  	v46 =	vld [tilespmem:s0+$0x10]  }
0x248: {  	v49 =	vld [tilespmem:s0+$0x20]  }
0x249: {  	v16 =	vmul.f32 v17, v16;
	v17 =	vld [tilespmem:s1+$0xF7B0]  }
0x24a: {  	v19 =	vmul.f32 v45, v44  }
0x24b: {  	v51 =	vld [tilespmem:s0+$0x30];
	v52 =	vmul.f32 v48, v47  }
0x24c: {  	v16 =	vmul.f32 v43, v16;
	v19 =	vmul.f32 v46, v19;
	_ =	sdelay $0x1  }
0x24d: {  	v53 =	vmul.f32 v49, v52;
	v16 =	vadd.f32 v19, v16;
	v17 =	vmul.f32 v17, v50;
	_ =	sdelay $0x1  }
0x24e: {  	v16 =	vadd.f32 v53, v16;
	v17 =	vmul.f32 v51, v17;
	_ =	sdelay $0x1  }
0x24f: {  	v16 =	vadd.f32 v17, v16;
	_ =	sdelay $0x1  }
0x250: {  	[tilespmem:v15+s21+$0x0] =	vst.idx.msk $0xffff, v16  }
0x251: {  	v16 =	vld [tilespmem:$0x1CA00]  }
0x252: {  	v17 =	vld [tilespmem:$0x1CA11];
	_ =	sdelay $0x1  }
0x253: {  	v54 =	vld [tilespmem:$0x1CA22];
	_ =	sdelay $0x1  }
0x254: {  	v55 =	vld [tilespmem:$0x1CA33]  }
0x255: {  	v16 =	vadd.f32 v17, v16  }
0x256: {  	v17 =	vld [tilespmem:$0x1CA44]  }
0x257: {  	v16 =	vadd.f32 v54, v16  }
0x258: {  	v56 =	vld [tilespmem:$0x1CA55]  }
0x259: {  	v16 =	vadd.f32 v55, v16  }
0x25a: {  	v57 =	vld [tilespmem:$0x1CA66]  }
0x25b: {  	v16 =	vadd.f32 v17, v16  }
0x25c: {  	v17 =	vld [tilespmem:$0x1CA77]  }
0x25d: {  	v16 =	vadd.f32 v56, v16  }
0x25e: {  	v58 =	vld [tilespmem:$0x1CA88]  }
0x25f: {  	v16 =	vadd.f32 v57, v16  }
0x260: {  	v59 =	vld [tilespmem:$0x1CA99]  }
0x261: {  	v16 =	vadd.f32 v17, v16  }
0x262: {  	v17 =	vld [tilespmem:$0x1CAAA]  }
0x263: {  	v16 =	vadd.f32 v58, v16  }
0x264: {  	v60 =	vld [tilespmem:$0x1CABB]  }
0x265: {  	v16 =	vadd.f32 v59, v16  }
0x266: {  	v61 =	vld [tilespmem:$0x1CACC]  }
0x267: {  	v16 =	vadd.f32 v17, v16  }
0x268: {  	v17 =	vld [tilespmem:$0x1CADD]  }
0x269: {  	v16 =	vadd.f32 v60, v16  }
0x26a: {  	v62 =	vld [tilespmem:$0x1CAEE]  }
0x26b: {  	v16 =	vadd.f32 v61, v16  }
0x26c: {  	v63 =	vld [tilespmem:$0x1CAFF]  }
0x26d: {  	s31 =	sadd.s32 $0x1, s31;
	v16 =	vadd.f32 v17, v16  }
0x26e: {  	p0 =	sne.s32 s31, $0x20  }
.Ltmp3:
0x26f: {  	v16 =	vadd.f32 v62, v16;
	(pc) =	sbr.rel @!p0 .LBB2_5-.Ltmp3, $4  }
0x270: {  	_ = 	snop  }
0x271: {  	v16 =	vadd.f32 v63, v16  }
0x272: {  	s26 =	sadd.s32 $0x80, s26  }
0x273: {  	s28 =	sadd.s32 $0x80, s28;
	s29 =	sadd.s32 $0x80, s29;
	[tilespmem:s30+$0x0] =	vst v16;
	s30 =	sadd.s32 $0x10, s30  }
.LBB2_2:
0x274: {  	p0 =	sgt.u32 s31, $0x1D  }
.Ltmp4:
0x275: {  	_ = 	snop;
	(pc) =	sbr.rel @p0 .LBB2_4-.Ltmp4, $1  }
0x276: {  	_ =	sdelay $0x3  }
0x277: {  	s0 =	sadd.s32 $0x2, s31  }
0x278: {  	s1 =	smul.u32 $0xAB, s0;
	_ =	sdelay $0x1  }
0x279: {  	s1 =	sshrl.u32 s1, $0x9  }
0x27a: {  	s1 =	sand.u32 $0x7F, s1  }
0x27b: {  	s1 =	smul.u32 $0x3, s1;
	_ =	sdelay $0x1  }
0x27c: {  	s0 =	ssub.s32 s0, s1  }
0x27d: {  	s1 =	sand.u32 $0xFF, s0  }
0x27e: {  	s0 =	sshll.u32 s1, $0xB  }
0x27f: {  	s12 =	sadd.s32 $0xF000, s0;
	s0 =	sadd.s32 $0x1, s1  }
0x280: {  	[tilespmem:s12], [sflag:s0] =	stream.indirect.gather [hbm4b:s4+s13], $0x80, s26, s13, $0xb8;
	[tilespmem:$0x1CB80] =	vst v63  }
0x281: {  	v16 =	vld [tilespmem:s29+$0x0];
	_ =	sdelay $0x1  }
0x282: {  	v18 =	vld [tilespmem:s28+$0x0];
	_ =	sdelay $0x2  }
0x283: {  	v16 =	vshrl.u32 v16, $0x3  }
0x284: {  	v17 =	vshll.u32 v16, $0x7  }
0x285: {  	v16 =	vshrl.u32 v18, $0x3;
	(v2sf) =	vpush v17, $0x0  }
0x286: {  	v16 =	vshll.u32 v16, $0x7  }
0x287: {  	(v2sf) =	vpush v16, $0x0;
	_ =	sdelay $0x2  }
0x288: {  	(v2sf) =	vpush v17, $0x1;
	_ =	sdelay $0x1  }
0x289: {  	(v2sf) =	vpush v16, $0x1;
	_ =	sdelay $0x7  }
0x28a: {  	s15 =	spop (v2sf);
	(v2sf) =	vpush v17, $0x2;
	_ =	sdelay $0x1  }
0x28b: {  	s1 =	sshll.u32 s1, $0xE;
	s12 =	sand.u32 $0x1FFFFF80, s15;
	s16 =	spop (v2sf);
	(v2sf) =	vpush v16, $0x2  }
0x28c: {  	s14 =	sor.u32 $0x3000, s1;
	s12 =	sadd.s32 s3, s12  }
0x28d: {  	[tilespmem:s14], [sflag:s0] =	stream.linear.gather [hbm4b:s12+s2], $0x400, $0x38;
	[tilespmem:$0x1CB80] =	vst v63  }
0x28e: {  	s14 =	spop (v2sf);
	(v2sf) =	vpush v17, $0x3;
	_ =	sdelay $0x1  }
0x28f: {  	s12 =	sand.u32 $0x1FFFFF80, s16;
	s16 =	spop (v2sf);
	(v2sf) =	vpush v16, $0x3;
	_ =	sdelay $0x2  }
0x290: {  	s17 =	sor.u32 $0x10800, s1;
	s12 =	sadd.s32 s3, s12  }
0x291: {  	[tilespmem:s17], [sflag:s0] =	stream.linear.gather [hbm4b:s12+s2], $0x400, $0x38;
	[tilespmem:$0x1CB80] =	vst v63  }
0x292: {  	s12 =	sand.u32 $0x1FFFFF80, s14  }
0x293: {  	s15 =	sor.u32 $0x3400, s1;
	s12 =	sadd.s32 s3, s12  }
0x294: {  	[tilespmem:s15], [sflag:s0] =	stream.linear.gather [hbm4b:s12+s2], $0x400, $0x38;
	[tilespmem:$0x1CB80] =	vst v63  }
0x295: {  	s14 =	spop (v2sf);
	(v2sf) =	vpush v17, $0x4  }
0x296: {  	s12 =	sand.u32 $0x1FFFFF80, s16  }
0x297: {  	s17 =	sor.u32 $0x10C00, s1;
	s12 =	sadd.s32 s3, s12;
	s16 =	spop (v2sf);
	(v2sf) =	vpush v16, $0x4  }
0x298: {  	[tilespmem:s17], [sflag:s0] =	stream.linear.gather [hbm4b:s12+s2], $0x400, $0x38;
	[tilespmem:$0x1CB80] =	vst v63  }
0x299: {  	s12 =	sand.u32 $0x1FFFFF80, s14  }
0x29a: {  	s15 =	sor.u32 $0x3800, s1;
	s12 =	sadd.s32 s3, s12;
	s14 =	spop (v2sf);
	(v2sf) =	vpush v17, $0x5  }
0x29b: {  	[tilespmem:s15], [sflag:s0] =	stream.linear.gather [hbm4b:s12+s2], $0x400, $0x38;
	[tilespmem:$0x1CB80] =	vst v63  }
0x29c: {  	s12 =	sand.u32 $0x1FFFFF80, s16;
	s16 =	spop (v2sf);
	(v2sf) =	vpush v16, $0x5;
	_ =	sdelay $0x2  }
0x29d: {  	s17 =	sor.u32 $0x11000, s1;
	s12 =	sadd.s32 s3, s12  }
0x29e: {  	[tilespmem:s17], [sflag:s0] =	stream.linear.gather [hbm4b:s12+s2], $0x400, $0x38;
	[tilespmem:$0x1CB80] =	vst v63  }
0x29f: {  	s12 =	sand.u32 $0x1FFFFF80, s14  }
0x2a0: {  	s15 =	sor.u32 $0x3C00, s1;
	s12 =	sadd.s32 s3, s12  }
0x2a1: {  	[tilespmem:s15], [sflag:s0] =	stream.linear.gather [hbm4b:s12+s2], $0x400, $0x38;
	[tilespmem:$0x1CB80] =	vst v63  }
0x2a2: {  	s14 =	spop (v2sf);
	(v2sf) =	vpush v17, $0x6  }
0x2a3: {  	s12 =	sand.u32 $0x1FFFFF80, s16  }
0x2a4: {  	s17 =	sor.u32 $0x11400, s1;
	s12 =	sadd.s32 s3, s12;
	s16 =	spop (v2sf);
	(v2sf) =	vpush v16, $0x6  }
0x2a5: {  	[tilespmem:s17], [sflag:s0] =	stream.linear.gather [hbm4b:s12+s2], $0x400, $0x38;
	[tilespmem:$0x1CB80] =	vst v63  }
0x2a6: {  	s12 =	sand.u32 $0x1FFFFF80, s14  }
0x2a7: {  	s15 =	sadd.s32 $0x4000, s1;
	s12 =	sadd.s32 s3, s12;
	s14 =	spop (v2sf);
	(v2sf) =	vpush v17, $0x7  }
0x2a8: {  	[tilespmem:s15], [sflag:s0] =	stream.linear.gather [hbm4b:s12+s2], $0x400, $0x38;
	[tilespmem:$0x1CB80] =	vst v63  }
0x2a9: {  	s12 =	sand.u32 $0x1FFFFF80, s16;
	s16 =	spop (v2sf);
	(v2sf) =	vpush v16, $0x7;
	_ =	sdelay $0x2  }
0x2aa: {  	s17 =	sor.u32 $0x11800, s1;
	s12 =	sadd.s32 s3, s12  }
0x2ab: {  	[tilespmem:s17], [sflag:s0] =	stream.linear.gather [hbm4b:s12+s2], $0x400, $0x38;
	[tilespmem:$0x1CB80] =	vst v63  }
0x2ac: {  	s12 =	sand.u32 $0x1FFFFF80, s14  }
0x2ad: {  	s15 =	sadd.s32 $0x4400, s1;
	s12 =	sadd.s32 s3, s12  }
0x2ae: {  	[tilespmem:s15], [sflag:s0] =	stream.linear.gather [hbm4b:s12+s2], $0x400, $0x38;
	[tilespmem:$0x1CB80] =	vst v63  }
0x2af: {  	s14 =	spop (v2sf);
	(v2sf) =	vpush v17, $0x8  }
0x2b0: {  	s12 =	sand.u32 $0x1FFFFF80, s16  }
0x2b1: {  	s17 =	sor.u32 $0x11C00, s1;
	s12 =	sadd.s32 s3, s12;
	s16 =	spop (v2sf);
	(v2sf) =	vpush v16, $0x8  }
0x2b2: {  	[tilespmem:s17], [sflag:s0] =	stream.linear.gather [hbm4b:s12+s2], $0x400, $0x38;
	[tilespmem:$0x1CB80] =	vst v63  }
0x2b3: {  	s12 =	sand.u32 $0x1FFFFF80, s14  }
0x2b4: {  	s15 =	sadd.s32 $0x4800, s1;
	s12 =	sadd.s32 s3, s12;
	s14 =	spop (v2sf);
	(v2sf) =	vpush v17, $0x9  }
0x2b5: {  	[tilespmem:s15], [sflag:s0] =	stream.linear.gather [hbm4b:s12+s2], $0x400, $0x38;
	[tilespmem:$0x1CB80] =	vst v63  }
0x2b6: {  	s12 =	sand.u32 $0x1FFFFF80, s16;
	s16 =	spop (v2sf);
	(v2sf) =	vpush v16, $0x9;
	_ =	sdelay $0x2  }
0x2b7: {  	s17 =	sor.u32 $0x12000, s1;
	s12 =	sadd.s32 s3, s12  }
0x2b8: {  	[tilespmem:s17], [sflag:s0] =	stream.linear.gather [hbm4b:s12+s2], $0x400, $0x38;
	[tilespmem:$0x1CB80] =	vst v63  }
0x2b9: {  	s12 =	sand.u32 $0x1FFFFF80, s14  }
0x2ba: {  	s15 =	sadd.s32 $0x4C00, s1;
	s12 =	sadd.s32 s3, s12  }
0x2bb: {  	[tilespmem:s15], [sflag:s0] =	stream.linear.gather [hbm4b:s12+s2], $0x400, $0x38;
	[tilespmem:$0x1CB80] =	vst v63  }
0x2bc: {  	s14 =	spop (v2sf);
	(v2sf) =	vpush v17, $0xA  }
0x2bd: {  	s12 =	sand.u32 $0x1FFFFF80, s16  }
0x2be: {  	s17 =	sor.u32 $0x12400, s1;
	s12 =	sadd.s32 s3, s12;
	s16 =	spop (v2sf);
	(v2sf) =	vpush v16, $0xA  }
0x2bf: {  	[tilespmem:s17], [sflag:s0] =	stream.linear.gather [hbm4b:s12+s2], $0x400, $0x38;
	[tilespmem:$0x1CB80] =	vst v63  }
0x2c0: {  	s12 =	sand.u32 $0x1FFFFF80, s14  }
0x2c1: {  	s15 =	sadd.s32 $0x5000, s1;
	s12 =	sadd.s32 s3, s12;
	s14 =	spop (v2sf);
	(v2sf) =	vpush v17, $0xB  }
0x2c2: {  	[tilespmem:s15], [sflag:s0] =	stream.linear.gather [hbm4b:s12+s2], $0x400, $0x38;
	[tilespmem:$0x1CB80] =	vst v63  }
0x2c3: {  	s12 =	sand.u32 $0x1FFFFF80, s16;
	s16 =	spop (v2sf);
	(v2sf) =	vpush v16, $0xB;
	_ =	sdelay $0x2  }
0x2c4: {  	s17 =	sor.u32 $0x12800, s1;
	s12 =	sadd.s32 s3, s12  }
0x2c5: {  	[tilespmem:s17], [sflag:s0] =	stream.linear.gather [hbm4b:s12+s2], $0x400, $0x38;
	[tilespmem:$0x1CB80] =	vst v63  }
0x2c6: {  	s12 =	sand.u32 $0x1FFFFF80, s14  }
0x2c7: {  	s15 =	sadd.s32 $0x5400, s1;
	s12 =	sadd.s32 s3, s12  }
0x2c8: {  	[tilespmem:s15], [sflag:s0] =	stream.linear.gather [hbm4b:s12+s2], $0x400, $0x38;
	[tilespmem:$0x1CB80] =	vst v63  }
0x2c9: {  	s14 =	spop (v2sf);
	(v2sf) =	vpush v17, $0xC  }
0x2ca: {  	s12 =	sand.u32 $0x1FFFFF80, s16  }
0x2cb: {  	s17 =	sor.u32 $0x12C00, s1;
	s12 =	sadd.s32 s3, s12;
	s16 =	spop (v2sf);
	(v2sf) =	vpush v16, $0xC  }
0x2cc: {  	[tilespmem:s17], [sflag:s0] =	stream.linear.gather [hbm4b:s12+s2], $0x400, $0x38;
	[tilespmem:$0x1CB80] =	vst v63  }
0x2cd: {  	s12 =	sand.u32 $0x1FFFFF80, s14  }
0x2ce: {  	s15 =	sadd.s32 $0x5800, s1;
	s12 =	sadd.s32 s3, s12;
	s14 =	spop (v2sf);
	(v2sf) =	vpush v17, $0xD  }
0x2cf: {  	[tilespmem:s15], [sflag:s0] =	stream.linear.gather [hbm4b:s12+s2], $0x400, $0x38;
	[tilespmem:$0x1CB80] =	vst v63  }
0x2d0: {  	s12 =	sand.u32 $0x1FFFFF80, s16;
	s16 =	spop (v2sf);
	(v2sf) =	vpush v16, $0xD;
	_ =	sdelay $0x1  }
0x2d1: {  	s17 =	sor.u32 $0x13000, s1;
	s12 =	sadd.s32 s3, s12  }
0x2d2: {  	[tilespmem:s17], [sflag:s0] =	stream.linear.gather [hbm4b:s12+s2], $0x400, $0x38;
	[tilespmem:$0x1CB80] =	vst v63  }
0x2d3: {  	s12 =	sand.u32 $0x1FFFFF80, s14  }
0x2d4: {  	s15 =	sadd.s32 $0x5C00, s1;
	s12 =	sadd.s32 s3, s12  }
0x2d5: {  	[tilespmem:s15], [sflag:s0] =	stream.linear.gather [hbm4b:s12+s2], $0x400, $0x38;
	[tilespmem:$0x1CB80] =	vst v63  }
0x2d6: {  	s12 =	sand.u32 $0x1FFFFF80, s16  }
0x2d7: {  	s17 =	sor.u32 $0x13400, s1;
	s12 =	sadd.s32 s3, s12;
	s14 =	spop (v2sf);
	(v2sf) =	vpush v17, $0xE  }
0x2d8: {  	[tilespmem:s17], [sflag:s0] =	stream.linear.gather [hbm4b:s12+s2], $0x400, $0x38;
	[tilespmem:$0x1CB80] =	vst v63  }
0x2d9: {  	s12 =	sand.u32 $0x1FFFFF80, s14;
	s16 =	spop (v2sf);
	(v2sf) =	vpush v16, $0xE  }
0x2da: {  	s15 =	sadd.s32 $0x6000, s1;
	s12 =	sadd.s32 s3, s12  }
0x2db: {  	[tilespmem:s15], [sflag:s0] =	stream.linear.gather [hbm4b:s12+s2], $0x400, $0x38;
	[tilespmem:$0x1CB80] =	vst v63  }
0x2dc: {  	s14 =	spop (v2sf);
	(v2sf) =	vpush v17, $0xF  }
0x2dd: {  	s12 =	sand.u32 $0x1FFFFF80, s16  }
0x2de: {  	s17 =	sor.u32 $0x13800, s1;
	s12 =	sadd.s32 s3, s12;
	s16 =	spop (v2sf)  }
0x2df: {  	(v2sf) =	vpush v16, $0xF;
	[tilespmem:s17], [sflag:s0] =	stream.linear.gather [hbm4b:s12+s2], $0x400, $0x38;
	[tilespmem:$0x1CB80] =	vst v63  }
0x2e0: {  	s12 =	sand.u32 $0x1FFFFF80, s14  }
0x2e1: {  	s15 =	sadd.s32 $0x6400, s1;
	s12 =	sadd.s32 s3, s12  }
0x2e2: {  	[tilespmem:s15], [sflag:s0] =	stream.linear.gather [hbm4b:s12+s2], $0x400, $0x38;
	[tilespmem:$0x1CB80] =	vst v63  }
0x2e3: {  	s12 =	sand.u32 $0x1FFFFF80, s16  }
0x2e4: {  	s17 =	sor.u32 $0x13C00, s1;
	s12 =	sadd.s32 s3, s12  }
0x2e5: {  	[tilespmem:s17], [sflag:s0] =	stream.linear.gather [hbm4b:s12+s2], $0x400, $0x38;
	[tilespmem:$0x1CB80] =	vst v63  }
0x2e6: {  	s14 =	spop (v2sf)  }
0x2e7: {  	s12 =	sand.u32 $0x1FFFFF80, s14  }
0x2e8: {  	s15 =	sadd.s32 $0x6800, s1;
	s16 =	spop (v2sf);
	s12 =	sadd.s32 s3, s12  }
0x2e9: {  	[tilespmem:s15], [sflag:s0] =	stream.linear.gather [hbm4b:s12+s2], $0x400, $0x38;
	[tilespmem:$0x1CB80] =	vst v63  }
0x2ea: {  	s12 =	sand.u32 $0x1FFFFF80, s16  }
0x2eb: {  	s17 =	sadd.s32 $0x14000, s1;
	s15 =	spop (v2sf);
	s12 =	sadd.s32 s3, s12  }
0x2ec: {  	[tilespmem:s17], [sflag:s0] =	stream.linear.gather [hbm4b:s12+s2], $0x400, $0x38;
	[tilespmem:$0x1CB80] =	vst v63  }
0x2ed: {  	s16 =	sadd.s32 $0x6C00, s1;
	s12 =	sand.u32 $0x1FFFFF80, s15  }
.Ltmp5:
0x2ee: {  	s17 =	spop (v2sf);
	s12 =	sadd.s32 s3, s12;
	(pc) =	sbr.rel .LBB2_4-.Ltmp5, $4  }
0x2ef: {  	[tilespmem:s16], [sflag:s0] =	stream.linear.gather [hbm4b:s12+s2], $0x400, $0x38;
	[tilespmem:$0x1CB80] =	vst v63  }
0x2f0: {  	s12 =	sand.u32 $0x1FFFFF80, s17  }
0x2f1: {  	s1 =	sadd.s32 $0x14400, s1;
	s12 =	sadd.s32 s3, s12  }
0x2f2: {  	[tilespmem:s1], [sflag:s0] =	stream.linear.gather [hbm4b:s12+s2], $0x400, $0x38;
	[tilespmem:$0x1CB80] =	vst v63  }
.LBB2_6:
0x2f3: {  	_ =	sfence.sel $0x180000  }
0x2f4: {  	[bflag:$0x0] =	sbarrier.arrive $0xFFFF  }
0x2f5: {  	_ =	strace $0x90000047  }
0x2f6: {  	s0 =	stileid.u32;
	[bflag:$0x2] =	sbarrier.arrive $0xFFFF  }
0x2f7: {  	p0 =	sne.s32 s0, $0x0;
	s0 =	rddreg [dreg:$0x1]  }
0x2f8: {  	s0 =	sadd.s32 @!p0 $0x100000, s0  }
0x2f9: {  	[sflag:s0] =	ssyncadd.tile.s32 @!p0 $0x1;
	_ =	shalt  }
.Lfunc_end2:
_tile_overlayer_lowered:
.L_overlay_start_2:
0x2fa: {  	(tag) =	ssettag $0x2  }
0x2fb: {  	s0 =	rddreg [dreg:$0x0];
	s2 =	stileid.u32  }
0x2fc: {  	s1 =	rddreg [dreg:$0x1];
	p0 =	sne.s32 s2, $0x0  }
0x2fd: {  	s3 =	rddreg [dreg:$0x2];
	[bflag:$0x3] =	sbarrier.arrive $0xFFFF;
	s2 =	simm.s32 @!p0 $0x1C04  }
0x2fe: {  	[timem:s3], [sflag:s2] =	dma.local @!p0 [hbm:s0], s1  }
0x2ff: {  	s0 =	simm.s32 @!p0 $0x4  }
0x300: {  	_ =	swait.ge @!p0 [sflag:s0], s1  }
0x301: {  	s1 =	ssub.s32 @!p0 $0x0, s1;
	[sflag:s0] =	ssyncset.done @!p0 $0x0  }
0x302: {  	[sflag:s0] =	ssyncadd.s32 @!p0 s1  }
0x303: {  	[bflag:$0x3] =	sbarrier.arrive $0xFFFF  }
0x304: {  	_ =	shalt  }

</sc_bundles>
